<compile_context>
chip_gen: v7x
topology: tpu7x:2x2x1
jax: 0.10.2.dev20260603
libtpu: 0.0.44.dev20260713+nightly
codegen_flags: <defaults>
</compile_context>

<pallas_src>
import functools

import jax
import jax.numpy as jnp
import numpy as np
from jax import lax
from jax.experimental import pallas as pl
from jax.experimental.pallas import tpu as pltpu
from jax.experimental.pallas import tpu_sc as plsc

N = 10000
E = 320000
IN_DIM = 128
HID = 128

NC = 2
NS = 16
NW = NC * NS
EPW = E // NW
CH = 80
NCHUNK = EPW // CH
GRP = CH // 16
SEG = 25
NSEG = NCHUNK // SEG
NPAD = 10240
COLS = NPAD // NS
RPT = N // NS
MAGIC = np.int32(0x5F3759DF)

_SC_MESH = dict(
    mesh=plsc.VectorSubcoreMesh(core_axis_name="c", subcore_axis_name="s",
                                num_cores=NC, num_subcores=NS),
    compiler_params=pltpu.CompilerParams(needs_layout_passes=False,
                                         use_tc_tiling_on_sc=False),
)


def _rsqrt16(d):
    nz = d > 0.0
    dd = jnp.where(nz, d, 1.0)
    ii = plsc.bitcast(dd, jnp.int32)
    ii = MAGIC - lax.shift_right_logical(ii, 1)
    y = plsc.bitcast(ii, jnp.float32)
    for _ in range(3):
        y = y * (1.5 - 0.5 * dd * (y * y))
    return jnp.where(nz, y, 0.0)


@functools.partial(
    pl.kernel,
    out_type=jax.ShapeDtypeStruct((NPAD,), jnp.float32),
    scratch_types=[
        pltpu.VMEM((NCHUNK, CH), jnp.int32),
        pltpu.VMEM((NCHUNK, CH), jnp.float32),
        pltpu.VMEM((4, CH, 16), jnp.float32),
        pltpu.VMEM((COLS, 16), jnp.float32),
        pltpu.VMEM((COLS,), jnp.float32),
        pltpu.VMEM_SHARED((NPAD, 16), jnp.float32),
        pltpu.SemaphoreType.DMA,
        pltpu.SemaphoreType.DMA,
        pltpu.SemaphoreType.DMA,
        pltpu.SemaphoreType.DMA,
    ],
    **_SC_MESH,
)
def _sc_deg(src_hbm, ew_hbm, deg_hbm,
            src_v, ew_v, rowlet, colbuf, degc, deg_sh,
            ssem0, ssem1, ssem2, ssem3):
    ssems = (ssem0, ssem1, ssem2, ssem3)
    cid = lax.axis_index("c")
    sid = lax.axis_index("s")
    zeros16 = jnp.zeros((16,), jnp.float32)
    zeros16i = jnp.zeros((16,), jnp.int32)
    lane_iota = lax.broadcasted_iota(jnp.int32, (16,), 0)

    @pl.loop(0, COLS)
    def _(r):
        colbuf[r] = zeros16

    pltpu.sync_copy(colbuf, deg_sh.at[pl.ds(sid * COLS, COLS)])

    @pl.loop(0, CH)
    def _(r):
        for b in range(4):
            rowlet[b, r] = zeros16

    plsc.subcore_barrier()

    def d_build(c, b):
        for g in range(GRP):
            ewv = ew_v[c, pl.ds(g * 16, 16)]
            plsc.store_scatter(rowlet.at[b], [lane_iota + g * 16, zeros16i],
                               ewv)

    def d_fire(c, b):
        pltpu.async_copy(rowlet.at[b], deg_sh.at[src_v.at[c]], ssems[b],
                         add=True)

    def d_wait(c, b):
        pltpu.make_async_copy(rowlet.at[b], deg_sh.at[src_v.at[c]],
                              ssems[b]).wait()

    for half in range(2):
        blk = sid * 2 + half
        pltpu.sync_copy(src_hbm.at[blk], src_v)
        pltpu.sync_copy(ew_hbm.at[blk], ew_v)

        @pl.loop(0, NCHUNK - 1, step=4)
        def _(c0):
            for b in range(4):
                c = c0 + b

                @pl.when(c >= 4)
                def _():
                    d_wait(c - 4, b)
                d_build(c, b)
                d_fire(c, b)

        d_wait(NCHUNK - 5, (NCHUNK - 5) % 4)
        d_build(NCHUNK - 1, (NCHUNK - 1) % 4)
        d_fire(NCHUNK - 1, (NCHUNK - 1) % 4)
        for c in range(NCHUNK - 4, NCHUNK):
            d_wait(c, c % 4)

    plsc.subcore_barrier()

    @pl.when(cid == 0)
    def _():
        pltpu.sync_copy(deg_sh.at[pl.ds(sid * COLS, COLS)], colbuf)

        @pl.loop(0, COLS // 16)
        def _(g):
            degc[pl.ds(g * 16, 16)] = plsc.load_gather(
                colbuf, [lane_iota + g * 16, zeros16i])

        pltpu.sync_copy(degc, deg_hbm.at[pl.ds(sid * COLS, COLS)])


@functools.partial(
    pl.kernel,
    out_type=jax.ShapeDtypeStruct((NC * N, IN_DIM), jnp.float32),
    scratch_types=[
        pltpu.VMEM((SEG, CH), jnp.int32),
        pltpu.VMEM((SEG, CH), jnp.int32),
        pltpu.VMEM((SEG, CH), jnp.float32),
        pltpu.VMEM((NPAD,), jnp.float32),
        pltpu.VMEM((3, CH, IN_DIM), jnp.float32),
        pltpu.VMEM_SHARED((N, IN_DIM), jnp.float32),
        pltpu.SemaphoreType.DMA,
        pltpu.SemaphoreType.DMA,
        pltpu.SemaphoreType.DMA,
        pltpu.SemaphoreType.DMA,
        pltpu.SemaphoreType.DMA,
        pltpu.SemaphoreType.DMA,
    ],
    **_SC_MESH,
)
def _sc_scatter(x_hbm, src_hbm, dst_hbm, ew_hbm, deg_hbm, p_hbm,
                src_s, dst_s, ew_s, dis_v, rowbuf, acc_sh,
                gsem0, gsem1, gsem2, ssem0, ssem1, ssem2):
    gsems = (gsem0, gsem1, gsem2)
    ssems = (ssem0, ssem1, ssem2)
    cid = lax.axis_index("c")
    sid = lax.axis_index("s")
    zeros16 = jnp.zeros((16,), jnp.float32)
    zeros16i = jnp.zeros((16,), jnp.int32)

    pltpu.sync_copy(deg_hbm, dis_v)

    @pl.loop(0, NPAD // 16)
    def _(g):
        sl = pl.ds(g * 16, 16)
        dis_v[sl] = _rsqrt16(dis_v[sl])

    @pl.loop(0, CH)
    def _(i):
        for k in range(IN_DIM // 16):
            rowbuf[0, i, pl.ds(k * 16, 16)] = zeros16

    for t in range(RPT // CH):
        pltpu.sync_copy(rowbuf.at[0],
                        acc_sh.at[pl.ds(sid * RPT + t * CH, CH)])
    tail = RPT % CH
    if tail:
        pltpu.sync_copy(rowbuf.at[0, pl.ds(0, tail)],
                        acc_sh.at[pl.ds(sid * RPT + RPT - tail, tail)])
    plsc.subcore_barrier()

    wid = cid * NS + sid

    def g_fire(j, b):
        pltpu.async_copy(x_hbm.at[src_s.at[j]], rowbuf.at[b], gsems[b])

    def g_wait(j, b):
        pltpu.make_async_copy(x_hbm.at[src_s.at[j]], rowbuf.at[b],
                              gsems[b]).wait()

    def s_fire(j, b):
        pltpu.async_copy(rowbuf.at[b], acc_sh.at[dst_s.at[j]], ssems[b],
                         add=True)

    def s_wait(j, b):
        pltpu.make_async_copy(rowbuf.at[b], acc_sh.at[dst_s.at[j]],
                              ssems[b]).wait()

    def scale(j, b):
        @pl.loop(0, CH, unroll=4)
        def _(i):
            sv16 = plsc.load_gather(ew_s, [zeros16i + j, zeros16i + i])
            for k in range(IN_DIM // 16):
                sl = pl.ds(k * 16, 16)
                rowbuf[b, i, sl] = rowbuf[b, i, sl] * sv16

    @pl.loop(0, NSEG)
    def _(seg):
        pltpu.async_copy(src_hbm.at[wid, pl.ds(seg * SEG, SEG)], src_s,
                         gsem0)
        pltpu.async_copy(dst_hbm.at[wid, pl.ds(seg * SEG, SEG)], dst_s,
                         gsem1)
        cp_ew = pltpu.async_copy(ew_hbm.at[wid, pl.ds(seg * SEG, SEG)],
                                 ew_s, gsem2)
        pltpu.make_async_copy(src_hbm.at[wid, pl.ds(seg * SEG, SEG)],
                              src_s, gsem0).wait()
        pltpu.make_async_copy(dst_hbm.at[wid, pl.ds(seg * SEG, SEG)],
                              dst_s, gsem1).wait()
        cp_ew.wait()

        g_fire(0, 0)
        g_fire(1, 1)

        @pl.loop(0, SEG, unroll=2)
        def _(c):
            for g in range(GRP):
                sl = pl.ds(g * 16, 16)
                disv = plsc.load_gather(dis_v, [src_s[c, sl]])
                ew_s[c, sl] = ew_s[c, sl] * disv

        @pl.loop(0, SEG - 1, step=3)
        def _(j0):
            for k in range(3):
                j = j0 + k
                slot2 = (k + 2) % 3
                g_wait(j, k)
                scale(j, k)
                s_fire(j, k)

                @pl.when(j < SEG - 2)
                def _():
                    @pl.when(j >= 1)
                    def _():
                        s_wait(j - 1, slot2)
                    g_fire(j + 2, slot2)

        tb = (SEG - 1) % 3
        g_wait(SEG - 1, tb)
        scale(SEG - 1, tb)
        s_fire(SEG - 1, tb)

        s_wait(SEG - 3, (SEG - 3) % 3)
        s_wait(SEG - 2, (SEG - 2) % 3)
        s_wait(SEG - 1, (SEG - 1) % 3)

    plsc.subcore_barrier()
    pltpu.sync_copy(acc_sh.at[pl.ds(sid * RPT, RPT)],
                    p_hbm.at[pl.ds(cid * N + sid * RPT, RPT)])


BLK = 1000
GATES = 3 * HID


def _tc_body(x_ref, p0_ref, p1_ref, deg_ref, w0_ref, w1_ref, bias_ref,
             wc2_ref, wh_ref, bh_ref, out_ref, h_ref, c_ref):
    deg = deg_ref[...]
    dis = jnp.where(deg > 0, lax.rsqrt(jnp.where(deg > 0, deg, 1.0)), 0.0)
    tx1 = -dis * (p0_ref[...] + p1_ref[...])
    a = (jnp.dot(x_ref[...], w0_ref[...], preferred_element_type=jnp.float32)
         + jnp.dot(tx1, w1_ref[...], preferred_element_type=jnp.float32)
         + bias_ref[...])
    gi = jax.nn.sigmoid(a[:, :HID])
    gt = jnp.tanh(a[:, HID:2 * HID])
    c = gi * gt
    o = jax.nn.sigmoid(a[:, 2 * HID:] + wc2_ref[...] * c)
    h = o * jnp.tanh(c)
    h_ref[...] = h
    c_ref[...] = c
    lr = jnp.where(h > 0, h, 0.01 * h)
    out_ref[...] = (jnp.dot(lr, wh_ref[...], preferred_element_type=jnp.float32)
                    + bh_ref[...])


def _tc_dense(x, p_flat, deg2, w0, w1, bias, wc2, wh, bh):
    def row_spec(m):
        return pl.BlockSpec((BLK, m), lambda i: (i, 0))

    def full_spec(r, m):
        return pl.BlockSpec((r, m), lambda i: (0, 0))

    p1_spec = pl.BlockSpec((BLK, IN_DIM), lambda i: (i + N // BLK, 0))
    return pl.pallas_call(
        _tc_body,
        grid=(N // BLK,),
        in_specs=[
            row_spec(IN_DIM), row_spec(IN_DIM), p1_spec, row_spec(1),
            full_spec(IN_DIM, GATES), full_spec(IN_DIM, GATES),
            full_spec(1, GATES), full_spec(1, HID),
            full_spec(HID, 1), full_spec(1, 1),
        ],
        out_specs=[row_spec(1), row_spec(HID), row_spec(HID)],
        out_shape=[
            jax.ShapeDtypeStruct((N, 1), jnp.float32),
            jax.ShapeDtypeStruct((N, HID), jnp.float32),
            jax.ShapeDtypeStruct((N, HID), jnp.float32),
        ],
    )(x, p_flat, p_flat, deg2, w0, w1, bias, wc2, wh, bh)


def kernel(x, ei, ew, Wx0, Wx1, bx, Wh0, Wh1, bh, wc, bg, W_head, b_head):
    src3 = ei[0].reshape(NW, NCHUNK, CH)
    dst3 = ei[1].reshape(NW, NCHUNK, CH)
    ew3 = ew.reshape(NW, NCHUNK, CH)
    deg = _sc_deg(src3, ew3)
    p_flat = _sc_scatter(x, src3, dst3, ew3, deg)
    deg2 = deg.reshape(NPAD, 1)
    w0 = jnp.concatenate([Wx0[0], Wx0[2], Wx0[3]], axis=1)
    w1 = jnp.concatenate([Wx1[0], Wx1[2], Wx1[3]], axis=1)
    bsum = bx + bh + bg
    bias = jnp.concatenate([bsum[0], bsum[2], bsum[3]])[None, :]
    out, H, C = _tc_dense(x, p_flat, deg2, w0, w1, bias,
                          wc[2][None, :], W_head, b_head[None, :])
    return out, H, C

# --- scband reference (transcript-rebuilt; emitter-appended) ---
"""Pipeline reference for scband-gclstm-50654844289081 (READ-ONLY COPY).

The authoritative reference and input builder live on the scoring server;
editing this copy changes nothing except your own understanding.
"""

import jax, jax.numpy as jnp
import numpy as np

N = 10000
E = 320000
IN_DIM = 128
HID = 128


def setup_inputs(seed: int = 0):
    key = jax.random.key(seed)
    ks = jax.random.split(key, 10)
    x = jax.random.normal(ks[0], (N, IN_DIM), dtype=jnp.float32)
    ei = jax.random.randint(ks[1], (2, E), 0, N, dtype=jnp.int32)
    ew = jax.random.uniform(ks[2], (E,), dtype=jnp.float32)
    s = 0.05
    Wx0 = jax.random.normal(ks[3], (4, IN_DIM, HID), dtype=jnp.float32) * s
    Wx1 = jax.random.normal(ks[4], (4, IN_DIM, HID), dtype=jnp.float32) * s
    bx = jnp.zeros((4, HID), dtype=jnp.float32)
    Wh0 = jax.random.normal(ks[5], (4, HID, HID), dtype=jnp.float32) * s
    Wh1 = jax.random.normal(ks[6], (4, HID, HID), dtype=jnp.float32) * s
    bh = jnp.zeros((4, HID), dtype=jnp.float32)
    wc = jax.random.normal(ks[7], (3, HID), dtype=jnp.float32) * s
    bg = jnp.zeros((4, HID), dtype=jnp.float32)
    W_head = jax.random.normal(ks[8], (HID, 1), dtype=jnp.float32) * s
    b_head = jnp.zeros((1,), dtype=jnp.float32)
    return {"x": x, "ei": ei, "ew": ew, "Wx0": Wx0, "Wx1": Wx1, "bx": bx,
            "Wh0": Wh0, "Wh1": Wh1, "bh": bh, "wc": wc, "bg": bg,
            "W_head": W_head, "b_head": b_head}


def _lap_weights(ei, ew):
    # ChebConv sym normalization with lambda_max=2.0:
    # L_hat = 2L/lambda_max - I = -D^{-1/2} A D^{-1/2} (diagonal cancels)
    src, dst = ei[0], ei[1]
    deg = jax.ops.segment_sum(ew, src, num_segments=N)
    dis = jnp.where(deg > 0, jax.lax.rsqrt(jnp.where(deg > 0, deg, 1.0)), 0.0)
    return -(dis[src] * ew * dis[dst])


def _cheb(x, src, dst, lw, W0, W1, b):
    # K=2 Chebyshev conv: Tx0 = x, Tx1 = L_hat @ x
    Tx1 = jax.ops.segment_sum(lw[:, None] * x[src], dst, num_segments=N)
    return x @ W0 + Tx1 @ W1 + b


def reference(x, ei, ew, Wx0, Wx1, bx, Wh0, Wh1, bh, wc, bg, W_head, b_head):
    src, dst = ei[0], ei[1]
    lw = _lap_weights(ei, ew)
    H = jnp.zeros((N, HID), dtype=x.dtype)
    C = jnp.zeros((N, HID), dtype=x.dtype)
    # GConvLSTM gates (torch_geometric_temporal ordering: i, f, c, o)
    I = jax.nn.sigmoid(_cheb(x, src, dst, lw, Wx0[0], Wx1[0], bx[0])
                       + _cheb(H, src, dst, lw, Wh0[0], Wh1[0], bh[0])
                       + wc[0] * C + bg[0])
    Fg = jax.nn.sigmoid(_cheb(x, src, dst, lw, Wx0[1], Wx1[1], bx[1])
                        + _cheb(H, src, dst, lw, Wh0[1], Wh1[1], bh[1])
                        + wc[1] * C + bg[1])
    T = jnp.tanh(_cheb(x, src, dst, lw, Wx0[2], Wx1[2], bx[2])
                 + _cheb(H, src, dst, lw, Wh0[2], Wh1[2], bh[2])
                 + bg[2])
    C = Fg * C + I * T
    O = jax.nn.sigmoid(_cheb(x, src, dst, lw, Wx0[3], Wx1[3], bx[3])
                       + _cheb(H, src, dst, lw, Wh0[3], Wh1[3], bh[3])
                       + wc[2] * C + bg[3])
    H = O * jnp.tanh(C)
    out = jax.nn.leaky_relu(H, negative_slope=0.01) @ W_head + b_head
    return (out, H, C)

if __name__ == "__main__":
    import jax
    _d = setup_inputs()
    print(jax.jit(kernel)(*tuple(_d.values())))

</pallas_src>

<mosaic_0001>
#map = affine_map<(d0, d1) -> (0, 0, 0)>
#map1 = affine_map<(d0, d1) -> (0)>
module attributes {stable_mosaic.version = 14 : i64} {
  func.func @_sc_deg(%arg0: i32, %arg1: i32, %arg2: memref<32x125x80xi32, #tpu.memory_space<hbm>>, %arg3: memref<32x125x80xf32, #tpu.memory_space<hbm>>, %arg4: memref<10240xf32, #tpu.memory_space<hbm>>, %arg5: memref<125x80xi32, #tpu.memory_space<vmem>>, %arg6: memref<125x80xf32, #tpu.memory_space<vmem>>, %arg7: memref<4x80x16xf32, #tpu.memory_space<vmem>>, %arg8: memref<640x16xf32, #tpu.memory_space<vmem>>, %arg9: memref<640xf32, #tpu.memory_space<vmem>>, %arg10: memref<10240x16xf32, #tpu.memory_space<vmem_shared>>, %arg11: memref<!tpu.dma_semaphore, #tpu.memory_space<semaphore_mem>>, %arg12: memref<!tpu.dma_semaphore, #tpu.memory_space<semaphore_mem>>, %arg13: memref<!tpu.dma_semaphore, #tpu.memory_space<semaphore_mem>>, %arg14: memref<!tpu.dma_semaphore, #tpu.memory_space<semaphore_mem>>) attributes {dimension_semantics = [#tpu.dimension_semantics<core_parallel>, #tpu.dimension_semantics<subcore_parallel>], iteration_bounds = array<i64: 2, 16>, scalar_prefetch = 0 : i64, scratch_operands = 10 : i64, tpu.core_type = #tpu.core_type<sc_vector_subcore>, window_params = [{transform_indices = #map}, {transform_indices = #map}, {transform_indices = #map1}]} {
    %broadcast_in_dim3A = arith.constant 0.000000e+00 : f32
    %broadcast_in_dim3A_0 = vector.broadcast %broadcast_in_dim3A : f32 to vector<16xf32>
    %broadcast_in_dim3A_1 = arith.constant 0 : i32
    %broadcast_in_dim3A_2 = vector.broadcast %broadcast_in_dim3A_1 : i32 to vector<16xi32>
    %iota3A = tpu.iota {dimensions = array<i32: 0>} : vector<16xi32>
    %scan3A = arith.constant 0 : i32
    %scan3A_3 = arith.constant 640 : i32
    %scan3A_4 = arith.addi %scan3A, %scan3A_3 : i32
    %scan3A_5 = arith.constant 1 : i32
    scf.for %scan3A_293 = %scan3A to %scan3A_4 step %scan3A_5  : i32 {
      %mul3A_294 = arith.constant 1 : i32
      %mul3A_295 = arith.muli %scan3A_293, %mul3A_294 : i32
      %add3A_296 = arith.constant 0 : i32
      %add3A_297 = arith.addi %add3A_296, %mul3A_295 : i32
      %swap3A = arith.index_cast %add3A_297 : i32 to index
      %swap3A_298 = arith.constant 0 : index
      %swap3A_299 = tpu.vector_load %arg8[%swap3A, %swap3A_298] {strides = array<i32>} : memref<640x16xf32, #tpu.memory_space<vmem>>, vector<16xf32>,
      tpu.vector_store %arg8[%swap3A, %swap3A_298], %broadcast_in_dim3A_0 {strides = array<i32>} : memref<640x16xf32, #tpu.memory_space<vmem>>, vector<16xf32>,
    }
    %scan3A_6 = arith.constant 640 : i32
    %mul3A = arith.constant 640 : i32
    %mul3A_7 = arith.muli %arg1, %mul3A : i32
    "tpu.region"() ({
      %run_scoped3A = tpu.sem_alloc : memref<!tpu.dma_semaphore, #tpu.memory_space<semaphore_mem>>
      %dma_start3A_293 = arith.constant 0 : i32
      %dma_start3A_294 = tpu.memref_slice %arg10[%mul3A_7, %dma_start3A_293] : memref<10240x16xf32, #tpu.memory_space<vmem_shared>> -> memref<640x16xf32, #tpu.memory_space<vmem_shared>>
      %dma_start3A_295 = arith.constant 0 : i32
      %dma_start3A_296 = tpu.memref_slice %arg10[%mul3A_7, %dma_start3A_295] : memref<10240x16xf32, #tpu.memory_space<vmem_shared>> -> memref<640x16xf32, #tpu.memory_space<vmem_shared>>
      tpu.enqueue_dma source(%arg8 : memref<640x16xf32, #tpu.memory_space<vmem>>) target(%dma_start3A_296 : memref<640x16xf32, #tpu.memory_space<vmem_shared>>) target_semaphore(%run_scoped3A : memref<!tpu.dma_semaphore, #tpu.memory_space<semaphore_mem>>)
      %dma_wait3A_297 = arith.constant 0 : i32
      %dma_wait3A_298 = tpu.memref_slice %arg10[%mul3A_7, %dma_wait3A_297] : memref<10240x16xf32, #tpu.memory_space<vmem_shared>> -> memref<640x16xf32, #tpu.memory_space<vmem_shared>>
      %dma_wait3A_299 = arith.constant 0 : i32
      %dma_wait3A_300 = tpu.memref_slice %arg10[%mul3A_7, %dma_wait3A_299] : memref<10240x16xf32, #tpu.memory_space<vmem_shared>> -> memref<640x16xf32, #tpu.memory_space<vmem_shared>>
      tpu.wait_dma2 semaphore(%run_scoped3A : memref<!tpu.dma_semaphore, #tpu.memory_space<semaphore_mem>>) src(%arg8 : memref<640x16xf32, #tpu.memory_space<vmem>>) dst(%dma_wait3A_300 : memref<640x16xf32, #tpu.memory_space<vmem_shared>>)
      tpu.yield
    }) : () -> ()
    %scan3A_8 = arith.constant 0 : i32
    %scan3A_9 = arith.constant 80 : i32
    %scan3A_10 = arith.addi %scan3A_8, %scan3A_9 : i32
    %scan3A_11 = arith.constant 1 : i32
    scf.for %scan3A_293 = %scan3A_8 to %scan3A_10 step %scan3A_11  : i32 {
      %mul3A_294 = arith.constant 1 : i32
      %mul3A_295 = arith.muli %scan3A_293, %mul3A_294 : i32
      %add3A_296 = arith.constant 0 : i32
      %add3A_297 = arith.addi %add3A_296, %mul3A_295 : i32
      %swap3A = arith.constant 0 : i32
      %swap3A_298 = arith.index_cast %swap3A : i32 to index
      %swap3A_299 = arith.index_cast %add3A_297 : i32 to index
      %swap3A_300 = arith.constant 0 : index
      %swap3A_301 = tpu.vector_load %arg7[%swap3A_298, %swap3A_299, %swap3A_300] {strides = array<i32>} : memref<4x80x16xf32, #tpu.memory_space<vmem>>, vector<16xf32>,
      tpu.vector_store %arg7[%swap3A_298, %swap3A_299, %swap3A_300], %broadcast_in_dim3A_0 {strides = array<i32>} : memref<4x80x16xf32, #tpu.memory_space<vmem>>, vector<16xf32>,
      %swap3A_302 = arith.constant 1 : i32
      %swap3A_303 = arith.index_cast %swap3A_302 : i32 to index
      %swap3A_304 = arith.index_cast %add3A_297 : i32 to index
      %swap3A_305 = arith.constant 0 : index
      %swap3A_306 = tpu.vector_load %arg7[%swap3A_303, %swap3A_304, %swap3A_305] {strides = array<i32>} : memref<4x80x16xf32, #tpu.memory_space<vmem>>, vector<16xf32>,
      tpu.vector_store %arg7[%swap3A_303, %swap3A_304, %swap3A_305], %broadcast_in_dim3A_0 {strides = array<i32>} : memref<4x80x16xf32, #tpu.memory_space<vmem>>, vector<16xf32>,
      %swap3A_307 = arith.constant 2 : i32
      %swap3A_308 = arith.index_cast %swap3A_307 : i32 to index
      %swap3A_309 = arith.index_cast %add3A_297 : i32 to index
      %swap3A_310 = arith.constant 0 : index
      %swap3A_311 = tpu.vector_load %arg7[%swap3A_308, %swap3A_309, %swap3A_310] {strides = array<i32>} : memref<4x80x16xf32, #tpu.memory_space<vmem>>, vector<16xf32>,
      tpu.vector_store %arg7[%swap3A_308, %swap3A_309, %swap3A_310], %broadcast_in_dim3A_0 {strides = array<i32>} : memref<4x80x16xf32, #tpu.memory_space<vmem>>, vector<16xf32>,
      %swap3A_312 = arith.constant 3 : i32
      %swap3A_313 = arith.index_cast %swap3A_312 : i32 to index
      %swap3A_314 = arith.index_cast %add3A_297 : i32 to index
      %swap3A_315 = arith.constant 0 : index
      %swap3A_316 = tpu.vector_load %arg7[%swap3A_313, %swap3A_314, %swap3A_315] {strides = array<i32>} : memref<4x80x16xf32, #tpu.memory_space<vmem>>, vector<16xf32>,
      tpu.vector_store %arg7[%swap3A_313, %swap3A_314, %swap3A_315], %broadcast_in_dim3A_0 {strides = array<i32>} : memref<4x80x16xf32, #tpu.memory_space<vmem>>, vector<16xf32>,
    }
    %scan3A_12 = arith.constant 80 : i32
    %barrier3A = arith.constant 0 : index
    tpu.barrier barrier_id(%barrier3A)
    %mul3A_13 = arith.constant 2 : i32
    %mul3A_14 = arith.muli %arg1, %mul3A_13 : i32
    %add3A = arith.constant 0 : i32
    %add3A_15 = arith.addi %mul3A_14, %add3A : i32
    "tpu.region"() ({
      %run_scoped3A = tpu.sem_alloc : memref<!tpu.dma_semaphore, #tpu.memory_space<semaphore_mem>>
      %dma_start3A_293 = arith.constant 0 : i32
      %dma_start3A_294 = arith.constant 0 : i32
      %dma_start3A_295 = tpu.memref_slice %arg2[%add3A_15, %dma_start3A_293, %dma_start3A_294] : memref<32x125x80xi32, #tpu.memory_space<hbm>> -> memref<1x125x80xi32, #tpu.memory_space<hbm>>
      %dma_start3A_296 = tpu.memref_squeeze %dma_start3A_295 : memref<1x125x80xi32, #tpu.memory_space<hbm>> -> memref<125x80xi32, #tpu.memory_space<hbm>>
      %dma_start3A_297 = arith.constant 0 : i32
      %dma_start3A_298 = arith.constant 0 : i32
      %dma_start3A_299 = tpu.memref_slice %arg2[%add3A_15, %dma_start3A_297, %dma_start3A_298] : memref<32x125x80xi32, #tpu.memory_space<hbm>> -> memref<1x125x80xi32, #tpu.memory_space<hbm>>
      %dma_start3A_300 = tpu.memref_squeeze %dma_start3A_299 : memref<1x125x80xi32, #tpu.memory_space<hbm>> -> memref<125x80xi32, #tpu.memory_space<hbm>>
      tpu.enqueue_dma source(%dma_start3A_300 : memref<125x80xi32, #tpu.memory_space<hbm>>) target(%arg5 : memref<125x80xi32, #tpu.memory_space<vmem>>) target_semaphore(%run_scoped3A : memref<!tpu.dma_semaphore, #tpu.memory_space<semaphore_mem>>)
      %dma_wait3A_301 = arith.constant 0 : i32
      %dma_wait3A_302 = arith.constant 0 : i32
      %dma_wait3A_303 = tpu.memref_slice %arg2[%add3A_15, %dma_wait3A_301, %dma_wait3A_302] : memref<32x125x80xi32, #tpu.memory_space<hbm>> -> memref<1x125x80xi32, #tpu.memory_space<hbm>>
      %dma_wait3A_304 = tpu.memref_squeeze %dma_wait3A_303 : memref<1x125x80xi32, #tpu.memory_space<hbm>> -> memref<125x80xi32, #tpu.memory_space<hbm>>
      %dma_wait3A_305 = arith.constant 0 : i32
      %dma_wait3A_306 = arith.constant 0 : i32
      %dma_wait3A_307 = tpu.memref_slice %arg2[%add3A_15, %dma_wait3A_305, %dma_wait3A_306] : memref<32x125x80xi32, #tpu.memory_space<hbm>> -> memref<1x125x80xi32, #tpu.memory_space<hbm>>
      %dma_wait3A_308 = tpu.memref_squeeze %dma_wait3A_307 : memref<1x125x80xi32, #tpu.memory_space<hbm>> -> memref<125x80xi32, #tpu.memory_space<hbm>>
      tpu.wait_dma2 semaphore(%run_scoped3A : memref<!tpu.dma_semaphore, #tpu.memory_space<semaphore_mem>>) src(%dma_wait3A_308 : memref<125x80xi32, #tpu.memory_space<hbm>>) dst(%arg5 : memref<125x80xi32, #tpu.memory_space<vmem>>)
      tpu.yield
    }) : () -> ()
    "tpu.region"() ({
      %run_scoped3A = tpu.sem_alloc : memref<!tpu.dma_semaphore, #tpu.memory_space<semaphore_mem>>
      %dma_start3A_293 = arith.constant 0 : i32
      %dma_start3A_294 = arith.constant 0 : i32
      %dma_start3A_295 = tpu.memref_slice %arg3[%add3A_15, %dma_start3A_293, %dma_start3A_294] : memref<32x125x80xf32, #tpu.memory_space<hbm>> -> memref<1x125x80xf32, #tpu.memory_space<hbm>>
      %dma_start3A_296 = tpu.memref_squeeze %dma_start3A_295 : memref<1x125x80xf32, #tpu.memory_space<hbm>> -> memref<125x80xf32, #tpu.memory_space<hbm>>
      %dma_start3A_297 = arith.constant 0 : i32
      %dma_start3A_298 = arith.constant 0 : i32
      %dma_start3A_299 = tpu.memref_slice %arg3[%add3A_15, %dma_start3A_297, %dma_start3A_298] : memref<32x125x80xf32, #tpu.memory_space<hbm>> -> memref<1x125x80xf32, #tpu.memory_space<hbm>>
      %dma_start3A_300 = tpu.memref_squeeze %dma_start3A_299 : memref<1x125x80xf32, #tpu.memory_space<hbm>> -> memref<125x80xf32, #tpu.memory_space<hbm>>
      tpu.enqueue_dma source(%dma_start3A_300 : memref<125x80xf32, #tpu.memory_space<hbm>>) target(%arg6 : memref<125x80xf32, #tpu.memory_space<vmem>>) target_semaphore(%run_scoped3A : memref<!tpu.dma_semaphore, #tpu.memory_space<semaphore_mem>>)
      %dma_wait3A_301 = arith.constant 0 : i32
      %dma_wait3A_302 = arith.constant 0 : i32
      %dma_wait3A_303 = tpu.memref_slice %arg3[%add3A_15, %dma_wait3A_301, %dma_wait3A_302] : memref<32x125x80xf32, #tpu.memory_space<hbm>> -> memref<1x125x80xf32, #tpu.memory_space<hbm>>
      %dma_wait3A_304 = tpu.memref_squeeze %dma_wait3A_303 : memref<1x125x80xf32, #tpu.memory_space<hbm>> -> memref<125x80xf32, #tpu.memory_space<hbm>>
      %dma_wait3A_305 = arith.constant 0 : i32
      %dma_wait3A_306 = arith.constant 0 : i32
      %dma_wait3A_307 = tpu.memref_slice %arg3[%add3A_15, %dma_wait3A_305, %dma_wait3A_306] : memref<32x125x80xf32, #tpu.memory_space<hbm>> -> memref<1x125x80xf32, #tpu.memory_space<hbm>>
      %dma_wait3A_308 = tpu.memref_squeeze %dma_wait3A_307 : memref<1x125x80xf32, #tpu.memory_space<hbm>> -> memref<125x80xf32, #tpu.memory_space<hbm>>
      tpu.wait_dma2 semaphore(%run_scoped3A : memref<!tpu.dma_semaphore, #tpu.memory_space<semaphore_mem>>) src(%dma_wait3A_308 : memref<125x80xf32, #tpu.memory_space<hbm>>) dst(%arg6 : memref<125x80xf32, #tpu.memory_space<vmem>>)
      tpu.yield
    }) : () -> ()
    %scan3A_16 = arith.constant 0 : i32
    %scan3A_17 = arith.constant 31 : i32
    %scan3A_18 = arith.addi %scan3A_16, %scan3A_17 : i32
    %scan3A_19 = arith.constant 1 : i32
    scf.for %scan3A_293 = %scan3A_16 to %scan3A_18 step %scan3A_19  : i32 {
      %mul3A_294 = arith.constant 4 : i32
      %mul3A_295 = arith.muli %scan3A_293, %mul3A_294 : i32
      %add3A_296 = arith.constant 0 : i32
      %add3A_297 = arith.addi %add3A_296, %mul3A_295 : i32
      %add3A_298 = arith.constant 0 : i32
      %add3A_299 = arith.addi %add3A_297, %add3A_298 : i32
      %ge3A = arith.constant 4 : i32
      %ge3A_300 = arith.cmpi sge, %add3A_299, %ge3A : i32
      %convert_element_type3A_301 = arith.extui %ge3A_300 : i1 to i32
      %cond3A_302 = arith.constant 0 : i32
      %cond3A_303 = arith.cmpi ne, %convert_element_type3A_301, %cond3A_302 : i32
      scf.if %cond3A_303 {
        %sub3A = arith.constant 4 : i32
        %sub3A_589 = arith.subi %add3A_299, %sub3A : i32
        %dma_wait3A_590 = arith.constant 0 : i32
        %dma_wait3A_591 = arith.constant 0 : i32
        %dma_wait3A_592 = arith.constant 0 : i32
        %dma_wait3A_593 = tpu.memref_slice %arg7[%dma_wait3A_590, %dma_wait3A_591, %dma_wait3A_592] : memref<4x80x16xf32, #tpu.memory_space<vmem>> -> memref<1x80x16xf32, #tpu.memory_space<vmem>>
        %dma_wait3A_594 = tpu.memref_squeeze %dma_wait3A_593 : memref<1x80x16xf32, #tpu.memory_space<vmem>> -> memref<80x16xf32, #tpu.memory_space<vmem>>
        %dma_wait3A_595 = arith.constant 0 : i32
        %dma_wait3A_596 = tpu.memref_slice %arg5[%sub3A_589, %dma_wait3A_595] : memref<125x80xi32, #tpu.memory_space<vmem>> -> memref<1x80xi32, #tpu.memory_space<vmem>>
        %dma_wait3A_597 = tpu.memref_squeeze %dma_wait3A_596 : memref<1x80xi32, #tpu.memory_space<vmem>> -> memref<80xi32, #tpu.memory_space<vmem>>
        %dma_wait3A_598 = arith.constant 0 : i32
        %dma_wait3A_599 = arith.constant 0 : i32
        %dma_wait3A_600 = tpu.memref_slice %arg10[%dma_wait3A_598, %dma_wait3A_599] : memref<10240x16xf32, #tpu.memory_space<vmem_shared>> -> memref<10240x16xf32, #tpu.memory_space<vmem_shared>>
        tpu.wait_indirect_dma semaphore(%arg11 : memref<!tpu.dma_semaphore, #tpu.memory_space<semaphore_mem>>) src(%dma_wait3A_594 : memref<80x16xf32, #tpu.memory_space<vmem>>) dst(%dma_wait3A_600 : memref<10240x16xf32, #tpu.memory_space<vmem_shared>>)
      } else {
      }
      %get3A_304 = arith.index_cast %add3A_299 : i32 to index
      %get3A_305 = arith.constant 0 : index
      %get3A_306 = tpu.vector_load %arg6[%get3A_304, %get3A_305] {strides = array<i32>} : memref<125x80xf32, #tpu.memory_space<vmem>>, vector<16xf32>,
      %add3A_307 = arith.constant 0 : i32
      %add3A_308 = vector.broadcast %add3A_307 : i32 to vector<16xi32>
      %add3A_309 = arith.addi %iota3A, %add3A_308 : vector<16xi32>
      %scatter3A_310 = arith.constant 0 : i32
      %scatter3A_311 = arith.constant 0 : i32
      %scatter3A_312 = arith.constant 0 : i32
      %scatter3A_313 = tpu.memref_slice %arg7[%scatter3A_310, %scatter3A_311, %scatter3A_312] : memref<4x80x16xf32, #tpu.memory_space<vmem>> -> memref<1x80x16xf32, #tpu.memory_space<vmem>>
      %scatter3A_314 = tpu.memref_squeeze %scatter3A_313 : memref<1x80x16xf32, #tpu.memory_space<vmem>> -> memref<80x16xf32, #tpu.memory_space<vmem>>
      tpu.vector_store_idx %scatter3A_314[%add3A_309, %broadcast_in_dim3A_2], %get3A_306 : memref<80x16xf32, #tpu.memory_space<vmem>>[vector<16xi32>, vector<16xi32>], vector<16xf32>,
      %get3A_315 = arith.index_cast %add3A_299 : i32 to index
      %get3A_316 = arith.constant 16 : index
      %get3A_317 = tpu.vector_load %arg6[%get3A_315, %get3A_316] {strides = array<i32>} : memref<125x80xf32, #tpu.memory_space<vmem>>, vector<16xf32>,
      %add3A_318 = arith.constant 16 : i32
      %add3A_319 = vector.broadcast %add3A_318 : i32 to vector<16xi32>
      %add3A_320 = arith.addi %iota3A, %add3A_319 : vector<16xi32>
      %scatter3A_321 = arith.constant 0 : i32
      %scatter3A_322 = arith.constant 0 : i32
      %scatter3A_323 = arith.constant 0 : i32
      %scatter3A_324 = tpu.memref_slice %arg7[%scatter3A_321, %scatter3A_322, %scatter3A_323] : memref<4x80x16xf32, #tpu.memory_space<vmem>> -> memref<1x80x16xf32, #tpu.memory_space<vmem>>
      %scatter3A_325 = tpu.memref_squeeze %scatter3A_324 : memref<1x80x16xf32, #tpu.memory_space<vmem>> -> memref<80x16xf32, #tpu.memory_space<vmem>>
      tpu.vector_store_idx %scatter3A_325[%add3A_320, %broadcast_in_dim3A_2], %get3A_317 : memref<80x16xf32, #tpu.memory_space<vmem>>[vector<16xi32>, vector<16xi32>], vector<16xf32>,
      %get3A_326 = arith.index_cast %add3A_299 : i32 to index
      %get3A_327 = arith.constant 32 : index
      %get3A_328 = tpu.vector_load %arg6[%get3A_326, %get3A_327] {strides = array<i32>} : memref<125x80xf32, #tpu.memory_space<vmem>>, vector<16xf32>,
      %add3A_329 = arith.constant 32 : i32
      %add3A_330 = vector.broadcast %add3A_329 : i32 to vector<16xi32>
      %add3A_331 = arith.addi %iota3A, %add3A_330 : vector<16xi32>
      %scatter3A_332 = arith.constant 0 : i32
      %scatter3A_333 = arith.constant 0 : i32
      %scatter3A_334 = arith.constant 0 : i32
      %scatter3A_335 = tpu.memref_slice %arg7[%scatter3A_332, %scatter3A_333, %scatter3A_334] : memref<4x80x16xf32, #tpu.memory_space<vmem>> -> memref<1x80x16xf32, #tpu.memory_space<vmem>>
      %scatter3A_336 = tpu.memref_squeeze %scatter3A_335 : memref<1x80x16xf32, #tpu.memory_space<vmem>> -> memref<80x16xf32, #tpu.memory_space<vmem>>
      tpu.vector_store_idx %scatter3A_336[%add3A_331, %broadcast_in_dim3A_2], %get3A_328 : memref<80x16xf32, #tpu.memory_space<vmem>>[vector<16xi32>, vector<16xi32>], vector<16xf32>,
      %get3A_337 = arith.index_cast %add3A_299 : i32 to index
      %get3A_338 = arith.constant 48 : index
      %get3A_339 = tpu.vector_load %arg6[%get3A_337, %get3A_338] {strides = array<i32>} : memref<125x80xf32, #tpu.memory_space<vmem>>, vector<16xf32>,
      %add3A_340 = arith.constant 48 : i32
      %add3A_341 = vector.broadcast %add3A_340 : i32 to vector<16xi32>
      %add3A_342 = arith.addi %iota3A, %add3A_341 : vector<16xi32>
      %scatter3A_343 = arith.constant 0 : i32
      %scatter3A_344 = arith.constant 0 : i32
      %scatter3A_345 = arith.constant 0 : i32
      %scatter3A_346 = tpu.memref_slice %arg7[%scatter3A_343, %scatter3A_344, %scatter3A_345] : memref<4x80x16xf32, #tpu.memory_space<vmem>> -> memref<1x80x16xf32, #tpu.memory_space<vmem>>
      %scatter3A_347 = tpu.memref_squeeze %scatter3A_346 : memref<1x80x16xf32, #tpu.memory_space<vmem>> -> memref<80x16xf32, #tpu.memory_space<vmem>>
      tpu.vector_store_idx %scatter3A_347[%add3A_342, %broadcast_in_dim3A_2], %get3A_339 : memref<80x16xf32, #tpu.memory_space<vmem>>[vector<16xi32>, vector<16xi32>], vector<16xf32>,
      %get3A_348 = arith.index_cast %add3A_299 : i32 to index
      %get3A_349 = arith.constant 64 : index
      %get3A_350 = tpu.vector_load %arg6[%get3A_348, %get3A_349] {strides = array<i32>} : memref<125x80xf32, #tpu.memory_space<vmem>>, vector<16xf32>,
      %add3A_351 = arith.constant 64 : i32
      %add3A_352 = vector.broadcast %add3A_351 : i32 to vector<16xi32>
      %add3A_353 = arith.addi %iota3A, %add3A_352 : vector<16xi32>
      %scatter3A_354 = arith.constant 0 : i32
      %scatter3A_355 = arith.constant 0 : i32
      %scatter3A_356 = arith.constant 0 : i32
      %scatter3A_357 = tpu.memref_slice %arg7[%scatter3A_354, %scatter3A_355, %scatter3A_356] : memref<4x80x16xf32, #tpu.memory_space<vmem>> -> memref<1x80x16xf32, #tpu.memory_space<vmem>>
      %scatter3A_358 = tpu.memref_squeeze %scatter3A_357 : memref<1x80x16xf32, #tpu.memory_space<vmem>> -> memref<80x16xf32, #tpu.memory_space<vmem>>
      tpu.vector_store_idx %scatter3A_358[%add3A_353, %broadcast_in_dim3A_2], %get3A_350 : memref<80x16xf32, #tpu.memory_space<vmem>>[vector<16xi32>, vector<16xi32>], vector<16xf32>,
      %dma_start3A_359 = arith.constant 0 : i32
      %dma_start3A_360 = arith.constant 0 : i32
      %dma_start3A_361 = arith.constant 0 : i32
      %dma_start3A_362 = tpu.memref_slice %arg7[%dma_start3A_359, %dma_start3A_360, %dma_start3A_361] : memref<4x80x16xf32, #tpu.memory_space<vmem>> -> memref<1x80x16xf32, #tpu.memory_space<vmem>>
      %dma_start3A_363 = tpu.memref_squeeze %dma_start3A_362 : memref<1x80x16xf32, #tpu.memory_space<vmem>> -> memref<80x16xf32, #tpu.memory_space<vmem>>
      %dma_start3A_364 = arith.constant 0 : i32
      %dma_start3A_365 = tpu.memref_slice %arg5[%add3A_299, %dma_start3A_364] : memref<125x80xi32, #tpu.memory_space<vmem>> -> memref<1x80xi32, #tpu.memory_space<vmem>>
      %dma_start3A_366 = tpu.memref_squeeze %dma_start3A_365 : memref<1x80xi32, #tpu.memory_space<vmem>> -> memref<80xi32, #tpu.memory_space<vmem>>
      %dma_start3A_367 = arith.constant 0 : i32
      %dma_start3A_368 = arith.constant 0 : i32
      %dma_start3A_369 = tpu.memref_slice %arg10[%dma_start3A_367, %dma_start3A_368] : memref<10240x16xf32, #tpu.memory_space<vmem_shared>> -> memref<10240x16xf32, #tpu.memory_space<vmem_shared>>
      tpu.enqueue_indirect_dma source(%dma_start3A_363 : memref<80x16xf32, #tpu.memory_space<vmem>>) target(%dma_start3A_369 : memref<10240x16xf32, #tpu.memory_space<vmem_shared>>) offsets(%dma_start3A_366 : memref<80xi32, #tpu.memory_space<vmem>>) semaphore(%arg11 : memref<!tpu.dma_semaphore, #tpu.memory_space<semaphore_mem>>) {add = true}
      %add3A_370 = arith.constant 1 : i32
      %add3A_371 = arith.addi %add3A_297, %add3A_370 : i32
      %ge3A_372 = arith.constant 4 : i32
      %ge3A_373 = arith.cmpi sge, %add3A_371, %ge3A_372 : i32
      %convert_element_type3A_374 = arith.extui %ge3A_373 : i1 to i32
      %cond3A_375 = arith.constant 0 : i32
      %cond3A_376 = arith.cmpi ne, %convert_element_type3A_374, %cond3A_375 : i32
      scf.if %cond3A_376 {
        %sub3A = arith.constant 4 : i32
        %sub3A_589 = arith.subi %add3A_371, %sub3A : i32
        %dma_wait3A_590 = arith.constant 1 : i32
        %dma_wait3A_591 = arith.constant 0 : i32
        %dma_wait3A_592 = arith.constant 0 : i32
        %dma_wait3A_593 = tpu.memref_slice %arg7[%dma_wait3A_590, %dma_wait3A_591, %dma_wait3A_592] : memref<4x80x16xf32, #tpu.memory_space<vmem>> -> memref<1x80x16xf32, #tpu.memory_space<vmem>>
        %dma_wait3A_594 = tpu.memref_squeeze %dma_wait3A_593 : memref<1x80x16xf32, #tpu.memory_space<vmem>> -> memref<80x16xf32, #tpu.memory_space<vmem>>
        %dma_wait3A_595 = arith.constant 0 : i32
        %dma_wait3A_596 = tpu.memref_slice %arg5[%sub3A_589, %dma_wait3A_595] : memref<125x80xi32, #tpu.memory_space<vmem>> -> memref<1x80xi32, #tpu.memory_space<vmem>>
        %dma_wait3A_597 = tpu.memref_squeeze %dma_wait3A_596 : memref<1x80xi32, #tpu.memory_space<vmem>> -> memref<80xi32, #tpu.memory_space<vmem>>
        %dma_wait3A_598 = arith.constant 0 : i32
        %dma_wait3A_599 = arith.constant 0 : i32
        %dma_wait3A_600 = tpu.memref_slice %arg10[%dma_wait3A_598, %dma_wait3A_599] : memref<10240x16xf32, #tpu.memory_space<vmem_shared>> -> memref<10240x16xf32, #tpu.memory_space<vmem_shared>>
        tpu.wait_indirect_dma semaphore(%arg12 : memref<!tpu.dma_semaphore, #tpu.memory_space<semaphore_mem>>) src(%dma_wait3A_594 : memref<80x16xf32, #tpu.memory_space<vmem>>) dst(%dma_wait3A_600 : memref<10240x16xf32, #tpu.memory_space<vmem_shared>>)
      } else {
      }
      %get3A_377 = arith.index_cast %add3A_371 : i32 to index
      %get3A_378 = arith.constant 0 : index
      %get3A_379 = tpu.vector_load %arg6[%get3A_377, %get3A_378] {strides = array<i32>} : memref<125x80xf32, #tpu.memory_space<vmem>>, vector<16xf32>,
      %add3A_380 = arith.constant 0 : i32
      %add3A_381 = vector.broadcast %add3A_380 : i32 to vector<16xi32>
      %add3A_382 = arith.addi %iota3A, %add3A_381 : vector<16xi32>
      %scatter3A_383 = arith.constant 1 : i32
      %scatter3A_384 = arith.constant 0 : i32
      %scatter3A_385 = arith.constant 0 : i32
      %scatter3A_386 = tpu.memref_slice %arg7[%scatter3A_383, %scatter3A_384, %scatter3A_385] : memref<4x80x16xf32, #tpu.memory_space<vmem>> -> memref<1x80x16xf32, #tpu.memory_space<vmem>>
      %scatter3A_387 = tpu.memref_squeeze %scatter3A_386 : memref<1x80x16xf32, #tpu.memory_space<vmem>> -> memref<80x16xf32, #tpu.memory_space<vmem>>
      tpu.vector_store_idx %scatter3A_387[%add3A_382, %broadcast_in_dim3A_2], %get3A_379 : memref<80x16xf32, #tpu.memory_space<vmem>>[vector<16xi32>, vector<16xi32>], vector<16xf32>,
      %get3A_388 = arith.index_cast %add3A_371 : i32 to index
      %get3A_389 = arith.constant 16 : index
      %get3A_390 = tpu.vector_load %arg6[%get3A_388, %get3A_389] {strides = array<i32>} : memref<125x80xf32, #tpu.memory_space<vmem>>, vector<16xf32>,
      %add3A_391 = arith.constant 16 : i32
      %add3A_392 = vector.broadcast %add3A_391 : i32 to vector<16xi32>
      %add3A_393 = arith.addi %iota3A, %add3A_392 : vector<16xi32>
      %scatter3A_394 = arith.constant 1 : i32
      %scatter3A_395 = arith.constant 0 : i32
      %scatter3A_396 = arith.constant 0 : i32
      %scatter3A_397 = tpu.memref_slice %arg7[%scatter3A_394, %scatter3A_395, %scatter3A_396] : memref<4x80x16xf32, #tpu.memory_space<vmem>> -> memref<1x80x16xf32, #tpu.memory_space<vmem>>
      %scatter3A_398 = tpu.memref_squeeze %scatter3A_397 : memref<1x80x16xf32, #tpu.memory_space<vmem>> -> memref<80x16xf32, #tpu.memory_space<vmem>>
      tpu.vector_store_idx %scatter3A_398[%add3A_393, %broadcast_in_dim3A_2], %get3A_390 : memref<80x16xf32, #tpu.memory_space<vmem>>[vector<16xi32>, vector<16xi32>], vector<16xf32>,
      %get3A_399 = arith.index_cast %add3A_371 : i32 to index
      %get3A_400 = arith.constant 32 : index
      %get3A_401 = tpu.vector_load %arg6[%get3A_399, %get3A_400] {strides = array<i32>} : memref<125x80xf32, #tpu.memory_space<vmem>>, vector<16xf32>,
      %add3A_402 = arith.constant 32 : i32
      %add3A_403 = vector.broadcast %add3A_402 : i32 to vector<16xi32>
      %add3A_404 = arith.addi %iota3A, %add3A_403 : vector<16xi32>
      %scatter3A_405 = arith.constant 1 : i32
      %scatter3A_406 = arith.constant 0 : i32
      %scatter3A_407 = arith.constant 0 : i32
      %scatter3A_408 = tpu.memref_slice %arg7[%scatter3A_405, %scatter3A_406, %scatter3A_407] : memref<4x80x16xf32, #tpu.memory_space<vmem>> -> memref<1x80x16xf32, #tpu.memory_space<vmem>>
      %scatter3A_409 = tpu.memref_squeeze %scatter3A_408 : memref<1x80x16xf32, #tpu.memory_space<vmem>> -> memref<80x16xf32, #tpu.memory_space<vmem>>
      tpu.vector_store_idx %scatter3A_409[%add3A_404, %broadcast_in_dim3A_2], %get3A_401 : memref<80x16xf32, #tpu.memory_space<vmem>>[vector<16xi32>, vector<16xi32>], vector<16xf32>,
      %get3A_410 = arith.index_cast %add3A_371 : i32 to index
      %get3A_411 = arith.constant 48 : index
      %get3A_412 = tpu.vector_load %arg6[%get3A_410, %get3A_411] {strides = array<i32>} : memref<125x80xf32, #tpu.memory_space<vmem>>, vector<16xf32>,
      %add3A_413 = arith.constant 48 : i32
      %add3A_414 = vector.broadcast %add3A_413 : i32 to vector<16xi32>
      %add3A_415 = arith.addi %iota3A, %add3A_414 : vector<16xi32>
      %scatter3A_416 = arith.constant 1 : i32
      %scatter3A_417 = arith.constant 0 : i32
      %scatter3A_418 = arith.constant 0 : i32
      %scatter3A_419 = tpu.memref_slice %arg7[%scatter3A_416, %scatter3A_417, %scatter3A_418] : memref<4x80x16xf32, #tpu.memory_space<vmem>> -> memref<1x80x16xf32, #tpu.memory_space<vmem>>
      %scatter3A_420 = tpu.memref_squeeze %scatter3A_419 : memref<1x80x16xf32, #tpu.memory_space<vmem>> -> memref<80x16xf32, #tpu.memory_space<vmem>>
      tpu.vector_store_idx %scatter3A_420[%add3A_415, %broadcast_in_dim3A_2], %get3A_412 : memref<80x16xf32, #tpu.memory_space<vmem>>[vector<16xi32>, vector<16xi32>], vector<16xf32>,
      %get3A_421 = arith.index_cast %add3A_371 : i32 to index
      %get3A_422 = arith.constant 64 : index
      %get3A_423 = tpu.vector_load %arg6[%get3A_421, %get3A_422] {strides = array<i32>} : memref<125x80xf32, #tpu.memory_space<vmem>>, vector<16xf32>,
      %add3A_424 = arith.constant 64 : i32
      %add3A_425 = vector.broadcast %add3A_424 : i32 to vector<16xi32>
      %add3A_426 = arith.addi %iota3A, %add3A_425 : vector<16xi32>
      %scatter3A_427 = arith.constant 1 : i32
      %scatter3A_428 = arith.constant 0 : i32
      %scatter3A_429 = arith.constant 0 : i32
      %scatter3A_430 = tpu.memref_slice %arg7[%scatter3A_427, %scatter3A_428, %scatter3A_429] : memref<4x80x16xf32, #tpu.memory_space<vmem>> -> memref<1x80x16xf32, #tpu.memory_space<vmem>>
      %scatter3A_431 = tpu.memref_squeeze %scatter3A_430 : memref<1x80x16xf32, #tpu.memory_space<vmem>> -> memref<80x16xf32, #tpu.memory_space<vmem>>
      tpu.vector_store_idx %scatter3A_431[%add3A_426, %broadcast_in_dim3A_2], %get3A_423 : memref<80x16xf32, #tpu.memory_space<vmem>>[vector<16xi32>, vector<16xi32>], vector<16xf32>,
      %dma_start3A_432 = arith.constant 1 : i32
      %dma_start3A_433 = arith.constant 0 : i32
      %dma_start3A_434 = arith.constant 0 : i32
      %dma_start3A_435 = tpu.memref_slice %arg7[%dma_start3A_432, %dma_start3A_433, %dma_start3A_434] : memref<4x80x16xf32, #tpu.memory_space<vmem>> -> memref<1x80x16xf32, #tpu.memory_space<vmem>>
      %dma_start3A_436 = tpu.memref_squeeze %dma_start3A_435 : memref<1x80x16xf32, #tpu.memory_space<vmem>> -> memref<80x16xf32, #tpu.memory_space<vmem>>
      %dma_start3A_437 = arith.constant 0 : i32
      %dma_start3A_438 = tpu.memref_slice %arg5[%add3A_371, %dma_start3A_437] : memref<125x80xi32, #tpu.memory_space<vmem>> -> memref<1x80xi32, #tpu.memory_space<vmem>>
      %dma_start3A_439 = tpu.memref_squeeze %dma_start3A_438 : memref<1x80xi32, #tpu.memory_space<vmem>> -> memref<80xi32, #tpu.memory_space<vmem>>
      %dma_start3A_440 = arith.constant 0 : i32
      %dma_start3A_441 = arith.constant 0 : i32
      %dma_start3A_442 = tpu.memref_slice %arg10[%dma_start3A_440, %dma_start3A_441] : memref<10240x16xf32, #tpu.memory_space<vmem_shared>> -> memref<10240x16xf32, #tpu.memory_space<vmem_shared>>
      tpu.enqueue_indirect_dma source(%dma_start3A_436 : memref<80x16xf32, #tpu.memory_space<vmem>>) target(%dma_start3A_442 : memref<10240x16xf32, #tpu.memory_space<vmem_shared>>) offsets(%dma_start3A_439 : memref<80xi32, #tpu.memory_space<vmem>>) semaphore(%arg12 : memref<!tpu.dma_semaphore, #tpu.memory_space<semaphore_mem>>) {add = true}
      %add3A_443 = arith.constant 2 : i32
      %add3A_444 = arith.addi %add3A_297, %add3A_443 : i32
      %ge3A_445 = arith.constant 4 : i32
      %ge3A_446 = arith.cmpi sge, %add3A_444, %ge3A_445 : i32
      %convert_element_type3A_447 = arith.extui %ge3A_446 : i1 to i32
      %cond3A_448 = arith.constant 0 : i32
      %cond3A_449 = arith.cmpi ne, %convert_element_type3A_447, %cond3A_448 : i32
      scf.if %cond3A_449 {
        %sub3A = arith.constant 4 : i32
        %sub3A_589 = arith.subi %add3A_444, %sub3A : i32
        %dma_wait3A_590 = arith.constant 2 : i32
        %dma_wait3A_591 = arith.constant 0 : i32
        %dma_wait3A_592 = arith.constant 0 : i32
        %dma_wait3A_593 = tpu.memref_slice %arg7[%dma_wait3A_590, %dma_wait3A_591, %dma_wait3A_592] : memref<4x80x16xf32, #tpu.memory_space<vmem>> -> memref<1x80x16xf32, #tpu.memory_space<vmem>>
        %dma_wait3A_594 = tpu.memref_squeeze %dma_wait3A_593 : memref<1x80x16xf32, #tpu.memory_space<vmem>> -> memref<80x16xf32, #tpu.memory_space<vmem>>
        %dma_wait3A_595 = arith.constant 0 : i32
        %dma_wait3A_596 = tpu.memref_slice %arg5[%sub3A_589, %dma_wait3A_595] : memref<125x80xi32, #tpu.memory_space<vmem>> -> memref<1x80xi32, #tpu.memory_space<vmem>>
        %dma_wait3A_597 = tpu.memref_squeeze %dma_wait3A_596 : memref<1x80xi32, #tpu.memory_space<vmem>> -> memref<80xi32, #tpu.memory_space<vmem>>
        %dma_wait3A_598 = arith.constant 0 : i32
        %dma_wait3A_599 = arith.constant 0 : i32
        %dma_wait3A_600 = tpu.memref_slice %arg10[%dma_wait3A_598, %dma_wait3A_599] : memref<10240x16xf32, #tpu.memory_space<vmem_shared>> -> memref<10240x16xf32, #tpu.memory_space<vmem_shared>>
        tpu.wait_indirect_dma semaphore(%arg13 : memref<!tpu.dma_semaphore, #tpu.memory_space<semaphore_mem>>) src(%dma_wait3A_594 : memref<80x16xf32, #tpu.memory_space<vmem>>) dst(%dma_wait3A_600 : memref<10240x16xf32, #tpu.memory_space<vmem_shared>>)
      } else {
      }
      %get3A_450 = arith.index_cast %add3A_444 : i32 to index
      %get3A_451 = arith.constant 0 : index
      %get3A_452 = tpu.vector_load %arg6[%get3A_450, %get3A_451] {strides = array<i32>} : memref<125x80xf32, #tpu.memory_space<vmem>>, vector<16xf32>,
      %add3A_453 = arith.constant 0 : i32
      %add3A_454 = vector.broadcast %add3A_453 : i32 to vector<16xi32>
      %add3A_455 = arith.addi %iota3A, %add3A_454 : vector<16xi32>
      %scatter3A_456 = arith.constant 2 : i32
      %scatter3A_457 = arith.constant 0 : i32
      %scatter3A_458 = arith.constant 0 : i32
      %scatter3A_459 = tpu.memref_slice %arg7[%scatter3A_456, %scatter3A_457, %scatter3A_458] : memref<4x80x16xf32, #tpu.memory_space<vmem>> -> memref<1x80x16xf32, #tpu.memory_space<vmem>>
      %scatter3A_460 = tpu.memref_squeeze %scatter3A_459 : memref<1x80x16xf32, #tpu.memory_space<vmem>> -> memref<80x16xf32, #tpu.memory_space<vmem>>
      tpu.vector_store_idx %scatter3A_460[%add3A_455, %broadcast_in_dim3A_2], %get3A_452 : memref<80x16xf32, #tpu.memory_space<vmem>>[vector<16xi32>, vector<16xi32>], vector<16xf32>,
      %get3A_461 = arith.index_cast %add3A_444 : i32 to index
      %get3A_462 = arith.constant 16 : index
      %get3A_463 = tpu.vector_load %arg6[%get3A_461, %get3A_462] {strides = array<i32>} : memref<125x80xf32, #tpu.memory_space<vmem>>, vector<16xf32>,
      %add3A_464 = arith.constant 16 : i32
      %add3A_465 = vector.broadcast %add3A_464 : i32 to vector<16xi32>
      %add3A_466 = arith.addi %iota3A, %add3A_465 : vector<16xi32>
      %scatter3A_467 = arith.constant 2 : i32
      %scatter3A_468 = arith.constant 0 : i32
      %scatter3A_469 = arith.constant 0 : i32
      %scatter3A_470 = tpu.memref_slice %arg7[%scatter3A_467, %scatter3A_468, %scatter3A_469] : memref<4x80x16xf32, #tpu.memory_space<vmem>> -> memref<1x80x16xf32, #tpu.memory_space<vmem>>
      %scatter3A_471 = tpu.memref_squeeze %scatter3A_470 : memref<1x80x16xf32, #tpu.memory_space<vmem>> -> memref<80x16xf32, #tpu.memory_space<vmem>>
      tpu.vector_store_idx %scatter3A_471[%add3A_466, %broadcast_in_dim3A_2], %get3A_463 : memref<80x16xf32, #tpu.memory_space<vmem>>[vector<16xi32>, vector<16xi32>], vector<16xf32>,
      %get3A_472 = arith.index_cast %add3A_444 : i32 to index
      %get3A_473 = arith.constant 32 : index
      %get3A_474 = tpu.vector_load %arg6[%get3A_472, %get3A_473] {strides = array<i32>} : memref<125x80xf32, #tpu.memory_space<vmem>>, vector<16xf32>,
      %add3A_475 = arith.constant 32 : i32
      %add3A_476 = vector.broadcast %add3A_475 : i32 to vector<16xi32>
      %add3A_477 = arith.addi %iota3A, %add3A_476 : vector<16xi32>
      %scatter3A_478 = arith.constant 2 : i32
      %scatter3A_479 = arith.constant 0 : i32
      %scatter3A_480 = arith.constant 0 : i32
      %scatter3A_481 = tpu.memref_slice %arg7[%scatter3A_478, %scatter3A_479, %scatter3A_480] : memref<4x80x16xf32, #tpu.memory_space<vmem>> -> memref<1x80x16xf32, #tpu.memory_space<vmem>>
      %scatter3A_482 = tpu.memref_squeeze %scatter3A_481 : memref<1x80x16xf32, #tpu.memory_space<vmem>> -> memref<80x16xf32, #tpu.memory_space<vmem>>
      tpu.vector_store_idx %scatter3A_482[%add3A_477, %broadcast_in_dim3A_2], %get3A_474 : memref<80x16xf32, #tpu.memory_space<vmem>>[vector<16xi32>, vector<16xi32>], vector<16xf32>,
      %get3A_483 = arith.index_cast %add3A_444 : i32 to index
      %get3A_484 = arith.constant 48 : index
      %get3A_485 = tpu.vector_load %arg6[%get3A_483, %get3A_484] {strides = array<i32>} : memref<125x80xf32, #tpu.memory_space<vmem>>, vector<16xf32>,
      %add3A_486 = arith.constant 48 : i32
      %add3A_487 = vector.broadcast %add3A_486 : i32 to vector<16xi32>
      %add3A_488 = arith.addi %iota3A, %add3A_487 : vector<16xi32>
      %scatter3A_489 = arith.constant 2 : i32
      %scatter3A_490 = arith.constant 0 : i32
      %scatter3A_491 = arith.constant 0 : i32
      %scatter3A_492 = tpu.memref_slice %arg7[%scatter3A_489, %scatter3A_490, %scatter3A_491] : memref<4x80x16xf32, #tpu.memory_space<vmem>> -> memref<1x80x16xf32, #tpu.memory_space<vmem>>
      %scatter3A_493 = tpu.memref_squeeze %scatter3A_492 : memref<1x80x16xf32, #tpu.memory_space<vmem>> -> memref<80x16xf32, #tpu.memory_space<vmem>>
      tpu.vector_store_idx %scatter3A_493[%add3A_488, %broadcast_in_dim3A_2], %get3A_485 : memref<80x16xf32, #tpu.memory_space<vmem>>[vector<16xi32>, vector<16xi32>], vector<16xf32>,
      %get3A_494 = arith.index_cast %add3A_444 : i32 to index
      %get3A_495 = arith.constant 64 : index
      %get3A_496 = tpu.vector_load %arg6[%get3A_494, %get3A_495] {strides = array<i32>} : memref<125x80xf32, #tpu.memory_space<vmem>>, vector<16xf32>,
      %add3A_497 = arith.constant 64 : i32
      %add3A_498 = vector.broadcast %add3A_497 : i32 to vector<16xi32>
      %add3A_499 = arith.addi %iota3A, %add3A_498 : vector<16xi32>
      %scatter3A_500 = arith.constant 2 : i32
      %scatter3A_501 = arith.constant 0 : i32
      %scatter3A_502 = arith.constant 0 : i32
      %scatter3A_503 = tpu.memref_slice %arg7[%scatter3A_500, %scatter3A_501, %scatter3A_502] : memref<4x80x16xf32, #tpu.memory_space<vmem>> -> memref<1x80x16xf32, #tpu.memory_space<vmem>>
      %scatter3A_504 = tpu.memref_squeeze %scatter3A_503 : memref<1x80x16xf32, #tpu.memory_space<vmem>> -> memref<80x16xf32, #tpu.memory_space<vmem>>
      tpu.vector_store_idx %scatter3A_504[%add3A_499, %broadcast_in_dim3A_2], %get3A_496 : memref<80x16xf32, #tpu.memory_space<vmem>>[vector<16xi32>, vector<16xi32>], vector<16xf32>,
      %dma_start3A_505 = arith.constant 2 : i32
      %dma_start3A_506 = arith.constant 0 : i32
      %dma_start3A_507 = arith.constant 0 : i32
      %dma_start3A_508 = tpu.memref_slice %arg7[%dma_start3A_505, %dma_start3A_506, %dma_start3A_507] : memref<4x80x16xf32, #tpu.memory_space<vmem>> -> memref<1x80x16xf32, #tpu.memory_space<vmem>>
      %dma_start3A_509 = tpu.memref_squeeze %dma_start3A_508 : memref<1x80x16xf32, #tpu.memory_space<vmem>> -> memref<80x16xf32, #tpu.memory_space<vmem>>
      %dma_start3A_510 = arith.constant 0 : i32
      %dma_start3A_511 = tpu.memref_slice %arg5[%add3A_444, %dma_start3A_510] : memref<125x80xi32, #tpu.memory_space<vmem>> -> memref<1x80xi32, #tpu.memory_space<vmem>>
      %dma_start3A_512 = tpu.memref_squeeze %dma_start3A_511 : memref<1x80xi32, #tpu.memory_space<vmem>> -> memref<80xi32, #tpu.memory_space<vmem>>
      %dma_start3A_513 = arith.constant 0 : i32
      %dma_start3A_514 = arith.constant 0 : i32
      %dma_start3A_515 = tpu.memref_slice %arg10[%dma_start3A_513, %dma_start3A_514] : memref<10240x16xf32, #tpu.memory_space<vmem_shared>> -> memref<10240x16xf32, #tpu.memory_space<vmem_shared>>
      tpu.enqueue_indirect_dma source(%dma_start3A_509 : memref<80x16xf32, #tpu.memory_space<vmem>>) target(%dma_start3A_515 : memref<10240x16xf32, #tpu.memory_space<vmem_shared>>) offsets(%dma_start3A_512 : memref<80xi32, #tpu.memory_space<vmem>>) semaphore(%arg13 : memref<!tpu.dma_semaphore, #tpu.memory_space<semaphore_mem>>) {add = true}
      %add3A_516 = arith.constant 3 : i32
      %add3A_517 = arith.addi %add3A_297, %add3A_516 : i32
      %ge3A_518 = arith.constant 4 : i32
      %ge3A_519 = arith.cmpi sge, %add3A_517, %ge3A_518 : i32
      %convert_element_type3A_520 = arith.extui %ge3A_519 : i1 to i32
      %cond3A_521 = arith.constant 0 : i32
      %cond3A_522 = arith.cmpi ne, %convert_element_type3A_520, %cond3A_521 : i32
      scf.if %cond3A_522 {
        %sub3A = arith.constant 4 : i32
        %sub3A_589 = arith.subi %add3A_517, %sub3A : i32
        %dma_wait3A_590 = arith.constant 3 : i32
        %dma_wait3A_591 = arith.constant 0 : i32
        %dma_wait3A_592 = arith.constant 0 : i32
        %dma_wait3A_593 = tpu.memref_slice %arg7[%dma_wait3A_590, %dma_wait3A_591, %dma_wait3A_592] : memref<4x80x16xf32, #tpu.memory_space<vmem>> -> memref<1x80x16xf32, #tpu.memory_space<vmem>>
        %dma_wait3A_594 = tpu.memref_squeeze %dma_wait3A_593 : memref<1x80x16xf32, #tpu.memory_space<vmem>> -> memref<80x16xf32, #tpu.memory_space<vmem>>
        %dma_wait3A_595 = arith.constant 0 : i32
        %dma_wait3A_596 = tpu.memref_slice %arg5[%sub3A_589, %dma_wait3A_595] : memref<125x80xi32, #tpu.memory_space<vmem>> -> memref<1x80xi32, #tpu.memory_space<vmem>>
        %dma_wait3A_597 = tpu.memref_squeeze %dma_wait3A_596 : memref<1x80xi32, #tpu.memory_space<vmem>> -> memref<80xi32, #tpu.memory_space<vmem>>
        %dma_wait3A_598 = arith.constant 0 : i32
        %dma_wait3A_599 = arith.constant 0 : i32
        %dma_wait3A_600 = tpu.memref_slice %arg10[%dma_wait3A_598, %dma_wait3A_599] : memref<10240x16xf32, #tpu.memory_space<vmem_shared>> -> memref<10240x16xf32, #tpu.memory_space<vmem_shared>>
        tpu.wait_indirect_dma semaphore(%arg14 : memref<!tpu.dma_semaphore, #tpu.memory_space<semaphore_mem>>) src(%dma_wait3A_594 : memref<80x16xf32, #tpu.memory_space<vmem>>) dst(%dma_wait3A_600 : memref<10240x16xf32, #tpu.memory_space<vmem_shared>>)
      } else {
      }
      %get3A_523 = arith.index_cast %add3A_517 : i32 to index
      %get3A_524 = arith.constant 0 : index
      %get3A_525 = tpu.vector_load %arg6[%get3A_523, %get3A_524] {strides = array<i32>} : memref<125x80xf32, #tpu.memory_space<vmem>>, vector<16xf32>,
      %add3A_526 = arith.constant 0 : i32
      %add3A_527 = vector.broadcast %add3A_526 : i32 to vector<16xi32>
      %add3A_528 = arith.addi %iota3A, %add3A_527 : vector<16xi32>
      %scatter3A_529 = arith.constant 3 : i32
      %scatter3A_530 = arith.constant 0 : i32
      %scatter3A_531 = arith.constant 0 : i32
      %scatter3A_532 = tpu.memref_slice %arg7[%scatter3A_529, %scatter3A_530, %scatter3A_531] : memref<4x80x16xf32, #tpu.memory_space<vmem>> -> memref<1x80x16xf32, #tpu.memory_space<vmem>>
      %scatter3A_533 = tpu.memref_squeeze %scatter3A_532 : memref<1x80x16xf32, #tpu.memory_space<vmem>> -> memref<80x16xf32, #tpu.memory_space<vmem>>
      tpu.vector_store_idx %scatter3A_533[%add3A_528, %broadcast_in_dim3A_2], %get3A_525 : memref<80x16xf32, #tpu.memory_space<vmem>>[vector<16xi32>, vector<16xi32>], vector<16xf32>,
      %get3A_534 = arith.index_cast %add3A_517 : i32 to index
      %get3A_535 = arith.constant 16 : index
      %get3A_536 = tpu.vector_load %arg6[%get3A_534, %get3A_535] {strides = array<i32>} : memref<125x80xf32, #tpu.memory_space<vmem>>, vector<16xf32>,
      %add3A_537 = arith.constant 16 : i32
      %add3A_538 = vector.broadcast %add3A_537 : i32 to vector<16xi32>
      %add3A_539 = arith.addi %iota3A, %add3A_538 : vector<16xi32>
      %scatter3A_540 = arith.constant 3 : i32
      %scatter3A_541 = arith.constant 0 : i32
      %scatter3A_542 = arith.constant 0 : i32
      %scatter3A_543 = tpu.memref_slice %arg7[%scatter3A_540, %scatter3A_541, %scatter3A_542] : memref<4x80x16xf32, #tpu.memory_space<vmem>> -> memref<1x80x16xf32, #tpu.memory_space<vmem>>
      %scatter3A_544 = tpu.memref_squeeze %scatter3A_543 : memref<1x80x16xf32, #tpu.memory_space<vmem>> -> memref<80x16xf32, #tpu.memory_space<vmem>>
      tpu.vector_store_idx %scatter3A_544[%add3A_539, %broadcast_in_dim3A_2], %get3A_536 : memref<80x16xf32, #tpu.memory_space<vmem>>[vector<16xi32>, vector<16xi32>], vector<16xf32>,
      %get3A_545 = arith.index_cast %add3A_517 : i32 to index
      %get3A_546 = arith.constant 32 : index
      %get3A_547 = tpu.vector_load %arg6[%get3A_545, %get3A_546] {strides = array<i32>} : memref<125x80xf32, #tpu.memory_space<vmem>>, vector<16xf32>,
      %add3A_548 = arith.constant 32 : i32
      %add3A_549 = vector.broadcast %add3A_548 : i32 to vector<16xi32>
      %add3A_550 = arith.addi %iota3A, %add3A_549 : vector<16xi32>
      %scatter3A_551 = arith.constant 3 : i32
      %scatter3A_552 = arith.constant 0 : i32
      %scatter3A_553 = arith.constant 0 : i32
      %scatter3A_554 = tpu.memref_slice %arg7[%scatter3A_551, %scatter3A_552, %scatter3A_553] : memref<4x80x16xf32, #tpu.memory_space<vmem>> -> memref<1x80x16xf32, #tpu.memory_space<vmem>>
      %scatter3A_555 = tpu.memref_squeeze %scatter3A_554 : memref<1x80x16xf32, #tpu.memory_space<vmem>> -> memref<80x16xf32, #tpu.memory_space<vmem>>
      tpu.vector_store_idx %scatter3A_555[%add3A_550, %broadcast_in_dim3A_2], %get3A_547 : memref<80x16xf32, #tpu.memory_space<vmem>>[vector<16xi32>, vector<16xi32>], vector<16xf32>,
      %get3A_556 = arith.index_cast %add3A_517 : i32 to index
      %get3A_557 = arith.constant 48 : index
      %get3A_558 = tpu.vector_load %arg6[%get3A_556, %get3A_557] {strides = array<i32>} : memref<125x80xf32, #tpu.memory_space<vmem>>, vector<16xf32>,
      %add3A_559 = arith.constant 48 : i32
      %add3A_560 = vector.broadcast %add3A_559 : i32 to vector<16xi32>
      %add3A_561 = arith.addi %iota3A, %add3A_560 : vector<16xi32>
      %scatter3A_562 = arith.constant 3 : i32
      %scatter3A_563 = arith.constant 0 : i32
      %scatter3A_564 = arith.constant 0 : i32
      %scatter3A_565 = tpu.memref_slice %arg7[%scatter3A_562, %scatter3A_563, %scatter3A_564] : memref<4x80x16xf32, #tpu.memory_space<vmem>> -> memref<1x80x16xf32, #tpu.memory_space<vmem>>
      %scatter3A_566 = tpu.memref_squeeze %scatter3A_565 : memref<1x80x16xf32, #tpu.memory_space<vmem>> -> memref<80x16xf32, #tpu.memory_space<vmem>>
      tpu.vector_store_idx %scatter3A_566[%add3A_561, %broadcast_in_dim3A_2], %get3A_558 : memref<80x16xf32, #tpu.memory_space<vmem>>[vector<16xi32>, vector<16xi32>], vector<16xf32>,
      %get3A_567 = arith.index_cast %add3A_517 : i32 to index
      %get3A_568 = arith.constant 64 : index
      %get3A_569 = tpu.vector_load %arg6[%get3A_567, %get3A_568] {strides = array<i32>} : memref<125x80xf32, #tpu.memory_space<vmem>>, vector<16xf32>,
      %add3A_570 = arith.constant 64 : i32
      %add3A_571 = vector.broadcast %add3A_570 : i32 to vector<16xi32>
      %add3A_572 = arith.addi %iota3A, %add3A_571 : vector<16xi32>
      %scatter3A_573 = arith.constant 3 : i32
      %scatter3A_574 = arith.constant 0 : i32
      %scatter3A_575 = arith.constant 0 : i32
      %scatter3A_576 = tpu.memref_slice %arg7[%scatter3A_573, %scatter3A_574, %scatter3A_575] : memref<4x80x16xf32, #tpu.memory_space<vmem>> -> memref<1x80x16xf32, #tpu.memory_space<vmem>>
      %scatter3A_577 = tpu.memref_squeeze %scatter3A_576 : memref<1x80x16xf32, #tpu.memory_space<vmem>> -> memref<80x16xf32, #tpu.memory_space<vmem>>
      tpu.vector_store_idx %scatter3A_577[%add3A_572, %broadcast_in_dim3A_2], %get3A_569 : memref<80x16xf32, #tpu.memory_space<vmem>>[vector<16xi32>, vector<16xi32>], vector<16xf32>,
      %dma_start3A_578 = arith.constant 3 : i32
      %dma_start3A_579 = arith.constant 0 : i32
      %dma_start3A_580 = arith.constant 0 : i32
      %dma_start3A_581 = tpu.memref_slice %arg7[%dma_start3A_578, %dma_start3A_579, %dma_start3A_580] : memref<4x80x16xf32, #tpu.memory_space<vmem>> -> memref<1x80x16xf32, #tpu.memory_space<vmem>>
      %dma_start3A_582 = tpu.memref_squeeze %dma_start3A_581 : memref<1x80x16xf32, #tpu.memory_space<vmem>> -> memref<80x16xf32, #tpu.memory_space<vmem>>
      %dma_start3A_583 = arith.constant 0 : i32
      %dma_start3A_584 = tpu.memref_slice %arg5[%add3A_517, %dma_start3A_583] : memref<125x80xi32, #tpu.memory_space<vmem>> -> memref<1x80xi32, #tpu.memory_space<vmem>>
      %dma_start3A_585 = tpu.memref_squeeze %dma_start3A_584 : memref<1x80xi32, #tpu.memory_space<vmem>> -> memref<80xi32, #tpu.memory_space<vmem>>
      %dma_start3A_586 = arith.constant 0 : i32
      %dma_start3A_587 = arith.constant 0 : i32
      %dma_start3A_588 = tpu.memref_slice %arg10[%dma_start3A_586, %dma_start3A_587] : memref<10240x16xf32, #tpu.memory_space<vmem_shared>> -> memref<10240x16xf32, #tpu.memory_space<vmem_shared>>
      tpu.enqueue_indirect_dma source(%dma_start3A_582 : memref<80x16xf32, #tpu.memory_space<vmem>>) target(%dma_start3A_588 : memref<10240x16xf32, #tpu.memory_space<vmem_shared>>) offsets(%dma_start3A_585 : memref<80xi32, #tpu.memory_space<vmem>>) semaphore(%arg14 : memref<!tpu.dma_semaphore, #tpu.memory_space<semaphore_mem>>) {add = true}
    }
    %scan3A_20 = arith.constant 31 : i32
    %dma_wait3A = arith.constant 0 : i32
    %dma_wait3A_21 = arith.constant 120 : i32
    %dma_wait3A_22 = arith.constant 0 : i32
    %dma_wait3A_23 = arith.constant 0 : i32
    %dma_wait3A_24 = tpu.memref_slice %arg7[%dma_wait3A, %dma_wait3A_22, %dma_wait3A_23] : memref<4x80x16xf32, #tpu.memory_space<vmem>> -> memref<1x80x16xf32, #tpu.memory_space<vmem>>
    %dma_wait3A_25 = tpu.memref_squeeze %dma_wait3A_24 : memref<1x80x16xf32, #tpu.memory_space<vmem>> -> memref<80x16xf32, #tpu.memory_space<vmem>>
    %dma_wait3A_26 = arith.constant 0 : i32
    %dma_wait3A_27 = tpu.memref_slice %arg5[%dma_wait3A_21, %dma_wait3A_26] : memref<125x80xi32, #tpu.memory_space<vmem>> -> memref<1x80xi32, #tpu.memory_space<vmem>>
    %dma_wait3A_28 = tpu.memref_squeeze %dma_wait3A_27 : memref<1x80xi32, #tpu.memory_space<vmem>> -> memref<80xi32, #tpu.memory_space<vmem>>
    %dma_wait3A_29 = arith.constant 0 : i32
    %dma_wait3A_30 = arith.constant 0 : i32
    %dma_wait3A_31 = tpu.memref_slice %arg10[%dma_wait3A_29, %dma_wait3A_30] : memref<10240x16xf32, #tpu.memory_space<vmem_shared>> -> memref<10240x16xf32, #tpu.memory_space<vmem_shared>>
    tpu.wait_indirect_dma semaphore(%arg11 : memref<!tpu.dma_semaphore, #tpu.memory_space<semaphore_mem>>) src(%dma_wait3A_25 : memref<80x16xf32, #tpu.memory_space<vmem>>) dst(%dma_wait3A_31 : memref<10240x16xf32, #tpu.memory_space<vmem_shared>>)
    %get3A = arith.constant 124 : i32
    %get3A_32 = arith.index_cast %get3A : i32 to index
    %get3A_33 = arith.constant 0 : index
    %get3A_34 = tpu.vector_load %arg6[%get3A_32, %get3A_33] {strides = array<i32>} : memref<125x80xf32, #tpu.memory_space<vmem>>, vector<16xf32>,
    %add3A_35 = arith.constant 0 : i32
    %add3A_36 = vector.broadcast %add3A_35 : i32 to vector<16xi32>
    %add3A_37 = arith.addi %iota3A, %add3A_36 : vector<16xi32>
    %scatter3A = arith.constant 0 : i32
    %scatter3A_38 = arith.constant 0 : i32
    %scatter3A_39 = arith.constant 0 : i32
    %scatter3A_40 = tpu.memref_slice %arg7[%scatter3A, %scatter3A_38, %scatter3A_39] : memref<4x80x16xf32, #tpu.memory_space<vmem>> -> memref<1x80x16xf32, #tpu.memory_space<vmem>>
    %scatter3A_41 = tpu.memref_squeeze %scatter3A_40 : memref<1x80x16xf32, #tpu.memory_space<vmem>> -> memref<80x16xf32, #tpu.memory_space<vmem>>
    tpu.vector_store_idx %scatter3A_41[%add3A_37, %broadcast_in_dim3A_2], %get3A_34 : memref<80x16xf32, #tpu.memory_space<vmem>>[vector<16xi32>, vector<16xi32>], vector<16xf32>,
    %get3A_42 = arith.constant 124 : i32
    %get3A_43 = arith.index_cast %get3A_42 : i32 to index
    %get3A_44 = arith.constant 16 : index
    %get3A_45 = tpu.vector_load %arg6[%get3A_43, %get3A_44] {strides = array<i32>} : memref<125x80xf32, #tpu.memory_space<vmem>>, vector<16xf32>,
    %add3A_46 = arith.constant 16 : i32
    %add3A_47 = vector.broadcast %add3A_46 : i32 to vector<16xi32>
    %add3A_48 = arith.addi %iota3A, %add3A_47 : vector<16xi32>
    %scatter3A_49 = arith.constant 0 : i32
    %scatter3A_50 = arith.constant 0 : i32
    %scatter3A_51 = arith.constant 0 : i32
    %scatter3A_52 = tpu.memref_slice %arg7[%scatter3A_49, %scatter3A_50, %scatter3A_51] : memref<4x80x16xf32, #tpu.memory_space<vmem>> -> memref<1x80x16xf32, #tpu.memory_space<vmem>>
    %scatter3A_53 = tpu.memref_squeeze %scatter3A_52 : memref<1x80x16xf32, #tpu.memory_space<vmem>> -> memref<80x16xf32, #tpu.memory_space<vmem>>
    tpu.vector_store_idx %scatter3A_53[%add3A_48, %broadcast_in_dim3A_2], %get3A_45 : memref<80x16xf32, #tpu.memory_space<vmem>>[vector<16xi32>, vector<16xi32>], vector<16xf32>,
    %get3A_54 = arith.constant 124 : i32
    %get3A_55 = arith.index_cast %get3A_54 : i32 to index
    %get3A_56 = arith.constant 32 : index
    %get3A_57 = tpu.vector_load %arg6[%get3A_55, %get3A_56] {strides = array<i32>} : memref<125x80xf32, #tpu.memory_space<vmem>>, vector<16xf32>,
    %add3A_58 = arith.constant 32 : i32
    %add3A_59 = vector.broadcast %add3A_58 : i32 to vector<16xi32>
    %add3A_60 = arith.addi %iota3A, %add3A_59 : vector<16xi32>
    %scatter3A_61 = arith.constant 0 : i32
    %scatter3A_62 = arith.constant 0 : i32
    %scatter3A_63 = arith.constant 0 : i32
    %scatter3A_64 = tpu.memref_slice %arg7[%scatter3A_61, %scatter3A_62, %scatter3A_63] : memref<4x80x16xf32, #tpu.memory_space<vmem>> -> memref<1x80x16xf32, #tpu.memory_space<vmem>>
    %scatter3A_65 = tpu.memref_squeeze %scatter3A_64 : memref<1x80x16xf32, #tpu.memory_space<vmem>> -> memref<80x16xf32, #tpu.memory_space<vmem>>
    tpu.vector_store_idx %scatter3A_65[%add3A_60, %broadcast_in_dim3A_2], %get3A_57 : memref<80x16xf32, #tpu.memory_space<vmem>>[vector<16xi32>, vector<16xi32>], vector<16xf32>,
    %get3A_66 = arith.constant 124 : i32
    %get3A_67 = arith.index_cast %get3A_66 : i32 to index
    %get3A_68 = arith.constant 48 : index
    %get3A_69 = tpu.vector_load %arg6[%get3A_67, %get3A_68] {strides = array<i32>} : memref<125x80xf32, #tpu.memory_space<vmem>>, vector<16xf32>,
    %add3A_70 = arith.constant 48 : i32
    %add3A_71 = vector.broadcast %add3A_70 : i32 to vector<16xi32>
    %add3A_72 = arith.addi %iota3A, %add3A_71 : vector<16xi32>
    %scatter3A_73 = arith.constant 0 : i32
    %scatter3A_74 = arith.constant 0 : i32
    %scatter3A_75 = arith.constant 0 : i32
    %scatter3A_76 = tpu.memref_slice %arg7[%scatter3A_73, %scatter3A_74, %scatter3A_75] : memref<4x80x16xf32, #tpu.memory_space<vmem>> -> memref<1x80x16xf32, #tpu.memory_space<vmem>>
    %scatter3A_77 = tpu.memref_squeeze %scatter3A_76 : memref<1x80x16xf32, #tpu.memory_space<vmem>> -> memref<80x16xf32, #tpu.memory_space<vmem>>
    tpu.vector_store_idx %scatter3A_77[%add3A_72, %broadcast_in_dim3A_2], %get3A_69 : memref<80x16xf32, #tpu.memory_space<vmem>>[vector<16xi32>, vector<16xi32>], vector<16xf32>,
    %get3A_78 = arith.constant 124 : i32
    %get3A_79 = arith.index_cast %get3A_78 : i32 to index
    %get3A_80 = arith.constant 64 : index
    %get3A_81 = tpu.vector_load %arg6[%get3A_79, %get3A_80] {strides = array<i32>} : memref<125x80xf32, #tpu.memory_space<vmem>>, vector<16xf32>,
    %add3A_82 = arith.constant 64 : i32
    %add3A_83 = vector.broadcast %add3A_82 : i32 to vector<16xi32>
    %add3A_84 = arith.addi %iota3A, %add3A_83 : vector<16xi32>
    %scatter3A_85 = arith.constant 0 : i32
    %scatter3A_86 = arith.constant 0 : i32
    %scatter3A_87 = arith.constant 0 : i32
    %scatter3A_88 = tpu.memref_slice %arg7[%scatter3A_85, %scatter3A_86, %scatter3A_87] : memref<4x80x16xf32, #tpu.memory_space<vmem>> -> memref<1x80x16xf32, #tpu.memory_space<vmem>>
    %scatter3A_89 = tpu.memref_squeeze %scatter3A_88 : memref<1x80x16xf32, #tpu.memory_space<vmem>> -> memref<80x16xf32, #tpu.memory_space<vmem>>
    tpu.vector_store_idx %scatter3A_89[%add3A_84, %broadcast_in_dim3A_2], %get3A_81 : memref<80x16xf32, #tpu.memory_space<vmem>>[vector<16xi32>, vector<16xi32>], vector<16xf32>,
    %dma_start3A = arith.constant 0 : i32
    %dma_start3A_90 = arith.constant 124 : i32
    %dma_start3A_91 = arith.constant 0 : i32
    %dma_start3A_92 = arith.constant 0 : i32
    %dma_start3A_93 = tpu.memref_slice %arg7[%dma_start3A, %dma_start3A_91, %dma_start3A_92] : memref<4x80x16xf32, #tpu.memory_space<vmem>> -> memref<1x80x16xf32, #tpu.memory_space<vmem>>
    %dma_start3A_94 = tpu.memref_squeeze %dma_start3A_93 : memref<1x80x16xf32, #tpu.memory_space<vmem>> -> memref<80x16xf32, #tpu.memory_space<vmem>>
    %dma_start3A_95 = arith.constant 0 : i32
    %dma_start3A_96 = tpu.memref_slice %arg5[%dma_start3A_90, %dma_start3A_95] : memref<125x80xi32, #tpu.memory_space<vmem>> -> memref<1x80xi32, #tpu.memory_space<vmem>>
    %dma_start3A_97 = tpu.memref_squeeze %dma_start3A_96 : memref<1x80xi32, #tpu.memory_space<vmem>> -> memref<80xi32, #tpu.memory_space<vmem>>
    %dma_start3A_98 = arith.constant 0 : i32
    %dma_start3A_99 = arith.constant 0 : i32
    %dma_start3A_100 = tpu.memref_slice %arg10[%dma_start3A_98, %dma_start3A_99] : memref<10240x16xf32, #tpu.memory_space<vmem_shared>> -> memref<10240x16xf32, #tpu.memory_space<vmem_shared>>
    tpu.enqueue_indirect_dma source(%dma_start3A_94 : memref<80x16xf32, #tpu.memory_space<vmem>>) target(%dma_start3A_100 : memref<10240x16xf32, #tpu.memory_space<vmem_shared>>) offsets(%dma_start3A_97 : memref<80xi32, #tpu.memory_space<vmem>>) semaphore(%arg11 : memref<!tpu.dma_semaphore, #tpu.memory_space<semaphore_mem>>) {add = true}
    %dma_wait3A_101 = arith.constant 1 : i32
    %dma_wait3A_102 = arith.constant 121 : i32
    %dma_wait3A_103 = arith.constant 0 : i32
    %dma_wait3A_104 = arith.constant 0 : i32
    %dma_wait3A_105 = tpu.memref_slice %arg7[%dma_wait3A_101, %dma_wait3A_103, %dma_wait3A_104] : memref<4x80x16xf32, #tpu.memory_space<vmem>> -> memref<1x80x16xf32, #tpu.memory_space<vmem>>
    %dma_wait3A_106 = tpu.memref_squeeze %dma_wait3A_105 : memref<1x80x16xf32, #tpu.memory_space<vmem>> -> memref<80x16xf32, #tpu.memory_space<vmem>>
    %dma_wait3A_107 = arith.constant 0 : i32
    %dma_wait3A_108 = tpu.memref_slice %arg5[%dma_wait3A_102, %dma_wait3A_107] : memref<125x80xi32, #tpu.memory_space<vmem>> -> memref<1x80xi32, #tpu.memory_space<vmem>>
    %dma_wait3A_109 = tpu.memref_squeeze %dma_wait3A_108 : memref<1x80xi32, #tpu.memory_space<vmem>> -> memref<80xi32, #tpu.memory_space<vmem>>
    %dma_wait3A_110 = arith.constant 0 : i32
    %dma_wait3A_111 = arith.constant 0 : i32
    %dma_wait3A_112 = tpu.memref_slice %arg10[%dma_wait3A_110, %dma_wait3A_111] : memref<10240x16xf32, #tpu.memory_space<vmem_shared>> -> memref<10240x16xf32, #tpu.memory_space<vmem_shared>>
    tpu.wait_indirect_dma semaphore(%arg12 : memref<!tpu.dma_semaphore, #tpu.memory_space<semaphore_mem>>) src(%dma_wait3A_106 : memref<80x16xf32, #tpu.memory_space<vmem>>) dst(%dma_wait3A_112 : memref<10240x16xf32, #tpu.memory_space<vmem_shared>>)
    %dma_wait3A_113 = arith.constant 2 : i32
    %dma_wait3A_114 = arith.constant 122 : i32
    %dma_wait3A_115 = arith.constant 0 : i32
    %dma_wait3A_116 = arith.constant 0 : i32
    %dma_wait3A_117 = tpu.memref_slice %arg7[%dma_wait3A_113, %dma_wait3A_115, %dma_wait3A_116] : memref<4x80x16xf32, #tpu.memory_space<vmem>> -> memref<1x80x16xf32, #tpu.memory_space<vmem>>
    %dma_wait3A_118 = tpu.memref_squeeze %dma_wait3A_117 : memref<1x80x16xf32, #tpu.memory_space<vmem>> -> memref<80x16xf32, #tpu.memory_space<vmem>>
    %dma_wait3A_119 = arith.constant 0 : i32
    %dma_wait3A_120 = tpu.memref_slice %arg5[%dma_wait3A_114, %dma_wait3A_119] : memref<125x80xi32, #tpu.memory_space<vmem>> -> memref<1x80xi32, #tpu.memory_space<vmem>>
    %dma_wait3A_121 = tpu.memref_squeeze %dma_wait3A_120 : memref<1x80xi32, #tpu.memory_space<vmem>> -> memref<80xi32, #tpu.memory_space<vmem>>
    %dma_wait3A_122 = arith.constant 0 : i32
    %dma_wait3A_123 = arith.constant 0 : i32
    %dma_wait3A_124 = tpu.memref_slice %arg10[%dma_wait3A_122, %dma_wait3A_123] : memref<10240x16xf32, #tpu.memory_space<vmem_shared>> -> memref<10240x16xf32, #tpu.memory_space<vmem_shared>>
    tpu.wait_indirect_dma semaphore(%arg13 : memref<!tpu.dma_semaphore, #tpu.memory_space<semaphore_mem>>) src(%dma_wait3A_118 : memref<80x16xf32, #tpu.memory_space<vmem>>) dst(%dma_wait3A_124 : memref<10240x16xf32, #tpu.memory_space<vmem_shared>>)
    %dma_wait3A_125 = arith.constant 3 : i32
    %dma_wait3A_126 = arith.constant 123 : i32
    %dma_wait3A_127 = arith.constant 0 : i32
    %dma_wait3A_128 = arith.constant 0 : i32
    %dma_wait3A_129 = tpu.memref_slice %arg7[%dma_wait3A_125, %dma_wait3A_127, %dma_wait3A_128] : memref<4x80x16xf32, #tpu.memory_space<vmem>> -> memref<1x80x16xf32, #tpu.memory_space<vmem>>
    %dma_wait3A_130 = tpu.memref_squeeze %dma_wait3A_129 : memref<1x80x16xf32, #tpu.memory_space<vmem>> -> memref<80x16xf32, #tpu.memory_space<vmem>>
    %dma_wait3A_131 = arith.constant 0 : i32
    %dma_wait3A_132 = tpu.memref_slice %arg5[%dma_wait3A_126, %dma_wait3A_131] : memref<125x80xi32, #tpu.memory_space<vmem>> -> memref<1x80xi32, #tpu.memory_space<vmem>>
    %dma_wait3A_133 = tpu.memref_squeeze %dma_wait3A_132 : memref<1x80xi32, #tpu.memory_space<vmem>> -> memref<80xi32, #tpu.memory_space<vmem>>
    %dma_wait3A_134 = arith.constant 0 : i32
    %dma_wait3A_135 = arith.constant 0 : i32
    %dma_wait3A_136 = tpu.memref_slice %arg10[%dma_wait3A_134, %dma_wait3A_135] : memref<10240x16xf32, #tpu.memory_space<vmem_shared>> -> memref<10240x16xf32, #tpu.memory_space<vmem_shared>>
    tpu.wait_indirect_dma semaphore(%arg14 : memref<!tpu.dma_semaphore, #tpu.memory_space<semaphore_mem>>) src(%dma_wait3A_130 : memref<80x16xf32, #tpu.memory_space<vmem>>) dst(%dma_wait3A_136 : memref<10240x16xf32, #tpu.memory_space<vmem_shared>>)
    %dma_wait3A_137 = arith.constant 0 : i32
    %dma_wait3A_138 = arith.constant 124 : i32
    %dma_wait3A_139 = arith.constant 0 : i32
    %dma_wait3A_140 = arith.constant 0 : i32
    %dma_wait3A_141 = tpu.memref_slice %arg7[%dma_wait3A_137, %dma_wait3A_139, %dma_wait3A_140] : memref<4x80x16xf32, #tpu.memory_space<vmem>> -> memref<1x80x16xf32, #tpu.memory_space<vmem>>
    %dma_wait3A_142 = tpu.memref_squeeze %dma_wait3A_141 : memref<1x80x16xf32, #tpu.memory_space<vmem>> -> memref<80x16xf32, #tpu.memory_space<vmem>>
    %dma_wait3A_143 = arith.constant 0 : i32
    %dma_wait3A_144 = tpu.memref_slice %arg5[%dma_wait3A_138, %dma_wait3A_143] : memref<125x80xi32, #tpu.memory_space<vmem>> -> memref<1x80xi32, #tpu.memory_space<vmem>>
    %dma_wait3A_145 = tpu.memref_squeeze %dma_wait3A_144 : memref<1x80xi32, #tpu.memory_space<vmem>> -> memref<80xi32, #tpu.memory_space<vmem>>
    %dma_wait3A_146 = arith.constant 0 : i32
    %dma_wait3A_147 = arith.constant 0 : i32
    %dma_wait3A_148 = tpu.memref_slice %arg10[%dma_wait3A_146, %dma_wait3A_147] : memref<10240x16xf32, #tpu.memory_space<vmem_shared>> -> memref<10240x16xf32, #tpu.memory_space<vmem_shared>>
    tpu.wait_indirect_dma semaphore(%arg11 : memref<!tpu.dma_semaphore, #tpu.memory_space<semaphore_mem>>) src(%dma_wait3A_142 : memref<80x16xf32, #tpu.memory_space<vmem>>) dst(%dma_wait3A_148 : memref<10240x16xf32, #tpu.memory_space<vmem_shared>>)
    %mul3A_149 = arith.constant 2 : i32
    %mul3A_150 = arith.muli %arg1, %mul3A_149 : i32
    %add3A_151 = arith.constant 1 : i32
    %add3A_152 = arith.addi %mul3A_150, %add3A_151 : i32
    "tpu.region"() ({
      %run_scoped3A = tpu.sem_alloc : memref<!tpu.dma_semaphore, #tpu.memory_space<semaphore_mem>>
      %dma_start3A_293 = arith.constant 0 : i32
      %dma_start3A_294 = arith.constant 0 : i32
      %dma_start3A_295 = tpu.memref_slice %arg2[%add3A_152, %dma_start3A_293, %dma_start3A_294] : memref<32x125x80xi32, #tpu.memory_space<hbm>> -> memref<1x125x80xi32, #tpu.memory_space<hbm>>
      %dma_start3A_296 = tpu.memref_squeeze %dma_start3A_295 : memref<1x125x80xi32, #tpu.memory_space<hbm>> -> memref<125x80xi32, #tpu.memory_space<hbm>>
      %dma_start3A_297 = arith.constant 0 : i32
      %dma_start3A_298 = arith.constant 0 : i32
      %dma_start3A_299 = tpu.memref_slice %arg2[%add3A_152, %dma_start3A_297, %dma_start3A_298] : memref<32x125x80xi32, #tpu.memory_space<hbm>> -> memref<1x125x80xi32, #tpu.memory_space<hbm>>
      %dma_start3A_300 = tpu.memref_squeeze %dma_start3A_299 : memref<1x125x80xi32, #tpu.memory_space<hbm>> -> memref<125x80xi32, #tpu.memory_space<hbm>>
      tpu.enqueue_dma source(%dma_start3A_300 : memref<125x80xi32, #tpu.memory_space<hbm>>) target(%arg5 : memref<125x80xi32, #tpu.memory_space<vmem>>) target_semaphore(%run_scoped3A : memref<!tpu.dma_semaphore, #tpu.memory_space<semaphore_mem>>)
      %dma_wait3A_301 = arith.constant 0 : i32
      %dma_wait3A_302 = arith.constant 0 : i32
      %dma_wait3A_303 = tpu.memref_slice %arg2[%add3A_152, %dma_wait3A_301, %dma_wait3A_302] : memref<32x125x80xi32, #tpu.memory_space<hbm>> -> memref<1x125x80xi32, #tpu.memory_space<hbm>>
      %dma_wait3A_304 = tpu.memref_squeeze %dma_wait3A_303 : memref<1x125x80xi32, #tpu.memory_space<hbm>> -> memref<125x80xi32, #tpu.memory_space<hbm>>
      %dma_wait3A_305 = arith.constant 0 : i32
      %dma_wait3A_306 = arith.constant 0 : i32
      %dma_wait3A_307 = tpu.memref_slice %arg2[%add3A_152, %dma_wait3A_305, %dma_wait3A_306] : memref<32x125x80xi32, #tpu.memory_space<hbm>> -> memref<1x125x80xi32, #tpu.memory_space<hbm>>
      %dma_wait3A_308 = tpu.memref_squeeze %dma_wait3A_307 : memref<1x125x80xi32, #tpu.memory_space<hbm>> -> memref<125x80xi32, #tpu.memory_space<hbm>>
      tpu.wait_dma2 semaphore(%run_scoped3A : memref<!tpu.dma_semaphore, #tpu.memory_space<semaphore_mem>>) src(%dma_wait3A_308 : memref<125x80xi32, #tpu.memory_space<hbm>>) dst(%arg5 : memref<125x80xi32, #tpu.memory_space<vmem>>)
      tpu.yield
    }) : () -> ()
    "tpu.region"() ({
      %run_scoped3A = tpu.sem_alloc : memref<!tpu.dma_semaphore, #tpu.memory_space<semaphore_mem>>
      %dma_start3A_293 = arith.constant 0 : i32
      %dma_start3A_294 = arith.constant 0 : i32
      %dma_start3A_295 = tpu.memref_slice %arg3[%add3A_152, %dma_start3A_293, %dma_start3A_294] : memref<32x125x80xf32, #tpu.memory_space<hbm>> -> memref<1x125x80xf32, #tpu.memory_space<hbm>>
      %dma_start3A_296 = tpu.memref_squeeze %dma_start3A_295 : memref<1x125x80xf32, #tpu.memory_space<hbm>> -> memref<125x80xf32, #tpu.memory_space<hbm>>
      %dma_start3A_297 = arith.constant 0 : i32
      %dma_start3A_298 = arith.constant 0 : i32
      %dma_start3A_299 = tpu.memref_slice %arg3[%add3A_152, %dma_start3A_297, %dma_start3A_298] : memref<32x125x80xf32, #tpu.memory_space<hbm>> -> memref<1x125x80xf32, #tpu.memory_space<hbm>>
      %dma_start3A_300 = tpu.memref_squeeze %dma_start3A_299 : memref<1x125x80xf32, #tpu.memory_space<hbm>> -> memref<125x80xf32, #tpu.memory_space<hbm>>
      tpu.enqueue_dma source(%dma_start3A_300 : memref<125x80xf32, #tpu.memory_space<hbm>>) target(%arg6 : memref<125x80xf32, #tpu.memory_space<vmem>>) target_semaphore(%run_scoped3A : memref<!tpu.dma_semaphore, #tpu.memory_space<semaphore_mem>>)
      %dma_wait3A_301 = arith.constant 0 : i32
      %dma_wait3A_302 = arith.constant 0 : i32
      %dma_wait3A_303 = tpu.memref_slice %arg3[%add3A_152, %dma_wait3A_301, %dma_wait3A_302] : memref<32x125x80xf32, #tpu.memory_space<hbm>> -> memref<1x125x80xf32, #tpu.memory_space<hbm>>
      %dma_wait3A_304 = tpu.memref_squeeze %dma_wait3A_303 : memref<1x125x80xf32, #tpu.memory_space<hbm>> -> memref<125x80xf32, #tpu.memory_space<hbm>>
      %dma_wait3A_305 = arith.constant 0 : i32
      %dma_wait3A_306 = arith.constant 0 : i32
      %dma_wait3A_307 = tpu.memref_slice %arg3[%add3A_152, %dma_wait3A_305, %dma_wait3A_306] : memref<32x125x80xf32, #tpu.memory_space<hbm>> -> memref<1x125x80xf32, #tpu.memory_space<hbm>>
      %dma_wait3A_308 = tpu.memref_squeeze %dma_wait3A_307 : memref<1x125x80xf32, #tpu.memory_space<hbm>> -> memref<125x80xf32, #tpu.memory_space<hbm>>
      tpu.wait_dma2 semaphore(%run_scoped3A : memref<!tpu.dma_semaphore, #tpu.memory_space<semaphore_mem>>) src(%dma_wait3A_308 : memref<125x80xf32, #tpu.memory_space<hbm>>) dst(%arg6 : memref<125x80xf32, #tpu.memory_space<vmem>>)
      tpu.yield
    }) : () -> ()
    %scan3A_153 = arith.constant 0 : i32
    %scan3A_154 = arith.constant 31 : i32
    %scan3A_155 = arith.addi %scan3A_153, %scan3A_154 : i32
    %scan3A_156 = arith.constant 1 : i32
    scf.for %scan3A_293 = %scan3A_153 to %scan3A_155 step %scan3A_156  : i32 {
      %mul3A_294 = arith.constant 4 : i32
      %mul3A_295 = arith.muli %scan3A_293, %mul3A_294 : i32
      %add3A_296 = arith.constant 0 : i32
      %add3A_297 = arith.addi %add3A_296, %mul3A_295 : i32
      %add3A_298 = arith.constant 0 : i32
      %add3A_299 = arith.addi %add3A_297, %add3A_298 : i32
      %ge3A = arith.constant 4 : i32
      %ge3A_300 = arith.cmpi sge, %add3A_299, %ge3A : i32
      %convert_element_type3A_301 = arith.extui %ge3A_300 : i1 to i32
      %cond3A_302 = arith.constant 0 : i32
      %cond3A_303 = arith.cmpi ne, %convert_element_type3A_301, %cond3A_302 : i32
      scf.if %cond3A_303 {
        %sub3A = arith.constant 4 : i32
        %sub3A_589 = arith.subi %add3A_299, %sub3A : i32
        %dma_wait3A_590 = arith.constant 0 : i32
        %dma_wait3A_591 = arith.constant 0 : i32
        %dma_wait3A_592 = arith.constant 0 : i32
        %dma_wait3A_593 = tpu.memref_slice %arg7[%dma_wait3A_590, %dma_wait3A_591, %dma_wait3A_592] : memref<4x80x16xf32, #tpu.memory_space<vmem>> -> memref<1x80x16xf32, #tpu.memory_space<vmem>>
        %dma_wait3A_594 = tpu.memref_squeeze %dma_wait3A_593 : memref<1x80x16xf32, #tpu.memory_space<vmem>> -> memref<80x16xf32, #tpu.memory_space<vmem>>
        %dma_wait3A_595 = arith.constant 0 : i32
        %dma_wait3A_596 = tpu.memref_slice %arg5[%sub3A_589, %dma_wait3A_595] : memref<125x80xi32, #tpu.memory_space<vmem>> -> memref<1x80xi32, #tpu.memory_space<vmem>>
        %dma_wait3A_597 = tpu.memref_squeeze %dma_wait3A_596 : memref<1x80xi32, #tpu.memory_space<vmem>> -> memref<80xi32, #tpu.memory_space<vmem>>
        %dma_wait3A_598 = arith.constant 0 : i32
        %dma_wait3A_599 = arith.constant 0 : i32
        %dma_wait3A_600 = tpu.memref_slice %arg10[%dma_wait3A_598, %dma_wait3A_599] : memref<10240x16xf32, #tpu.memory_space<vmem_shared>> -> memref<10240x16xf32, #tpu.memory_space<vmem_shared>>
        tpu.wait_indirect_dma semaphore(%arg11 : memref<!tpu.dma_semaphore, #tpu.memory_space<semaphore_mem>>) src(%dma_wait3A_594 : memref<80x16xf32, #tpu.memory_space<vmem>>) dst(%dma_wait3A_600 : memref<10240x16xf32, #tpu.memory_space<vmem_shared>>)
      } else {
      }
      %get3A_304 = arith.index_cast %add3A_299 : i32 to index
      %get3A_305 = arith.constant 0 : index
      %get3A_306 = tpu.vector_load %arg6[%get3A_304, %get3A_305] {strides = array<i32>} : memref<125x80xf32, #tpu.memory_space<vmem>>, vector<16xf32>,
      %add3A_307 = arith.constant 0 : i32
      %add3A_308 = vector.broadcast %add3A_307 : i32 to vector<16xi32>
      %add3A_309 = arith.addi %iota3A, %add3A_308 : vector<16xi32>
      %scatter3A_310 = arith.constant 0 : i32
      %scatter3A_311 = arith.constant 0 : i32
      %scatter3A_312 = arith.constant 0 : i32
      %scatter3A_313 = tpu.memref_slice %arg7[%scatter3A_310, %scatter3A_311, %scatter3A_312] : memref<4x80x16xf32, #tpu.memory_space<vmem>> -> memref<1x80x16xf32, #tpu.memory_space<vmem>>
      %scatter3A_314 = tpu.memref_squeeze %scatter3A_313 : memref<1x80x16xf32, #tpu.memory_space<vmem>> -> memref<80x16xf32, #tpu.memory_space<vmem>>
      tpu.vector_store_idx %scatter3A_314[%add3A_309, %broadcast_in_dim3A_2], %get3A_306 : memref<80x16xf32, #tpu.memory_space<vmem>>[vector<16xi32>, vector<16xi32>], vector<16xf32>,
      %get3A_315 = arith.index_cast %add3A_299 : i32 to index
      %get3A_316 = arith.constant 16 : index
      %get3A_317 = tpu.vector_load %arg6[%get3A_315, %get3A_316] {strides = array<i32>} : memref<125x80xf32, #tpu.memory_space<vmem>>, vector<16xf32>,
      %add3A_318 = arith.constant 16 : i32
      %add3A_319 = vector.broadcast %add3A_318 : i32 to vector<16xi32>
      %add3A_320 = arith.addi %iota3A, %add3A_319 : vector<16xi32>
      %scatter3A_321 = arith.constant 0 : i32
      %scatter3A_322 = arith.constant 0 : i32
      %scatter3A_323 = arith.constant 0 : i32
      %scatter3A_324 = tpu.memref_slice %arg7[%scatter3A_321, %scatter3A_322, %scatter3A_323] : memref<4x80x16xf32, #tpu.memory_space<vmem>> -> memref<1x80x16xf32, #tpu.memory_space<vmem>>
      %scatter3A_325 = tpu.memref_squeeze %scatter3A_324 : memref<1x80x16xf32, #tpu.memory_space<vmem>> -> memref<80x16xf32, #tpu.memory_space<vmem>>
      tpu.vector_store_idx %scatter3A_325[%add3A_320, %broadcast_in_dim3A_2], %get3A_317 : memref<80x16xf32, #tpu.memory_space<vmem>>[vector<16xi32>, vector<16xi32>], vector<16xf32>,
      %get3A_326 = arith.index_cast %add3A_299 : i32 to index
      %get3A_327 = arith.constant 32 : index
      %get3A_328 = tpu.vector_load %arg6[%get3A_326, %get3A_327] {strides = array<i32>} : memref<125x80xf32, #tpu.memory_space<vmem>>, vector<16xf32>,
      %add3A_329 = arith.constant 32 : i32
      %add3A_330 = vector.broadcast %add3A_329 : i32 to vector<16xi32>
      %add3A_331 = arith.addi %iota3A, %add3A_330 : vector<16xi32>
      %scatter3A_332 = arith.constant 0 : i32
      %scatter3A_333 = arith.constant 0 : i32
      %scatter3A_334 = arith.constant 0 : i32
      %scatter3A_335 = tpu.memref_slice %arg7[%scatter3A_332, %scatter3A_333, %scatter3A_334] : memref<4x80x16xf32, #tpu.memory_space<vmem>> -> memref<1x80x16xf32, #tpu.memory_space<vmem>>
      %scatter3A_336 = tpu.memref_squeeze %scatter3A_335 : memref<1x80x16xf32, #tpu.memory_space<vmem>> -> memref<80x16xf32, #tpu.memory_space<vmem>>
      tpu.vector_store_idx %scatter3A_336[%add3A_331, %broadcast_in_dim3A_2], %get3A_328 : memref<80x16xf32, #tpu.memory_space<vmem>>[vector<16xi32>, vector<16xi32>], vector<16xf32>,
      %get3A_337 = arith.index_cast %add3A_299 : i32 to index
      %get3A_338 = arith.constant 48 : index
      %get3A_339 = tpu.vector_load %arg6[%get3A_337, %get3A_338] {strides = array<i32>} : memref<125x80xf32, #tpu.memory_space<vmem>>, vector<16xf32>,
      %add3A_340 = arith.constant 48 : i32
      %add3A_341 = vector.broadcast %add3A_340 : i32 to vector<16xi32>
      %add3A_342 = arith.addi %iota3A, %add3A_341 : vector<16xi32>
      %scatter3A_343 = arith.constant 0 : i32
      %scatter3A_344 = arith.constant 0 : i32
      %scatter3A_345 = arith.constant 0 : i32
      %scatter3A_346 = tpu.memref_slice %arg7[%scatter3A_343, %scatter3A_344, %scatter3A_345] : memref<4x80x16xf32, #tpu.memory_space<vmem>> -> memref<1x80x16xf32, #tpu.memory_space<vmem>>
      %scatter3A_347 = tpu.memref_squeeze %scatter3A_346 : memref<1x80x16xf32, #tpu.memory_space<vmem>> -> memref<80x16xf32, #tpu.memory_space<vmem>>
      tpu.vector_store_idx %scatter3A_347[%add3A_342, %broadcast_in_dim3A_2], %get3A_339 : memref<80x16xf32, #tpu.memory_space<vmem>>[vector<16xi32>, vector<16xi32>], vector<16xf32>,
      %get3A_348 = arith.index_cast %add3A_299 : i32 to index
      %get3A_349 = arith.constant 64 : index
      %get3A_350 = tpu.vector_load %arg6[%get3A_348, %get3A_349] {strides = array<i32>} : memref<125x80xf32, #tpu.memory_space<vmem>>, vector<16xf32>,
      %add3A_351 = arith.constant 64 : i32
      %add3A_352 = vector.broadcast %add3A_351 : i32 to vector<16xi32>
      %add3A_353 = arith.addi %iota3A, %add3A_352 : vector<16xi32>
      %scatter3A_354 = arith.constant 0 : i32
      %scatter3A_355 = arith.constant 0 : i32
      %scatter3A_356 = arith.constant 0 : i32
      %scatter3A_357 = tpu.memref_slice %arg7[%scatter3A_354, %scatter3A_355, %scatter3A_356] : memref<4x80x16xf32, #tpu.memory_space<vmem>> -> memref<1x80x16xf32, #tpu.memory_space<vmem>>
      %scatter3A_358 = tpu.memref_squeeze %scatter3A_357 : memref<1x80x16xf32, #tpu.memory_space<vmem>> -> memref<80x16xf32, #tpu.memory_space<vmem>>
      tpu.vector_store_idx %scatter3A_358[%add3A_353, %broadcast_in_dim3A_2], %get3A_350 : memref<80x16xf32, #tpu.memory_space<vmem>>[vector<16xi32>, vector<16xi32>], vector<16xf32>,
      %dma_start3A_359 = arith.constant 0 : i32
      %dma_start3A_360 = arith.constant 0 : i32
      %dma_start3A_361 = arith.constant 0 : i32
      %dma_start3A_362 = tpu.memref_slice %arg7[%dma_start3A_359, %dma_start3A_360, %dma_start3A_361] : memref<4x80x16xf32, #tpu.memory_space<vmem>> -> memref<1x80x16xf32, #tpu.memory_space<vmem>>
      %dma_start3A_363 = tpu.memref_squeeze %dma_start3A_362 : memref<1x80x16xf32, #tpu.memory_space<vmem>> -> memref<80x16xf32, #tpu.memory_space<vmem>>
      %dma_start3A_364 = arith.constant 0 : i32
      %dma_start3A_365 = tpu.memref_slice %arg5[%add3A_299, %dma_start3A_364] : memref<125x80xi32, #tpu.memory_space<vmem>> -> memref<1x80xi32, #tpu.memory_space<vmem>>
      %dma_start3A_366 = tpu.memref_squeeze %dma_start3A_365 : memref<1x80xi32, #tpu.memory_space<vmem>> -> memref<80xi32, #tpu.memory_space<vmem>>
      %dma_start3A_367 = arith.constant 0 : i32
      %dma_start3A_368 = arith.constant 0 : i32
      %dma_start3A_369 = tpu.memref_slice %arg10[%dma_start3A_367, %dma_start3A_368] : memref<10240x16xf32, #tpu.memory_space<vmem_shared>> -> memref<10240x16xf32, #tpu.memory_space<vmem_shared>>
      tpu.enqueue_indirect_dma source(%dma_start3A_363 : memref<80x16xf32, #tpu.memory_space<vmem>>) target(%dma_start3A_369 : memref<10240x16xf32, #tpu.memory_space<vmem_shared>>) offsets(%dma_start3A_366 : memref<80xi32, #tpu.memory_space<vmem>>) semaphore(%arg11 : memref<!tpu.dma_semaphore, #tpu.memory_space<semaphore_mem>>) {add = true}
      %add3A_370 = arith.constant 1 : i32
      %add3A_371 = arith.addi %add3A_297, %add3A_370 : i32
      %ge3A_372 = arith.constant 4 : i32
      %ge3A_373 = arith.cmpi sge, %add3A_371, %ge3A_372 : i32
      %convert_element_type3A_374 = arith.extui %ge3A_373 : i1 to i32
      %cond3A_375 = arith.constant 0 : i32
      %cond3A_376 = arith.cmpi ne, %convert_element_type3A_374, %cond3A_375 : i32
      scf.if %cond3A_376 {
        %sub3A = arith.constant 4 : i32
        %sub3A_589 = arith.subi %add3A_371, %sub3A : i32
        %dma_wait3A_590 = arith.constant 1 : i32
        %dma_wait3A_591 = arith.constant 0 : i32
        %dma_wait3A_592 = arith.constant 0 : i32
        %dma_wait3A_593 = tpu.memref_slice %arg7[%dma_wait3A_590, %dma_wait3A_591, %dma_wait3A_592] : memref<4x80x16xf32, #tpu.memory_space<vmem>> -> memref<1x80x16xf32, #tpu.memory_space<vmem>>
        %dma_wait3A_594 = tpu.memref_squeeze %dma_wait3A_593 : memref<1x80x16xf32, #tpu.memory_space<vmem>> -> memref<80x16xf32, #tpu.memory_space<vmem>>
        %dma_wait3A_595 = arith.constant 0 : i32
        %dma_wait3A_596 = tpu.memref_slice %arg5[%sub3A_589, %dma_wait3A_595] : memref<125x80xi32, #tpu.memory_space<vmem>> -> memref<1x80xi32, #tpu.memory_space<vmem>>
        %dma_wait3A_597 = tpu.memref_squeeze %dma_wait3A_596 : memref<1x80xi32, #tpu.memory_space<vmem>> -> memref<80xi32, #tpu.memory_space<vmem>>
        %dma_wait3A_598 = arith.constant 0 : i32
        %dma_wait3A_599 = arith.constant 0 : i32
        %dma_wait3A_600 = tpu.memref_slice %arg10[%dma_wait3A_598, %dma_wait3A_599] : memref<10240x16xf32, #tpu.memory_space<vmem_shared>> -> memref<10240x16xf32, #tpu.memory_space<vmem_shared>>
        tpu.wait_indirect_dma semaphore(%arg12 : memref<!tpu.dma_semaphore, #tpu.memory_space<semaphore_mem>>) src(%dma_wait3A_594 : memref<80x16xf32, #tpu.memory_space<vmem>>) dst(%dma_wait3A_600 : memref<10240x16xf32, #tpu.memory_space<vmem_shared>>)
      } else {
      }
      %get3A_377 = arith.index_cast %add3A_371 : i32 to index
      %get3A_378 = arith.constant 0 : index
      %get3A_379 = tpu.vector_load %arg6[%get3A_377, %get3A_378] {strides = array<i32>} : memref<125x80xf32, #tpu.memory_space<vmem>>, vector<16xf32>,
      %add3A_380 = arith.constant 0 : i32
      %add3A_381 = vector.broadcast %add3A_380 : i32 to vector<16xi32>
      %add3A_382 = arith.addi %iota3A, %add3A_381 : vector<16xi32>
      %scatter3A_383 = arith.constant 1 : i32
      %scatter3A_384 = arith.constant 0 : i32
      %scatter3A_385 = arith.constant 0 : i32
      %scatter3A_386 = tpu.memref_slice %arg7[%scatter3A_383, %scatter3A_384, %scatter3A_385] : memref<4x80x16xf32, #tpu.memory_space<vmem>> -> memref<1x80x16xf32, #tpu.memory_space<vmem>>
      %scatter3A_387 = tpu.memref_squeeze %scatter3A_386 : memref<1x80x16xf32, #tpu.memory_space<vmem>> -> memref<80x16xf32, #tpu.memory_space<vmem>>
      tpu.vector_store_idx %scatter3A_387[%add3A_382, %broadcast_in_dim3A_2], %get3A_379 : memref<80x16xf32, #tpu.memory_space<vmem>>[vector<16xi32>, vector<16xi32>], vector<16xf32>,
      %get3A_388 = arith.index_cast %add3A_371 : i32 to index
      %get3A_389 = arith.constant 16 : index
      %get3A_390 = tpu.vector_load %arg6[%get3A_388, %get3A_389] {strides = array<i32>} : memref<125x80xf32, #tpu.memory_space<vmem>>, vector<16xf32>,
      %add3A_391 = arith.constant 16 : i32
      %add3A_392 = vector.broadcast %add3A_391 : i32 to vector<16xi32>
      %add3A_393 = arith.addi %iota3A, %add3A_392 : vector<16xi32>
      %scatter3A_394 = arith.constant 1 : i32
      %scatter3A_395 = arith.constant 0 : i32
      %scatter3A_396 = arith.constant 0 : i32
      %scatter3A_397 = tpu.memref_slice %arg7[%scatter3A_394, %scatter3A_395, %scatter3A_396] : memref<4x80x16xf32, #tpu.memory_space<vmem>> -> memref<1x80x16xf32, #tpu.memory_space<vmem>>
      %scatter3A_398 = tpu.memref_squeeze %scatter3A_397 : memref<1x80x16xf32, #tpu.memory_space<vmem>> -> memref<80x16xf32, #tpu.memory_space<vmem>>
      tpu.vector_store_idx %scatter3A_398[%add3A_393, %broadcast_in_dim3A_2], %get3A_390 : memref<80x16xf32, #tpu.memory_space<vmem>>[vector<16xi32>, vector<16xi32>], vector<16xf32>,
      %get3A_399 = arith.index_cast %add3A_371 : i32 to index
      %get3A_400 = arith.constant 32 : index
      %get3A_401 = tpu.vector_load %arg6[%get3A_399, %get3A_400] {strides = array<i32>} : memref<125x80xf32, #tpu.memory_space<vmem>>, vector<16xf32>,
      %add3A_402 = arith.constant 32 : i32
      %add3A_403 = vector.broadcast %add3A_402 : i32 to vector<16xi32>
      %add3A_404 = arith.addi %iota3A, %add3A_403 : vector<16xi32>
      %scatter3A_405 = arith.constant 1 : i32
      %scatter3A_406 = arith.constant 0 : i32
      %scatter3A_407 = arith.constant 0 : i32
      %scatter3A_408 = tpu.memref_slice %arg7[%scatter3A_405, %scatter3A_406, %scatter3A_407] : memref<4x80x16xf32, #tpu.memory_space<vmem>> -> memref<1x80x16xf32, #tpu.memory_space<vmem>>
      %scatter3A_409 = tpu.memref_squeeze %scatter3A_408 : memref<1x80x16xf32, #tpu.memory_space<vmem>> -> memref<80x16xf32, #tpu.memory_space<vmem>>
      tpu.vector_store_idx %scatter3A_409[%add3A_404, %broadcast_in_dim3A_2], %get3A_401 : memref<80x16xf32, #tpu.memory_space<vmem>>[vector<16xi32>, vector<16xi32>], vector<16xf32>,
      %get3A_410 = arith.index_cast %add3A_371 : i32 to index
      %get3A_411 = arith.constant 48 : index
      %get3A_412 = tpu.vector_load %arg6[%get3A_410, %get3A_411] {strides = array<i32>} : memref<125x80xf32, #tpu.memory_space<vmem>>, vector<16xf32>,
      %add3A_413 = arith.constant 48 : i32
      %add3A_414 = vector.broadcast %add3A_413 : i32 to vector<16xi32>
      %add3A_415 = arith.addi %iota3A, %add3A_414 : vector<16xi32>
      %scatter3A_416 = arith.constant 1 : i32
      %scatter3A_417 = arith.constant 0 : i32
      %scatter3A_418 = arith.constant 0 : i32
      %scatter3A_419 = tpu.memref_slice %arg7[%scatter3A_416, %scatter3A_417, %scatter3A_418] : memref<4x80x16xf32, #tpu.memory_space<vmem>> -> memref<1x80x16xf32, #tpu.memory_space<vmem>>
      %scatter3A_420 = tpu.memref_squeeze %scatter3A_419 : memref<1x80x16xf32, #tpu.memory_space<vmem>> -> memref<80x16xf32, #tpu.memory_space<vmem>>
      tpu.vector_store_idx %scatter3A_420[%add3A_415, %broadcast_in_dim3A_2], %get3A_412 : memref<80x16xf32, #tpu.memory_space<vmem>>[vector<16xi32>, vector<16xi32>], vector<16xf32>,
      %get3A_421 = arith.index_cast %add3A_371 : i32 to index
      %get3A_422 = arith.constant 64 : index
      %get3A_423 = tpu.vector_load %arg6[%get3A_421, %get3A_422] {strides = array<i32>} : memref<125x80xf32, #tpu.memory_space<vmem>>, vector<16xf32>,
      %add3A_424 = arith.constant 64 : i32
      %add3A_425 = vector.broadcast %add3A_424 : i32 to vector<16xi32>
      %add3A_426 = arith.addi %iota3A, %add3A_425 : vector<16xi32>
      %scatter3A_427 = arith.constant 1 : i32
      %scatter3A_428 = arith.constant 0 : i32
      %scatter3A_429 = arith.constant 0 : i32
      %scatter3A_430 = tpu.memref_slice %arg7[%scatter3A_427, %scatter3A_428, %scatter3A_429] : memref<4x80x16xf32, #tpu.memory_space<vmem>> -> memref<1x80x16xf32, #tpu.memory_space<vmem>>
      %scatter3A_431 = tpu.memref_squeeze %scatter3A_430 : memref<1x80x16xf32, #tpu.memory_space<vmem>> -> memref<80x16xf32, #tpu.memory_space<vmem>>
      tpu.vector_store_idx %scatter3A_431[%add3A_426, %broadcast_in_dim3A_2], %get3A_423 : memref<80x16xf32, #tpu.memory_space<vmem>>[vector<16xi32>, vector<16xi32>], vector<16xf32>,
      %dma_start3A_432 = arith.constant 1 : i32
      %dma_start3A_433 = arith.constant 0 : i32
      %dma_start3A_434 = arith.constant 0 : i32
      %dma_start3A_435 = tpu.memref_slice %arg7[%dma_start3A_432, %dma_start3A_433, %dma_start3A_434] : memref<4x80x16xf32, #tpu.memory_space<vmem>> -> memref<1x80x16xf32, #tpu.memory_space<vmem>>
      %dma_start3A_436 = tpu.memref_squeeze %dma_start3A_435 : memref<1x80x16xf32, #tpu.memory_space<vmem>> -> memref<80x16xf32, #tpu.memory_space<vmem>>
      %dma_start3A_437 = arith.constant 0 : i32
      %dma_start3A_438 = tpu.memref_slice %arg5[%add3A_371, %dma_start3A_437] : memref<125x80xi32, #tpu.memory_space<vmem>> -> memref<1x80xi32, #tpu.memory_space<vmem>>
      %dma_start3A_439 = tpu.memref_squeeze %dma_start3A_438 : memref<1x80xi32, #tpu.memory_space<vmem>> -> memref<80xi32, #tpu.memory_space<vmem>>
      %dma_start3A_440 = arith.constant 0 : i32
      %dma_start3A_441 = arith.constant 0 : i32
      %dma_start3A_442 = tpu.memref_slice %arg10[%dma_start3A_440, %dma_start3A_441] : memref<10240x16xf32, #tpu.memory_space<vmem_shared>> -> memref<10240x16xf32, #tpu.memory_space<vmem_shared>>
      tpu.enqueue_indirect_dma source(%dma_start3A_436 : memref<80x16xf32, #tpu.memory_space<vmem>>) target(%dma_start3A_442 : memref<10240x16xf32, #tpu.memory_space<vmem_shared>>) offsets(%dma_start3A_439 : memref<80xi32, #tpu.memory_space<vmem>>) semaphore(%arg12 : memref<!tpu.dma_semaphore, #tpu.memory_space<semaphore_mem>>) {add = true}
      %add3A_443 = arith.constant 2 : i32
      %add3A_444 = arith.addi %add3A_297, %add3A_443 : i32
      %ge3A_445 = arith.constant 4 : i32
      %ge3A_446 = arith.cmpi sge, %add3A_444, %ge3A_445 : i32
      %convert_element_type3A_447 = arith.extui %ge3A_446 : i1 to i32
      %cond3A_448 = arith.constant 0 : i32
      %cond3A_449 = arith.cmpi ne, %convert_element_type3A_447, %cond3A_448 : i32
      scf.if %cond3A_449 {
        %sub3A = arith.constant 4 : i32
        %sub3A_589 = arith.subi %add3A_444, %sub3A : i32
        %dma_wait3A_590 = arith.constant 2 : i32
        %dma_wait3A_591 = arith.constant 0 : i32
        %dma_wait3A_592 = arith.constant 0 : i32
        %dma_wait3A_593 = tpu.memref_slice %arg7[%dma_wait3A_590, %dma_wait3A_591, %dma_wait3A_592] : memref<4x80x16xf32, #tpu.memory_space<vmem>> -> memref<1x80x16xf32, #tpu.memory_space<vmem>>
        %dma_wait3A_594 = tpu.memref_squeeze %dma_wait3A_593 : memref<1x80x16xf32, #tpu.memory_space<vmem>> -> memref<80x16xf32, #tpu.memory_space<vmem>>
        %dma_wait3A_595 = arith.constant 0 : i32
        %dma_wait3A_596 = tpu.memref_slice %arg5[%sub3A_589, %dma_wait3A_595] : memref<125x80xi32, #tpu.memory_space<vmem>> -> memref<1x80xi32, #tpu.memory_space<vmem>>
        %dma_wait3A_597 = tpu.memref_squeeze %dma_wait3A_596 : memref<1x80xi32, #tpu.memory_space<vmem>> -> memref<80xi32, #tpu.memory_space<vmem>>
        %dma_wait3A_598 = arith.constant 0 : i32
        %dma_wait3A_599 = arith.constant 0 : i32
        %dma_wait3A_600 = tpu.memref_slice %arg10[%dma_wait3A_598, %dma_wait3A_599] : memref<10240x16xf32, #tpu.memory_space<vmem_shared>> -> memref<10240x16xf32, #tpu.memory_space<vmem_shared>>
        tpu.wait_indirect_dma semaphore(%arg13 : memref<!tpu.dma_semaphore, #tpu.memory_space<semaphore_mem>>) src(%dma_wait3A_594 : memref<80x16xf32, #tpu.memory_space<vmem>>) dst(%dma_wait3A_600 : memref<10240x16xf32, #tpu.memory_space<vmem_shared>>)
      } else {
      }
      %get3A_450 = arith.index_cast %add3A_444 : i32 to index
      %get3A_451 = arith.constant 0 : index
      %get3A_452 = tpu.vector_load %arg6[%get3A_450, %get3A_451] {strides = array<i32>} : memref<125x80xf32, #tpu.memory_space<vmem>>, vector<16xf32>,
      %add3A_453 = arith.constant 0 : i32
      %add3A_454 = vector.broadcast %add3A_453 : i32 to vector<16xi32>
      %add3A_455 = arith.addi %iota3A, %add3A_454 : vector<16xi32>
      %scatter3A_456 = arith.constant 2 : i32
      %scatter3A_457 = arith.constant 0 : i32
      %scatter3A_458 = arith.constant 0 : i32
      %scatter3A_459 = tpu.memref_slice %arg7[%scatter3A_456, %scatter3A_457, %scatter3A_458] : memref<4x80x16xf32, #tpu.memory_space<vmem>> -> memref<1x80x16xf32, #tpu.memory_space<vmem>>
      %scatter3A_460 = tpu.memref_squeeze %scatter3A_459 : memref<1x80x16xf32, #tpu.memory_space<vmem>> -> memref<80x16xf32, #tpu.memory_space<vmem>>
      tpu.vector_store_idx %scatter3A_460[%add3A_455, %broadcast_in_dim3A_2], %get3A_452 : memref<80x16xf32, #tpu.memory_space<vmem>>[vector<16xi32>, vector<16xi32>], vector<16xf32>,
      %get3A_461 = arith.index_cast %add3A_444 : i32 to index
      %get3A_462 = arith.constant 16 : index
      %get3A_463 = tpu.vector_load %arg6[%get3A_461, %get3A_462] {strides = array<i32>} : memref<125x80xf32, #tpu.memory_space<vmem>>, vector<16xf32>,
      %add3A_464 = arith.constant 16 : i32
      %add3A_465 = vector.broadcast %add3A_464 : i32 to vector<16xi32>
      %add3A_466 = arith.addi %iota3A, %add3A_465 : vector<16xi32>
      %scatter3A_467 = arith.constant 2 : i32
      %scatter3A_468 = arith.constant 0 : i32
      %scatter3A_469 = arith.constant 0 : i32
      %scatter3A_470 = tpu.memref_slice %arg7[%scatter3A_467, %scatter3A_468, %scatter3A_469] : memref<4x80x16xf32, #tpu.memory_space<vmem>> -> memref<1x80x16xf32, #tpu.memory_space<vmem>>
      %scatter3A_471 = tpu.memref_squeeze %scatter3A_470 : memref<1x80x16xf32, #tpu.memory_space<vmem>> -> memref<80x16xf32, #tpu.memory_space<vmem>>
      tpu.vector_store_idx %scatter3A_471[%add3A_466, %broadcast_in_dim3A_2], %get3A_463 : memref<80x16xf32, #tpu.memory_space<vmem>>[vector<16xi32>, vector<16xi32>], vector<16xf32>,
      %get3A_472 = arith.index_cast %add3A_444 : i32 to index
      %get3A_473 = arith.constant 32 : index
      %get3A_474 = tpu.vector_load %arg6[%get3A_472, %get3A_473] {strides = array<i32>} : memref<125x80xf32, #tpu.memory_space<vmem>>, vector<16xf32>,
      %add3A_475 = arith.constant 32 : i32
      %add3A_476 = vector.broadcast %add3A_475 : i32 to vector<16xi32>
      %add3A_477 = arith.addi %iota3A, %add3A_476 : vector<16xi32>
      %scatter3A_478 = arith.constant 2 : i32
      %scatter3A_479 = arith.constant 0 : i32
      %scatter3A_480 = arith.constant 0 : i32
      %scatter3A_481 = tpu.memref_slice %arg7[%scatter3A_478, %scatter3A_479, %scatter3A_480] : memref<4x80x16xf32, #tpu.memory_space<vmem>> -> memref<1x80x16xf32, #tpu.memory_space<vmem>>
      %scatter3A_482 = tpu.memref_squeeze %scatter3A_481 : memref<1x80x16xf32, #tpu.memory_space<vmem>> -> memref<80x16xf32, #tpu.memory_space<vmem>>
      tpu.vector_store_idx %scatter3A_482[%add3A_477, %broadcast_in_dim3A_2], %get3A_474 : memref<80x16xf32, #tpu.memory_space<vmem>>[vector<16xi32>, vector<16xi32>], vector<16xf32>,
      %get3A_483 = arith.index_cast %add3A_444 : i32 to index
      %get3A_484 = arith.constant 48 : index
      %get3A_485 = tpu.vector_load %arg6[%get3A_483, %get3A_484] {strides = array<i32>} : memref<125x80xf32, #tpu.memory_space<vmem>>, vector<16xf32>,
      %add3A_486 = arith.constant 48 : i32
      %add3A_487 = vector.broadcast %add3A_486 : i32 to vector<16xi32>
      %add3A_488 = arith.addi %iota3A, %add3A_487 : vector<16xi32>
      %scatter3A_489 = arith.constant 2 : i32
      %scatter3A_490 = arith.constant 0 : i32
      %scatter3A_491 = arith.constant 0 : i32
      %scatter3A_492 = tpu.memref_slice %arg7[%scatter3A_489, %scatter3A_490, %scatter3A_491] : memref<4x80x16xf32, #tpu.memory_space<vmem>> -> memref<1x80x16xf32, #tpu.memory_space<vmem>>
      %scatter3A_493 = tpu.memref_squeeze %scatter3A_492 : memref<1x80x16xf32, #tpu.memory_space<vmem>> -> memref<80x16xf32, #tpu.memory_space<vmem>>
      tpu.vector_store_idx %scatter3A_493[%add3A_488, %broadcast_in_dim3A_2], %get3A_485 : memref<80x16xf32, #tpu.memory_space<vmem>>[vector<16xi32>, vector<16xi32>], vector<16xf32>,
      %get3A_494 = arith.index_cast %add3A_444 : i32 to index
      %get3A_495 = arith.constant 64 : index
      %get3A_496 = tpu.vector_load %arg6[%get3A_494, %get3A_495] {strides = array<i32>} : memref<125x80xf32, #tpu.memory_space<vmem>>, vector<16xf32>,
      %add3A_497 = arith.constant 64 : i32
      %add3A_498 = vector.broadcast %add3A_497 : i32 to vector<16xi32>
      %add3A_499 = arith.addi %iota3A, %add3A_498 : vector<16xi32>
      %scatter3A_500 = arith.constant 2 : i32
      %scatter3A_501 = arith.constant 0 : i32
      %scatter3A_502 = arith.constant 0 : i32
      %scatter3A_503 = tpu.memref_slice %arg7[%scatter3A_500, %scatter3A_501, %scatter3A_502] : memref<4x80x16xf32, #tpu.memory_space<vmem>> -> memref<1x80x16xf32, #tpu.memory_space<vmem>>
      %scatter3A_504 = tpu.memref_squeeze %scatter3A_503 : memref<1x80x16xf32, #tpu.memory_space<vmem>> -> memref<80x16xf32, #tpu.memory_space<vmem>>
      tpu.vector_store_idx %scatter3A_504[%add3A_499, %broadcast_in_dim3A_2], %get3A_496 : memref<80x16xf32, #tpu.memory_space<vmem>>[vector<16xi32>, vector<16xi32>], vector<16xf32>,
      %dma_start3A_505 = arith.constant 2 : i32
      %dma_start3A_506 = arith.constant 0 : i32
      %dma_start3A_507 = arith.constant 0 : i32
      %dma_start3A_508 = tpu.memref_slice %arg7[%dma_start3A_505, %dma_start3A_506, %dma_start3A_507] : memref<4x80x16xf32, #tpu.memory_space<vmem>> -> memref<1x80x16xf32, #tpu.memory_space<vmem>>
      %dma_start3A_509 = tpu.memref_squeeze %dma_start3A_508 : memref<1x80x16xf32, #tpu.memory_space<vmem>> -> memref<80x16xf32, #tpu.memory_space<vmem>>
      %dma_start3A_510 = arith.constant 0 : i32
      %dma_start3A_511 = tpu.memref_slice %arg5[%add3A_444, %dma_start3A_510] : memref<125x80xi32, #tpu.memory_space<vmem>> -> memref<1x80xi32, #tpu.memory_space<vmem>>
      %dma_start3A_512 = tpu.memref_squeeze %dma_start3A_511 : memref<1x80xi32, #tpu.memory_space<vmem>> -> memref<80xi32, #tpu.memory_space<vmem>>
      %dma_start3A_513 = arith.constant 0 : i32
      %dma_start3A_514 = arith.constant 0 : i32
      %dma_start3A_515 = tpu.memref_slice %arg10[%dma_start3A_513, %dma_start3A_514] : memref<10240x16xf32, #tpu.memory_space<vmem_shared>> -> memref<10240x16xf32, #tpu.memory_space<vmem_shared>>
      tpu.enqueue_indirect_dma source(%dma_start3A_509 : memref<80x16xf32, #tpu.memory_space<vmem>>) target(%dma_start3A_515 : memref<10240x16xf32, #tpu.memory_space<vmem_shared>>) offsets(%dma_start3A_512 : memref<80xi32, #tpu.memory_space<vmem>>) semaphore(%arg13 : memref<!tpu.dma_semaphore, #tpu.memory_space<semaphore_mem>>) {add = true}
      %add3A_516 = arith.constant 3 : i32
      %add3A_517 = arith.addi %add3A_297, %add3A_516 : i32
      %ge3A_518 = arith.constant 4 : i32
      %ge3A_519 = arith.cmpi sge, %add3A_517, %ge3A_518 : i32
      %convert_element_type3A_520 = arith.extui %ge3A_519 : i1 to i32
      %cond3A_521 = arith.constant 0 : i32
      %cond3A_522 = arith.cmpi ne, %convert_element_type3A_520, %cond3A_521 : i32
      scf.if %cond3A_522 {
        %sub3A = arith.constant 4 : i32
        %sub3A_589 = arith.subi %add3A_517, %sub3A : i32
        %dma_wait3A_590 = arith.constant 3 : i32
        %dma_wait3A_591 = arith.constant 0 : i32
        %dma_wait3A_592 = arith.constant 0 : i32
        %dma_wait3A_593 = tpu.memref_slice %arg7[%dma_wait3A_590, %dma_wait3A_591, %dma_wait3A_592] : memref<4x80x16xf32, #tpu.memory_space<vmem>> -> memref<1x80x16xf32, #tpu.memory_space<vmem>>
        %dma_wait3A_594 = tpu.memref_squeeze %dma_wait3A_593 : memref<1x80x16xf32, #tpu.memory_space<vmem>> -> memref<80x16xf32, #tpu.memory_space<vmem>>
        %dma_wait3A_595 = arith.constant 0 : i32
        %dma_wait3A_596 = tpu.memref_slice %arg5[%sub3A_589, %dma_wait3A_595] : memref<125x80xi32, #tpu.memory_space<vmem>> -> memref<1x80xi32, #tpu.memory_space<vmem>>
        %dma_wait3A_597 = tpu.memref_squeeze %dma_wait3A_596 : memref<1x80xi32, #tpu.memory_space<vmem>> -> memref<80xi32, #tpu.memory_space<vmem>>
        %dma_wait3A_598 = arith.constant 0 : i32
        %dma_wait3A_599 = arith.constant 0 : i32
        %dma_wait3A_600 = tpu.memref_slice %arg10[%dma_wait3A_598, %dma_wait3A_599] : memref<10240x16xf32, #tpu.memory_space<vmem_shared>> -> memref<10240x16xf32, #tpu.memory_space<vmem_shared>>
        tpu.wait_indirect_dma semaphore(%arg14 : memref<!tpu.dma_semaphore, #tpu.memory_space<semaphore_mem>>) src(%dma_wait3A_594 : memref<80x16xf32, #tpu.memory_space<vmem>>) dst(%dma_wait3A_600 : memref<10240x16xf32, #tpu.memory_space<vmem_shared>>)
      } else {
      }
      %get3A_523 = arith.index_cast %add3A_517 : i32 to index
      %get3A_524 = arith.constant 0 : index
      %get3A_525 = tpu.vector_load %arg6[%get3A_523, %get3A_524] {strides = array<i32>} : memref<125x80xf32, #tpu.memory_space<vmem>>, vector<16xf32>,
      %add3A_526 = arith.constant 0 : i32
      %add3A_527 = vector.broadcast %add3A_526 : i32 to vector<16xi32>
      %add3A_528 = arith.addi %iota3A, %add3A_527 : vector<16xi32>
      %scatter3A_529 = arith.constant 3 : i32
      %scatter3A_530 = arith.constant 0 : i32
      %scatter3A_531 = arith.constant 0 : i32
      %scatter3A_532 = tpu.memref_slice %arg7[%scatter3A_529, %scatter3A_530, %scatter3A_531] : memref<4x80x16xf32, #tpu.memory_space<vmem>> -> memref<1x80x16xf32, #tpu.memory_space<vmem>>
      %scatter3A_533 = tpu.memref_squeeze %scatter3A_532 : memref<1x80x16xf32, #tpu.memory_space<vmem>> -> memref<80x16xf32, #tpu.memory_space<vmem>>
      tpu.vector_store_idx %scatter3A_533[%add3A_528, %broadcast_in_dim3A_2], %get3A_525 : memref<80x16xf32, #tpu.memory_space<vmem>>[vector<16xi32>, vector<16xi32>], vector<16xf32>,
      %get3A_534 = arith.index_cast %add3A_517 : i32 to index
      %get3A_535 = arith.constant 16 : index
      %get3A_536 = tpu.vector_load %arg6[%get3A_534, %get3A_535] {strides = array<i32>} : memref<125x80xf32, #tpu.memory_space<vmem>>, vector<16xf32>,
      %add3A_537 = arith.constant 16 : i32
      %add3A_538 = vector.broadcast %add3A_537 : i32 to vector<16xi32>
      %add3A_539 = arith.addi %iota3A, %add3A_538 : vector<16xi32>
      %scatter3A_540 = arith.constant 3 : i32
      %scatter3A_541 = arith.constant 0 : i32
      %scatter3A_542 = arith.constant 0 : i32
      %scatter3A_543 = tpu.memref_slice %arg7[%scatter3A_540, %scatter3A_541, %scatter3A_542] : memref<4x80x16xf32, #tpu.memory_space<vmem>> -> memref<1x80x16xf32, #tpu.memory_space<vmem>>
      %scatter3A_544 = tpu.memref_squeeze %scatter3A_543 : memref<1x80x16xf32, #tpu.memory_space<vmem>> -> memref<80x16xf32, #tpu.memory_space<vmem>>
      tpu.vector_store_idx %scatter3A_544[%add3A_539, %broadcast_in_dim3A_2], %get3A_536 : memref<80x16xf32, #tpu.memory_space<vmem>>[vector<16xi32>, vector<16xi32>], vector<16xf32>,
      %get3A_545 = arith.index_cast %add3A_517 : i32 to index
      %get3A_546 = arith.constant 32 : index
      %get3A_547 = tpu.vector_load %arg6[%get3A_545, %get3A_546] {strides = array<i32>} : memref<125x80xf32, #tpu.memory_space<vmem>>, vector<16xf32>,
      %add3A_548 = arith.constant 32 : i32
      %add3A_549 = vector.broadcast %add3A_548 : i32 to vector<16xi32>
      %add3A_550 = arith.addi %iota3A, %add3A_549 : vector<16xi32>
      %scatter3A_551 = arith.constant 3 : i32
      %scatter3A_552 = arith.constant 0 : i32
      %scatter3A_553 = arith.constant 0 : i32
      %scatter3A_554 = tpu.memref_slice %arg7[%scatter3A_551, %scatter3A_552, %scatter3A_553] : memref<4x80x16xf32, #tpu.memory_space<vmem>> -> memref<1x80x16xf32, #tpu.memory_space<vmem>>
      %scatter3A_555 = tpu.memref_squeeze %scatter3A_554 : memref<1x80x16xf32, #tpu.memory_space<vmem>> -> memref<80x16xf32, #tpu.memory_space<vmem>>
      tpu.vector_store_idx %scatter3A_555[%add3A_550, %broadcast_in_dim3A_2], %get3A_547 : memref<80x16xf32, #tpu.memory_space<vmem>>[vector<16xi32>, vector<16xi32>], vector<16xf32>,
      %get3A_556 = arith.index_cast %add3A_517 : i32 to index
      %get3A_557 = arith.constant 48 : index
      %get3A_558 = tpu.vector_load %arg6[%get3A_556, %get3A_557] {strides = array<i32>} : memref<125x80xf32, #tpu.memory_space<vmem>>, vector<16xf32>,
      %add3A_559 = arith.constant 48 : i32
      %add3A_560 = vector.broadcast %add3A_559 : i32 to vector<16xi32>
      %add3A_561 = arith.addi %iota3A, %add3A_560 : vector<16xi32>
      %scatter3A_562 = arith.constant 3 : i32
      %scatter3A_563 = arith.constant 0 : i32
      %scatter3A_564 = arith.constant 0 : i32
      %scatter3A_565 = tpu.memref_slice %arg7[%scatter3A_562, %scatter3A_563, %scatter3A_564] : memref<4x80x16xf32, #tpu.memory_space<vmem>> -> memref<1x80x16xf32, #tpu.memory_space<vmem>>
      %scatter3A_566 = tpu.memref_squeeze %scatter3A_565 : memref<1x80x16xf32, #tpu.memory_space<vmem>> -> memref<80x16xf32, #tpu.memory_space<vmem>>
      tpu.vector_store_idx %scatter3A_566[%add3A_561, %broadcast_in_dim3A_2], %get3A_558 : memref<80x16xf32, #tpu.memory_space<vmem>>[vector<16xi32>, vector<16xi32>], vector<16xf32>,
      %get3A_567 = arith.index_cast %add3A_517 : i32 to index
      %get3A_568 = arith.constant 64 : index
      %get3A_569 = tpu.vector_load %arg6[%get3A_567, %get3A_568] {strides = array<i32>} : memref<125x80xf32, #tpu.memory_space<vmem>>, vector<16xf32>,
      %add3A_570 = arith.constant 64 : i32
      %add3A_571 = vector.broadcast %add3A_570 : i32 to vector<16xi32>
      %add3A_572 = arith.addi %iota3A, %add3A_571 : vector<16xi32>
      %scatter3A_573 = arith.constant 3 : i32
      %scatter3A_574 = arith.constant 0 : i32
      %scatter3A_575 = arith.constant 0 : i32
      %scatter3A_576 = tpu.memref_slice %arg7[%scatter3A_573, %scatter3A_574, %scatter3A_575] : memref<4x80x16xf32, #tpu.memory_space<vmem>> -> memref<1x80x16xf32, #tpu.memory_space<vmem>>
      %scatter3A_577 = tpu.memref_squeeze %scatter3A_576 : memref<1x80x16xf32, #tpu.memory_space<vmem>> -> memref<80x16xf32, #tpu.memory_space<vmem>>
      tpu.vector_store_idx %scatter3A_577[%add3A_572, %broadcast_in_dim3A_2], %get3A_569 : memref<80x16xf32, #tpu.memory_space<vmem>>[vector<16xi32>, vector<16xi32>], vector<16xf32>,
      %dma_start3A_578 = arith.constant 3 : i32
      %dma_start3A_579 = arith.constant 0 : i32
      %dma_start3A_580 = arith.constant 0 : i32
      %dma_start3A_581 = tpu.memref_slice %arg7[%dma_start3A_578, %dma_start3A_579, %dma_start3A_580] : memref<4x80x16xf32, #tpu.memory_space<vmem>> -> memref<1x80x16xf32, #tpu.memory_space<vmem>>
      %dma_start3A_582 = tpu.memref_squeeze %dma_start3A_581 : memref<1x80x16xf32, #tpu.memory_space<vmem>> -> memref<80x16xf32, #tpu.memory_space<vmem>>
      %dma_start3A_583 = arith.constant 0 : i32
      %dma_start3A_584 = tpu.memref_slice %arg5[%add3A_517, %dma_start3A_583] : memref<125x80xi32, #tpu.memory_space<vmem>> -> memref<1x80xi32, #tpu.memory_space<vmem>>
      %dma_start3A_585 = tpu.memref_squeeze %dma_start3A_584 : memref<1x80xi32, #tpu.memory_space<vmem>> -> memref<80xi32, #tpu.memory_space<vmem>>
      %dma_start3A_586 = arith.constant 0 : i32
      %dma_start3A_587 = arith.constant 0 : i32
      %dma_start3A_588 = tpu.memref_slice %arg10[%dma_start3A_586, %dma_start3A_587] : memref<10240x16xf32, #tpu.memory_space<vmem_shared>> -> memref<10240x16xf32, #tpu.memory_space<vmem_shared>>
      tpu.enqueue_indirect_dma source(%dma_start3A_582 : memref<80x16xf32, #tpu.memory_space<vmem>>) target(%dma_start3A_588 : memref<10240x16xf32, #tpu.memory_space<vmem_shared>>) offsets(%dma_start3A_585 : memref<80xi32, #tpu.memory_space<vmem>>) semaphore(%arg14 : memref<!tpu.dma_semaphore, #tpu.memory_space<semaphore_mem>>) {add = true}
    }
    %scan3A_157 = arith.constant 31 : i32
    %dma_wait3A_158 = arith.constant 0 : i32
    %dma_wait3A_159 = arith.constant 120 : i32
    %dma_wait3A_160 = arith.constant 0 : i32
    %dma_wait3A_161 = arith.constant 0 : i32
    %dma_wait3A_162 = tpu.memref_slice %arg7[%dma_wait3A_158, %dma_wait3A_160, %dma_wait3A_161] : memref<4x80x16xf32, #tpu.memory_space<vmem>> -> memref<1x80x16xf32, #tpu.memory_space<vmem>>
    %dma_wait3A_163 = tpu.memref_squeeze %dma_wait3A_162 : memref<1x80x16xf32, #tpu.memory_space<vmem>> -> memref<80x16xf32, #tpu.memory_space<vmem>>
    %dma_wait3A_164 = arith.constant 0 : i32
    %dma_wait3A_165 = tpu.memref_slice %arg5[%dma_wait3A_159, %dma_wait3A_164] : memref<125x80xi32, #tpu.memory_space<vmem>> -> memref<1x80xi32, #tpu.memory_space<vmem>>
    %dma_wait3A_166 = tpu.memref_squeeze %dma_wait3A_165 : memref<1x80xi32, #tpu.memory_space<vmem>> -> memref<80xi32, #tpu.memory_space<vmem>>
    %dma_wait3A_167 = arith.constant 0 : i32
    %dma_wait3A_168 = arith.constant 0 : i32
    %dma_wait3A_169 = tpu.memref_slice %arg10[%dma_wait3A_167, %dma_wait3A_168] : memref<10240x16xf32, #tpu.memory_space<vmem_shared>> -> memref<10240x16xf32, #tpu.memory_space<vmem_shared>>
    tpu.wait_indirect_dma semaphore(%arg11 : memref<!tpu.dma_semaphore, #tpu.memory_space<semaphore_mem>>) src(%dma_wait3A_163 : memref<80x16xf32, #tpu.memory_space<vmem>>) dst(%dma_wait3A_169 : memref<10240x16xf32, #tpu.memory_space<vmem_shared>>)
    %get3A_170 = arith.constant 124 : i32
    %get3A_171 = arith.index_cast %get3A_170 : i32 to index
    %get3A_172 = arith.constant 0 : index
    %get3A_173 = tpu.vector_load %arg6[%get3A_171, %get3A_172] {strides = array<i32>} : memref<125x80xf32, #tpu.memory_space<vmem>>, vector<16xf32>,
    %add3A_174 = arith.constant 0 : i32
    %add3A_175 = vector.broadcast %add3A_174 : i32 to vector<16xi32>
    %add3A_176 = arith.addi %iota3A, %add3A_175 : vector<16xi32>
    %scatter3A_177 = arith.constant 0 : i32
    %scatter3A_178 = arith.constant 0 : i32
    %scatter3A_179 = arith.constant 0 : i32
    %scatter3A_180 = tpu.memref_slice %arg7[%scatter3A_177, %scatter3A_178, %scatter3A_179] : memref<4x80x16xf32, #tpu.memory_space<vmem>> -> memref<1x80x16xf32, #tpu.memory_space<vmem>>
    %scatter3A_181 = tpu.memref_squeeze %scatter3A_180 : memref<1x80x16xf32, #tpu.memory_space<vmem>> -> memref<80x16xf32, #tpu.memory_space<vmem>>
    tpu.vector_store_idx %scatter3A_181[%add3A_176, %broadcast_in_dim3A_2], %get3A_173 : memref<80x16xf32, #tpu.memory_space<vmem>>[vector<16xi32>, vector<16xi32>], vector<16xf32>,
    %get3A_182 = arith.constant 124 : i32
    %get3A_183 = arith.index_cast %get3A_182 : i32 to index
    %get3A_184 = arith.constant 16 : index
    %get3A_185 = tpu.vector_load %arg6[%get3A_183, %get3A_184] {strides = array<i32>} : memref<125x80xf32, #tpu.memory_space<vmem>>, vector<16xf32>,
    %add3A_186 = arith.constant 16 : i32
    %add3A_187 = vector.broadcast %add3A_186 : i32 to vector<16xi32>
    %add3A_188 = arith.addi %iota3A, %add3A_187 : vector<16xi32>
    %scatter3A_189 = arith.constant 0 : i32
    %scatter3A_190 = arith.constant 0 : i32
    %scatter3A_191 = arith.constant 0 : i32
    %scatter3A_192 = tpu.memref_slice %arg7[%scatter3A_189, %scatter3A_190, %scatter3A_191] : memref<4x80x16xf32, #tpu.memory_space<vmem>> -> memref<1x80x16xf32, #tpu.memory_space<vmem>>
    %scatter3A_193 = tpu.memref_squeeze %scatter3A_192 : memref<1x80x16xf32, #tpu.memory_space<vmem>> -> memref<80x16xf32, #tpu.memory_space<vmem>>
    tpu.vector_store_idx %scatter3A_193[%add3A_188, %broadcast_in_dim3A_2], %get3A_185 : memref<80x16xf32, #tpu.memory_space<vmem>>[vector<16xi32>, vector<16xi32>], vector<16xf32>,
    %get3A_194 = arith.constant 124 : i32
    %get3A_195 = arith.index_cast %get3A_194 : i32 to index
    %get3A_196 = arith.constant 32 : index
    %get3A_197 = tpu.vector_load %arg6[%get3A_195, %get3A_196] {strides = array<i32>} : memref<125x80xf32, #tpu.memory_space<vmem>>, vector<16xf32>,
    %add3A_198 = arith.constant 32 : i32
    %add3A_199 = vector.broadcast %add3A_198 : i32 to vector<16xi32>
    %add3A_200 = arith.addi %iota3A, %add3A_199 : vector<16xi32>
    %scatter3A_201 = arith.constant 0 : i32
    %scatter3A_202 = arith.constant 0 : i32
    %scatter3A_203 = arith.constant 0 : i32
    %scatter3A_204 = tpu.memref_slice %arg7[%scatter3A_201, %scatter3A_202, %scatter3A_203] : memref<4x80x16xf32, #tpu.memory_space<vmem>> -> memref<1x80x16xf32, #tpu.memory_space<vmem>>
    %scatter3A_205 = tpu.memref_squeeze %scatter3A_204 : memref<1x80x16xf32, #tpu.memory_space<vmem>> -> memref<80x16xf32, #tpu.memory_space<vmem>>
    tpu.vector_store_idx %scatter3A_205[%add3A_200, %broadcast_in_dim3A_2], %get3A_197 : memref<80x16xf32, #tpu.memory_space<vmem>>[vector<16xi32>, vector<16xi32>], vector<16xf32>,
    %get3A_206 = arith.constant 124 : i32
    %get3A_207 = arith.index_cast %get3A_206 : i32 to index
    %get3A_208 = arith.constant 48 : index
    %get3A_209 = tpu.vector_load %arg6[%get3A_207, %get3A_208] {strides = array<i32>} : memref<125x80xf32, #tpu.memory_space<vmem>>, vector<16xf32>,
    %add3A_210 = arith.constant 48 : i32
    %add3A_211 = vector.broadcast %add3A_210 : i32 to vector<16xi32>
    %add3A_212 = arith.addi %iota3A, %add3A_211 : vector<16xi32>
    %scatter3A_213 = arith.constant 0 : i32
    %scatter3A_214 = arith.constant 0 : i32
    %scatter3A_215 = arith.constant 0 : i32
    %scatter3A_216 = tpu.memref_slice %arg7[%scatter3A_213, %scatter3A_214, %scatter3A_215] : memref<4x80x16xf32, #tpu.memory_space<vmem>> -> memref<1x80x16xf32, #tpu.memory_space<vmem>>
    %scatter3A_217 = tpu.memref_squeeze %scatter3A_216 : memref<1x80x16xf32, #tpu.memory_space<vmem>> -> memref<80x16xf32, #tpu.memory_space<vmem>>
    tpu.vector_store_idx %scatter3A_217[%add3A_212, %broadcast_in_dim3A_2], %get3A_209 : memref<80x16xf32, #tpu.memory_space<vmem>>[vector<16xi32>, vector<16xi32>], vector<16xf32>,
    %get3A_218 = arith.constant 124 : i32
    %get3A_219 = arith.index_cast %get3A_218 : i32 to index
    %get3A_220 = arith.constant 64 : index
    %get3A_221 = tpu.vector_load %arg6[%get3A_219, %get3A_220] {strides = array<i32>} : memref<125x80xf32, #tpu.memory_space<vmem>>, vector<16xf32>,
    %add3A_222 = arith.constant 64 : i32
    %add3A_223 = vector.broadcast %add3A_222 : i32 to vector<16xi32>
    %add3A_224 = arith.addi %iota3A, %add3A_223 : vector<16xi32>
    %scatter3A_225 = arith.constant 0 : i32
    %scatter3A_226 = arith.constant 0 : i32
    %scatter3A_227 = arith.constant 0 : i32
    %scatter3A_228 = tpu.memref_slice %arg7[%scatter3A_225, %scatter3A_226, %scatter3A_227] : memref<4x80x16xf32, #tpu.memory_space<vmem>> -> memref<1x80x16xf32, #tpu.memory_space<vmem>>
    %scatter3A_229 = tpu.memref_squeeze %scatter3A_228 : memref<1x80x16xf32, #tpu.memory_space<vmem>> -> memref<80x16xf32, #tpu.memory_space<vmem>>
    tpu.vector_store_idx %scatter3A_229[%add3A_224, %broadcast_in_dim3A_2], %get3A_221 : memref<80x16xf32, #tpu.memory_space<vmem>>[vector<16xi32>, vector<16xi32>], vector<16xf32>,
    %dma_start3A_230 = arith.constant 0 : i32
    %dma_start3A_231 = arith.constant 124 : i32
    %dma_start3A_232 = arith.constant 0 : i32
    %dma_start3A_233 = arith.constant 0 : i32
    %dma_start3A_234 = tpu.memref_slice %arg7[%dma_start3A_230, %dma_start3A_232, %dma_start3A_233] : memref<4x80x16xf32, #tpu.memory_space<vmem>> -> memref<1x80x16xf32, #tpu.memory_space<vmem>>
    %dma_start3A_235 = tpu.memref_squeeze %dma_start3A_234 : memref<1x80x16xf32, #tpu.memory_space<vmem>> -> memref<80x16xf32, #tpu.memory_space<vmem>>
    %dma_start3A_236 = arith.constant 0 : i32
    %dma_start3A_237 = tpu.memref_slice %arg5[%dma_start3A_231, %dma_start3A_236] : memref<125x80xi32, #tpu.memory_space<vmem>> -> memref<1x80xi32, #tpu.memory_space<vmem>>
    %dma_start3A_238 = tpu.memref_squeeze %dma_start3A_237 : memref<1x80xi32, #tpu.memory_space<vmem>> -> memref<80xi32, #tpu.memory_space<vmem>>
    %dma_start3A_239 = arith.constant 0 : i32
    %dma_start3A_240 = arith.constant 0 : i32
    %dma_start3A_241 = tpu.memref_slice %arg10[%dma_start3A_239, %dma_start3A_240] : memref<10240x16xf32, #tpu.memory_space<vmem_shared>> -> memref<10240x16xf32, #tpu.memory_space<vmem_shared>>
    tpu.enqueue_indirect_dma source(%dma_start3A_235 : memref<80x16xf32, #tpu.memory_space<vmem>>) target(%dma_start3A_241 : memref<10240x16xf32, #tpu.memory_space<vmem_shared>>) offsets(%dma_start3A_238 : memref<80xi32, #tpu.memory_space<vmem>>) semaphore(%arg11 : memref<!tpu.dma_semaphore, #tpu.memory_space<semaphore_mem>>) {add = true}
    %dma_wait3A_242 = arith.constant 1 : i32
    %dma_wait3A_243 = arith.constant 121 : i32
    %dma_wait3A_244 = arith.constant 0 : i32
    %dma_wait3A_245 = arith.constant 0 : i32
    %dma_wait3A_246 = tpu.memref_slice %arg7[%dma_wait3A_242, %dma_wait3A_244, %dma_wait3A_245] : memref<4x80x16xf32, #tpu.memory_space<vmem>> -> memref<1x80x16xf32, #tpu.memory_space<vmem>>
    %dma_wait3A_247 = tpu.memref_squeeze %dma_wait3A_246 : memref<1x80x16xf32, #tpu.memory_space<vmem>> -> memref<80x16xf32, #tpu.memory_space<vmem>>
    %dma_wait3A_248 = arith.constant 0 : i32
    %dma_wait3A_249 = tpu.memref_slice %arg5[%dma_wait3A_243, %dma_wait3A_248] : memref<125x80xi32, #tpu.memory_space<vmem>> -> memref<1x80xi32, #tpu.memory_space<vmem>>
    %dma_wait3A_250 = tpu.memref_squeeze %dma_wait3A_249 : memref<1x80xi32, #tpu.memory_space<vmem>> -> memref<80xi32, #tpu.memory_space<vmem>>
    %dma_wait3A_251 = arith.constant 0 : i32
    %dma_wait3A_252 = arith.constant 0 : i32
    %dma_wait3A_253 = tpu.memref_slice %arg10[%dma_wait3A_251, %dma_wait3A_252] : memref<10240x16xf32, #tpu.memory_space<vmem_shared>> -> memref<10240x16xf32, #tpu.memory_space<vmem_shared>>
    tpu.wait_indirect_dma semaphore(%arg12 : memref<!tpu.dma_semaphore, #tpu.memory_space<semaphore_mem>>) src(%dma_wait3A_247 : memref<80x16xf32, #tpu.memory_space<vmem>>) dst(%dma_wait3A_253 : memref<10240x16xf32, #tpu.memory_space<vmem_shared>>)
    %dma_wait3A_254 = arith.constant 2 : i32
    %dma_wait3A_255 = arith.constant 122 : i32
    %dma_wait3A_256 = arith.constant 0 : i32
    %dma_wait3A_257 = arith.constant 0 : i32
    %dma_wait3A_258 = tpu.memref_slice %arg7[%dma_wait3A_254, %dma_wait3A_256, %dma_wait3A_257] : memref<4x80x16xf32, #tpu.memory_space<vmem>> -> memref<1x80x16xf32, #tpu.memory_space<vmem>>
    %dma_wait3A_259 = tpu.memref_squeeze %dma_wait3A_258 : memref<1x80x16xf32, #tpu.memory_space<vmem>> -> memref<80x16xf32, #tpu.memory_space<vmem>>
    %dma_wait3A_260 = arith.constant 0 : i32
    %dma_wait3A_261 = tpu.memref_slice %arg5[%dma_wait3A_255, %dma_wait3A_260] : memref<125x80xi32, #tpu.memory_space<vmem>> -> memref<1x80xi32, #tpu.memory_space<vmem>>
    %dma_wait3A_262 = tpu.memref_squeeze %dma_wait3A_261 : memref<1x80xi32, #tpu.memory_space<vmem>> -> memref<80xi32, #tpu.memory_space<vmem>>
    %dma_wait3A_263 = arith.constant 0 : i32
    %dma_wait3A_264 = arith.constant 0 : i32
    %dma_wait3A_265 = tpu.memref_slice %arg10[%dma_wait3A_263, %dma_wait3A_264] : memref<10240x16xf32, #tpu.memory_space<vmem_shared>> -> memref<10240x16xf32, #tpu.memory_space<vmem_shared>>
    tpu.wait_indirect_dma semaphore(%arg13 : memref<!tpu.dma_semaphore, #tpu.memory_space<semaphore_mem>>) src(%dma_wait3A_259 : memref<80x16xf32, #tpu.memory_space<vmem>>) dst(%dma_wait3A_265 : memref<10240x16xf32, #tpu.memory_space<vmem_shared>>)
    %dma_wait3A_266 = arith.constant 3 : i32
    %dma_wait3A_267 = arith.constant 123 : i32
    %dma_wait3A_268 = arith.constant 0 : i32
    %dma_wait3A_269 = arith.constant 0 : i32
    %dma_wait3A_270 = tpu.memref_slice %arg7[%dma_wait3A_266, %dma_wait3A_268, %dma_wait3A_269] : memref<4x80x16xf32, #tpu.memory_space<vmem>> -> memref<1x80x16xf32, #tpu.memory_space<vmem>>
    %dma_wait3A_271 = tpu.memref_squeeze %dma_wait3A_270 : memref<1x80x16xf32, #tpu.memory_space<vmem>> -> memref<80x16xf32, #tpu.memory_space<vmem>>
    %dma_wait3A_272 = arith.constant 0 : i32
    %dma_wait3A_273 = tpu.memref_slice %arg5[%dma_wait3A_267, %dma_wait3A_272] : memref<125x80xi32, #tpu.memory_space<vmem>> -> memref<1x80xi32, #tpu.memory_space<vmem>>
    %dma_wait3A_274 = tpu.memref_squeeze %dma_wait3A_273 : memref<1x80xi32, #tpu.memory_space<vmem>> -> memref<80xi32, #tpu.memory_space<vmem>>
    %dma_wait3A_275 = arith.constant 0 : i32
    %dma_wait3A_276 = arith.constant 0 : i32
    %dma_wait3A_277 = tpu.memref_slice %arg10[%dma_wait3A_275, %dma_wait3A_276] : memref<10240x16xf32, #tpu.memory_space<vmem_shared>> -> memref<10240x16xf32, #tpu.memory_space<vmem_shared>>
    tpu.wait_indirect_dma semaphore(%arg14 : memref<!tpu.dma_semaphore, #tpu.memory_space<semaphore_mem>>) src(%dma_wait3A_271 : memref<80x16xf32, #tpu.memory_space<vmem>>) dst(%dma_wait3A_277 : memref<10240x16xf32, #tpu.memory_space<vmem_shared>>)
    %dma_wait3A_278 = arith.constant 0 : i32
    %dma_wait3A_279 = arith.constant 124 : i32
    %dma_wait3A_280 = arith.constant 0 : i32
    %dma_wait3A_281 = arith.constant 0 : i32
    %dma_wait3A_282 = tpu.memref_slice %arg7[%dma_wait3A_278, %dma_wait3A_280, %dma_wait3A_281] : memref<4x80x16xf32, #tpu.memory_space<vmem>> -> memref<1x80x16xf32, #tpu.memory_space<vmem>>
    %dma_wait3A_283 = tpu.memref_squeeze %dma_wait3A_282 : memref<1x80x16xf32, #tpu.memory_space<vmem>> -> memref<80x16xf32, #tpu.memory_space<vmem>>
    %dma_wait3A_284 = arith.constant 0 : i32
    %dma_wait3A_285 = tpu.memref_slice %arg5[%dma_wait3A_279, %dma_wait3A_284] : memref<125x80xi32, #tpu.memory_space<vmem>> -> memref<1x80xi32, #tpu.memory_space<vmem>>
    %dma_wait3A_286 = tpu.memref_squeeze %dma_wait3A_285 : memref<1x80xi32, #tpu.memory_space<vmem>> -> memref<80xi32, #tpu.memory_space<vmem>>
    %dma_wait3A_287 = arith.constant 0 : i32
    %dma_wait3A_288 = arith.constant 0 : i32
    %dma_wait3A_289 = tpu.memref_slice %arg10[%dma_wait3A_287, %dma_wait3A_288] : memref<10240x16xf32, #tpu.memory_space<vmem_shared>> -> memref<10240x16xf32, #tpu.memory_space<vmem_shared>>
    tpu.wait_indirect_dma semaphore(%arg11 : memref<!tpu.dma_semaphore, #tpu.memory_space<semaphore_mem>>) src(%dma_wait3A_283 : memref<80x16xf32, #tpu.memory_space<vmem>>) dst(%dma_wait3A_289 : memref<10240x16xf32, #tpu.memory_space<vmem_shared>>)
    %barrier3A_290 = arith.constant 0 : index
    tpu.barrier barrier_id(%barrier3A_290)
    %eq3A = arith.constant 0 : i32
    %eq3A_291 = arith.cmpi eq, %arg0, %eq3A : i32
    %convert_element_type3A = arith.extui %eq3A_291 : i1 to i32
    %cond3A = arith.constant 0 : i32
    %cond3A_292 = arith.cmpi ne, %convert_element_type3A, %cond3A : i32
    scf.if %cond3A_292 {
      %mul3A_293 = arith.constant 640 : i32
      %mul3A_294 = arith.muli %arg1, %mul3A_293 : i32
      "tpu.region"() ({
        %run_scoped3A = tpu.sem_alloc : memref<!tpu.dma_semaphore, #tpu.memory_space<semaphore_mem>>
        %dma_start3A_302 = arith.constant 0 : i32
        %dma_start3A_303 = tpu.memref_slice %arg10[%mul3A_294, %dma_start3A_302] : memref<10240x16xf32, #tpu.memory_space<vmem_shared>> -> memref<640x16xf32, #tpu.memory_space<vmem_shared>>
        %dma_start3A_304 = arith.constant 0 : i32
        %dma_start3A_305 = tpu.memref_slice %arg10[%mul3A_294, %dma_start3A_304] : memref<10240x16xf32, #tpu.memory_space<vmem_shared>> -> memref<640x16xf32, #tpu.memory_space<vmem_shared>>
        tpu.enqueue_dma source(%dma_start3A_305 : memref<640x16xf32, #tpu.memory_space<vmem_shared>>) target(%arg8 : memref<640x16xf32, #tpu.memory_space<vmem>>) target_semaphore(%run_scoped3A : memref<!tpu.dma_semaphore, #tpu.memory_space<semaphore_mem>>)
        %dma_wait3A_306 = arith.constant 0 : i32
        %dma_wait3A_307 = tpu.memref_slice %arg10[%mul3A_294, %dma_wait3A_306] : memref<10240x16xf32, #tpu.memory_space<vmem_shared>> -> memref<640x16xf32, #tpu.memory_space<vmem_shared>>
        %dma_wait3A_308 = arith.constant 0 : i32
        %dma_wait3A_309 = tpu.memref_slice %arg10[%mul3A_294, %dma_wait3A_308] : memref<10240x16xf32, #tpu.memory_space<vmem_shared>> -> memref<640x16xf32, #tpu.memory_space<vmem_shared>>
        tpu.wait_dma2 semaphore(%run_scoped3A : memref<!tpu.dma_semaphore, #tpu.memory_space<semaphore_mem>>) src(%dma_wait3A_309 : memref<640x16xf32, #tpu.memory_space<vmem_shared>>) dst(%arg8 : memref<640x16xf32, #tpu.memory_space<vmem>>)
        tpu.yield
      }) : () -> ()
      %scan3A_295 = arith.constant 0 : i32
      %scan3A_296 = arith.constant 40 : i32
      %scan3A_297 = arith.addi %scan3A_295, %scan3A_296 : i32
      %scan3A_298 = arith.constant 1 : i32
      scf.for %scan3A_302 = %scan3A_295 to %scan3A_297 step %scan3A_298  : i32 {
        %mul3A_303 = arith.constant 1 : i32
        %mul3A_304 = arith.muli %scan3A_302, %mul3A_303 : i32
        %add3A_305 = arith.constant 0 : i32
        %add3A_306 = arith.addi %add3A_305, %mul3A_304 : i32
        %mul3A_307 = arith.constant 16 : i32
        %mul3A_308 = arith.muli %add3A_306, %mul3A_307 : i32
        %add3A_309 = vector.broadcast %mul3A_308 : i32 to vector<16xi32>
        %add3A_310 = arith.addi %iota3A, %add3A_309 : vector<16xi32>
        %gather3A = tpu.vector_load_idx %arg8[%add3A_310, %broadcast_in_dim3A_2] : memref<640x16xf32, #tpu.memory_space<vmem>>[vector<16xi32>, vector<16xi32>], vector<16xf32>,
        %mul3A_311 = arith.constant 16 : i32
        %mul3A_312 = arith.muli %add3A_306, %mul3A_311 : i32
        %swap3A = arith.index_cast %mul3A_312 : i32 to index
        %swap3A_313 = tpu.vector_load %arg9[%swap3A] {strides = array<i32>} : memref<640xf32, #tpu.memory_space<vmem>>, vector<16xf32>,
        tpu.vector_store %arg9[%swap3A], %gather3A {strides = array<i32>} : memref<640xf32, #tpu.memory_space<vmem>>, vector<16xf32>,
      }
      %scan3A_299 = arith.constant 40 : i32
      %mul3A_300 = arith.constant 640 : i32
      %mul3A_301 = arith.muli %arg1, %mul3A_300 : i32
      "tpu.region"() ({
        %run_scoped3A = tpu.sem_alloc : memref<!tpu.dma_semaphore, #tpu.memory_space<semaphore_mem>>
        %dma_start3A_302 = tpu.memref_slice %arg4[%mul3A_301] : memref<10240xf32, #tpu.memory_space<hbm>> -> memref<640xf32, #tpu.memory_space<hbm>>
        %dma_start3A_303 = tpu.memref_slice %arg4[%mul3A_301] : memref<10240xf32, #tpu.memory_space<hbm>> -> memref<640xf32, #tpu.memory_space<hbm>>
        tpu.enqueue_dma source(%arg9 : memref<640xf32, #tpu.memory_space<vmem>>) target(%dma_start3A_303 : memref<640xf32, #tpu.memory_space<hbm>>) target_semaphore(%run_scoped3A : memref<!tpu.dma_semaphore, #tpu.memory_space<semaphore_mem>>)
        %dma_wait3A_304 = tpu.memref_slice %arg4[%mul3A_301] : memref<10240xf32, #tpu.memory_space<hbm>> -> memref<640xf32, #tpu.memory_space<hbm>>
        %dma_wait3A_305 = tpu.memref_slice %arg4[%mul3A_301] : memref<10240xf32, #tpu.memory_space<hbm>> -> memref<640xf32, #tpu.memory_space<hbm>>
        tpu.wait_dma2 semaphore(%run_scoped3A : memref<!tpu.dma_semaphore, #tpu.memory_space<semaphore_mem>>) src(%arg9 : memref<640xf32, #tpu.memory_space<vmem>>) dst(%dma_wait3A_305 : memref<640xf32, #tpu.memory_space<hbm>>)
        tpu.yield
      }) : () -> ()
    } else {
    }
    return
  }
}

#map = affine_map<(d0, d1) -> (0, 0)>
#map1 = affine_map<(d0, d1) -> (0, 0, 0)>
#map2 = affine_map<(d0, d1) -> (0)>
module attributes {stable_mosaic.version = 14 : i64} {
  func.func @_sc_scatter(%arg0: i32, %arg1: i32, %arg2: memref<10000x128xf32, #tpu.memory_space<hbm>>, %arg3: memref<32x125x80xi32, #tpu.memory_space<hbm>>, %arg4: memref<32x125x80xi32, #tpu.memory_space<hbm>>, %arg5: memref<32x125x80xf32, #tpu.memory_space<hbm>>, %arg6: memref<10240xf32, #tpu.memory_space<hbm>>, %arg7: memref<20000x128xf32, #tpu.memory_space<hbm>>, %arg8: memref<25x80xi32, #tpu.memory_space<vmem>>, %arg9: memref<25x80xi32, #tpu.memory_space<vmem>>, %arg10: memref<25x80xf32, #tpu.memory_space<vmem>>, %arg11: memref<10240xf32, #tpu.memory_space<vmem>>, %arg12: memref<3x80x128xf32, #tpu.memory_space<vmem>>, %arg13: memref<10000x128xf32, #tpu.memory_space<vmem_shared>>, %arg14: memref<!tpu.dma_semaphore, #tpu.memory_space<semaphore_mem>>, %arg15: memref<!tpu.dma_semaphore, #tpu.memory_space<semaphore_mem>>, %arg16: memref<!tpu.dma_semaphore, #tpu.memory_space<semaphore_mem>>, %arg17: memref<!tpu.dma_semaphore, #tpu.memory_space<semaphore_mem>>, %arg18: memref<!tpu.dma_semaphore, #tpu.memory_space<semaphore_mem>>, %arg19: memref<!tpu.dma_semaphore, #tpu.memory_space<semaphore_mem>>) attributes {dimension_semantics = [#tpu.dimension_semantics<core_parallel>, #tpu.dimension_semantics<subcore_parallel>], iteration_bounds = array<i64: 2, 16>, scalar_prefetch = 0 : i64, scratch_operands = 12 : i64, tpu.core_type = #tpu.core_type<sc_vector_subcore>, window_params = [{transform_indices = #map}, {transform_indices = #map1}, {transform_indices = #map1}, {transform_indices = #map1}, {transform_indices = #map2}, {transform_indices = #map}]} {
    %broadcast_in_dim3A = arith.constant 0.000000e+00 : f32
    %broadcast_in_dim3A_0 = vector.broadcast %broadcast_in_dim3A : f32 to vector<16xf32>
    %broadcast_in_dim3A_1 = arith.constant 0 : i32
    %broadcast_in_dim3A_2 = vector.broadcast %broadcast_in_dim3A_1 : i32 to vector<16xi32>
    "tpu.region"() ({
      %run_scoped3A_66 = tpu.sem_alloc : memref<!tpu.dma_semaphore, #tpu.memory_space<semaphore_mem>>
      tpu.enqueue_dma source(%arg6 : memref<10240xf32, #tpu.memory_space<hbm>>) target(%arg11 : memref<10240xf32, #tpu.memory_space<vmem>>) target_semaphore(%run_scoped3A_66 : memref<!tpu.dma_semaphore, #tpu.memory_space<semaphore_mem>>)
      tpu.wait_dma2 semaphore(%run_scoped3A_66 : memref<!tpu.dma_semaphore, #tpu.memory_space<semaphore_mem>>) src(%arg6 : memref<10240xf32, #tpu.memory_space<hbm>>) dst(%arg11 : memref<10240xf32, #tpu.memory_space<vmem>>)
      tpu.yield
    }) : () -> ()
    %scan3A = arith.constant 0 : i32
    %scan3A_3 = arith.constant 640 : i32
    %scan3A_4 = arith.addi %scan3A, %scan3A_3 : i32
    %scan3A_5 = arith.constant 1 : i32
    scf.for %scan3A_66 = %scan3A to %scan3A_4 step %scan3A_5  : i32 {
      %mul3A_67 = arith.constant 1 : i32
      %mul3A_68 = arith.muli %scan3A_66, %mul3A_67 : i32
      %add3A_69 = arith.constant 0 : i32
      %add3A_70 = arith.addi %add3A_69, %mul3A_68 : i32
      %mul3A_71 = arith.constant 16 : i32
      %mul3A_72 = arith.muli %add3A_70, %mul3A_71 : i32
      %get3A = arith.index_cast %mul3A_72 : i32 to index
      %get3A_73 = tpu.vector_load %arg11[%get3A] {strides = array<i32>} : memref<10240xf32, #tpu.memory_space<vmem>>, vector<16xf32>,
      %gt3A = arith.constant 0.000000e+00 : f32
      %gt3A_74 = vector.broadcast %gt3A : f32 to vector<16xf32>
      %gt3A_75 = arith.cmpf ogt, %get3A_73, %gt3A_74 : vector<16xf32>
      %jit3A = arith.constant 1.000000e+00 : f32
      %broadcast_in_dim3A_76 = vector.broadcast %jit3A : f32 to vector<16xf32>
      %select_n3A = arith.select %gt3A_75, %get3A_73, %broadcast_in_dim3A_76 : vector<16xi1>, vector<16xf32>
      %bitcast3A = vector.bitcast %select_n3A : vector<16xf32> to vector<16xi32>
      %shift_right_logical3A = arith.constant 1 : i32
      %shift_right_logical3A_77 = vector.broadcast %shift_right_logical3A : i32 to vector<16xi32>
      %shift_right_logical3A_78 = arith.shrui %bitcast3A, %shift_right_logical3A_77 : vector<16xi32>
      %sub3A_79 = arith.constant 1597463007 : i32
      %sub3A_80 = vector.broadcast %sub3A_79 : i32 to vector<16xi32>
      %sub3A_81 = arith.subi %sub3A_80, %shift_right_logical3A_78 : vector<16xi32>
      %bitcast3A_82 = vector.bitcast %sub3A_81 : vector<16xi32> to vector<16xf32>
      %mul3A_83 = arith.constant 5.000000e-01 : f32
      %mul3A_84 = vector.broadcast %mul3A_83 : f32 to vector<16xf32>
      %mul3A_85 = arith.mulf %mul3A_84, %select_n3A : vector<16xf32>
      %mul3A_86 = arith.mulf %bitcast3A_82, %bitcast3A_82 : vector<16xf32>
      %mul3A_87 = arith.mulf %mul3A_85, %mul3A_86 : vector<16xf32>
      %sub3A_88 = arith.constant 1.500000e+00 : f32
      %sub3A_89 = vector.broadcast %sub3A_88 : f32 to vector<16xf32>
      %sub3A_90 = arith.subf %sub3A_89, %mul3A_87 : vector<16xf32>
      %mul3A_91 = arith.mulf %bitcast3A_82, %sub3A_90 : vector<16xf32>
      %mul3A_92 = arith.constant 5.000000e-01 : f32
      %mul3A_93 = vector.broadcast %mul3A_92 : f32 to vector<16xf32>
      %mul3A_94 = arith.mulf %mul3A_93, %select_n3A : vector<16xf32>
      %mul3A_95 = arith.mulf %mul3A_91, %mul3A_91 : vector<16xf32>
      %mul3A_96 = arith.mulf %mul3A_94, %mul3A_95 : vector<16xf32>
      %sub3A_97 = arith.constant 1.500000e+00 : f32
      %sub3A_98 = vector.broadcast %sub3A_97 : f32 to vector<16xf32>
      %sub3A_99 = arith.subf %sub3A_98, %mul3A_96 : vector<16xf32>
      %mul3A_100 = arith.mulf %mul3A_91, %sub3A_99 : vector<16xf32>
      %mul3A_101 = arith.constant 5.000000e-01 : f32
      %mul3A_102 = vector.broadcast %mul3A_101 : f32 to vector<16xf32>
      %mul3A_103 = arith.mulf %mul3A_102, %select_n3A : vector<16xf32>
      %mul3A_104 = arith.mulf %mul3A_100, %mul3A_100 : vector<16xf32>
      %mul3A_105 = arith.mulf %mul3A_103, %mul3A_104 : vector<16xf32>
      %sub3A_106 = arith.constant 1.500000e+00 : f32
      %sub3A_107 = vector.broadcast %sub3A_106 : f32 to vector<16xf32>
      %sub3A_108 = arith.subf %sub3A_107, %mul3A_105 : vector<16xf32>
      %mul3A_109 = arith.mulf %mul3A_100, %sub3A_108 : vector<16xf32>
      %jit3A_110 = arith.constant 0.000000e+00 : f32
      %broadcast_in_dim3A_111 = vector.broadcast %jit3A_110 : f32 to vector<16xf32>
      %select_n3A_112 = arith.select %gt3A_75, %mul3A_109, %broadcast_in_dim3A_111 : vector<16xi1>, vector<16xf32>
      %swap3A = arith.index_cast %mul3A_72 : i32 to index
      %swap3A_113 = tpu.vector_load %arg11[%swap3A] {strides = array<i32>} : memref<10240xf32, #tpu.memory_space<vmem>>, vector<16xf32>,
      tpu.vector_store %arg11[%swap3A], %select_n3A_112 {strides = array<i32>} : memref<10240xf32, #tpu.memory_space<vmem>>, vector<16xf32>,
    }
    %scan3A_6 = arith.constant 640 : i32
    %scan3A_7 = arith.constant 0 : i32
    %scan3A_8 = arith.constant 80 : i32
    %scan3A_9 = arith.addi %scan3A_7, %scan3A_8 : i32
    %scan3A_10 = arith.constant 1 : i32
    scf.for %scan3A_66 = %scan3A_7 to %scan3A_9 step %scan3A_10  : i32 {
      %mul3A_67 = arith.constant 1 : i32
      %mul3A_68 = arith.muli %scan3A_66, %mul3A_67 : i32
      %add3A_69 = arith.constant 0 : i32
      %add3A_70 = arith.addi %add3A_69, %mul3A_68 : i32
      %swap3A = arith.constant 0 : i32
      %swap3A_71 = arith.index_cast %swap3A : i32 to index
      %swap3A_72 = arith.index_cast %add3A_70 : i32 to index
      %swap3A_73 = arith.constant 0 : index
      %swap3A_74 = tpu.vector_load %arg12[%swap3A_71, %swap3A_72, %swap3A_73] {strides = array<i32>} : memref<3x80x128xf32, #tpu.memory_space<vmem>>, vector<16xf32>,
      tpu.vector_store %arg12[%swap3A_71, %swap3A_72, %swap3A_73], %broadcast_in_dim3A_0 {strides = array<i32>} : memref<3x80x128xf32, #tpu.memory_space<vmem>>, vector<16xf32>,
      %swap3A_75 = arith.constant 0 : i32
      %swap3A_76 = arith.index_cast %swap3A_75 : i32 to index
      %swap3A_77 = arith.index_cast %add3A_70 : i32 to index
      %swap3A_78 = arith.constant 16 : index
      %swap3A_79 = tpu.vector_load %arg12[%swap3A_76, %swap3A_77, %swap3A_78] {strides = array<i32>} : memref<3x80x128xf32, #tpu.memory_space<vmem>>, vector<16xf32>,
      tpu.vector_store %arg12[%swap3A_76, %swap3A_77, %swap3A_78], %broadcast_in_dim3A_0 {strides = array<i32>} : memref<3x80x128xf32, #tpu.memory_space<vmem>>, vector<16xf32>,
      %swap3A_80 = arith.constant 0 : i32
      %swap3A_81 = arith.index_cast %swap3A_80 : i32 to index
      %swap3A_82 = arith.index_cast %add3A_70 : i32 to index
      %swap3A_83 = arith.constant 32 : index
      %swap3A_84 = tpu.vector_load %arg12[%swap3A_81, %swap3A_82, %swap3A_83] {strides = array<i32>} : memref<3x80x128xf32, #tpu.memory_space<vmem>>, vector<16xf32>,
      tpu.vector_store %arg12[%swap3A_81, %swap3A_82, %swap3A_83], %broadcast_in_dim3A_0 {strides = array<i32>} : memref<3x80x128xf32, #tpu.memory_space<vmem>>, vector<16xf32>,
      %swap3A_85 = arith.constant 0 : i32
      %swap3A_86 = arith.index_cast %swap3A_85 : i32 to index
      %swap3A_87 = arith.index_cast %add3A_70 : i32 to index
      %swap3A_88 = arith.constant 48 : index
      %swap3A_89 = tpu.vector_load %arg12[%swap3A_86, %swap3A_87, %swap3A_88] {strides = array<i32>} : memref<3x80x128xf32, #tpu.memory_space<vmem>>, vector<16xf32>,
      tpu.vector_store %arg12[%swap3A_86, %swap3A_87, %swap3A_88], %broadcast_in_dim3A_0 {strides = array<i32>} : memref<3x80x128xf32, #tpu.memory_space<vmem>>, vector<16xf32>,
      %swap3A_90 = arith.constant 0 : i32
      %swap3A_91 = arith.index_cast %swap3A_90 : i32 to index
      %swap3A_92 = arith.index_cast %add3A_70 : i32 to index
      %swap3A_93 = arith.constant 64 : index
      %swap3A_94 = tpu.vector_load %arg12[%swap3A_91, %swap3A_92, %swap3A_93] {strides = array<i32>} : memref<3x80x128xf32, #tpu.memory_space<vmem>>, vector<16xf32>,
      tpu.vector_store %arg12[%swap3A_91, %swap3A_92, %swap3A_93], %broadcast_in_dim3A_0 {strides = array<i32>} : memref<3x80x128xf32, #tpu.memory_space<vmem>>, vector<16xf32>,
      %swap3A_95 = arith.constant 0 : i32
      %swap3A_96 = arith.index_cast %swap3A_95 : i32 to index
      %swap3A_97 = arith.index_cast %add3A_70 : i32 to index
      %swap3A_98 = arith.constant 80 : index
      %swap3A_99 = tpu.vector_load %arg12[%swap3A_96, %swap3A_97, %swap3A_98] {strides = array<i32>} : memref<3x80x128xf32, #tpu.memory_space<vmem>>, vector<16xf32>,
      tpu.vector_store %arg12[%swap3A_96, %swap3A_97, %swap3A_98], %broadcast_in_dim3A_0 {strides = array<i32>} : memref<3x80x128xf32, #tpu.memory_space<vmem>>, vector<16xf32>,
      %swap3A_100 = arith.constant 0 : i32
      %swap3A_101 = arith.index_cast %swap3A_100 : i32 to index
      %swap3A_102 = arith.index_cast %add3A_70 : i32 to index
      %swap3A_103 = arith.constant 96 : index
      %swap3A_104 = tpu.vector_load %arg12[%swap3A_101, %swap3A_102, %swap3A_103] {strides = array<i32>} : memref<3x80x128xf32, #tpu.memory_space<vmem>>, vector<16xf32>,
      tpu.vector_store %arg12[%swap3A_101, %swap3A_102, %swap3A_103], %broadcast_in_dim3A_0 {strides = array<i32>} : memref<3x80x128xf32, #tpu.memory_space<vmem>>, vector<16xf32>,
      %swap3A_105 = arith.constant 0 : i32
      %swap3A_106 = arith.index_cast %swap3A_105 : i32 to index
      %swap3A_107 = arith.index_cast %add3A_70 : i32 to index
      %swap3A_108 = arith.constant 112 : index
      %swap3A_109 = tpu.vector_load %arg12[%swap3A_106, %swap3A_107, %swap3A_108] {strides = array<i32>} : memref<3x80x128xf32, #tpu.memory_space<vmem>>, vector<16xf32>,
      tpu.vector_store %arg12[%swap3A_106, %swap3A_107, %swap3A_108], %broadcast_in_dim3A_0 {strides = array<i32>} : memref<3x80x128xf32, #tpu.memory_space<vmem>>, vector<16xf32>,
    }
    %scan3A_11 = arith.constant 80 : i32
    %mul3A = arith.constant 625 : i32
    %mul3A_12 = arith.muli %arg1, %mul3A : i32
    %add3A = arith.constant 0 : i32
    %add3A_13 = arith.addi %mul3A_12, %add3A : i32
    %run_scoped3A = arith.constant 0 : i32
    "tpu.region"() ({
      %run_scoped3A_66 = tpu.sem_alloc : memref<!tpu.dma_semaphore, #tpu.memory_space<semaphore_mem>>
      %dma_start3A = arith.constant 0 : i32
      %dma_start3A_67 = arith.constant 0 : i32
      %dma_start3A_68 = tpu.memref_slice %arg12[%run_scoped3A, %dma_start3A, %dma_start3A_67] : memref<3x80x128xf32, #tpu.memory_space<vmem>> -> memref<1x80x128xf32, #tpu.memory_space<vmem>>
      %dma_start3A_69 = tpu.memref_squeeze %dma_start3A_68 : memref<1x80x128xf32, #tpu.memory_space<vmem>> -> memref<80x128xf32, #tpu.memory_space<vmem>>
      %dma_start3A_70 = arith.constant 0 : i32
      %dma_start3A_71 = tpu.memref_slice %arg13[%add3A_13, %dma_start3A_70] : memref<10000x128xf32, #tpu.memory_space<vmem_shared>> -> memref<80x128xf32, #tpu.memory_space<vmem_shared>>
      %dma_start3A_72 = arith.constant 0 : i32
      %dma_start3A_73 = tpu.memref_slice %arg13[%add3A_13, %dma_start3A_72] : memref<10000x128xf32, #tpu.memory_space<vmem_shared>> -> memref<80x128xf32, #tpu.memory_space<vmem_shared>>
      %dma_start3A_74 = arith.constant 0 : i32
      %dma_start3A_75 = arith.constant 0 : i32
      %dma_start3A_76 = tpu.memref_slice %arg12[%run_scoped3A, %dma_start3A_74, %dma_start3A_75] : memref<3x80x128xf32, #tpu.memory_space<vmem>> -> memref<1x80x128xf32, #tpu.memory_space<vmem>>
      %dma_start3A_77 = tpu.memref_squeeze %dma_start3A_76 : memref<1x80x128xf32, #tpu.memory_space<vmem>> -> memref<80x128xf32, #tpu.memory_space<vmem>>
      tpu.enqueue_dma source(%dma_start3A_77 : memref<80x128xf32, #tpu.memory_space<vmem>>) target(%dma_start3A_73 : memref<80x128xf32, #tpu.memory_space<vmem_shared>>) target_semaphore(%run_scoped3A_66 : memref<!tpu.dma_semaphore, #tpu.memory_space<semaphore_mem>>)
      %dma_wait3A = arith.constant 0 : i32
      %dma_wait3A_78 = arith.constant 0 : i32
      %dma_wait3A_79 = tpu.memref_slice %arg12[%run_scoped3A, %dma_wait3A, %dma_wait3A_78] : memref<3x80x128xf32, #tpu.memory_space<vmem>> -> memref<1x80x128xf32, #tpu.memory_space<vmem>>
      %dma_wait3A_80 = tpu.memref_squeeze %dma_wait3A_79 : memref<1x80x128xf32, #tpu.memory_space<vmem>> -> memref<80x128xf32, #tpu.memory_space<vmem>>
      %dma_wait3A_81 = arith.constant 0 : i32
      %dma_wait3A_82 = tpu.memref_slice %arg13[%add3A_13, %dma_wait3A_81] : memref<10000x128xf32, #tpu.memory_space<vmem_shared>> -> memref<80x128xf32, #tpu.memory_space<vmem_shared>>
      %dma_wait3A_83 = arith.constant 0 : i32
      %dma_wait3A_84 = tpu.memref_slice %arg13[%add3A_13, %dma_wait3A_83] : memref<10000x128xf32, #tpu.memory_space<vmem_shared>> -> memref<80x128xf32, #tpu.memory_space<vmem_shared>>
      %dma_wait3A_85 = arith.constant 0 : i32
      %dma_wait3A_86 = arith.constant 0 : i32
      %dma_wait3A_87 = tpu.memref_slice %arg12[%run_scoped3A, %dma_wait3A_85, %dma_wait3A_86] : memref<3x80x128xf32, #tpu.memory_space<vmem>> -> memref<1x80x128xf32, #tpu.memory_space<vmem>>
      %dma_wait3A_88 = tpu.memref_squeeze %dma_wait3A_87 : memref<1x80x128xf32, #tpu.memory_space<vmem>> -> memref<80x128xf32, #tpu.memory_space<vmem>>
      tpu.wait_dma2 semaphore(%run_scoped3A_66 : memref<!tpu.dma_semaphore, #tpu.memory_space<semaphore_mem>>) src(%dma_wait3A_88 : memref<80x128xf32, #tpu.memory_space<vmem>>) dst(%dma_wait3A_84 : memref<80x128xf32, #tpu.memory_space<vmem_shared>>)
      tpu.yield
    }) : () -> ()
    %mul3A_14 = arith.constant 625 : i32
    %mul3A_15 = arith.muli %arg1, %mul3A_14 : i32
    %add3A_16 = arith.constant 80 : i32
    %add3A_17 = arith.addi %mul3A_15, %add3A_16 : i32
    %run_scoped3A_18 = arith.constant 0 : i32
    "tpu.region"() ({
      %run_scoped3A_66 = tpu.sem_alloc : memref<!tpu.dma_semaphore, #tpu.memory_space<semaphore_mem>>
      %dma_start3A = arith.constant 0 : i32
      %dma_start3A_67 = arith.constant 0 : i32
      %dma_start3A_68 = tpu.memref_slice %arg12[%run_scoped3A_18, %dma_start3A, %dma_start3A_67] : memref<3x80x128xf32, #tpu.memory_space<vmem>> -> memref<1x80x128xf32, #tpu.memory_space<vmem>>
      %dma_start3A_69 = tpu.memref_squeeze %dma_start3A_68 : memref<1x80x128xf32, #tpu.memory_space<vmem>> -> memref<80x128xf32, #tpu.memory_space<vmem>>
      %dma_start3A_70 = arith.constant 0 : i32
      %dma_start3A_71 = tpu.memref_slice %arg13[%add3A_17, %dma_start3A_70] : memref<10000x128xf32, #tpu.memory_space<vmem_shared>> -> memref<80x128xf32, #tpu.memory_space<vmem_shared>>
      %dma_start3A_72 = arith.constant 0 : i32
      %dma_start3A_73 = tpu.memref_slice %arg13[%add3A_17, %dma_start3A_72] : memref<10000x128xf32, #tpu.memory_space<vmem_shared>> -> memref<80x128xf32, #tpu.memory_space<vmem_shared>>
      %dma_start3A_74 = arith.constant 0 : i32
      %dma_start3A_75 = arith.constant 0 : i32
      %dma_start3A_76 = tpu.memref_slice %arg12[%run_scoped3A_18, %dma_start3A_74, %dma_start3A_75] : memref<3x80x128xf32, #tpu.memory_space<vmem>> -> memref<1x80x128xf32, #tpu.memory_space<vmem>>
      %dma_start3A_77 = tpu.memref_squeeze %dma_start3A_76 : memref<1x80x128xf32, #tpu.memory_space<vmem>> -> memref<80x128xf32, #tpu.memory_space<vmem>>
      tpu.enqueue_dma source(%dma_start3A_77 : memref<80x128xf32, #tpu.memory_space<vmem>>) target(%dma_start3A_73 : memref<80x128xf32, #tpu.memory_space<vmem_shared>>) target_semaphore(%run_scoped3A_66 : memref<!tpu.dma_semaphore, #tpu.memory_space<semaphore_mem>>)
      %dma_wait3A = arith.constant 0 : i32
      %dma_wait3A_78 = arith.constant 0 : i32
      %dma_wait3A_79 = tpu.memref_slice %arg12[%run_scoped3A_18, %dma_wait3A, %dma_wait3A_78] : memref<3x80x128xf32, #tpu.memory_space<vmem>> -> memref<1x80x128xf32, #tpu.memory_space<vmem>>
      %dma_wait3A_80 = tpu.memref_squeeze %dma_wait3A_79 : memref<1x80x128xf32, #tpu.memory_space<vmem>> -> memref<80x128xf32, #tpu.memory_space<vmem>>
      %dma_wait3A_81 = arith.constant 0 : i32
      %dma_wait3A_82 = tpu.memref_slice %arg13[%add3A_17, %dma_wait3A_81] : memref<10000x128xf32, #tpu.memory_space<vmem_shared>> -> memref<80x128xf32, #tpu.memory_space<vmem_shared>>
      %dma_wait3A_83 = arith.constant 0 : i32
      %dma_wait3A_84 = tpu.memref_slice %arg13[%add3A_17, %dma_wait3A_83] : memref<10000x128xf32, #tpu.memory_space<vmem_shared>> -> memref<80x128xf32, #tpu.memory_space<vmem_shared>>
      %dma_wait3A_85 = arith.constant 0 : i32
      %dma_wait3A_86 = arith.constant 0 : i32
      %dma_wait3A_87 = tpu.memref_slice %arg12[%run_scoped3A_18, %dma_wait3A_85, %dma_wait3A_86] : memref<3x80x128xf32, #tpu.memory_space<vmem>> -> memref<1x80x128xf32, #tpu.memory_space<vmem>>
      %dma_wait3A_88 = tpu.memref_squeeze %dma_wait3A_87 : memref<1x80x128xf32, #tpu.memory_space<vmem>> -> memref<80x128xf32, #tpu.memory_space<vmem>>
      tpu.wait_dma2 semaphore(%run_scoped3A_66 : memref<!tpu.dma_semaphore, #tpu.memory_space<semaphore_mem>>) src(%dma_wait3A_88 : memref<80x128xf32, #tpu.memory_space<vmem>>) dst(%dma_wait3A_84 : memref<80x128xf32, #tpu.memory_space<vmem_shared>>)
      tpu.yield
    }) : () -> ()
    %mul3A_19 = arith.constant 625 : i32
    %mul3A_20 = arith.muli %arg1, %mul3A_19 : i32
    %add3A_21 = arith.constant 160 : i32
    %add3A_22 = arith.addi %mul3A_20, %add3A_21 : i32
    %run_scoped3A_23 = arith.constant 0 : i32
    "tpu.region"() ({
      %run_scoped3A_66 = tpu.sem_alloc : memref<!tpu.dma_semaphore, #tpu.memory_space<semaphore_mem>>
      %dma_start3A = arith.constant 0 : i32
      %dma_start3A_67 = arith.constant 0 : i32
      %dma_start3A_68 = tpu.memref_slice %arg12[%run_scoped3A_23, %dma_start3A, %dma_start3A_67] : memref<3x80x128xf32, #tpu.memory_space<vmem>> -> memref<1x80x128xf32, #tpu.memory_space<vmem>>
      %dma_start3A_69 = tpu.memref_squeeze %dma_start3A_68 : memref<1x80x128xf32, #tpu.memory_space<vmem>> -> memref<80x128xf32, #tpu.memory_space<vmem>>
      %dma_start3A_70 = arith.constant 0 : i32
      %dma_start3A_71 = tpu.memref_slice %arg13[%add3A_22, %dma_start3A_70] : memref<10000x128xf32, #tpu.memory_space<vmem_shared>> -> memref<80x128xf32, #tpu.memory_space<vmem_shared>>
      %dma_start3A_72 = arith.constant 0 : i32
      %dma_start3A_73 = tpu.memref_slice %arg13[%add3A_22, %dma_start3A_72] : memref<10000x128xf32, #tpu.memory_space<vmem_shared>> -> memref<80x128xf32, #tpu.memory_space<vmem_shared>>
      %dma_start3A_74 = arith.constant 0 : i32
      %dma_start3A_75 = arith.constant 0 : i32
      %dma_start3A_76 = tpu.memref_slice %arg12[%run_scoped3A_23, %dma_start3A_74, %dma_start3A_75] : memref<3x80x128xf32, #tpu.memory_space<vmem>> -> memref<1x80x128xf32, #tpu.memory_space<vmem>>
      %dma_start3A_77 = tpu.memref_squeeze %dma_start3A_76 : memref<1x80x128xf32, #tpu.memory_space<vmem>> -> memref<80x128xf32, #tpu.memory_space<vmem>>
      tpu.enqueue_dma source(%dma_start3A_77 : memref<80x128xf32, #tpu.memory_space<vmem>>) target(%dma_start3A_73 : memref<80x128xf32, #tpu.memory_space<vmem_shared>>) target_semaphore(%run_scoped3A_66 : memref<!tpu.dma_semaphore, #tpu.memory_space<semaphore_mem>>)
      %dma_wait3A = arith.constant 0 : i32
      %dma_wait3A_78 = arith.constant 0 : i32
      %dma_wait3A_79 = tpu.memref_slice %arg12[%run_scoped3A_23, %dma_wait3A, %dma_wait3A_78] : memref<3x80x128xf32, #tpu.memory_space<vmem>> -> memref<1x80x128xf32, #tpu.memory_space<vmem>>
      %dma_wait3A_80 = tpu.memref_squeeze %dma_wait3A_79 : memref<1x80x128xf32, #tpu.memory_space<vmem>> -> memref<80x128xf32, #tpu.memory_space<vmem>>
      %dma_wait3A_81 = arith.constant 0 : i32
      %dma_wait3A_82 = tpu.memref_slice %arg13[%add3A_22, %dma_wait3A_81] : memref<10000x128xf32, #tpu.memory_space<vmem_shared>> -> memref<80x128xf32, #tpu.memory_space<vmem_shared>>
      %dma_wait3A_83 = arith.constant 0 : i32
      %dma_wait3A_84 = tpu.memref_slice %arg13[%add3A_22, %dma_wait3A_83] : memref<10000x128xf32, #tpu.memory_space<vmem_shared>> -> memref<80x128xf32, #tpu.memory_space<vmem_shared>>
      %dma_wait3A_85 = arith.constant 0 : i32
      %dma_wait3A_86 = arith.constant 0 : i32
      %dma_wait3A_87 = tpu.memref_slice %arg12[%run_scoped3A_23, %dma_wait3A_85, %dma_wait3A_86] : memref<3x80x128xf32, #tpu.memory_space<vmem>> -> memref<1x80x128xf32, #tpu.memory_space<vmem>>
      %dma_wait3A_88 = tpu.memref_squeeze %dma_wait3A_87 : memref<1x80x128xf32, #tpu.memory_space<vmem>> -> memref<80x128xf32, #tpu.memory_space<vmem>>
      tpu.wait_dma2 semaphore(%run_scoped3A_66 : memref<!tpu.dma_semaphore, #tpu.memory_space<semaphore_mem>>) src(%dma_wait3A_88 : memref<80x128xf32, #tpu.memory_space<vmem>>) dst(%dma_wait3A_84 : memref<80x128xf32, #tpu.memory_space<vmem_shared>>)
      tpu.yield
    }) : () -> ()
    %mul3A_24 = arith.constant 625 : i32
    %mul3A_25 = arith.muli %arg1, %mul3A_24 : i32
    %add3A_26 = arith.constant 240 : i32
    %add3A_27 = arith.addi %mul3A_25, %add3A_26 : i32
    %run_scoped3A_28 = arith.constant 0 : i32
    "tpu.region"() ({
      %run_scoped3A_66 = tpu.sem_alloc : memref<!tpu.dma_semaphore, #tpu.memory_space<semaphore_mem>>
      %dma_start3A = arith.constant 0 : i32
      %dma_start3A_67 = arith.constant 0 : i32
      %dma_start3A_68 = tpu.memref_slice %arg12[%run_scoped3A_28, %dma_start3A, %dma_start3A_67] : memref<3x80x128xf32, #tpu.memory_space<vmem>> -> memref<1x80x128xf32, #tpu.memory_space<vmem>>
      %dma_start3A_69 = tpu.memref_squeeze %dma_start3A_68 : memref<1x80x128xf32, #tpu.memory_space<vmem>> -> memref<80x128xf32, #tpu.memory_space<vmem>>
      %dma_start3A_70 = arith.constant 0 : i32
      %dma_start3A_71 = tpu.memref_slice %arg13[%add3A_27, %dma_start3A_70] : memref<10000x128xf32, #tpu.memory_space<vmem_shared>> -> memref<80x128xf32, #tpu.memory_space<vmem_shared>>
      %dma_start3A_72 = arith.constant 0 : i32
      %dma_start3A_73 = tpu.memref_slice %arg13[%add3A_27, %dma_start3A_72] : memref<10000x128xf32, #tpu.memory_space<vmem_shared>> -> memref<80x128xf32, #tpu.memory_space<vmem_shared>>
      %dma_start3A_74 = arith.constant 0 : i32
      %dma_start3A_75 = arith.constant 0 : i32
      %dma_start3A_76 = tpu.memref_slice %arg12[%run_scoped3A_28, %dma_start3A_74, %dma_start3A_75] : memref<3x80x128xf32, #tpu.memory_space<vmem>> -> memref<1x80x128xf32, #tpu.memory_space<vmem>>
      %dma_start3A_77 = tpu.memref_squeeze %dma_start3A_76 : memref<1x80x128xf32, #tpu.memory_space<vmem>> -> memref<80x128xf32, #tpu.memory_space<vmem>>
      tpu.enqueue_dma source(%dma_start3A_77 : memref<80x128xf32, #tpu.memory_space<vmem>>) target(%dma_start3A_73 : memref<80x128xf32, #tpu.memory_space<vmem_shared>>) target_semaphore(%run_scoped3A_66 : memref<!tpu.dma_semaphore, #tpu.memory_space<semaphore_mem>>)
      %dma_wait3A = arith.constant 0 : i32
      %dma_wait3A_78 = arith.constant 0 : i32
      %dma_wait3A_79 = tpu.memref_slice %arg12[%run_scoped3A_28, %dma_wait3A, %dma_wait3A_78] : memref<3x80x128xf32, #tpu.memory_space<vmem>> -> memref<1x80x128xf32, #tpu.memory_space<vmem>>
      %dma_wait3A_80 = tpu.memref_squeeze %dma_wait3A_79 : memref<1x80x128xf32, #tpu.memory_space<vmem>> -> memref<80x128xf32, #tpu.memory_space<vmem>>
      %dma_wait3A_81 = arith.constant 0 : i32
      %dma_wait3A_82 = tpu.memref_slice %arg13[%add3A_27, %dma_wait3A_81] : memref<10000x128xf32, #tpu.memory_space<vmem_shared>> -> memref<80x128xf32, #tpu.memory_space<vmem_shared>>
      %dma_wait3A_83 = arith.constant 0 : i32
      %dma_wait3A_84 = tpu.memref_slice %arg13[%add3A_27, %dma_wait3A_83] : memref<10000x128xf32, #tpu.memory_space<vmem_shared>> -> memref<80x128xf32, #tpu.memory_space<vmem_shared>>
      %dma_wait3A_85 = arith.constant 0 : i32
      %dma_wait3A_86 = arith.constant 0 : i32
      %dma_wait3A_87 = tpu.memref_slice %arg12[%run_scoped3A_28, %dma_wait3A_85, %dma_wait3A_86] : memref<3x80x128xf32, #tpu.memory_space<vmem>> -> memref<1x80x128xf32, #tpu.memory_space<vmem>>
      %dma_wait3A_88 = tpu.memref_squeeze %dma_wait3A_87 : memref<1x80x128xf32, #tpu.memory_space<vmem>> -> memref<80x128xf32, #tpu.memory_space<vmem>>
      tpu.wait_dma2 semaphore(%run_scoped3A_66 : memref<!tpu.dma_semaphore, #tpu.memory_space<semaphore_mem>>) src(%dma_wait3A_88 : memref<80x128xf32, #tpu.memory_space<vmem>>) dst(%dma_wait3A_84 : memref<80x128xf32, #tpu.memory_space<vmem_shared>>)
      tpu.yield
    }) : () -> ()
    %mul3A_29 = arith.constant 625 : i32
    %mul3A_30 = arith.muli %arg1, %mul3A_29 : i32
    %add3A_31 = arith.constant 320 : i32
    %add3A_32 = arith.addi %mul3A_30, %add3A_31 : i32
    %run_scoped3A_33 = arith.constant 0 : i32
    "tpu.region"() ({
      %run_scoped3A_66 = tpu.sem_alloc : memref<!tpu.dma_semaphore, #tpu.memory_space<semaphore_mem>>
      %dma_start3A = arith.constant 0 : i32
      %dma_start3A_67 = arith.constant 0 : i32
      %dma_start3A_68 = tpu.memref_slice %arg12[%run_scoped3A_33, %dma_start3A, %dma_start3A_67] : memref<3x80x128xf32, #tpu.memory_space<vmem>> -> memref<1x80x128xf32, #tpu.memory_space<vmem>>
      %dma_start3A_69 = tpu.memref_squeeze %dma_start3A_68 : memref<1x80x128xf32, #tpu.memory_space<vmem>> -> memref<80x128xf32, #tpu.memory_space<vmem>>
      %dma_start3A_70 = arith.constant 0 : i32
      %dma_start3A_71 = tpu.memref_slice %arg13[%add3A_32, %dma_start3A_70] : memref<10000x128xf32, #tpu.memory_space<vmem_shared>> -> memref<80x128xf32, #tpu.memory_space<vmem_shared>>
      %dma_start3A_72 = arith.constant 0 : i32
      %dma_start3A_73 = tpu.memref_slice %arg13[%add3A_32, %dma_start3A_72] : memref<10000x128xf32, #tpu.memory_space<vmem_shared>> -> memref<80x128xf32, #tpu.memory_space<vmem_shared>>
      %dma_start3A_74 = arith.constant 0 : i32
      %dma_start3A_75 = arith.constant 0 : i32
      %dma_start3A_76 = tpu.memref_slice %arg12[%run_scoped3A_33, %dma_start3A_74, %dma_start3A_75] : memref<3x80x128xf32, #tpu.memory_space<vmem>> -> memref<1x80x128xf32, #tpu.memory_space<vmem>>
      %dma_start3A_77 = tpu.memref_squeeze %dma_start3A_76 : memref<1x80x128xf32, #tpu.memory_space<vmem>> -> memref<80x128xf32, #tpu.memory_space<vmem>>
      tpu.enqueue_dma source(%dma_start3A_77 : memref<80x128xf32, #tpu.memory_space<vmem>>) target(%dma_start3A_73 : memref<80x128xf32, #tpu.memory_space<vmem_shared>>) target_semaphore(%run_scoped3A_66 : memref<!tpu.dma_semaphore, #tpu.memory_space<semaphore_mem>>)
      %dma_wait3A = arith.constant 0 : i32
      %dma_wait3A_78 = arith.constant 0 : i32
      %dma_wait3A_79 = tpu.memref_slice %arg12[%run_scoped3A_33, %dma_wait3A, %dma_wait3A_78] : memref<3x80x128xf32, #tpu.memory_space<vmem>> -> memref<1x80x128xf32, #tpu.memory_space<vmem>>
      %dma_wait3A_80 = tpu.memref_squeeze %dma_wait3A_79 : memref<1x80x128xf32, #tpu.memory_space<vmem>> -> memref<80x128xf32, #tpu.memory_space<vmem>>
      %dma_wait3A_81 = arith.constant 0 : i32
      %dma_wait3A_82 = tpu.memref_slice %arg13[%add3A_32, %dma_wait3A_81] : memref<10000x128xf32, #tpu.memory_space<vmem_shared>> -> memref<80x128xf32, #tpu.memory_space<vmem_shared>>
      %dma_wait3A_83 = arith.constant 0 : i32
      %dma_wait3A_84 = tpu.memref_slice %arg13[%add3A_32, %dma_wait3A_83] : memref<10000x128xf32, #tpu.memory_space<vmem_shared>> -> memref<80x128xf32, #tpu.memory_space<vmem_shared>>
      %dma_wait3A_85 = arith.constant 0 : i32
      %dma_wait3A_86 = arith.constant 0 : i32
      %dma_wait3A_87 = tpu.memref_slice %arg12[%run_scoped3A_33, %dma_wait3A_85, %dma_wait3A_86] : memref<3x80x128xf32, #tpu.memory_space<vmem>> -> memref<1x80x128xf32, #tpu.memory_space<vmem>>
      %dma_wait3A_88 = tpu.memref_squeeze %dma_wait3A_87 : memref<1x80x128xf32, #tpu.memory_space<vmem>> -> memref<80x128xf32, #tpu.memory_space<vmem>>
      tpu.wait_dma2 semaphore(%run_scoped3A_66 : memref<!tpu.dma_semaphore, #tpu.memory_space<semaphore_mem>>) src(%dma_wait3A_88 : memref<80x128xf32, #tpu.memory_space<vmem>>) dst(%dma_wait3A_84 : memref<80x128xf32, #tpu.memory_space<vmem_shared>>)
      tpu.yield
    }) : () -> ()
    %mul3A_34 = arith.constant 625 : i32
    %mul3A_35 = arith.muli %arg1, %mul3A_34 : i32
    %add3A_36 = arith.constant 400 : i32
    %add3A_37 = arith.addi %mul3A_35, %add3A_36 : i32
    %run_scoped3A_38 = arith.constant 0 : i32
    "tpu.region"() ({
      %run_scoped3A_66 = tpu.sem_alloc : memref<!tpu.dma_semaphore, #tpu.memory_space<semaphore_mem>>
      %dma_start3A = arith.constant 0 : i32
      %dma_start3A_67 = arith.constant 0 : i32
      %dma_start3A_68 = tpu.memref_slice %arg12[%run_scoped3A_38, %dma_start3A, %dma_start3A_67] : memref<3x80x128xf32, #tpu.memory_space<vmem>> -> memref<1x80x128xf32, #tpu.memory_space<vmem>>
      %dma_start3A_69 = tpu.memref_squeeze %dma_start3A_68 : memref<1x80x128xf32, #tpu.memory_space<vmem>> -> memref<80x128xf32, #tpu.memory_space<vmem>>
      %dma_start3A_70 = arith.constant 0 : i32
      %dma_start3A_71 = tpu.memref_slice %arg13[%add3A_37, %dma_start3A_70] : memref<10000x128xf32, #tpu.memory_space<vmem_shared>> -> memref<80x128xf32, #tpu.memory_space<vmem_shared>>
      %dma_start3A_72 = arith.constant 0 : i32
      %dma_start3A_73 = tpu.memref_slice %arg13[%add3A_37, %dma_start3A_72] : memref<10000x128xf32, #tpu.memory_space<vmem_shared>> -> memref<80x128xf32, #tpu.memory_space<vmem_shared>>
      %dma_start3A_74 = arith.constant 0 : i32
      %dma_start3A_75 = arith.constant 0 : i32
      %dma_start3A_76 = tpu.memref_slice %arg12[%run_scoped3A_38, %dma_start3A_74, %dma_start3A_75] : memref<3x80x128xf32, #tpu.memory_space<vmem>> -> memref<1x80x128xf32, #tpu.memory_space<vmem>>
      %dma_start3A_77 = tpu.memref_squeeze %dma_start3A_76 : memref<1x80x128xf32, #tpu.memory_space<vmem>> -> memref<80x128xf32, #tpu.memory_space<vmem>>
      tpu.enqueue_dma source(%dma_start3A_77 : memref<80x128xf32, #tpu.memory_space<vmem>>) target(%dma_start3A_73 : memref<80x128xf32, #tpu.memory_space<vmem_shared>>) target_semaphore(%run_scoped3A_66 : memref<!tpu.dma_semaphore, #tpu.memory_space<semaphore_mem>>)
      %dma_wait3A = arith.constant 0 : i32
      %dma_wait3A_78 = arith.constant 0 : i32
      %dma_wait3A_79 = tpu.memref_slice %arg12[%run_scoped3A_38, %dma_wait3A, %dma_wait3A_78] : memref<3x80x128xf32, #tpu.memory_space<vmem>> -> memref<1x80x128xf32, #tpu.memory_space<vmem>>
      %dma_wait3A_80 = tpu.memref_squeeze %dma_wait3A_79 : memref<1x80x128xf32, #tpu.memory_space<vmem>> -> memref<80x128xf32, #tpu.memory_space<vmem>>
      %dma_wait3A_81 = arith.constant 0 : i32
      %dma_wait3A_82 = tpu.memref_slice %arg13[%add3A_37, %dma_wait3A_81] : memref<10000x128xf32, #tpu.memory_space<vmem_shared>> -> memref<80x128xf32, #tpu.memory_space<vmem_shared>>
      %dma_wait3A_83 = arith.constant 0 : i32
      %dma_wait3A_84 = tpu.memref_slice %arg13[%add3A_37, %dma_wait3A_83] : memref<10000x128xf32, #tpu.memory_space<vmem_shared>> -> memref<80x128xf32, #tpu.memory_space<vmem_shared>>
      %dma_wait3A_85 = arith.constant 0 : i32
      %dma_wait3A_86 = arith.constant 0 : i32
      %dma_wait3A_87 = tpu.memref_slice %arg12[%run_scoped3A_38, %dma_wait3A_85, %dma_wait3A_86] : memref<3x80x128xf32, #tpu.memory_space<vmem>> -> memref<1x80x128xf32, #tpu.memory_space<vmem>>
      %dma_wait3A_88 = tpu.memref_squeeze %dma_wait3A_87 : memref<1x80x128xf32, #tpu.memory_space<vmem>> -> memref<80x128xf32, #tpu.memory_space<vmem>>
      tpu.wait_dma2 semaphore(%run_scoped3A_66 : memref<!tpu.dma_semaphore, #tpu.memory_space<semaphore_mem>>) src(%dma_wait3A_88 : memref<80x128xf32, #tpu.memory_space<vmem>>) dst(%dma_wait3A_84 : memref<80x128xf32, #tpu.memory_space<vmem_shared>>)
      tpu.yield
    }) : () -> ()
    %mul3A_39 = arith.constant 625 : i32
    %mul3A_40 = arith.muli %arg1, %mul3A_39 : i32
    %add3A_41 = arith.constant 480 : i32
    %add3A_42 = arith.addi %mul3A_40, %add3A_41 : i32
    %run_scoped3A_43 = arith.constant 0 : i32
    "tpu.region"() ({
      %run_scoped3A_66 = tpu.sem_alloc : memref<!tpu.dma_semaphore, #tpu.memory_space<semaphore_mem>>
      %dma_start3A = arith.constant 0 : i32
      %dma_start3A_67 = arith.constant 0 : i32
      %dma_start3A_68 = tpu.memref_slice %arg12[%run_scoped3A_43, %dma_start3A, %dma_start3A_67] : memref<3x80x128xf32, #tpu.memory_space<vmem>> -> memref<1x80x128xf32, #tpu.memory_space<vmem>>
      %dma_start3A_69 = tpu.memref_squeeze %dma_start3A_68 : memref<1x80x128xf32, #tpu.memory_space<vmem>> -> memref<80x128xf32, #tpu.memory_space<vmem>>
      %dma_start3A_70 = arith.constant 0 : i32
      %dma_start3A_71 = tpu.memref_slice %arg13[%add3A_42, %dma_start3A_70] : memref<10000x128xf32, #tpu.memory_space<vmem_shared>> -> memref<80x128xf32, #tpu.memory_space<vmem_shared>>
      %dma_start3A_72 = arith.constant 0 : i32
      %dma_start3A_73 = tpu.memref_slice %arg13[%add3A_42, %dma_start3A_72] : memref<10000x128xf32, #tpu.memory_space<vmem_shared>> -> memref<80x128xf32, #tpu.memory_space<vmem_shared>>
      %dma_start3A_74 = arith.constant 0 : i32
      %dma_start3A_75 = arith.constant 0 : i32
      %dma_start3A_76 = tpu.memref_slice %arg12[%run_scoped3A_43, %dma_start3A_74, %dma_start3A_75] : memref<3x80x128xf32, #tpu.memory_space<vmem>> -> memref<1x80x128xf32, #tpu.memory_space<vmem>>
      %dma_start3A_77 = tpu.memref_squeeze %dma_start3A_76 : memref<1x80x128xf32, #tpu.memory_space<vmem>> -> memref<80x128xf32, #tpu.memory_space<vmem>>
      tpu.enqueue_dma source(%dma_start3A_77 : memref<80x128xf32, #tpu.memory_space<vmem>>) target(%dma_start3A_73 : memref<80x128xf32, #tpu.memory_space<vmem_shared>>) target_semaphore(%run_scoped3A_66 : memref<!tpu.dma_semaphore, #tpu.memory_space<semaphore_mem>>)
      %dma_wait3A = arith.constant 0 : i32
      %dma_wait3A_78 = arith.constant 0 : i32
      %dma_wait3A_79 = tpu.memref_slice %arg12[%run_scoped3A_43, %dma_wait3A, %dma_wait3A_78] : memref<3x80x128xf32, #tpu.memory_space<vmem>> -> memref<1x80x128xf32, #tpu.memory_space<vmem>>
      %dma_wait3A_80 = tpu.memref_squeeze %dma_wait3A_79 : memref<1x80x128xf32, #tpu.memory_space<vmem>> -> memref<80x128xf32, #tpu.memory_space<vmem>>
      %dma_wait3A_81 = arith.constant 0 : i32
      %dma_wait3A_82 = tpu.memref_slice %arg13[%add3A_42, %dma_wait3A_81] : memref<10000x128xf32, #tpu.memory_space<vmem_shared>> -> memref<80x128xf32, #tpu.memory_space<vmem_shared>>
      %dma_wait3A_83 = arith.constant 0 : i32
      %dma_wait3A_84 = tpu.memref_slice %arg13[%add3A_42, %dma_wait3A_83] : memref<10000x128xf32, #tpu.memory_space<vmem_shared>> -> memref<80x128xf32, #tpu.memory_space<vmem_shared>>
      %dma_wait3A_85 = arith.constant 0 : i32
      %dma_wait3A_86 = arith.constant 0 : i32
      %dma_wait3A_87 = tpu.memref_slice %arg12[%run_scoped3A_43, %dma_wait3A_85, %dma_wait3A_86] : memref<3x80x128xf32, #tpu.memory_space<vmem>> -> memref<1x80x128xf32, #tpu.memory_space<vmem>>
      %dma_wait3A_88 = tpu.memref_squeeze %dma_wait3A_87 : memref<1x80x128xf32, #tpu.memory_space<vmem>> -> memref<80x128xf32, #tpu.memory_space<vmem>>
      tpu.wait_dma2 semaphore(%run_scoped3A_66 : memref<!tpu.dma_semaphore, #tpu.memory_space<semaphore_mem>>) src(%dma_wait3A_88 : memref<80x128xf32, #tpu.memory_space<vmem>>) dst(%dma_wait3A_84 : memref<80x128xf32, #tpu.memory_space<vmem_shared>>)
      tpu.yield
    }) : () -> ()
    %mul3A_44 = arith.constant 625 : i32
    %mul3A_45 = arith.muli %arg1, %mul3A_44 : i32
    %add3A_46 = arith.constant 625 : i32
    %add3A_47 = arith.addi %mul3A_45, %add3A_46 : i32
    %sub3A = arith.constant 65 : i32
    %sub3A_48 = arith.subi %add3A_47, %sub3A : i32
    %run_scoped3A_49 = arith.constant 0 : i32
    "tpu.region"() ({
      %run_scoped3A_66 = tpu.sem_alloc : memref<!tpu.dma_semaphore, #tpu.memory_space<semaphore_mem>>
      %dma_start3A = arith.constant 0 : i32
      %dma_start3A_67 = arith.constant 0 : i32
      %dma_start3A_68 = tpu.memref_slice %arg12[%run_scoped3A_49, %dma_start3A, %dma_start3A_67] : memref<3x80x128xf32, #tpu.memory_space<vmem>> -> memref<1x65x128xf32, #tpu.memory_space<vmem>>
      %dma_start3A_69 = tpu.memref_squeeze %dma_start3A_68 : memref<1x65x128xf32, #tpu.memory_space<vmem>> -> memref<65x128xf32, #tpu.memory_space<vmem>>
      %dma_start3A_70 = arith.constant 0 : i32
      %dma_start3A_71 = tpu.memref_slice %arg13[%sub3A_48, %dma_start3A_70] : memref<10000x128xf32, #tpu.memory_space<vmem_shared>> -> memref<65x128xf32, #tpu.memory_space<vmem_shared>>
      %dma_start3A_72 = arith.constant 0 : i32
      %dma_start3A_73 = tpu.memref_slice %arg13[%sub3A_48, %dma_start3A_72] : memref<10000x128xf32, #tpu.memory_space<vmem_shared>> -> memref<65x128xf32, #tpu.memory_space<vmem_shared>>
      %dma_start3A_74 = arith.constant 0 : i32
      %dma_start3A_75 = arith.constant 0 : i32
      %dma_start3A_76 = tpu.memref_slice %arg12[%run_scoped3A_49, %dma_start3A_74, %dma_start3A_75] : memref<3x80x128xf32, #tpu.memory_space<vmem>> -> memref<1x65x128xf32, #tpu.memory_space<vmem>>
      %dma_start3A_77 = tpu.memref_squeeze %dma_start3A_76 : memref<1x65x128xf32, #tpu.memory_space<vmem>> -> memref<65x128xf32, #tpu.memory_space<vmem>>
      tpu.enqueue_dma source(%dma_start3A_77 : memref<65x128xf32, #tpu.memory_space<vmem>>) target(%dma_start3A_73 : memref<65x128xf32, #tpu.memory_space<vmem_shared>>) target_semaphore(%run_scoped3A_66 : memref<!tpu.dma_semaphore, #tpu.memory_space<semaphore_mem>>)
      %dma_wait3A = arith.constant 0 : i32
      %dma_wait3A_78 = arith.constant 0 : i32
      %dma_wait3A_79 = tpu.memref_slice %arg12[%run_scoped3A_49, %dma_wait3A, %dma_wait3A_78] : memref<3x80x128xf32, #tpu.memory_space<vmem>> -> memref<1x65x128xf32, #tpu.memory_space<vmem>>
      %dma_wait3A_80 = tpu.memref_squeeze %dma_wait3A_79 : memref<1x65x128xf32, #tpu.memory_space<vmem>> -> memref<65x128xf32, #tpu.memory_space<vmem>>
      %dma_wait3A_81 = arith.constant 0 : i32
      %dma_wait3A_82 = tpu.memref_slice %arg13[%sub3A_48, %dma_wait3A_81] : memref<10000x128xf32, #tpu.memory_space<vmem_shared>> -> memref<65x128xf32, #tpu.memory_space<vmem_shared>>
      %dma_wait3A_83 = arith.constant 0 : i32
      %dma_wait3A_84 = tpu.memref_slice %arg13[%sub3A_48, %dma_wait3A_83] : memref<10000x128xf32, #tpu.memory_space<vmem_shared>> -> memref<65x128xf32, #tpu.memory_space<vmem_shared>>
      %dma_wait3A_85 = arith.constant 0 : i32
      %dma_wait3A_86 = arith.constant 0 : i32
      %dma_wait3A_87 = tpu.memref_slice %arg12[%run_scoped3A_49, %dma_wait3A_85, %dma_wait3A_86] : memref<3x80x128xf32, #tpu.memory_space<vmem>> -> memref<1x65x128xf32, #tpu.memory_space<vmem>>
      %dma_wait3A_88 = tpu.memref_squeeze %dma_wait3A_87 : memref<1x65x128xf32, #tpu.memory_space<vmem>> -> memref<65x128xf32, #tpu.memory_space<vmem>>
      tpu.wait_dma2 semaphore(%run_scoped3A_66 : memref<!tpu.dma_semaphore, #tpu.memory_space<semaphore_mem>>) src(%dma_wait3A_88 : memref<65x128xf32, #tpu.memory_space<vmem>>) dst(%dma_wait3A_84 : memref<65x128xf32, #tpu.memory_space<vmem_shared>>)
      tpu.yield
    }) : () -> ()
    %barrier3A = arith.constant 0 : index
    tpu.barrier barrier_id(%barrier3A)
    %mul3A_50 = arith.constant 16 : i32
    %mul3A_51 = arith.muli %arg0, %mul3A_50 : i32
    %add3A_52 = arith.addi %mul3A_51, %arg1 : i32
    %scan3A_53 = arith.constant 0 : i32
    %scan3A_54 = arith.constant 5 : i32
    %scan3A_55 = arith.addi %scan3A_53, %scan3A_54 : i32
    %scan3A_56 = arith.constant 1 : i32
    scf.for %scan3A_66 = %scan3A_53 to %scan3A_55 step %scan3A_56  : i32 {
      %mul3A_67 = arith.constant 1 : i32
      %mul3A_68 = arith.muli %scan3A_66, %mul3A_67 : i32
      %add3A_69 = arith.constant 0 : i32
      %add3A_70 = arith.addi %add3A_69, %mul3A_68 : i32
      %mul3A_71 = arith.constant 25 : i32
      %mul3A_72 = arith.muli %add3A_70, %mul3A_71 : i32
      %dma_start3A = arith.constant 0 : i32
      %dma_start3A_73 = tpu.memref_slice %arg3[%add3A_52, %mul3A_72, %dma_start3A] : memref<32x125x80xi32, #tpu.memory_space<hbm>> -> memref<1x25x80xi32, #tpu.memory_space<hbm>>
      %dma_start3A_74 = tpu.memref_squeeze %dma_start3A_73 : memref<1x25x80xi32, #tpu.memory_space<hbm>> -> memref<25x80xi32, #tpu.memory_space<hbm>>
      %dma_start3A_75 = arith.constant 0 : i32
      %dma_start3A_76 = tpu.memref_slice %arg3[%add3A_52, %mul3A_72, %dma_start3A_75] : memref<32x125x80xi32, #tpu.memory_space<hbm>> -> memref<1x25x80xi32, #tpu.memory_space<hbm>>
      %dma_start3A_77 = tpu.memref_squeeze %dma_start3A_76 : memref<1x25x80xi32, #tpu.memory_space<hbm>> -> memref<25x80xi32, #tpu.memory_space<hbm>>
      tpu.enqueue_dma source(%dma_start3A_77 : memref<25x80xi32, #tpu.memory_space<hbm>>) target(%arg8 : memref<25x80xi32, #tpu.memory_space<vmem>>) target_semaphore(%arg14 : memref<!tpu.dma_semaphore, #tpu.memory_space<semaphore_mem>>)
      %mul3A_78 = arith.constant 25 : i32
      %mul3A_79 = arith.muli %add3A_70, %mul3A_78 : i32
      %dma_start3A_80 = arith.constant 0 : i32
      %dma_start3A_81 = tpu.memref_slice %arg4[%add3A_52, %mul3A_79, %dma_start3A_80] : memref<32x125x80xi32, #tpu.memory_space<hbm>> -> memref<1x25x80xi32, #tpu.memory_space<hbm>>
      %dma_start3A_82 = tpu.memref_squeeze %dma_start3A_81 : memref<1x25x80xi32, #tpu.memory_space<hbm>> -> memref<25x80xi32, #tpu.memory_space<hbm>>
      %dma_start3A_83 = arith.constant 0 : i32
      %dma_start3A_84 = tpu.memref_slice %arg4[%add3A_52, %mul3A_79, %dma_start3A_83] : memref<32x125x80xi32, #tpu.memory_space<hbm>> -> memref<1x25x80xi32, #tpu.memory_space<hbm>>
      %dma_start3A_85 = tpu.memref_squeeze %dma_start3A_84 : memref<1x25x80xi32, #tpu.memory_space<hbm>> -> memref<25x80xi32, #tpu.memory_space<hbm>>
      tpu.enqueue_dma source(%dma_start3A_85 : memref<25x80xi32, #tpu.memory_space<hbm>>) target(%arg9 : memref<25x80xi32, #tpu.memory_space<vmem>>) target_semaphore(%arg15 : memref<!tpu.dma_semaphore, #tpu.memory_space<semaphore_mem>>)
      %mul3A_86 = arith.constant 25 : i32
      %mul3A_87 = arith.muli %add3A_70, %mul3A_86 : i32
      %dma_start3A_88 = arith.constant 0 : i32
      %dma_start3A_89 = tpu.memref_slice %arg5[%add3A_52, %mul3A_87, %dma_start3A_88] : memref<32x125x80xf32, #tpu.memory_space<hbm>> -> memref<1x25x80xf32, #tpu.memory_space<hbm>>
      %dma_start3A_90 = tpu.memref_squeeze %dma_start3A_89 : memref<1x25x80xf32, #tpu.memory_space<hbm>> -> memref<25x80xf32, #tpu.memory_space<hbm>>
      %dma_start3A_91 = arith.constant 0 : i32
      %dma_start3A_92 = tpu.memref_slice %arg5[%add3A_52, %mul3A_87, %dma_start3A_91] : memref<32x125x80xf32, #tpu.memory_space<hbm>> -> memref<1x25x80xf32, #tpu.memory_space<hbm>>
      %dma_start3A_93 = tpu.memref_squeeze %dma_start3A_92 : memref<1x25x80xf32, #tpu.memory_space<hbm>> -> memref<25x80xf32, #tpu.memory_space<hbm>>
      tpu.enqueue_dma source(%dma_start3A_93 : memref<25x80xf32, #tpu.memory_space<hbm>>) target(%arg10 : memref<25x80xf32, #tpu.memory_space<vmem>>) target_semaphore(%arg16 : memref<!tpu.dma_semaphore, #tpu.memory_space<semaphore_mem>>)
      %mul3A_94 = arith.constant 25 : i32
      %mul3A_95 = arith.muli %add3A_70, %mul3A_94 : i32
      %dma_wait3A = arith.constant 0 : i32
      %dma_wait3A_96 = tpu.memref_slice %arg3[%add3A_52, %mul3A_95, %dma_wait3A] : memref<32x125x80xi32, #tpu.memory_space<hbm>> -> memref<1x25x80xi32, #tpu.memory_space<hbm>>
      %dma_wait3A_97 = tpu.memref_squeeze %dma_wait3A_96 : memref<1x25x80xi32, #tpu.memory_space<hbm>> -> memref<25x80xi32, #tpu.memory_space<hbm>>
      %dma_wait3A_98 = arith.constant 0 : i32
      %dma_wait3A_99 = tpu.memref_slice %arg3[%add3A_52, %mul3A_95, %dma_wait3A_98] : memref<32x125x80xi32, #tpu.memory_space<hbm>> -> memref<1x25x80xi32, #tpu.memory_space<hbm>>
      %dma_wait3A_100 = tpu.memref_squeeze %dma_wait3A_99 : memref<1x25x80xi32, #tpu.memory_space<hbm>> -> memref<25x80xi32, #tpu.memory_space<hbm>>
      tpu.wait_dma2 semaphore(%arg14 : memref<!tpu.dma_semaphore, #tpu.memory_space<semaphore_mem>>) src(%dma_wait3A_100 : memref<25x80xi32, #tpu.memory_space<hbm>>) dst(%arg8 : memref<25x80xi32, #tpu.memory_space<vmem>>)
      %mul3A_101 = arith.constant 25 : i32
      %mul3A_102 = arith.muli %add3A_70, %mul3A_101 : i32
      %dma_wait3A_103 = arith.constant 0 : i32
      %dma_wait3A_104 = tpu.memref_slice %arg4[%add3A_52, %mul3A_102, %dma_wait3A_103] : memref<32x125x80xi32, #tpu.memory_space<hbm>> -> memref<1x25x80xi32, #tpu.memory_space<hbm>>
      %dma_wait3A_105 = tpu.memref_squeeze %dma_wait3A_104 : memref<1x25x80xi32, #tpu.memory_space<hbm>> -> memref<25x80xi32, #tpu.memory_space<hbm>>
      %dma_wait3A_106 = arith.constant 0 : i32
      %dma_wait3A_107 = tpu.memref_slice %arg4[%add3A_52, %mul3A_102, %dma_wait3A_106] : memref<32x125x80xi32, #tpu.memory_space<hbm>> -> memref<1x25x80xi32, #tpu.memory_space<hbm>>
      %dma_wait3A_108 = tpu.memref_squeeze %dma_wait3A_107 : memref<1x25x80xi32, #tpu.memory_space<hbm>> -> memref<25x80xi32, #tpu.memory_space<hbm>>
      tpu.wait_dma2 semaphore(%arg15 : memref<!tpu.dma_semaphore, #tpu.memory_space<semaphore_mem>>) src(%dma_wait3A_108 : memref<25x80xi32, #tpu.memory_space<hbm>>) dst(%arg9 : memref<25x80xi32, #tpu.memory_space<vmem>>)
      %dma_wait3A_109 = arith.constant 0 : i32
      %dma_wait3A_110 = tpu.memref_slice %arg5[%add3A_52, %mul3A_87, %dma_wait3A_109] : memref<32x125x80xf32, #tpu.memory_space<hbm>> -> memref<1x25x80xf32, #tpu.memory_space<hbm>>
      %dma_wait3A_111 = tpu.memref_squeeze %dma_wait3A_110 : memref<1x25x80xf32, #tpu.memory_space<hbm>> -> memref<25x80xf32, #tpu.memory_space<hbm>>
      %dma_wait3A_112 = arith.constant 0 : i32
      %dma_wait3A_113 = tpu.memref_slice %arg5[%add3A_52, %mul3A_87, %dma_wait3A_112] : memref<32x125x80xf32, #tpu.memory_space<hbm>> -> memref<1x25x80xf32, #tpu.memory_space<hbm>>
      %dma_wait3A_114 = tpu.memref_squeeze %dma_wait3A_113 : memref<1x25x80xf32, #tpu.memory_space<hbm>> -> memref<25x80xf32, #tpu.memory_space<hbm>>
      tpu.wait_dma2 semaphore(%arg16 : memref<!tpu.dma_semaphore, #tpu.memory_space<semaphore_mem>>) src(%dma_wait3A_114 : memref<25x80xf32, #tpu.memory_space<hbm>>) dst(%arg10 : memref<25x80xf32, #tpu.memory_space<vmem>>)
      %dma_start3A_115 = arith.constant 0 : i32
      %dma_start3A_116 = arith.constant 0 : i32
      %dma_start3A_117 = arith.constant 0 : i32
      %dma_start3A_118 = arith.constant 0 : i32
      %dma_start3A_119 = tpu.memref_slice %arg12[%dma_start3A_116, %dma_start3A_117, %dma_start3A_118] : memref<3x80x128xf32, #tpu.memory_space<vmem>> -> memref<1x80x128xf32, #tpu.memory_space<vmem>>
      %dma_start3A_120 = tpu.memref_squeeze %dma_start3A_119 : memref<1x80x128xf32, #tpu.memory_space<vmem>> -> memref<80x128xf32, #tpu.memory_space<vmem>>
      %dma_start3A_121 = arith.constant 0 : i32
      %dma_start3A_122 = tpu.memref_slice %arg8[%dma_start3A_115, %dma_start3A_121] : memref<25x80xi32, #tpu.memory_space<vmem>> -> memref<1x80xi32, #tpu.memory_space<vmem>>
      %dma_start3A_123 = tpu.memref_squeeze %dma_start3A_122 : memref<1x80xi32, #tpu.memory_space<vmem>> -> memref<80xi32, #tpu.memory_space<vmem>>
      %dma_start3A_124 = arith.constant 0 : i32
      %dma_start3A_125 = arith.constant 0 : i32
      %dma_start3A_126 = tpu.memref_slice %arg2[%dma_start3A_124, %dma_start3A_125] : memref<10000x128xf32, #tpu.memory_space<hbm>> -> memref<10000x128xf32, #tpu.memory_space<hbm>>
      tpu.enqueue_indirect_dma source(%dma_start3A_126 : memref<10000x128xf32, #tpu.memory_space<hbm>>) target(%dma_start3A_120 : memref<80x128xf32, #tpu.memory_space<vmem>>) offsets(%dma_start3A_123 : memref<80xi32, #tpu.memory_space<vmem>>) semaphore(%arg14 : memref<!tpu.dma_semaphore, #tpu.memory_space<semaphore_mem>>)
      %dma_start3A_127 = arith.constant 1 : i32
      %dma_start3A_128 = arith.constant 1 : i32
      %dma_start3A_129 = arith.constant 0 : i32
      %dma_start3A_130 = arith.constant 0 : i32
      %dma_start3A_131 = tpu.memref_slice %arg12[%dma_start3A_128, %dma_start3A_129, %dma_start3A_130] : memref<3x80x128xf32, #tpu.memory_space<vmem>> -> memref<1x80x128xf32, #tpu.memory_space<vmem>>
      %dma_start3A_132 = tpu.memref_squeeze %dma_start3A_131 : memref<1x80x128xf32, #tpu.memory_space<vmem>> -> memref<80x128xf32, #tpu.memory_space<vmem>>
      %dma_start3A_133 = arith.constant 0 : i32
      %dma_start3A_134 = tpu.memref_slice %arg8[%dma_start3A_127, %dma_start3A_133] : memref<25x80xi32, #tpu.memory_space<vmem>> -> memref<1x80xi32, #tpu.memory_space<vmem>>
      %dma_start3A_135 = tpu.memref_squeeze %dma_start3A_134 : memref<1x80xi32, #tpu.memory_space<vmem>> -> memref<80xi32, #tpu.memory_space<vmem>>
      %dma_start3A_136 = arith.constant 0 : i32
      %dma_start3A_137 = arith.constant 0 : i32
      %dma_start3A_138 = tpu.memref_slice %arg2[%dma_start3A_136, %dma_start3A_137] : memref<10000x128xf32, #tpu.memory_space<hbm>> -> memref<10000x128xf32, #tpu.memory_space<hbm>>
      tpu.enqueue_indirect_dma source(%dma_start3A_138 : memref<10000x128xf32, #tpu.memory_space<hbm>>) target(%dma_start3A_132 : memref<80x128xf32, #tpu.memory_space<vmem>>) offsets(%dma_start3A_135 : memref<80xi32, #tpu.memory_space<vmem>>) semaphore(%arg15 : memref<!tpu.dma_semaphore, #tpu.memory_space<semaphore_mem>>)
      %scan3A_139 = arith.constant 0 : i32
      %scan3A_140 = arith.constant 24 : i32
      %scan3A_141 = arith.addi %scan3A_139, %scan3A_140 : i32
      %scan3A_142 = arith.constant 2 : i32
      scf.for %scan3A_272 = %scan3A_139 to %scan3A_141 step %scan3A_142  : i32 {
        %mul3A_273 = arith.constant 1 : i32
        %mul3A_274 = arith.muli %scan3A_272, %mul3A_273 : i32
        %add3A_275 = arith.constant 0 : i32
        %add3A_276 = arith.addi %add3A_275, %mul3A_274 : i32
        %get3A_277 = arith.index_cast %add3A_276 : i32 to index
        %get3A_278 = arith.constant 0 : index
        %get3A_279 = tpu.vector_load %arg8[%get3A_277, %get3A_278] {strides = array<i32>} : memref<25x80xi32, #tpu.memory_space<vmem>>, vector<16xi32>,
        %gather3A_280 = tpu.vector_load_idx %arg11[%get3A_279] : memref<10240xf32, #tpu.memory_space<vmem>>[vector<16xi32>], vector<16xf32>,
        %get3A_281 = arith.index_cast %add3A_276 : i32 to index
        %get3A_282 = arith.constant 0 : index
        %get3A_283 = tpu.vector_load %arg10[%get3A_281, %get3A_282] {strides = array<i32>} : memref<25x80xf32, #tpu.memory_space<vmem>>, vector<16xf32>,
        %mul3A_284 = arith.mulf %get3A_283, %gather3A_280 : vector<16xf32>
        %swap3A_285 = arith.index_cast %add3A_276 : i32 to index
        %swap3A_286 = arith.constant 0 : index
        %swap3A_287 = tpu.vector_load %arg10[%swap3A_285, %swap3A_286] {strides = array<i32>} : memref<25x80xf32, #tpu.memory_space<vmem>>, vector<16xf32>,
        tpu.vector_store %arg10[%swap3A_285, %swap3A_286], %mul3A_284 {strides = array<i32>} : memref<25x80xf32, #tpu.memory_space<vmem>>, vector<16xf32>,
        %get3A_288 = arith.index_cast %add3A_276 : i32 to index
        %get3A_289 = arith.constant 16 : index
        %get3A_290 = tpu.vector_load %arg8[%get3A_288, %get3A_289] {strides = array<i32>} : memref<25x80xi32, #tpu.memory_space<vmem>>, vector<16xi32>,
        %gather3A_291 = tpu.vector_load_idx %arg11[%get3A_290] : memref<10240xf32, #tpu.memory_space<vmem>>[vector<16xi32>], vector<16xf32>,
        %get3A_292 = arith.index_cast %add3A_276 : i32 to index
        %get3A_293 = arith.constant 16 : index
        %get3A_294 = tpu.vector_load %arg10[%get3A_292, %get3A_293] {strides = array<i32>} : memref<25x80xf32, #tpu.memory_space<vmem>>, vector<16xf32>,
        %mul3A_295 = arith.mulf %get3A_294, %gather3A_291 : vector<16xf32>
        %swap3A_296 = arith.index_cast %add3A_276 : i32 to index
        %swap3A_297 = arith.constant 16 : index
        %swap3A_298 = tpu.vector_load %arg10[%swap3A_296, %swap3A_297] {strides = array<i32>} : memref<25x80xf32, #tpu.memory_space<vmem>>, vector<16xf32>,
        tpu.vector_store %arg10[%swap3A_296, %swap3A_297], %mul3A_295 {strides = array<i32>} : memref<25x80xf32, #tpu.memory_space<vmem>>, vector<16xf32>,
        %get3A_299 = arith.index_cast %add3A_276 : i32 to index
        %get3A_300 = arith.constant 32 : index
        %get3A_301 = tpu.vector_load %arg8[%get3A_299, %get3A_300] {strides = array<i32>} : memref<25x80xi32, #tpu.memory_space<vmem>>, vector<16xi32>,
        %gather3A_302 = tpu.vector_load_idx %arg11[%get3A_301] : memref<10240xf32, #tpu.memory_space<vmem>>[vector<16xi32>], vector<16xf32>,
        %get3A_303 = arith.index_cast %add3A_276 : i32 to index
        %get3A_304 = arith.constant 32 : index
        %get3A_305 = tpu.vector_load %arg10[%get3A_303, %get3A_304] {strides = array<i32>} : memref<25x80xf32, #tpu.memory_space<vmem>>, vector<16xf32>,
        %mul3A_306 = arith.mulf %get3A_305, %gather3A_302 : vector<16xf32>
        %swap3A_307 = arith.index_cast %add3A_276 : i32 to index
        %swap3A_308 = arith.constant 32 : index
        %swap3A_309 = tpu.vector_load %arg10[%swap3A_307, %swap3A_308] {strides = array<i32>} : memref<25x80xf32, #tpu.memory_space<vmem>>, vector<16xf32>,
        tpu.vector_store %arg10[%swap3A_307, %swap3A_308], %mul3A_306 {strides = array<i32>} : memref<25x80xf32, #tpu.memory_space<vmem>>, vector<16xf32>,
        %get3A_310 = arith.index_cast %add3A_276 : i32 to index
        %get3A_311 = arith.constant 48 : index
        %get3A_312 = tpu.vector_load %arg8[%get3A_310, %get3A_311] {strides = array<i32>} : memref<25x80xi32, #tpu.memory_space<vmem>>, vector<16xi32>,
        %gather3A_313 = tpu.vector_load_idx %arg11[%get3A_312] : memref<10240xf32, #tpu.memory_space<vmem>>[vector<16xi32>], vector<16xf32>,
        %get3A_314 = arith.index_cast %add3A_276 : i32 to index
        %get3A_315 = arith.constant 48 : index
        %get3A_316 = tpu.vector_load %arg10[%get3A_314, %get3A_315] {strides = array<i32>} : memref<25x80xf32, #tpu.memory_space<vmem>>, vector<16xf32>,
        %mul3A_317 = arith.mulf %get3A_316, %gather3A_313 : vector<16xf32>
        %swap3A_318 = arith.index_cast %add3A_276 : i32 to index
        %swap3A_319 = arith.constant 48 : index
        %swap3A_320 = tpu.vector_load %arg10[%swap3A_318, %swap3A_319] {strides = array<i32>} : memref<25x80xf32, #tpu.memory_space<vmem>>, vector<16xf32>,
        tpu.vector_store %arg10[%swap3A_318, %swap3A_319], %mul3A_317 {strides = array<i32>} : memref<25x80xf32, #tpu.memory_space<vmem>>, vector<16xf32>,
        %get3A_321 = arith.index_cast %add3A_276 : i32 to index
        %get3A_322 = arith.constant 64 : index
        %get3A_323 = tpu.vector_load %arg8[%get3A_321, %get3A_322] {strides = array<i32>} : memref<25x80xi32, #tpu.memory_space<vmem>>, vector<16xi32>,
        %gather3A_324 = tpu.vector_load_idx %arg11[%get3A_323] : memref<10240xf32, #tpu.memory_space<vmem>>[vector<16xi32>], vector<16xf32>,
        %get3A_325 = arith.index_cast %add3A_276 : i32 to index
        %get3A_326 = arith.constant 64 : index
        %get3A_327 = tpu.vector_load %arg10[%get3A_325, %get3A_326] {strides = array<i32>} : memref<25x80xf32, #tpu.memory_space<vmem>>, vector<16xf32>,
        %mul3A_328 = arith.mulf %get3A_327, %gather3A_324 : vector<16xf32>
        %swap3A_329 = arith.index_cast %add3A_276 : i32 to index
        %swap3A_330 = arith.constant 64 : index
        %swap3A_331 = tpu.vector_load %arg10[%swap3A_329, %swap3A_330] {strides = array<i32>} : memref<25x80xf32, #tpu.memory_space<vmem>>, vector<16xf32>,
        tpu.vector_store %arg10[%swap3A_329, %swap3A_330], %mul3A_328 {strides = array<i32>} : memref<25x80xf32, #tpu.memory_space<vmem>>, vector<16xf32>,
        %scan3A_332 = arith.constant 1 : i32
        %scan3A_333 = arith.addi %scan3A_272, %scan3A_332 : i32
        %mul3A_334 = arith.constant 1 : i32
        %mul3A_335 = arith.muli %scan3A_333, %mul3A_334 : i32
        %add3A_336 = arith.constant 0 : i32
        %add3A_337 = arith.addi %add3A_336, %mul3A_335 : i32
        %get3A_338 = arith.index_cast %add3A_337 : i32 to index
        %get3A_339 = arith.constant 0 : index
        %get3A_340 = tpu.vector_load %arg8[%get3A_338, %get3A_339] {strides = array<i32>} : memref<25x80xi32, #tpu.memory_space<vmem>>, vector<16xi32>,
        %gather3A_341 = tpu.vector_load_idx %arg11[%get3A_340] : memref<10240xf32, #tpu.memory_space<vmem>>[vector<16xi32>], vector<16xf32>,
        %get3A_342 = arith.index_cast %add3A_337 : i32 to index
        %get3A_343 = arith.constant 0 : index
        %get3A_344 = tpu.vector_load %arg10[%get3A_342, %get3A_343] {strides = array<i32>} : memref<25x80xf32, #tpu.memory_space<vmem>>, vector<16xf32>,
        %mul3A_345 = arith.mulf %get3A_344, %gather3A_341 : vector<16xf32>
        %swap3A_346 = arith.index_cast %add3A_337 : i32 to index
        %swap3A_347 = arith.constant 0 : index
        %swap3A_348 = tpu.vector_load %arg10[%swap3A_346, %swap3A_347] {strides = array<i32>} : memref<25x80xf32, #tpu.memory_space<vmem>>, vector<16xf32>,
        tpu.vector_store %arg10[%swap3A_346, %swap3A_347], %mul3A_345 {strides = array<i32>} : memref<25x80xf32, #tpu.memory_space<vmem>>, vector<16xf32>,
        %get3A_349 = arith.index_cast %add3A_337 : i32 to index
        %get3A_350 = arith.constant 16 : index
        %get3A_351 = tpu.vector_load %arg8[%get3A_349, %get3A_350] {strides = array<i32>} : memref<25x80xi32, #tpu.memory_space<vmem>>, vector<16xi32>,
        %gather3A_352 = tpu.vector_load_idx %arg11[%get3A_351] : memref<10240xf32, #tpu.memory_space<vmem>>[vector<16xi32>], vector<16xf32>,
        %get3A_353 = arith.index_cast %add3A_337 : i32 to index
        %get3A_354 = arith.constant 16 : index
        %get3A_355 = tpu.vector_load %arg10[%get3A_353, %get3A_354] {strides = array<i32>} : memref<25x80xf32, #tpu.memory_space<vmem>>, vector<16xf32>,
        %mul3A_356 = arith.mulf %get3A_355, %gather3A_352 : vector<16xf32>
        %swap3A_357 = arith.index_cast %add3A_337 : i32 to index
        %swap3A_358 = arith.constant 16 : index
        %swap3A_359 = tpu.vector_load %arg10[%swap3A_357, %swap3A_358] {strides = array<i32>} : memref<25x80xf32, #tpu.memory_space<vmem>>, vector<16xf32>,
        tpu.vector_store %arg10[%swap3A_357, %swap3A_358], %mul3A_356 {strides = array<i32>} : memref<25x80xf32, #tpu.memory_space<vmem>>, vector<16xf32>,
        %get3A_360 = arith.index_cast %add3A_337 : i32 to index
        %get3A_361 = arith.constant 32 : index
        %get3A_362 = tpu.vector_load %arg8[%get3A_360, %get3A_361] {strides = array<i32>} : memref<25x80xi32, #tpu.memory_space<vmem>>, vector<16xi32>,
        %gather3A_363 = tpu.vector_load_idx %arg11[%get3A_362] : memref<10240xf32, #tpu.memory_space<vmem>>[vector<16xi32>], vector<16xf32>,
        %get3A_364 = arith.index_cast %add3A_337 : i32 to index
        %get3A_365 = arith.constant 32 : index
        %get3A_366 = tpu.vector_load %arg10[%get3A_364, %get3A_365] {strides = array<i32>} : memref<25x80xf32, #tpu.memory_space<vmem>>, vector<16xf32>,
        %mul3A_367 = arith.mulf %get3A_366, %gather3A_363 : vector<16xf32>
        %swap3A_368 = arith.index_cast %add3A_337 : i32 to index
        %swap3A_369 = arith.constant 32 : index
        %swap3A_370 = tpu.vector_load %arg10[%swap3A_368, %swap3A_369] {strides = array<i32>} : memref<25x80xf32, #tpu.memory_space<vmem>>, vector<16xf32>,
        tpu.vector_store %arg10[%swap3A_368, %swap3A_369], %mul3A_367 {strides = array<i32>} : memref<25x80xf32, #tpu.memory_space<vmem>>, vector<16xf32>,
        %get3A_371 = arith.index_cast %add3A_337 : i32 to index
        %get3A_372 = arith.constant 48 : index
        %get3A_373 = tpu.vector_load %arg8[%get3A_371, %get3A_372] {strides = array<i32>} : memref<25x80xi32, #tpu.memory_space<vmem>>, vector<16xi32>,
        %gather3A_374 = tpu.vector_load_idx %arg11[%get3A_373] : memref<10240xf32, #tpu.memory_space<vmem>>[vector<16xi32>], vector<16xf32>,
        %get3A_375 = arith.index_cast %add3A_337 : i32 to index
        %get3A_376 = arith.constant 48 : index
        %get3A_377 = tpu.vector_load %arg10[%get3A_375, %get3A_376] {strides = array<i32>} : memref<25x80xf32, #tpu.memory_space<vmem>>, vector<16xf32>,
        %mul3A_378 = arith.mulf %get3A_377, %gather3A_374 : vector<16xf32>
        %swap3A_379 = arith.index_cast %add3A_337 : i32 to index
        %swap3A_380 = arith.constant 48 : index
        %swap3A_381 = tpu.vector_load %arg10[%swap3A_379, %swap3A_380] {strides = array<i32>} : memref<25x80xf32, #tpu.memory_space<vmem>>, vector<16xf32>,
        tpu.vector_store %arg10[%swap3A_379, %swap3A_380], %mul3A_378 {strides = array<i32>} : memref<25x80xf32, #tpu.memory_space<vmem>>, vector<16xf32>,
        %get3A_382 = arith.index_cast %add3A_337 : i32 to index
        %get3A_383 = arith.constant 64 : index
        %get3A_384 = tpu.vector_load %arg8[%get3A_382, %get3A_383] {strides = array<i32>} : memref<25x80xi32, #tpu.memory_space<vmem>>, vector<16xi32>,
        %gather3A_385 = tpu.vector_load_idx %arg11[%get3A_384] : memref<10240xf32, #tpu.memory_space<vmem>>[vector<16xi32>], vector<16xf32>,
        %get3A_386 = arith.index_cast %add3A_337 : i32 to index
        %get3A_387 = arith.constant 64 : index
        %get3A_388 = tpu.vector_load %arg10[%get3A_386, %get3A_387] {strides = array<i32>} : memref<25x80xf32, #tpu.memory_space<vmem>>, vector<16xf32>,
        %mul3A_389 = arith.mulf %get3A_388, %gather3A_385 : vector<16xf32>
        %swap3A_390 = arith.index_cast %add3A_337 : i32 to index
        %swap3A_391 = arith.constant 64 : index
        %swap3A_392 = tpu.vector_load %arg10[%swap3A_390, %swap3A_391] {strides = array<i32>} : memref<25x80xf32, #tpu.memory_space<vmem>>, vector<16xf32>,
        tpu.vector_store %arg10[%swap3A_390, %swap3A_391], %mul3A_389 {strides = array<i32>} : memref<25x80xf32, #tpu.memory_space<vmem>>, vector<16xf32>,
      }
      %scan3A_143 = arith.constant 24 : i32
      %scan3A_144 = arith.addi %scan3A_139, %scan3A_143 : i32
      %mul3A_145 = arith.constant 1 : i32
      %mul3A_146 = arith.muli %scan3A_144, %mul3A_145 : i32
      %add3A_147 = arith.constant 0 : i32
      %add3A_148 = arith.addi %add3A_147, %mul3A_146 : i32
      %get3A = arith.index_cast %add3A_148 : i32 to index
      %get3A_149 = arith.constant 0 : index
      %get3A_150 = tpu.vector_load %arg8[%get3A, %get3A_149] {strides = array<i32>} : memref<25x80xi32, #tpu.memory_space<vmem>>, vector<16xi32>,
      %gather3A = tpu.vector_load_idx %arg11[%get3A_150] : memref<10240xf32, #tpu.memory_space<vmem>>[vector<16xi32>], vector<16xf32>,
      %get3A_151 = arith.index_cast %add3A_148 : i32 to index
      %get3A_152 = arith.constant 0 : index
      %get3A_153 = tpu.vector_load %arg10[%get3A_151, %get3A_152] {strides = array<i32>} : memref<25x80xf32, #tpu.memory_space<vmem>>, vector<16xf32>,
      %mul3A_154 = arith.mulf %get3A_153, %gather3A : vector<16xf32>
      %swap3A = arith.index_cast %add3A_148 : i32 to index
      %swap3A_155 = arith.constant 0 : index
      %swap3A_156 = tpu.vector_load %arg10[%swap3A, %swap3A_155] {strides = array<i32>} : memref<25x80xf32, #tpu.memory_space<vmem>>, vector<16xf32>,
      tpu.vector_store %arg10[%swap3A, %swap3A_155], %mul3A_154 {strides = array<i32>} : memref<25x80xf32, #tpu.memory_space<vmem>>, vector<16xf32>,
      %get3A_157 = arith.index_cast %add3A_148 : i32 to index
      %get3A_158 = arith.constant 16 : index
      %get3A_159 = tpu.vector_load %arg8[%get3A_157, %get3A_158] {strides = array<i32>} : memref<25x80xi32, #tpu.memory_space<vmem>>, vector<16xi32>,
      %gather3A_160 = tpu.vector_load_idx %arg11[%get3A_159] : memref<10240xf32, #tpu.memory_space<vmem>>[vector<16xi32>], vector<16xf32>,
      %get3A_161 = arith.index_cast %add3A_148 : i32 to index
      %get3A_162 = arith.constant 16 : index
      %get3A_163 = tpu.vector_load %arg10[%get3A_161, %get3A_162] {strides = array<i32>} : memref<25x80xf32, #tpu.memory_space<vmem>>, vector<16xf32>,
      %mul3A_164 = arith.mulf %get3A_163, %gather3A_160 : vector<16xf32>
      %swap3A_165 = arith.index_cast %add3A_148 : i32 to index
      %swap3A_166 = arith.constant 16 : index
      %swap3A_167 = tpu.vector_load %arg10[%swap3A_165, %swap3A_166] {strides = array<i32>} : memref<25x80xf32, #tpu.memory_space<vmem>>, vector<16xf32>,
      tpu.vector_store %arg10[%swap3A_165, %swap3A_166], %mul3A_164 {strides = array<i32>} : memref<25x80xf32, #tpu.memory_space<vmem>>, vector<16xf32>,
      %get3A_168 = arith.index_cast %add3A_148 : i32 to index
      %get3A_169 = arith.constant 32 : index
      %get3A_170 = tpu.vector_load %arg8[%get3A_168, %get3A_169] {strides = array<i32>} : memref<25x80xi32, #tpu.memory_space<vmem>>, vector<16xi32>,
      %gather3A_171 = tpu.vector_load_idx %arg11[%get3A_170] : memref<10240xf32, #tpu.memory_space<vmem>>[vector<16xi32>], vector<16xf32>,
      %get3A_172 = arith.index_cast %add3A_148 : i32 to index
      %get3A_173 = arith.constant 32 : index
      %get3A_174 = tpu.vector_load %arg10[%get3A_172, %get3A_173] {strides = array<i32>} : memref<25x80xf32, #tpu.memory_space<vmem>>, vector<16xf32>,
      %mul3A_175 = arith.mulf %get3A_174, %gather3A_171 : vector<16xf32>
      %swap3A_176 = arith.index_cast %add3A_148 : i32 to index
      %swap3A_177 = arith.constant 32 : index
      %swap3A_178 = tpu.vector_load %arg10[%swap3A_176, %swap3A_177] {strides = array<i32>} : memref<25x80xf32, #tpu.memory_space<vmem>>, vector<16xf32>,
      tpu.vector_store %arg10[%swap3A_176, %swap3A_177], %mul3A_175 {strides = array<i32>} : memref<25x80xf32, #tpu.memory_space<vmem>>, vector<16xf32>,
      %get3A_179 = arith.index_cast %add3A_148 : i32 to index
      %get3A_180 = arith.constant 48 : index
      %get3A_181 = tpu.vector_load %arg8[%get3A_179, %get3A_180] {strides = array<i32>} : memref<25x80xi32, #tpu.memory_space<vmem>>, vector<16xi32>,
      %gather3A_182 = tpu.vector_load_idx %arg11[%get3A_181] : memref<10240xf32, #tpu.memory_space<vmem>>[vector<16xi32>], vector<16xf32>,
      %get3A_183 = arith.index_cast %add3A_148 : i32 to index
      %get3A_184 = arith.constant 48 : index
      %get3A_185 = tpu.vector_load %arg10[%get3A_183, %get3A_184] {strides = array<i32>} : memref<25x80xf32, #tpu.memory_space<vmem>>, vector<16xf32>,
      %mul3A_186 = arith.mulf %get3A_185, %gather3A_182 : vector<16xf32>
      %swap3A_187 = arith.index_cast %add3A_148 : i32 to index
      %swap3A_188 = arith.constant 48 : index
      %swap3A_189 = tpu.vector_load %arg10[%swap3A_187, %swap3A_188] {strides = array<i32>} : memref<25x80xf32, #tpu.memory_space<vmem>>, vector<16xf32>,
      tpu.vector_store %arg10[%swap3A_187, %swap3A_188], %mul3A_186 {strides = array<i32>} : memref<25x80xf32, #tpu.memory_space<vmem>>, vector<16xf32>,
      %get3A_190 = arith.index_cast %add3A_148 : i32 to index
      %get3A_191 = arith.constant 64 : index
      %get3A_192 = tpu.vector_load %arg8[%get3A_190, %get3A_191] {strides = array<i32>} : memref<25x80xi32, #tpu.memory_space<vmem>>, vector<16xi32>,
      %gather3A_193 = tpu.vector_load_idx %arg11[%get3A_192] : memref<10240xf32, #tpu.memory_space<vmem>>[vector<16xi32>], vector<16xf32>,
      %get3A_194 = arith.index_cast %add3A_148 : i32 to index
      %get3A_195 = arith.constant 64 : index
      %get3A_196 = tpu.vector_load %arg10[%get3A_194, %get3A_195] {strides = array<i32>} : memref<25x80xf32, #tpu.memory_space<vmem>>, vector<16xf32>,
      %mul3A_197 = arith.mulf %get3A_196, %gather3A_193 : vector<16xf32>
      %swap3A_198 = arith.index_cast %add3A_148 : i32 to index
      %swap3A_199 = arith.constant 64 : index
      %swap3A_200 = tpu.vector_load %arg10[%swap3A_198, %swap3A_199] {strides = array<i32>} : memref<25x80xf32, #tpu.memory_space<vmem>>, vector<16xf32>,
      tpu.vector_store %arg10[%swap3A_198, %swap3A_199], %mul3A_197 {strides = array<i32>} : memref<25x80xf32, #tpu.memory_space<vmem>>, vector<16xf32>,
      %scan3A_201 = arith.constant 25 : i32
      %scan3A_202 = arith.constant 0 : i32
      %scan3A_203 = arith.constant 8 : i32
      %scan3A_204 = arith.addi %scan3A_202, %scan3A_203 : i32
      %scan3A_205 = arith.constant 1 : i32
      scf.for %scan3A_272 = %scan3A_202 to %scan3A_204 step %scan3A_205  : i32 {
        %mul3A_273 = arith.constant 3 : i32
        %mul3A_274 = arith.muli %scan3A_272, %mul3A_273 : i32
        %add3A_275 = arith.constant 0 : i32
        %add3A_276 = arith.addi %add3A_275, %mul3A_274 : i32
        %add3A_277 = arith.constant 0 : i32
        %add3A_278 = arith.addi %add3A_276, %add3A_277 : i32
        %dma_wait3A_279 = arith.constant 0 : i32
        %dma_wait3A_280 = arith.constant 0 : i32
        %dma_wait3A_281 = arith.constant 0 : i32
        %dma_wait3A_282 = tpu.memref_slice %arg12[%dma_wait3A_279, %dma_wait3A_280, %dma_wait3A_281] : memref<3x80x128xf32, #tpu.memory_space<vmem>> -> memref<1x80x128xf32, #tpu.memory_space<vmem>>
        %dma_wait3A_283 = tpu.memref_squeeze %dma_wait3A_282 : memref<1x80x128xf32, #tpu.memory_space<vmem>> -> memref<80x128xf32, #tpu.memory_space<vmem>>
        %dma_wait3A_284 = arith.constant 0 : i32
        %dma_wait3A_285 = tpu.memref_slice %arg8[%add3A_278, %dma_wait3A_284] : memref<25x80xi32, #tpu.memory_space<vmem>> -> memref<1x80xi32, #tpu.memory_space<vmem>>
        %dma_wait3A_286 = tpu.memref_squeeze %dma_wait3A_285 : memref<1x80xi32, #tpu.memory_space<vmem>> -> memref<80xi32, #tpu.memory_space<vmem>>
        %dma_wait3A_287 = arith.constant 0 : i32
        %dma_wait3A_288 = arith.constant 0 : i32
        %dma_wait3A_289 = tpu.memref_slice %arg2[%dma_wait3A_287, %dma_wait3A_288] : memref<10000x128xf32, #tpu.memory_space<hbm>> -> memref<10000x128xf32, #tpu.memory_space<hbm>>
        tpu.wait_indirect_dma semaphore(%arg14 : memref<!tpu.dma_semaphore, #tpu.memory_space<semaphore_mem>>) src(%dma_wait3A_289 : memref<10000x128xf32, #tpu.memory_space<hbm>>) dst(%dma_wait3A_283 : memref<80x128xf32, #tpu.memory_space<vmem>>)
        %scan3A_290 = arith.constant 0 : i32
        %scan3A_291 = arith.constant 80 : i32
        %scan3A_292 = arith.addi %scan3A_290, %scan3A_291 : i32
        %scan3A_293 = arith.constant 4 : i32
        scf.for %scan3A_376 = %scan3A_290 to %scan3A_292 step %scan3A_293  : i32 {
          %mul3A_377 = arith.constant 1 : i32
          %mul3A_378 = arith.muli %scan3A_376, %mul3A_377 : i32
          %add3A_379 = arith.constant 0 : i32
          %add3A_380 = arith.addi %add3A_379, %mul3A_378 : i32
          %add3A_381 = vector.broadcast %add3A_278 : i32 to vector<16xi32>
          %add3A_382 = arith.addi %broadcast_in_dim3A_2, %add3A_381 : vector<16xi32>
          %add3A_383 = vector.broadcast %add3A_380 : i32 to vector<16xi32>
          %add3A_384 = arith.addi %broadcast_in_dim3A_2, %add3A_383 : vector<16xi32>
          %gather3A_385 = tpu.vector_load_idx %arg10[%add3A_382, %add3A_384] : memref<25x80xf32, #tpu.memory_space<vmem>>[vector<16xi32>, vector<16xi32>], vector<16xf32>,
          %get3A_386 = arith.constant 0 : i32
          %get3A_387 = arith.index_cast %get3A_386 : i32 to index
          %get3A_388 = arith.index_cast %add3A_380 : i32 to index
          %get3A_389 = arith.constant 0 : index
          %get3A_390 = tpu.vector_load %arg12[%get3A_387, %get3A_388, %get3A_389] {strides = array<i32>} : memref<3x80x128xf32, #tpu.memory_space<vmem>>, vector<16xf32>,
          %mul3A_391 = arith.mulf %get3A_390, %gather3A_385 : vector<16xf32>
          %swap3A_392 = arith.constant 0 : i32
          %swap3A_393 = arith.index_cast %swap3A_392 : i32 to index
          %swap3A_394 = arith.index_cast %add3A_380 : i32 to index
          %swap3A_395 = arith.constant 0 : index
          %swap3A_396 = tpu.vector_load %arg12[%swap3A_393, %swap3A_394, %swap3A_395] {strides = array<i32>} : memref<3x80x128xf32, #tpu.memory_space<vmem>>, vector<16xf32>,
          tpu.vector_store %arg12[%swap3A_393, %swap3A_394, %swap3A_395], %mul3A_391 {strides = array<i32>} : memref<3x80x128xf32, #tpu.memory_space<vmem>>, vector<16xf32>,
          %get3A_397 = arith.constant 0 : i32
          %get3A_398 = arith.index_cast %get3A_397 : i32 to index
          %get3A_399 = arith.index_cast %add3A_380 : i32 to index
          %get3A_400 = arith.constant 16 : index
          %get3A_401 = tpu.vector_load %arg12[%get3A_398, %get3A_399, %get3A_400] {strides = array<i32>} : memref<3x80x128xf32, #tpu.memory_space<vmem>>, vector<16xf32>,
          %mul3A_402 = arith.mulf %get3A_401, %gather3A_385 : vector<16xf32>
          %swap3A_403 = arith.constant 0 : i32
          %swap3A_404 = arith.index_cast %swap3A_403 : i32 to index
          %swap3A_405 = arith.index_cast %add3A_380 : i32 to index
          %swap3A_406 = arith.constant 16 : index
          %swap3A_407 = tpu.vector_load %arg12[%swap3A_404, %swap3A_405, %swap3A_406] {strides = array<i32>} : memref<3x80x128xf32, #tpu.memory_space<vmem>>, vector<16xf32>,
          tpu.vector_store %arg12[%swap3A_404, %swap3A_405, %swap3A_406], %mul3A_402 {strides = array<i32>} : memref<3x80x128xf32, #tpu.memory_space<vmem>>, vector<16xf32>,
          %get3A_408 = arith.constant 0 : i32
          %get3A_409 = arith.index_cast %get3A_408 : i32 to index
          %get3A_410 = arith.index_cast %add3A_380 : i32 to index
          %get3A_411 = arith.constant 32 : index
          %get3A_412 = tpu.vector_load %arg12[%get3A_409, %get3A_410, %get3A_411] {strides = array<i32>} : memref<3x80x128xf32, #tpu.memory_space<vmem>>, vector<16xf32>,
          %mul3A_413 = arith.mulf %get3A_412, %gather3A_385 : vector<16xf32>
          %swap3A_414 = arith.constant 0 : i32
          %swap3A_415 = arith.index_cast %swap3A_414 : i32 to index
          %swap3A_416 = arith.index_cast %add3A_380 : i32 to index
          %swap3A_417 = arith.constant 32 : index
          %swap3A_418 = tpu.vector_load %arg12[%swap3A_415, %swap3A_416, %swap3A_417] {strides = array<i32>} : memref<3x80x128xf32, #tpu.memory_space<vmem>>, vector<16xf32>,
          tpu.vector_store %arg12[%swap3A_415, %swap3A_416, %swap3A_417], %mul3A_413 {strides = array<i32>} : memref<3x80x128xf32, #tpu.memory_space<vmem>>, vector<16xf32>,
          %get3A_419 = arith.constant 0 : i32
          %get3A_420 = arith.index_cast %get3A_419 : i32 to index
          %get3A_421 = arith.index_cast %add3A_380 : i32 to index
          %get3A_422 = arith.constant 48 : index
          %get3A_423 = tpu.vector_load %arg12[%get3A_420, %get3A_421, %get3A_422] {strides = array<i32>} : memref<3x80x128xf32, #tpu.memory_space<vmem>>, vector<16xf32>,
          %mul3A_424 = arith.mulf %get3A_423, %gather3A_385 : vector<16xf32>
          %swap3A_425 = arith.constant 0 : i32
          %swap3A_426 = arith.index_cast %swap3A_425 : i32 to index
          %swap3A_427 = arith.index_cast %add3A_380 : i32 to index
          %swap3A_428 = arith.constant 48 : index
          %swap3A_429 = tpu.vector_load %arg12[%swap3A_426, %swap3A_427, %swap3A_428] {strides = array<i32>} : memref<3x80x128xf32, #tpu.memory_space<vmem>>, vector<16xf32>,
          tpu.vector_store %arg12[%swap3A_426, %swap3A_427, %swap3A_428], %mul3A_424 {strides = array<i32>} : memref<3x80x128xf32, #tpu.memory_space<vmem>>, vector<16xf32>,
          %get3A_430 = arith.constant 0 : i32
          %get3A_431 = arith.index_cast %get3A_430 : i32 to index
          %get3A_432 = arith.index_cast %add3A_380 : i32 to index
          %get3A_433 = arith.constant 64 : index
          %get3A_434 = tpu.vector_load %arg12[%get3A_431, %get3A_432, %get3A_433] {strides = array<i32>} : memref<3x80x128xf32, #tpu.memory_space<vmem>>, vector<16xf32>,
          %mul3A_435 = arith.mulf %get3A_434, %gather3A_385 : vector<16xf32>
          %swap3A_436 = arith.constant 0 : i32
          %swap3A_437 = arith.index_cast %swap3A_436 : i32 to index
          %swap3A_438 = arith.index_cast %add3A_380 : i32 to index
          %swap3A_439 = arith.constant 64 : index
          %swap3A_440 = tpu.vector_load %arg12[%swap3A_437, %swap3A_438, %swap3A_439] {strides = array<i32>} : memref<3x80x128xf32, #tpu.memory_space<vmem>>, vector<16xf32>,
          tpu.vector_store %arg12[%swap3A_437, %swap3A_438, %swap3A_439], %mul3A_435 {strides = array<i32>} : memref<3x80x128xf32, #tpu.memory_space<vmem>>, vector<16xf32>,
          %get3A_441 = arith.constant 0 : i32
          %get3A_442 = arith.index_cast %get3A_441 : i32 to index
          %get3A_443 = arith.index_cast %add3A_380 : i32 to index
          %get3A_444 = arith.constant 80 : index
          %get3A_445 = tpu.vector_load %arg12[%get3A_442, %get3A_443, %get3A_444] {strides = array<i32>} : memref<3x80x128xf32, #tpu.memory_space<vmem>>, vector<16xf32>,
          %mul3A_446 = arith.mulf %get3A_445, %gather3A_385 : vector<16xf32>
          %swap3A_447 = arith.constant 0 : i32
          %swap3A_448 = arith.index_cast %swap3A_447 : i32 to index
          %swap3A_449 = arith.index_cast %add3A_380 : i32 to index
          %swap3A_450 = arith.constant 80 : index
          %swap3A_451 = tpu.vector_load %arg12[%swap3A_448, %swap3A_449, %swap3A_450] {strides = array<i32>} : memref<3x80x128xf32, #tpu.memory_space<vmem>>, vector<16xf32>,
          tpu.vector_store %arg12[%swap3A_448, %swap3A_449, %swap3A_450], %mul3A_446 {strides = array<i32>} : memref<3x80x128xf32, #tpu.memory_space<vmem>>, vector<16xf32>,
          %get3A_452 = arith.constant 0 : i32
          %get3A_453 = arith.index_cast %get3A_452 : i32 to index
          %get3A_454 = arith.index_cast %add3A_380 : i32 to index
          %get3A_455 = arith.constant 96 : index
          %get3A_456 = tpu.vector_load %arg12[%get3A_453, %get3A_454, %get3A_455] {strides = array<i32>} : memref<3x80x128xf32, #tpu.memory_space<vmem>>, vector<16xf32>,
          %mul3A_457 = arith.mulf %get3A_456, %gather3A_385 : vector<16xf32>
          %swap3A_458 = arith.constant 0 : i32
          %swap3A_459 = arith.index_cast %swap3A_458 : i32 to index
          %swap3A_460 = arith.index_cast %add3A_380 : i32 to index
          %swap3A_461 = arith.constant 96 : index
          %swap3A_462 = tpu.vector_load %arg12[%swap3A_459, %swap3A_460, %swap3A_461] {strides = array<i32>} : memref<3x80x128xf32, #tpu.memory_space<vmem>>, vector<16xf32>,
          tpu.vector_store %arg12[%swap3A_459, %swap3A_460, %swap3A_461], %mul3A_457 {strides = array<i32>} : memref<3x80x128xf32, #tpu.memory_space<vmem>>, vector<16xf32>,
          %get3A_463 = arith.constant 0 : i32
          %get3A_464 = arith.index_cast %get3A_463 : i32 to index
          %get3A_465 = arith.index_cast %add3A_380 : i32 to index
          %get3A_466 = arith.constant 112 : index
          %get3A_467 = tpu.vector_load %arg12[%get3A_464, %get3A_465, %get3A_466] {strides = array<i32>} : memref<3x80x128xf32, #tpu.memory_space<vmem>>, vector<16xf32>,
          %mul3A_468 = arith.mulf %get3A_467, %gather3A_385 : vector<16xf32>
          %swap3A_469 = arith.constant 0 : i32
          %swap3A_470 = arith.index_cast %swap3A_469 : i32 to index
          %swap3A_471 = arith.index_cast %add3A_380 : i32 to index
          %swap3A_472 = arith.constant 112 : index
          %swap3A_473 = tpu.vector_load %arg12[%swap3A_470, %swap3A_471, %swap3A_472] {strides = array<i32>} : memref<3x80x128xf32, #tpu.memory_space<vmem>>, vector<16xf32>,
          tpu.vector_store %arg12[%swap3A_470, %swap3A_471, %swap3A_472], %mul3A_468 {strides = array<i32>} : memref<3x80x128xf32, #tpu.memory_space<vmem>>, vector<16xf32>,
          %scan3A_474 = arith.constant 1 : i32
          %scan3A_475 = arith.addi %scan3A_376, %scan3A_474 : i32
          %mul3A_476 = arith.constant 1 : i32
          %mul3A_477 = arith.muli %scan3A_475, %mul3A_476 : i32
          %add3A_478 = arith.constant 0 : i32
          %add3A_479 = arith.addi %add3A_478, %mul3A_477 : i32
          %add3A_480 = vector.broadcast %add3A_278 : i32 to vector<16xi32>
          %add3A_481 = arith.addi %broadcast_in_dim3A_2, %add3A_480 : vector<16xi32>
          %add3A_482 = vector.broadcast %add3A_479 : i32 to vector<16xi32>
          %add3A_483 = arith.addi %broadcast_in_dim3A_2, %add3A_482 : vector<16xi32>
          %gather3A_484 = tpu.vector_load_idx %arg10[%add3A_481, %add3A_483] : memref<25x80xf32, #tpu.memory_space<vmem>>[vector<16xi32>, vector<16xi32>], vector<16xf32>,
          %get3A_485 = arith.constant 0 : i32
          %get3A_486 = arith.index_cast %get3A_485 : i32 to index
          %get3A_487 = arith.index_cast %add3A_479 : i32 to index
          %get3A_488 = arith.constant 0 : index
          %get3A_489 = tpu.vector_load %arg12[%get3A_486, %get3A_487, %get3A_488] {strides = array<i32>} : memref<3x80x128xf32, #tpu.memory_space<vmem>>, vector<16xf32>,
          %mul3A_490 = arith.mulf %get3A_489, %gather3A_484 : vector<16xf32>
          %swap3A_491 = arith.constant 0 : i32
          %swap3A_492 = arith.index_cast %swap3A_491 : i32 to index
          %swap3A_493 = arith.index_cast %add3A_479 : i32 to index
          %swap3A_494 = arith.constant 0 : index
          %swap3A_495 = tpu.vector_load %arg12[%swap3A_492, %swap3A_493, %swap3A_494] {strides = array<i32>} : memref<3x80x128xf32, #tpu.memory_space<vmem>>, vector<16xf32>,
          tpu.vector_store %arg12[%swap3A_492, %swap3A_493, %swap3A_494], %mul3A_490 {strides = array<i32>} : memref<3x80x128xf32, #tpu.memory_space<vmem>>, vector<16xf32>,
          %get3A_496 = arith.constant 0 : i32
          %get3A_497 = arith.index_cast %get3A_496 : i32 to index
          %get3A_498 = arith.index_cast %add3A_479 : i32 to index
          %get3A_499 = arith.constant 16 : index
          %get3A_500 = tpu.vector_load %arg12[%get3A_497, %get3A_498, %get3A_499] {strides = array<i32>} : memref<3x80x128xf32, #tpu.memory_space<vmem>>, vector<16xf32>,
          %mul3A_501 = arith.mulf %get3A_500, %gather3A_484 : vector<16xf32>
          %swap3A_502 = arith.constant 0 : i32
          %swap3A_503 = arith.index_cast %swap3A_502 : i32 to index
          %swap3A_504 = arith.index_cast %add3A_479 : i32 to index
          %swap3A_505 = arith.constant 16 : index
          %swap3A_506 = tpu.vector_load %arg12[%swap3A_503, %swap3A_504, %swap3A_505] {strides = array<i32>} : memref<3x80x128xf32, #tpu.memory_space<vmem>>, vector<16xf32>,
          tpu.vector_store %arg12[%swap3A_503, %swap3A_504, %swap3A_505], %mul3A_501 {strides = array<i32>} : memref<3x80x128xf32, #tpu.memory_space<vmem>>, vector<16xf32>,
          %get3A_507 = arith.constant 0 : i32
          %get3A_508 = arith.index_cast %get3A_507 : i32 to index
          %get3A_509 = arith.index_cast %add3A_479 : i32 to index
          %get3A_510 = arith.constant 32 : index
          %get3A_511 = tpu.vector_load %arg12[%get3A_508, %get3A_509, %get3A_510] {strides = array<i32>} : memref<3x80x128xf32, #tpu.memory_space<vmem>>, vector<16xf32>,
          %mul3A_512 = arith.mulf %get3A_511, %gather3A_484 : vector<16xf32>
          %swap3A_513 = arith.constant 0 : i32
          %swap3A_514 = arith.index_cast %swap3A_513 : i32 to index
          %swap3A_515 = arith.index_cast %add3A_479 : i32 to index
          %swap3A_516 = arith.constant 32 : index
          %swap3A_517 = tpu.vector_load %arg12[%swap3A_514, %swap3A_515, %swap3A_516] {strides = array<i32>} : memref<3x80x128xf32, #tpu.memory_space<vmem>>, vector<16xf32>,
          tpu.vector_store %arg12[%swap3A_514, %swap3A_515, %swap3A_516], %mul3A_512 {strides = array<i32>} : memref<3x80x128xf32, #tpu.memory_space<vmem>>, vector<16xf32>,
          %get3A_518 = arith.constant 0 : i32
          %get3A_519 = arith.index_cast %get3A_518 : i32 to index
          %get3A_520 = arith.index_cast %add3A_479 : i32 to index
          %get3A_521 = arith.constant 48 : index
          %get3A_522 = tpu.vector_load %arg12[%get3A_519, %get3A_520, %get3A_521] {strides = array<i32>} : memref<3x80x128xf32, #tpu.memory_space<vmem>>, vector<16xf32>,
          %mul3A_523 = arith.mulf %get3A_522, %gather3A_484 : vector<16xf32>
          %swap3A_524 = arith.constant 0 : i32
          %swap3A_525 = arith.index_cast %swap3A_524 : i32 to index
          %swap3A_526 = arith.index_cast %add3A_479 : i32 to index
          %swap3A_527 = arith.constant 48 : index
          %swap3A_528 = tpu.vector_load %arg12[%swap3A_525, %swap3A_526, %swap3A_527] {strides = array<i32>} : memref<3x80x128xf32, #tpu.memory_space<vmem>>, vector<16xf32>,
          tpu.vector_store %arg12[%swap3A_525, %swap3A_526, %swap3A_527], %mul3A_523 {strides = array<i32>} : memref<3x80x128xf32, #tpu.memory_space<vmem>>, vector<16xf32>,
          %get3A_529 = arith.constant 0 : i32
          %get3A_530 = arith.index_cast %get3A_529 : i32 to index
          %get3A_531 = arith.index_cast %add3A_479 : i32 to index
          %get3A_532 = arith.constant 64 : index
          %get3A_533 = tpu.vector_load %arg12[%get3A_530, %get3A_531, %get3A_532] {strides = array<i32>} : memref<3x80x128xf32, #tpu.memory_space<vmem>>, vector<16xf32>,
          %mul3A_534 = arith.mulf %get3A_533, %gather3A_484 : vector<16xf32>
          %swap3A_535 = arith.constant 0 : i32
          %swap3A_536 = arith.index_cast %swap3A_535 : i32 to index
          %swap3A_537 = arith.index_cast %add3A_479 : i32 to index
          %swap3A_538 = arith.constant 64 : index
          %swap3A_539 = tpu.vector_load %arg12[%swap3A_536, %swap3A_537, %swap3A_538] {strides = array<i32>} : memref<3x80x128xf32, #tpu.memory_space<vmem>>, vector<16xf32>,
          tpu.vector_store %arg12[%swap3A_536, %swap3A_537, %swap3A_538], %mul3A_534 {strides = array<i32>} : memref<3x80x128xf32, #tpu.memory_space<vmem>>, vector<16xf32>,
          %get3A_540 = arith.constant 0 : i32
          %get3A_541 = arith.index_cast %get3A_540 : i32 to index
          %get3A_542 = arith.index_cast %add3A_479 : i32 to index
          %get3A_543 = arith.constant 80 : index
          %get3A_544 = tpu.vector_load %arg12[%get3A_541, %get3A_542, %get3A_543] {strides = array<i32>} : memref<3x80x128xf32, #tpu.memory_space<vmem>>, vector<16xf32>,
          %mul3A_545 = arith.mulf %get3A_544, %gather3A_484 : vector<16xf32>
          %swap3A_546 = arith.constant 0 : i32
          %swap3A_547 = arith.index_cast %swap3A_546 : i32 to index
          %swap3A_548 = arith.index_cast %add3A_479 : i32 to index
          %swap3A_549 = arith.constant 80 : index
          %swap3A_550 = tpu.vector_load %arg12[%swap3A_547, %swap3A_548, %swap3A_549] {strides = array<i32>} : memref<3x80x128xf32, #tpu.memory_space<vmem>>, vector<16xf32>,
          tpu.vector_store %arg12[%swap3A_547, %swap3A_548, %swap3A_549], %mul3A_545 {strides = array<i32>} : memref<3x80x128xf32, #tpu.memory_space<vmem>>, vector<16xf32>,
          %get3A_551 = arith.constant 0 : i32
          %get3A_552 = arith.index_cast %get3A_551 : i32 to index
          %get3A_553 = arith.index_cast %add3A_479 : i32 to index
          %get3A_554 = arith.constant 96 : index
          %get3A_555 = tpu.vector_load %arg12[%get3A_552, %get3A_553, %get3A_554] {strides = array<i32>} : memref<3x80x128xf32, #tpu.memory_space<vmem>>, vector<16xf32>,
          %mul3A_556 = arith.mulf %get3A_555, %gather3A_484 : vector<16xf32>
          %swap3A_557 = arith.constant 0 : i32
          %swap3A_558 = arith.index_cast %swap3A_557 : i32 to index
          %swap3A_559 = arith.index_cast %add3A_479 : i32 to index
          %swap3A_560 = arith.constant 96 : index
          %swap3A_561 = tpu.vector_load %arg12[%swap3A_558, %swap3A_559, %swap3A_560] {strides = array<i32>} : memref<3x80x128xf32, #tpu.memory_space<vmem>>, vector<16xf32>,
          tpu.vector_store %arg12[%swap3A_558, %swap3A_559, %swap3A_560], %mul3A_556 {strides = array<i32>} : memref<3x80x128xf32, #tpu.memory_space<vmem>>, vector<16xf32>,
          %get3A_562 = arith.constant 0 : i32
          %get3A_563 = arith.index_cast %get3A_562 : i32 to index
          %get3A_564 = arith.index_cast %add3A_479 : i32 to index
          %get3A_565 = arith.constant 112 : index
          %get3A_566 = tpu.vector_load %arg12[%get3A_563, %get3A_564, %get3A_565] {strides = array<i32>} : memref<3x80x128xf32, #tpu.memory_space<vmem>>, vector<16xf32>,
          %mul3A_567 = arith.mulf %get3A_566, %gather3A_484 : vector<16xf32>
          %swap3A_568 = arith.constant 0 : i32
          %swap3A_569 = arith.index_cast %swap3A_568 : i32 to index
          %swap3A_570 = arith.index_cast %add3A_479 : i32 to index
          %swap3A_571 = arith.constant 112 : index
          %swap3A_572 = tpu.vector_load %arg12[%swap3A_569, %swap3A_570, %swap3A_571] {strides = array<i32>} : memref<3x80x128xf32, #tpu.memory_space<vmem>>, vector<16xf32>,
          tpu.vector_store %arg12[%swap3A_569, %swap3A_570, %swap3A_571], %mul3A_567 {strides = array<i32>} : memref<3x80x128xf32, #tpu.memory_space<vmem>>, vector<16xf32>,
          %scan3A_573 = arith.constant 2 : i32
          %scan3A_574 = arith.addi %scan3A_376, %scan3A_573 : i32
          %mul3A_575 = arith.constant 1 : i32
          %mul3A_576 = arith.muli %scan3A_574, %mul3A_575 : i32
          %add3A_577 = arith.constant 0 : i32
          %add3A_578 = arith.addi %add3A_577, %mul3A_576 : i32
          %add3A_579 = vector.broadcast %add3A_278 : i32 to vector<16xi32>
          %add3A_580 = arith.addi %broadcast_in_dim3A_2, %add3A_579 : vector<16xi32>
          %add3A_581 = vector.broadcast %add3A_578 : i32 to vector<16xi32>
          %add3A_582 = arith.addi %broadcast_in_dim3A_2, %add3A_581 : vector<16xi32>
          %gather3A_583 = tpu.vector_load_idx %arg10[%add3A_580, %add3A_582] : memref<25x80xf32, #tpu.memory_space<vmem>>[vector<16xi32>, vector<16xi32>], vector<16xf32>,
          %get3A_584 = arith.constant 0 : i32
          %get3A_585 = arith.index_cast %get3A_584 : i32 to index
          %get3A_586 = arith.index_cast %add3A_578 : i32 to index
          %get3A_587 = arith.constant 0 : index
          %get3A_588 = tpu.vector_load %arg12[%get3A_585, %get3A_586, %get3A_587] {strides = array<i32>} : memref<3x80x128xf32, #tpu.memory_space<vmem>>, vector<16xf32>,
          %mul3A_589 = arith.mulf %get3A_588, %gather3A_583 : vector<16xf32>
          %swap3A_590 = arith.constant 0 : i32
          %swap3A_591 = arith.index_cast %swap3A_590 : i32 to index
          %swap3A_592 = arith.index_cast %add3A_578 : i32 to index
          %swap3A_593 = arith.constant 0 : index
          %swap3A_594 = tpu.vector_load %arg12[%swap3A_591, %swap3A_592, %swap3A_593] {strides = array<i32>} : memref<3x80x128xf32, #tpu.memory_space<vmem>>, vector<16xf32>,
          tpu.vector_store %arg12[%swap3A_591, %swap3A_592, %swap3A_593], %mul3A_589 {strides = array<i32>} : memref<3x80x128xf32, #tpu.memory_space<vmem>>, vector<16xf32>,
          %get3A_595 = arith.constant 0 : i32
          %get3A_596 = arith.index_cast %get3A_595 : i32 to index
          %get3A_597 = arith.index_cast %add3A_578 : i32 to index
          %get3A_598 = arith.constant 16 : index
          %get3A_599 = tpu.vector_load %arg12[%get3A_596, %get3A_597, %get3A_598] {strides = array<i32>} : memref<3x80x128xf32, #tpu.memory_space<vmem>>, vector<16xf32>,
          %mul3A_600 = arith.mulf %get3A_599, %gather3A_583 : vector<16xf32>
          %swap3A_601 = arith.constant 0 : i32
          %swap3A_602 = arith.index_cast %swap3A_601 : i32 to index
          %swap3A_603 = arith.index_cast %add3A_578 : i32 to index
          %swap3A_604 = arith.constant 16 : index
          %swap3A_605 = tpu.vector_load %arg12[%swap3A_602, %swap3A_603, %swap3A_604] {strides = array<i32>} : memref<3x80x128xf32, #tpu.memory_space<vmem>>, vector<16xf32>,
          tpu.vector_store %arg12[%swap3A_602, %swap3A_603, %swap3A_604], %mul3A_600 {strides = array<i32>} : memref<3x80x128xf32, #tpu.memory_space<vmem>>, vector<16xf32>,
          %get3A_606 = arith.constant 0 : i32
          %get3A_607 = arith.index_cast %get3A_606 : i32 to index
          %get3A_608 = arith.index_cast %add3A_578 : i32 to index
          %get3A_609 = arith.constant 32 : index
          %get3A_610 = tpu.vector_load %arg12[%get3A_607, %get3A_608, %get3A_609] {strides = array<i32>} : memref<3x80x128xf32, #tpu.memory_space<vmem>>, vector<16xf32>,
          %mul3A_611 = arith.mulf %get3A_610, %gather3A_583 : vector<16xf32>
          %swap3A_612 = arith.constant 0 : i32
          %swap3A_613 = arith.index_cast %swap3A_612 : i32 to index
          %swap3A_614 = arith.index_cast %add3A_578 : i32 to index
          %swap3A_615 = arith.constant 32 : index
          %swap3A_616 = tpu.vector_load %arg12[%swap3A_613, %swap3A_614, %swap3A_615] {strides = array<i32>} : memref<3x80x128xf32, #tpu.memory_space<vmem>>, vector<16xf32>,
          tpu.vector_store %arg12[%swap3A_613, %swap3A_614, %swap3A_615], %mul3A_611 {strides = array<i32>} : memref<3x80x128xf32, #tpu.memory_space<vmem>>, vector<16xf32>,
          %get3A_617 = arith.constant 0 : i32
          %get3A_618 = arith.index_cast %get3A_617 : i32 to index
          %get3A_619 = arith.index_cast %add3A_578 : i32 to index
          %get3A_620 = arith.constant 48 : index
          %get3A_621 = tpu.vector_load %arg12[%get3A_618, %get3A_619, %get3A_620] {strides = array<i32>} : memref<3x80x128xf32, #tpu.memory_space<vmem>>, vector<16xf32>,
          %mul3A_622 = arith.mulf %get3A_621, %gather3A_583 : vector<16xf32>
          %swap3A_623 = arith.constant 0 : i32
          %swap3A_624 = arith.index_cast %swap3A_623 : i32 to index
          %swap3A_625 = arith.index_cast %add3A_578 : i32 to index
          %swap3A_626 = arith.constant 48 : index
          %swap3A_627 = tpu.vector_load %arg12[%swap3A_624, %swap3A_625, %swap3A_626] {strides = array<i32>} : memref<3x80x128xf32, #tpu.memory_space<vmem>>, vector<16xf32>,
          tpu.vector_store %arg12[%swap3A_624, %swap3A_625, %swap3A_626], %mul3A_622 {strides = array<i32>} : memref<3x80x128xf32, #tpu.memory_space<vmem>>, vector<16xf32>,
          %get3A_628 = arith.constant 0 : i32
          %get3A_629 = arith.index_cast %get3A_628 : i32 to index
          %get3A_630 = arith.index_cast %add3A_578 : i32 to index
          %get3A_631 = arith.constant 64 : index
          %get3A_632 = tpu.vector_load %arg12[%get3A_629, %get3A_630, %get3A_631] {strides = array<i32>} : memref<3x80x128xf32, #tpu.memory_space<vmem>>, vector<16xf32>,
          %mul3A_633 = arith.mulf %get3A_632, %gather3A_583 : vector<16xf32>
          %swap3A_634 = arith.constant 0 : i32
          %swap3A_635 = arith.index_cast %swap3A_634 : i32 to index
          %swap3A_636 = arith.index_cast %add3A_578 : i32 to index
          %swap3A_637 = arith.constant 64 : index
          %swap3A_638 = tpu.vector_load %arg12[%swap3A_635, %swap3A_636, %swap3A_637] {strides = array<i32>} : memref<3x80x128xf32, #tpu.memory_space<vmem>>, vector<16xf32>,
          tpu.vector_store %arg12[%swap3A_635, %swap3A_636, %swap3A_637], %mul3A_633 {strides = array<i32>} : memref<3x80x128xf32, #tpu.memory_space<vmem>>, vector<16xf32>,
          %get3A_639 = arith.constant 0 : i32
          %get3A_640 = arith.index_cast %get3A_639 : i32 to index
          %get3A_641 = arith.index_cast %add3A_578 : i32 to index
          %get3A_642 = arith.constant 80 : index
          %get3A_643 = tpu.vector_load %arg12[%get3A_640, %get3A_641, %get3A_642] {strides = array<i32>} : memref<3x80x128xf32, #tpu.memory_space<vmem>>, vector<16xf32>,
          %mul3A_644 = arith.mulf %get3A_643, %gather3A_583 : vector<16xf32>
          %swap3A_645 = arith.constant 0 : i32
          %swap3A_646 = arith.index_cast %swap3A_645 : i32 to index
          %swap3A_647 = arith.index_cast %add3A_578 : i32 to index
          %swap3A_648 = arith.constant 80 : index
          %swap3A_649 = tpu.vector_load %arg12[%swap3A_646, %swap3A_647, %swap3A_648] {strides = array<i32>} : memref<3x80x128xf32, #tpu.memory_space<vmem>>, vector<16xf32>,
          tpu.vector_store %arg12[%swap3A_646, %swap3A_647, %swap3A_648], %mul3A_644 {strides = array<i32>} : memref<3x80x128xf32, #tpu.memory_space<vmem>>, vector<16xf32>,
          %get3A_650 = arith.constant 0 : i32
          %get3A_651 = arith.index_cast %get3A_650 : i32 to index
          %get3A_652 = arith.index_cast %add3A_578 : i32 to index
          %get3A_653 = arith.constant 96 : index
          %get3A_654 = tpu.vector_load %arg12[%get3A_651, %get3A_652, %get3A_653] {strides = array<i32>} : memref<3x80x128xf32, #tpu.memory_space<vmem>>, vector<16xf32>,
          %mul3A_655 = arith.mulf %get3A_654, %gather3A_583 : vector<16xf32>
          %swap3A_656 = arith.constant 0 : i32
          %swap3A_657 = arith.index_cast %swap3A_656 : i32 to index
          %swap3A_658 = arith.index_cast %add3A_578 : i32 to index
          %swap3A_659 = arith.constant 96 : index
          %swap3A_660 = tpu.vector_load %arg12[%swap3A_657, %swap3A_658, %swap3A_659] {strides = array<i32>} : memref<3x80x128xf32, #tpu.memory_space<vmem>>, vector<16xf32>,
          tpu.vector_store %arg12[%swap3A_657, %swap3A_658, %swap3A_659], %mul3A_655 {strides = array<i32>} : memref<3x80x128xf32, #tpu.memory_space<vmem>>, vector<16xf32>,
          %get3A_661 = arith.constant 0 : i32
          %get3A_662 = arith.index_cast %get3A_661 : i32 to index
          %get3A_663 = arith.index_cast %add3A_578 : i32 to index
          %get3A_664 = arith.constant 112 : index
          %get3A_665 = tpu.vector_load %arg12[%get3A_662, %get3A_663, %get3A_664] {strides = array<i32>} : memref<3x80x128xf32, #tpu.memory_space<vmem>>, vector<16xf32>,
          %mul3A_666 = arith.mulf %get3A_665, %gather3A_583 : vector<16xf32>
          %swap3A_667 = arith.constant 0 : i32
          %swap3A_668 = arith.index_cast %swap3A_667 : i32 to index
          %swap3A_669 = arith.index_cast %add3A_578 : i32 to index
          %swap3A_670 = arith.constant 112 : index
          %swap3A_671 = tpu.vector_load %arg12[%swap3A_668, %swap3A_669, %swap3A_670] {strides = array<i32>} : memref<3x80x128xf32, #tpu.memory_space<vmem>>, vector<16xf32>,
          tpu.vector_store %arg12[%swap3A_668, %swap3A_669, %swap3A_670], %mul3A_666 {strides = array<i32>} : memref<3x80x128xf32, #tpu.memory_space<vmem>>, vector<16xf32>,
          %scan3A_672 = arith.constant 3 : i32
          %scan3A_673 = arith.addi %scan3A_376, %scan3A_672 : i32
          %mul3A_674 = arith.constant 1 : i32
          %mul3A_675 = arith.muli %scan3A_673, %mul3A_674 : i32
          %add3A_676 = arith.constant 0 : i32
          %add3A_677 = arith.addi %add3A_676, %mul3A_675 : i32
          %add3A_678 = vector.broadcast %add3A_278 : i32 to vector<16xi32>
          %add3A_679 = arith.addi %broadcast_in_dim3A_2, %add3A_678 : vector<16xi32>
          %add3A_680 = vector.broadcast %add3A_677 : i32 to vector<16xi32>
          %add3A_681 = arith.addi %broadcast_in_dim3A_2, %add3A_680 : vector<16xi32>
          %gather3A_682 = tpu.vector_load_idx %arg10[%add3A_679, %add3A_681] : memref<25x80xf32, #tpu.memory_space<vmem>>[vector<16xi32>, vector<16xi32>], vector<16xf32>,
          %get3A_683 = arith.constant 0 : i32
          %get3A_684 = arith.index_cast %get3A_683 : i32 to index
          %get3A_685 = arith.index_cast %add3A_677 : i32 to index
          %get3A_686 = arith.constant 0 : index
          %get3A_687 = tpu.vector_load %arg12[%get3A_684, %get3A_685, %get3A_686] {strides = array<i32>} : memref<3x80x128xf32, #tpu.memory_space<vmem>>, vector<16xf32>,
          %mul3A_688 = arith.mulf %get3A_687, %gather3A_682 : vector<16xf32>
          %swap3A_689 = arith.constant 0 : i32
          %swap3A_690 = arith.index_cast %swap3A_689 : i32 to index
          %swap3A_691 = arith.index_cast %add3A_677 : i32 to index
          %swap3A_692 = arith.constant 0 : index
          %swap3A_693 = tpu.vector_load %arg12[%swap3A_690, %swap3A_691, %swap3A_692] {strides = array<i32>} : memref<3x80x128xf32, #tpu.memory_space<vmem>>, vector<16xf32>,
          tpu.vector_store %arg12[%swap3A_690, %swap3A_691, %swap3A_692], %mul3A_688 {strides = array<i32>} : memref<3x80x128xf32, #tpu.memory_space<vmem>>, vector<16xf32>,
          %get3A_694 = arith.constant 0 : i32
          %get3A_695 = arith.index_cast %get3A_694 : i32 to index
          %get3A_696 = arith.index_cast %add3A_677 : i32 to index
          %get3A_697 = arith.constant 16 : index
          %get3A_698 = tpu.vector_load %arg12[%get3A_695, %get3A_696, %get3A_697] {strides = array<i32>} : memref<3x80x128xf32, #tpu.memory_space<vmem>>, vector<16xf32>,
          %mul3A_699 = arith.mulf %get3A_698, %gather3A_682 : vector<16xf32>
          %swap3A_700 = arith.constant 0 : i32
          %swap3A_701 = arith.index_cast %swap3A_700 : i32 to index
          %swap3A_702 = arith.index_cast %add3A_677 : i32 to index
          %swap3A_703 = arith.constant 16 : index
          %swap3A_704 = tpu.vector_load %arg12[%swap3A_701, %swap3A_702, %swap3A_703] {strides = array<i32>} : memref<3x80x128xf32, #tpu.memory_space<vmem>>, vector<16xf32>,
          tpu.vector_store %arg12[%swap3A_701, %swap3A_702, %swap3A_703], %mul3A_699 {strides = array<i32>} : memref<3x80x128xf32, #tpu.memory_space<vmem>>, vector<16xf32>,
          %get3A_705 = arith.constant 0 : i32
          %get3A_706 = arith.index_cast %get3A_705 : i32 to index
          %get3A_707 = arith.index_cast %add3A_677 : i32 to index
          %get3A_708 = arith.constant 32 : index
          %get3A_709 = tpu.vector_load %arg12[%get3A_706, %get3A_707, %get3A_708] {strides = array<i32>} : memref<3x80x128xf32, #tpu.memory_space<vmem>>, vector<16xf32>,
          %mul3A_710 = arith.mulf %get3A_709, %gather3A_682 : vector<16xf32>
          %swap3A_711 = arith.constant 0 : i32
          %swap3A_712 = arith.index_cast %swap3A_711 : i32 to index
          %swap3A_713 = arith.index_cast %add3A_677 : i32 to index
          %swap3A_714 = arith.constant 32 : index
          %swap3A_715 = tpu.vector_load %arg12[%swap3A_712, %swap3A_713, %swap3A_714] {strides = array<i32>} : memref<3x80x128xf32, #tpu.memory_space<vmem>>, vector<16xf32>,
          tpu.vector_store %arg12[%swap3A_712, %swap3A_713, %swap3A_714], %mul3A_710 {strides = array<i32>} : memref<3x80x128xf32, #tpu.memory_space<vmem>>, vector<16xf32>,
          %get3A_716 = arith.constant 0 : i32
          %get3A_717 = arith.index_cast %get3A_716 : i32 to index
          %get3A_718 = arith.index_cast %add3A_677 : i32 to index
          %get3A_719 = arith.constant 48 : index
          %get3A_720 = tpu.vector_load %arg12[%get3A_717, %get3A_718, %get3A_719] {strides = array<i32>} : memref<3x80x128xf32, #tpu.memory_space<vmem>>, vector<16xf32>,
          %mul3A_721 = arith.mulf %get3A_720, %gather3A_682 : vector<16xf32>
          %swap3A_722 = arith.constant 0 : i32
          %swap3A_723 = arith.index_cast %swap3A_722 : i32 to index
          %swap3A_724 = arith.index_cast %add3A_677 : i32 to index
          %swap3A_725 = arith.constant 48 : index
          %swap3A_726 = tpu.vector_load %arg12[%swap3A_723, %swap3A_724, %swap3A_725] {strides = array<i32>} : memref<3x80x128xf32, #tpu.memory_space<vmem>>, vector<16xf32>,
          tpu.vector_store %arg12[%swap3A_723, %swap3A_724, %swap3A_725], %mul3A_721 {strides = array<i32>} : memref<3x80x128xf32, #tpu.memory_space<vmem>>, vector<16xf32>,
          %get3A_727 = arith.constant 0 : i32
          %get3A_728 = arith.index_cast %get3A_727 : i32 to index
          %get3A_729 = arith.index_cast %add3A_677 : i32 to index
          %get3A_730 = arith.constant 64 : index
          %get3A_731 = tpu.vector_load %arg12[%get3A_728, %get3A_729, %get3A_730] {strides = array<i32>} : memref<3x80x128xf32, #tpu.memory_space<vmem>>, vector<16xf32>,
          %mul3A_732 = arith.mulf %get3A_731, %gather3A_682 : vector<16xf32>
          %swap3A_733 = arith.constant 0 : i32
          %swap3A_734 = arith.index_cast %swap3A_733 : i32 to index
          %swap3A_735 = arith.index_cast %add3A_677 : i32 to index
          %swap3A_736 = arith.constant 64 : index
          %swap3A_737 = tpu.vector_load %arg12[%swap3A_734, %swap3A_735, %swap3A_736] {strides = array<i32>} : memref<3x80x128xf32, #tpu.memory_space<vmem>>, vector<16xf32>,
          tpu.vector_store %arg12[%swap3A_734, %swap3A_735, %swap3A_736], %mul3A_732 {strides = array<i32>} : memref<3x80x128xf32, #tpu.memory_space<vmem>>, vector<16xf32>,
          %get3A_738 = arith.constant 0 : i32
          %get3A_739 = arith.index_cast %get3A_738 : i32 to index
          %get3A_740 = arith.index_cast %add3A_677 : i32 to index
          %get3A_741 = arith.constant 80 : index
          %get3A_742 = tpu.vector_load %arg12[%get3A_739, %get3A_740, %get3A_741] {strides = array<i32>} : memref<3x80x128xf32, #tpu.memory_space<vmem>>, vector<16xf32>,
          %mul3A_743 = arith.mulf %get3A_742, %gather3A_682 : vector<16xf32>
          %swap3A_744 = arith.constant 0 : i32
          %swap3A_745 = arith.index_cast %swap3A_744 : i32 to index
          %swap3A_746 = arith.index_cast %add3A_677 : i32 to index
          %swap3A_747 = arith.constant 80 : index
          %swap3A_748 = tpu.vector_load %arg12[%swap3A_745, %swap3A_746, %swap3A_747] {strides = array<i32>} : memref<3x80x128xf32, #tpu.memory_space<vmem>>, vector<16xf32>,
          tpu.vector_store %arg12[%swap3A_745, %swap3A_746, %swap3A_747], %mul3A_743 {strides = array<i32>} : memref<3x80x128xf32, #tpu.memory_space<vmem>>, vector<16xf32>,
          %get3A_749 = arith.constant 0 : i32
          %get3A_750 = arith.index_cast %get3A_749 : i32 to index
          %get3A_751 = arith.index_cast %add3A_677 : i32 to index
          %get3A_752 = arith.constant 96 : index
          %get3A_753 = tpu.vector_load %arg12[%get3A_750, %get3A_751, %get3A_752] {strides = array<i32>} : memref<3x80x128xf32, #tpu.memory_space<vmem>>, vector<16xf32>,
          %mul3A_754 = arith.mulf %get3A_753, %gather3A_682 : vector<16xf32>
          %swap3A_755 = arith.constant 0 : i32
          %swap3A_756 = arith.index_cast %swap3A_755 : i32 to index
          %swap3A_757 = arith.index_cast %add3A_677 : i32 to index
          %swap3A_758 = arith.constant 96 : index
          %swap3A_759 = tpu.vector_load %arg12[%swap3A_756, %swap3A_757, %swap3A_758] {strides = array<i32>} : memref<3x80x128xf32, #tpu.memory_space<vmem>>, vector<16xf32>,
          tpu.vector_store %arg12[%swap3A_756, %swap3A_757, %swap3A_758], %mul3A_754 {strides = array<i32>} : memref<3x80x128xf32, #tpu.memory_space<vmem>>, vector<16xf32>,
          %get3A_760 = arith.constant 0 : i32
          %get3A_761 = arith.index_cast %get3A_760 : i32 to index
          %get3A_762 = arith.index_cast %add3A_677 : i32 to index
          %get3A_763 = arith.constant 112 : index
          %get3A_764 = tpu.vector_load %arg12[%get3A_761, %get3A_762, %get3A_763] {strides = array<i32>} : memref<3x80x128xf32, #tpu.memory_space<vmem>>, vector<16xf32>,
          %mul3A_765 = arith.mulf %get3A_764, %gather3A_682 : vector<16xf32>
          %swap3A_766 = arith.constant 0 : i32
          %swap3A_767 = arith.index_cast %swap3A_766 : i32 to index
          %swap3A_768 = arith.index_cast %add3A_677 : i32 to index
          %swap3A_769 = arith.constant 112 : index
          %swap3A_770 = tpu.vector_load %arg12[%swap3A_767, %swap3A_768, %swap3A_769] {strides = array<i32>} : memref<3x80x128xf32, #tpu.memory_space<vmem>>, vector<16xf32>,
          tpu.vector_store %arg12[%swap3A_767, %swap3A_768, %swap3A_769], %mul3A_765 {strides = array<i32>} : memref<3x80x128xf32, #tpu.memory_space<vmem>>, vector<16xf32>,
        }
        %scan3A_294 = arith.constant 80 : i32
        %dma_start3A_295 = arith.constant 0 : i32
        %dma_start3A_296 = arith.constant 0 : i32
        %dma_start3A_297 = arith.constant 0 : i32
        %dma_start3A_298 = tpu.memref_slice %arg12[%dma_start3A_295, %dma_start3A_296, %dma_start3A_297] : memref<3x80x128xf32, #tpu.memory_space<vmem>> -> memref<1x80x128xf32, #tpu.memory_space<vmem>>
        %dma_start3A_299 = tpu.memref_squeeze %dma_start3A_298 : memref<1x80x128xf32, #tpu.memory_space<vmem>> -> memref<80x128xf32, #tpu.memory_space<vmem>>
        %dma_start3A_300 = arith.constant 0 : i32
        %dma_start3A_301 = tpu.memref_slice %arg9[%add3A_278, %dma_start3A_300] : memref<25x80xi32, #tpu.memory_space<vmem>> -> memref<1x80xi32, #tpu.memory_space<vmem>>
        %dma_start3A_302 = tpu.memref_squeeze %dma_start3A_301 : memref<1x80xi32, #tpu.memory_space<vmem>> -> memref<80xi32, #tpu.memory_space<vmem>>
        %dma_start3A_303 = arith.constant 0 : i32
        %dma_start3A_304 = arith.constant 0 : i32
        %dma_start3A_305 = tpu.memref_slice %arg13[%dma_start3A_303, %dma_start3A_304] : memref<10000x128xf32, #tpu.memory_space<vmem_shared>> -> memref<10000x128xf32, #tpu.memory_space<vmem_shared>>
        tpu.enqueue_indirect_dma source(%dma_start3A_299 : memref<80x128xf32, #tpu.memory_space<vmem>>) target(%dma_start3A_305 : memref<10000x128xf32, #tpu.memory_space<vmem_shared>>) offsets(%dma_start3A_302 : memref<80xi32, #tpu.memory_space<vmem>>) semaphore(%arg17 : memref<!tpu.dma_semaphore, #tpu.memory_space<semaphore_mem>>) {add = true}
        %lt3A = arith.constant 23 : i32
        %lt3A_306 = arith.cmpi slt, %add3A_278, %lt3A : i32
        %convert_element_type3A = arith.extui %lt3A_306 : i1 to i32
        %cond3A = arith.constant 0 : i32
        %cond3A_307 = arith.cmpi ne, %convert_element_type3A, %cond3A : i32
        scf.if %cond3A_307 {
          %ge3A = arith.constant 1 : i32
          %ge3A_376 = arith.cmpi sge, %add3A_278, %ge3A : i32
          %convert_element_type3A_377 = arith.extui %ge3A_376 : i1 to i32
          %cond3A_378 = arith.constant 0 : i32
          %cond3A_379 = arith.cmpi ne, %convert_element_type3A_377, %cond3A_378 : i32
          scf.if %cond3A_379 {
            %sub3A_393 = arith.constant 1 : i32
            %sub3A_394 = arith.subi %add3A_278, %sub3A_393 : i32
            %dma_wait3A_395 = arith.constant 2 : i32
            %dma_wait3A_396 = arith.constant 0 : i32
            %dma_wait3A_397 = arith.constant 0 : i32
            %dma_wait3A_398 = tpu.memref_slice %arg12[%dma_wait3A_395, %dma_wait3A_396, %dma_wait3A_397] : memref<3x80x128xf32, #tpu.memory_space<vmem>> -> memref<1x80x128xf32, #tpu.memory_space<vmem>>
            %dma_wait3A_399 = tpu.memref_squeeze %dma_wait3A_398 : memref<1x80x128xf32, #tpu.memory_space<vmem>> -> memref<80x128xf32, #tpu.memory_space<vmem>>
            %dma_wait3A_400 = arith.constant 0 : i32
            %dma_wait3A_401 = tpu.memref_slice %arg9[%sub3A_394, %dma_wait3A_400] : memref<25x80xi32, #tpu.memory_space<vmem>> -> memref<1x80xi32, #tpu.memory_space<vmem>>
            %dma_wait3A_402 = tpu.memref_squeeze %dma_wait3A_401 : memref<1x80xi32, #tpu.memory_space<vmem>> -> memref<80xi32, #tpu.memory_space<vmem>>
            %dma_wait3A_403 = arith.constant 0 : i32
            %dma_wait3A_404 = arith.constant 0 : i32
            %dma_wait3A_405 = tpu.memref_slice %arg13[%dma_wait3A_403, %dma_wait3A_404] : memref<10000x128xf32, #tpu.memory_space<vmem_shared>> -> memref<10000x128xf32, #tpu.memory_space<vmem_shared>>
            tpu.wait_indirect_dma semaphore(%arg19 : memref<!tpu.dma_semaphore, #tpu.memory_space<semaphore_mem>>) src(%dma_wait3A_399 : memref<80x128xf32, #tpu.memory_space<vmem>>) dst(%dma_wait3A_405 : memref<10000x128xf32, #tpu.memory_space<vmem_shared>>)
          } else {
          }
          %add3A_380 = arith.constant 2 : i32
          %add3A_381 = arith.addi %add3A_278, %add3A_380 : i32
          %dma_start3A_382 = arith.constant 2 : i32
          %dma_start3A_383 = arith.constant 0 : i32
          %dma_start3A_384 = arith.constant 0 : i32
          %dma_start3A_385 = tpu.memref_slice %arg12[%dma_start3A_382, %dma_start3A_383, %dma_start3A_384] : memref<3x80x128xf32, #tpu.memory_space<vmem>> -> memref<1x80x128xf32, #tpu.memory_space<vmem>>
          %dma_start3A_386 = tpu.memref_squeeze %dma_start3A_385 : memref<1x80x128xf32, #tpu.memory_space<vmem>> -> memref<80x128xf32, #tpu.memory_space<vmem>>
          %dma_start3A_387 = arith.constant 0 : i32
          %dma_start3A_388 = tpu.memref_slice %arg8[%add3A_381, %dma_start3A_387] : memref<25x80xi32, #tpu.memory_space<vmem>> -> memref<1x80xi32, #tpu.memory_space<vmem>>
          %dma_start3A_389 = tpu.memref_squeeze %dma_start3A_388 : memref<1x80xi32, #tpu.memory_space<vmem>> -> memref<80xi32, #tpu.memory_space<vmem>>
          %dma_start3A_390 = arith.constant 0 : i32
          %dma_start3A_391 = arith.constant 0 : i32
          %dma_start3A_392 = tpu.memref_slice %arg2[%dma_start3A_390, %dma_start3A_391] : memref<10000x128xf32, #tpu.memory_space<hbm>> -> memref<10000x128xf32, #tpu.memory_space<hbm>>
          tpu.enqueue_indirect_dma source(%dma_start3A_392 : memref<10000x128xf32, #tpu.memory_space<hbm>>) target(%dma_start3A_386 : memref<80x128xf32, #tpu.memory_space<vmem>>) offsets(%dma_start3A_389 : memref<80xi32, #tpu.memory_space<vmem>>) semaphore(%arg16 : memref<!tpu.dma_semaphore, #tpu.memory_space<semaphore_mem>>)
        } else {
        }
        %add3A_308 = arith.constant 1 : i32
        %add3A_309 = arith.addi %add3A_276, %add3A_308 : i32
        %dma_wait3A_310 = arith.constant 1 : i32
        %dma_wait3A_311 = arith.constant 0 : i32
        %dma_wait3A_312 = arith.constant 0 : i32
        %dma_wait3A_313 = tpu.memref_slice %arg12[%dma_wait3A_310, %dma_wait3A_311, %dma_wait3A_312] : memref<3x80x128xf32, #tpu.memory_space<vmem>> -> memref<1x80x128xf32, #tpu.memory_space<vmem>>
        %dma_wait3A_314 = tpu.memref_squeeze %dma_wait3A_313 : memref<1x80x128xf32, #tpu.memory_space<vmem>> -> memref<80x128xf32, #tpu.memory_space<vmem>>
        %dma_wait3A_315 = arith.constant 0 : i32
        %dma_wait3A_316 = tpu.memref_slice %arg8[%add3A_309, %dma_wait3A_315] : memref<25x80xi32, #tpu.memory_space<vmem>> -> memref<1x80xi32, #tpu.memory_space<vmem>>
        %dma_wait3A_317 = tpu.memref_squeeze %dma_wait3A_316 : memref<1x80xi32, #tpu.memory_space<vmem>> -> memref<80xi32, #tpu.memory_space<vmem>>
        %dma_wait3A_318 = arith.constant 0 : i32
        %dma_wait3A_319 = arith.constant 0 : i32
        %dma_wait3A_320 = tpu.memref_slice %arg2[%dma_wait3A_318, %dma_wait3A_319] : memref<10000x128xf32, #tpu.memory_space<hbm>> -> memref<10000x128xf32, #tpu.memory_space<hbm>>
        tpu.wait_indirect_dma semaphore(%arg15 : memref<!tpu.dma_semaphore, #tpu.memory_space<semaphore_mem>>) src(%dma_wait3A_320 : memref<10000x128xf32, #tpu.memory_space<hbm>>) dst(%dma_wait3A_314 : memref<80x128xf32, #tpu.memory_space<vmem>>)
        %scan3A_321 = arith.constant 0 : i32
        %scan3A_322 = arith.constant 80 : i32
        %scan3A_323 = arith.addi %scan3A_321, %scan3A_322 : i32
        %scan3A_324 = arith.constant 4 : i32
        scf.for %scan3A_376 = %scan3A_321 to %scan3A_323 step %scan3A_324  : i32 {
          %mul3A_377 = arith.constant 1 : i32
          %mul3A_378 = arith.muli %scan3A_376, %mul3A_377 : i32
          %add3A_379 = arith.constant 0 : i32
          %add3A_380 = arith.addi %add3A_379, %mul3A_378 : i32
          %add3A_381 = vector.broadcast %add3A_309 : i32 to vector<16xi32>
          %add3A_382 = arith.addi %broadcast_in_dim3A_2, %add3A_381 : vector<16xi32>
          %add3A_383 = vector.broadcast %add3A_380 : i32 to vector<16xi32>
          %add3A_384 = arith.addi %broadcast_in_dim3A_2, %add3A_383 : vector<16xi32>
          %gather3A_385 = tpu.vector_load_idx %arg10[%add3A_382, %add3A_384] : memref<25x80xf32, #tpu.memory_space<vmem>>[vector<16xi32>, vector<16xi32>], vector<16xf32>,
          %get3A_386 = arith.constant 1 : i32
          %get3A_387 = arith.index_cast %get3A_386 : i32 to index
          %get3A_388 = arith.index_cast %add3A_380 : i32 to index
          %get3A_389 = arith.constant 0 : index
          %get3A_390 = tpu.vector_load %arg12[%get3A_387, %get3A_388, %get3A_389] {strides = array<i32>} : memref<3x80x128xf32, #tpu.memory_space<vmem>>, vector<16xf32>,
          %mul3A_391 = arith.mulf %get3A_390, %gather3A_385 : vector<16xf32>
          %swap3A_392 = arith.constant 1 : i32
          %swap3A_393 = arith.index_cast %swap3A_392 : i32 to index
          %swap3A_394 = arith.index_cast %add3A_380 : i32 to index
          %swap3A_395 = arith.constant 0 : index
          %swap3A_396 = tpu.vector_load %arg12[%swap3A_393, %swap3A_394, %swap3A_395] {strides = array<i32>} : memref<3x80x128xf32, #tpu.memory_space<vmem>>, vector<16xf32>,
          tpu.vector_store %arg12[%swap3A_393, %swap3A_394, %swap3A_395], %mul3A_391 {strides = array<i32>} : memref<3x80x128xf32, #tpu.memory_space<vmem>>, vector<16xf32>,
          %get3A_397 = arith.constant 1 : i32
          %get3A_398 = arith.index_cast %get3A_397 : i32 to index
          %get3A_399 = arith.index_cast %add3A_380 : i32 to index
          %get3A_400 = arith.constant 16 : index
          %get3A_401 = tpu.vector_load %arg12[%get3A_398, %get3A_399, %get3A_400] {strides = array<i32>} : memref<3x80x128xf32, #tpu.memory_space<vmem>>, vector<16xf32>,
          %mul3A_402 = arith.mulf %get3A_401, %gather3A_385 : vector<16xf32>
          %swap3A_403 = arith.constant 1 : i32
          %swap3A_404 = arith.index_cast %swap3A_403 : i32 to index
          %swap3A_405 = arith.index_cast %add3A_380 : i32 to index
          %swap3A_406 = arith.constant 16 : index
          %swap3A_407 = tpu.vector_load %arg12[%swap3A_404, %swap3A_405, %swap3A_406] {strides = array<i32>} : memref<3x80x128xf32, #tpu.memory_space<vmem>>, vector<16xf32>,
          tpu.vector_store %arg12[%swap3A_404, %swap3A_405, %swap3A_406], %mul3A_402 {strides = array<i32>} : memref<3x80x128xf32, #tpu.memory_space<vmem>>, vector<16xf32>,
          %get3A_408 = arith.constant 1 : i32
          %get3A_409 = arith.index_cast %get3A_408 : i32 to index
          %get3A_410 = arith.index_cast %add3A_380 : i32 to index
          %get3A_411 = arith.constant 32 : index
          %get3A_412 = tpu.vector_load %arg12[%get3A_409, %get3A_410, %get3A_411] {strides = array<i32>} : memref<3x80x128xf32, #tpu.memory_space<vmem>>, vector<16xf32>,
          %mul3A_413 = arith.mulf %get3A_412, %gather3A_385 : vector<16xf32>
          %swap3A_414 = arith.constant 1 : i32
          %swap3A_415 = arith.index_cast %swap3A_414 : i32 to index
          %swap3A_416 = arith.index_cast %add3A_380 : i32 to index
          %swap3A_417 = arith.constant 32 : index
          %swap3A_418 = tpu.vector_load %arg12[%swap3A_415, %swap3A_416, %swap3A_417] {strides = array<i32>} : memref<3x80x128xf32, #tpu.memory_space<vmem>>, vector<16xf32>,
          tpu.vector_store %arg12[%swap3A_415, %swap3A_416, %swap3A_417], %mul3A_413 {strides = array<i32>} : memref<3x80x128xf32, #tpu.memory_space<vmem>>, vector<16xf32>,
          %get3A_419 = arith.constant 1 : i32
          %get3A_420 = arith.index_cast %get3A_419 : i32 to index
          %get3A_421 = arith.index_cast %add3A_380 : i32 to index
          %get3A_422 = arith.constant 48 : index
          %get3A_423 = tpu.vector_load %arg12[%get3A_420, %get3A_421, %get3A_422] {strides = array<i32>} : memref<3x80x128xf32, #tpu.memory_space<vmem>>, vector<16xf32>,
          %mul3A_424 = arith.mulf %get3A_423, %gather3A_385 : vector<16xf32>
          %swap3A_425 = arith.constant 1 : i32
          %swap3A_426 = arith.index_cast %swap3A_425 : i32 to index
          %swap3A_427 = arith.index_cast %add3A_380 : i32 to index
          %swap3A_428 = arith.constant 48 : index
          %swap3A_429 = tpu.vector_load %arg12[%swap3A_426, %swap3A_427, %swap3A_428] {strides = array<i32>} : memref<3x80x128xf32, #tpu.memory_space<vmem>>, vector<16xf32>,
          tpu.vector_store %arg12[%swap3A_426, %swap3A_427, %swap3A_428], %mul3A_424 {strides = array<i32>} : memref<3x80x128xf32, #tpu.memory_space<vmem>>, vector<16xf32>,
          %get3A_430 = arith.constant 1 : i32
          %get3A_431 = arith.index_cast %get3A_430 : i32 to index
          %get3A_432 = arith.index_cast %add3A_380 : i32 to index
          %get3A_433 = arith.constant 64 : index
          %get3A_434 = tpu.vector_load %arg12[%get3A_431, %get3A_432, %get3A_433] {strides = array<i32>} : memref<3x80x128xf32, #tpu.memory_space<vmem>>, vector<16xf32>,
          %mul3A_435 = arith.mulf %get3A_434, %gather3A_385 : vector<16xf32>
          %swap3A_436 = arith.constant 1 : i32
          %swap3A_437 = arith.index_cast %swap3A_436 : i32 to index
          %swap3A_438 = arith.index_cast %add3A_380 : i32 to index
          %swap3A_439 = arith.constant 64 : index
          %swap3A_440 = tpu.vector_load %arg12[%swap3A_437, %swap3A_438, %swap3A_439] {strides = array<i32>} : memref<3x80x128xf32, #tpu.memory_space<vmem>>, vector<16xf32>,
          tpu.vector_store %arg12[%swap3A_437, %swap3A_438, %swap3A_439], %mul3A_435 {strides = array<i32>} : memref<3x80x128xf32, #tpu.memory_space<vmem>>, vector<16xf32>,
          %get3A_441 = arith.constant 1 : i32
          %get3A_442 = arith.index_cast %get3A_441 : i32 to index
          %get3A_443 = arith.index_cast %add3A_380 : i32 to index
          %get3A_444 = arith.constant 80 : index
          %get3A_445 = tpu.vector_load %arg12[%get3A_442, %get3A_443, %get3A_444] {strides = array<i32>} : memref<3x80x128xf32, #tpu.memory_space<vmem>>, vector<16xf32>,
          %mul3A_446 = arith.mulf %get3A_445, %gather3A_385 : vector<16xf32>
          %swap3A_447 = arith.constant 1 : i32
          %swap3A_448 = arith.index_cast %swap3A_447 : i32 to index
          %swap3A_449 = arith.index_cast %add3A_380 : i32 to index
          %swap3A_450 = arith.constant 80 : index
          %swap3A_451 = tpu.vector_load %arg12[%swap3A_448, %swap3A_449, %swap3A_450] {strides = array<i32>} : memref<3x80x128xf32, #tpu.memory_space<vmem>>, vector<16xf32>,
          tpu.vector_store %arg12[%swap3A_448, %swap3A_449, %swap3A_450], %mul3A_446 {strides = array<i32>} : memref<3x80x128xf32, #tpu.memory_space<vmem>>, vector<16xf32>,
          %get3A_452 = arith.constant 1 : i32
          %get3A_453 = arith.index_cast %get3A_452 : i32 to index
          %get3A_454 = arith.index_cast %add3A_380 : i32 to index
          %get3A_455 = arith.constant 96 : index
          %get3A_456 = tpu.vector_load %arg12[%get3A_453, %get3A_454, %get3A_455] {strides = array<i32>} : memref<3x80x128xf32, #tpu.memory_space<vmem>>, vector<16xf32>,
          %mul3A_457 = arith.mulf %get3A_456, %gather3A_385 : vector<16xf32>
          %swap3A_458 = arith.constant 1 : i32
          %swap3A_459 = arith.index_cast %swap3A_458 : i32 to index
          %swap3A_460 = arith.index_cast %add3A_380 : i32 to index
          %swap3A_461 = arith.constant 96 : index
          %swap3A_462 = tpu.vector_load %arg12[%swap3A_459, %swap3A_460, %swap3A_461] {strides = array<i32>} : memref<3x80x128xf32, #tpu.memory_space<vmem>>, vector<16xf32>,
          tpu.vector_store %arg12[%swap3A_459, %swap3A_460, %swap3A_461], %mul3A_457 {strides = array<i32>} : memref<3x80x128xf32, #tpu.memory_space<vmem>>, vector<16xf32>,
          %get3A_463 = arith.constant 1 : i32
          %get3A_464 = arith.index_cast %get3A_463 : i32 to index
          %get3A_465 = arith.index_cast %add3A_380 : i32 to index
          %get3A_466 = arith.constant 112 : index
          %get3A_467 = tpu.vector_load %arg12[%get3A_464, %get3A_465, %get3A_466] {strides = array<i32>} : memref<3x80x128xf32, #tpu.memory_space<vmem>>, vector<16xf32>,
          %mul3A_468 = arith.mulf %get3A_467, %gather3A_385 : vector<16xf32>
          %swap3A_469 = arith.constant 1 : i32
          %swap3A_470 = arith.index_cast %swap3A_469 : i32 to index
          %swap3A_471 = arith.index_cast %add3A_380 : i32 to index
          %swap3A_472 = arith.constant 112 : index
          %swap3A_473 = tpu.vector_load %arg12[%swap3A_470, %swap3A_471, %swap3A_472] {strides = array<i32>} : memref<3x80x128xf32, #tpu.memory_space<vmem>>, vector<16xf32>,
          tpu.vector_store %arg12[%swap3A_470, %swap3A_471, %swap3A_472], %mul3A_468 {strides = array<i32>} : memref<3x80x128xf32, #tpu.memory_space<vmem>>, vector<16xf32>,
          %scan3A_474 = arith.constant 1 : i32
          %scan3A_475 = arith.addi %scan3A_376, %scan3A_474 : i32
          %mul3A_476 = arith.constant 1 : i32
          %mul3A_477 = arith.muli %scan3A_475, %mul3A_476 : i32
          %add3A_478 = arith.constant 0 : i32
          %add3A_479 = arith.addi %add3A_478, %mul3A_477 : i32
          %add3A_480 = vector.broadcast %add3A_309 : i32 to vector<16xi32>
          %add3A_481 = arith.addi %broadcast_in_dim3A_2, %add3A_480 : vector<16xi32>
          %add3A_482 = vector.broadcast %add3A_479 : i32 to vector<16xi32>
          %add3A_483 = arith.addi %broadcast_in_dim3A_2, %add3A_482 : vector<16xi32>
          %gather3A_484 = tpu.vector_load_idx %arg10[%add3A_481, %add3A_483] : memref<25x80xf32, #tpu.memory_space<vmem>>[vector<16xi32>, vector<16xi32>], vector<16xf32>,
          %get3A_485 = arith.constant 1 : i32
          %get3A_486 = arith.index_cast %get3A_485 : i32 to index
          %get3A_487 = arith.index_cast %add3A_479 : i32 to index
          %get3A_488 = arith.constant 0 : index
          %get3A_489 = tpu.vector_load %arg12[%get3A_486, %get3A_487, %get3A_488] {strides = array<i32>} : memref<3x80x128xf32, #tpu.memory_space<vmem>>, vector<16xf32>,
          %mul3A_490 = arith.mulf %get3A_489, %gather3A_484 : vector<16xf32>
          %swap3A_491 = arith.constant 1 : i32
          %swap3A_492 = arith.index_cast %swap3A_491 : i32 to index
          %swap3A_493 = arith.index_cast %add3A_479 : i32 to index
          %swap3A_494 = arith.constant 0 : index
          %swap3A_495 = tpu.vector_load %arg12[%swap3A_492, %swap3A_493, %swap3A_494] {strides = array<i32>} : memref<3x80x128xf32, #tpu.memory_space<vmem>>, vector<16xf32>,
          tpu.vector_store %arg12[%swap3A_492, %swap3A_493, %swap3A_494], %mul3A_490 {strides = array<i32>} : memref<3x80x128xf32, #tpu.memory_space<vmem>>, vector<16xf32>,
          %get3A_496 = arith.constant 1 : i32
          %get3A_497 = arith.index_cast %get3A_496 : i32 to index
          %get3A_498 = arith.index_cast %add3A_479 : i32 to index
          %get3A_499 = arith.constant 16 : index
          %get3A_500 = tpu.vector_load %arg12[%get3A_497, %get3A_498, %get3A_499] {strides = array<i32>} : memref<3x80x128xf32, #tpu.memory_space<vmem>>, vector<16xf32>,
          %mul3A_501 = arith.mulf %get3A_500, %gather3A_484 : vector<16xf32>
          %swap3A_502 = arith.constant 1 : i32
          %swap3A_503 = arith.index_cast %swap3A_502 : i32 to index
          %swap3A_504 = arith.index_cast %add3A_479 : i32 to index
          %swap3A_505 = arith.constant 16 : index
          %swap3A_506 = tpu.vector_load %arg12[%swap3A_503, %swap3A_504, %swap3A_505] {strides = array<i32>} : memref<3x80x128xf32, #tpu.memory_space<vmem>>, vector<16xf32>,
          tpu.vector_store %arg12[%swap3A_503, %swap3A_504, %swap3A_505], %mul3A_501 {strides = array<i32>} : memref<3x80x128xf32, #tpu.memory_space<vmem>>, vector<16xf32>,
          %get3A_507 = arith.constant 1 : i32
          %get3A_508 = arith.index_cast %get3A_507 : i32 to index
          %get3A_509 = arith.index_cast %add3A_479 : i32 to index
          %get3A_510 = arith.constant 32 : index
          %get3A_511 = tpu.vector_load %arg12[%get3A_508, %get3A_509, %get3A_510] {strides = array<i32>} : memref<3x80x128xf32, #tpu.memory_space<vmem>>, vector<16xf32>,
          %mul3A_512 = arith.mulf %get3A_511, %gather3A_484 : vector<16xf32>
          %swap3A_513 = arith.constant 1 : i32
          %swap3A_514 = arith.index_cast %swap3A_513 : i32 to index
          %swap3A_515 = arith.index_cast %add3A_479 : i32 to index
          %swap3A_516 = arith.constant 32 : index
          %swap3A_517 = tpu.vector_load %arg12[%swap3A_514, %swap3A_515, %swap3A_516] {strides = array<i32>} : memref<3x80x128xf32, #tpu.memory_space<vmem>>, vector<16xf32>,
          tpu.vector_store %arg12[%swap3A_514, %swap3A_515, %swap3A_516], %mul3A_512 {strides = array<i32>} : memref<3x80x128xf32, #tpu.memory_space<vmem>>, vector<16xf32>,
          %get3A_518 = arith.constant 1 : i32
          %get3A_519 = arith.index_cast %get3A_518 : i32 to index
          %get3A_520 = arith.index_cast %add3A_479 : i32 to index
          %get3A_521 = arith.constant 48 : index
          %get3A_522 = tpu.vector_load %arg12[%get3A_519, %get3A_520, %get3A_521] {strides = array<i32>} : memref<3x80x128xf32, #tpu.memory_space<vmem>>, vector<16xf32>,
          %mul3A_523 = arith.mulf %get3A_522, %gather3A_484 : vector<16xf32>
          %swap3A_524 = arith.constant 1 : i32
          %swap3A_525 = arith.index_cast %swap3A_524 : i32 to index
          %swap3A_526 = arith.index_cast %add3A_479 : i32 to index
          %swap3A_527 = arith.constant 48 : index
          %swap3A_528 = tpu.vector_load %arg12[%swap3A_525, %swap3A_526, %swap3A_527] {strides = array<i32>} : memref<3x80x128xf32, #tpu.memory_space<vmem>>, vector<16xf32>,
          tpu.vector_store %arg12[%swap3A_525, %swap3A_526, %swap3A_527], %mul3A_523 {strides = array<i32>} : memref<3x80x128xf32, #tpu.memory_space<vmem>>, vector<16xf32>,
          %get3A_529 = arith.constant 1 : i32
          %get3A_530 = arith.index_cast %get3A_529 : i32 to index
          %get3A_531 = arith.index_cast %add3A_479 : i32 to index
          %get3A_532 = arith.constant 64 : index
          %get3A_533 = tpu.vector_load %arg12[%get3A_530, %get3A_531, %get3A_532] {strides = array<i32>} : memref<3x80x128xf32, #tpu.memory_space<vmem>>, vector<16xf32>,
          %mul3A_534 = arith.mulf %get3A_533, %gather3A_484 : vector<16xf32>
          %swap3A_535 = arith.constant 1 : i32
          %swap3A_536 = arith.index_cast %swap3A_535 : i32 to index
          %swap3A_537 = arith.index_cast %add3A_479 : i32 to index
          %swap3A_538 = arith.constant 64 : index
          %swap3A_539 = tpu.vector_load %arg12[%swap3A_536, %swap3A_537, %swap3A_538] {strides = array<i32>} : memref<3x80x128xf32, #tpu.memory_space<vmem>>, vector<16xf32>,
          tpu.vector_store %arg12[%swap3A_536, %swap3A_537, %swap3A_538], %mul3A_534 {strides = array<i32>} : memref<3x80x128xf32, #tpu.memory_space<vmem>>, vector<16xf32>,
          %get3A_540 = arith.constant 1 : i32
          %get3A_541 = arith.index_cast %get3A_540 : i32 to index
          %get3A_542 = arith.index_cast %add3A_479 : i32 to index
          %get3A_543 = arith.constant 80 : index
          %get3A_544 = tpu.vector_load %arg12[%get3A_541, %get3A_542, %get3A_543] {strides = array<i32>} : memref<3x80x128xf32, #tpu.memory_space<vmem>>, vector<16xf32>,
          %mul3A_545 = arith.mulf %get3A_544, %gather3A_484 : vector<16xf32>
          %swap3A_546 = arith.constant 1 : i32
          %swap3A_547 = arith.index_cast %swap3A_546 : i32 to index
          %swap3A_548 = arith.index_cast %add3A_479 : i32 to index
          %swap3A_549 = arith.constant 80 : index
          %swap3A_550 = tpu.vector_load %arg12[%swap3A_547, %swap3A_548, %swap3A_549] {strides = array<i32>} : memref<3x80x128xf32, #tpu.memory_space<vmem>>, vector<16xf32>,
          tpu.vector_store %arg12[%swap3A_547, %swap3A_548, %swap3A_549], %mul3A_545 {strides = array<i32>} : memref<3x80x128xf32, #tpu.memory_space<vmem>>, vector<16xf32>,
          %get3A_551 = arith.constant 1 : i32
          %get3A_552 = arith.index_cast %get3A_551 : i32 to index
          %get3A_553 = arith.index_cast %add3A_479 : i32 to index
          %get3A_554 = arith.constant 96 : index
          %get3A_555 = tpu.vector_load %arg12[%get3A_552, %get3A_553, %get3A_554] {strides = array<i32>} : memref<3x80x128xf32, #tpu.memory_space<vmem>>, vector<16xf32>,
          %mul3A_556 = arith.mulf %get3A_555, %gather3A_484 : vector<16xf32>
          %swap3A_557 = arith.constant 1 : i32
          %swap3A_558 = arith.index_cast %swap3A_557 : i32 to index
          %swap3A_559 = arith.index_cast %add3A_479 : i32 to index
          %swap3A_560 = arith.constant 96 : index
          %swap3A_561 = tpu.vector_load %arg12[%swap3A_558, %swap3A_559, %swap3A_560] {strides = array<i32>} : memref<3x80x128xf32, #tpu.memory_space<vmem>>, vector<16xf32>,
          tpu.vector_store %arg12[%swap3A_558, %swap3A_559, %swap3A_560], %mul3A_556 {strides = array<i32>} : memref<3x80x128xf32, #tpu.memory_space<vmem>>, vector<16xf32>,
          %get3A_562 = arith.constant 1 : i32
          %get3A_563 = arith.index_cast %get3A_562 : i32 to index
          %get3A_564 = arith.index_cast %add3A_479 : i32 to index
          %get3A_565 = arith.constant 112 : index
          %get3A_566 = tpu.vector_load %arg12[%get3A_563, %get3A_564, %get3A_565] {strides = array<i32>} : memref<3x80x128xf32, #tpu.memory_space<vmem>>, vector<16xf32>,
          %mul3A_567 = arith.mulf %get3A_566, %gather3A_484 : vector<16xf32>
          %swap3A_568 = arith.constant 1 : i32
          %swap3A_569 = arith.index_cast %swap3A_568 : i32 to index
          %swap3A_570 = arith.index_cast %add3A_479 : i32 to index
          %swap3A_571 = arith.constant 112 : index
          %swap3A_572 = tpu.vector_load %arg12[%swap3A_569, %swap3A_570, %swap3A_571] {strides = array<i32>} : memref<3x80x128xf32, #tpu.memory_space<vmem>>, vector<16xf32>,
          tpu.vector_store %arg12[%swap3A_569, %swap3A_570, %swap3A_571], %mul3A_567 {strides = array<i32>} : memref<3x80x128xf32, #tpu.memory_space<vmem>>, vector<16xf32>,
          %scan3A_573 = arith.constant 2 : i32
          %scan3A_574 = arith.addi %scan3A_376, %scan3A_573 : i32
          %mul3A_575 = arith.constant 1 : i32
          %mul3A_576 = arith.muli %scan3A_574, %mul3A_575 : i32
          %add3A_577 = arith.constant 0 : i32
          %add3A_578 = arith.addi %add3A_577, %mul3A_576 : i32
          %add3A_579 = vector.broadcast %add3A_309 : i32 to vector<16xi32>
          %add3A_580 = arith.addi %broadcast_in_dim3A_2, %add3A_579 : vector<16xi32>
          %add3A_581 = vector.broadcast %add3A_578 : i32 to vector<16xi32>
          %add3A_582 = arith.addi %broadcast_in_dim3A_2, %add3A_581 : vector<16xi32>
          %gather3A_583 = tpu.vector_load_idx %arg10[%add3A_580, %add3A_582] : memref<25x80xf32, #tpu.memory_space<vmem>>[vector<16xi32>, vector<16xi32>], vector<16xf32>,
          %get3A_584 = arith.constant 1 : i32
          %get3A_585 = arith.index_cast %get3A_584 : i32 to index
          %get3A_586 = arith.index_cast %add3A_578 : i32 to index
          %get3A_587 = arith.constant 0 : index
          %get3A_588 = tpu.vector_load %arg12[%get3A_585, %get3A_586, %get3A_587] {strides = array<i32>} : memref<3x80x128xf32, #tpu.memory_space<vmem>>, vector<16xf32>,
          %mul3A_589 = arith.mulf %get3A_588, %gather3A_583 : vector<16xf32>
          %swap3A_590 = arith.constant 1 : i32
          %swap3A_591 = arith.index_cast %swap3A_590 : i32 to index
          %swap3A_592 = arith.index_cast %add3A_578 : i32 to index
          %swap3A_593 = arith.constant 0 : index
          %swap3A_594 = tpu.vector_load %arg12[%swap3A_591, %swap3A_592, %swap3A_593] {strides = array<i32>} : memref<3x80x128xf32, #tpu.memory_space<vmem>>, vector<16xf32>,
          tpu.vector_store %arg12[%swap3A_591, %swap3A_592, %swap3A_593], %mul3A_589 {strides = array<i32>} : memref<3x80x128xf32, #tpu.memory_space<vmem>>, vector<16xf32>,
          %get3A_595 = arith.constant 1 : i32
          %get3A_596 = arith.index_cast %get3A_595 : i32 to index
          %get3A_597 = arith.index_cast %add3A_578 : i32 to index
          %get3A_598 = arith.constant 16 : index
          %get3A_599 = tpu.vector_load %arg12[%get3A_596, %get3A_597, %get3A_598] {strides = array<i32>} : memref<3x80x128xf32, #tpu.memory_space<vmem>>, vector<16xf32>,
          %mul3A_600 = arith.mulf %get3A_599, %gather3A_583 : vector<16xf32>
          %swap3A_601 = arith.constant 1 : i32
          %swap3A_602 = arith.index_cast %swap3A_601 : i32 to index
          %swap3A_603 = arith.index_cast %add3A_578 : i32 to index
          %swap3A_604 = arith.constant 16 : index
          %swap3A_605 = tpu.vector_load %arg12[%swap3A_602, %swap3A_603, %swap3A_604] {strides = array<i32>} : memref<3x80x128xf32, #tpu.memory_space<vmem>>, vector<16xf32>,
          tpu.vector_store %arg12[%swap3A_602, %swap3A_603, %swap3A_604], %mul3A_600 {strides = array<i32>} : memref<3x80x128xf32, #tpu.memory_space<vmem>>, vector<16xf32>,
          %get3A_606 = arith.constant 1 : i32
          %get3A_607 = arith.index_cast %get3A_606 : i32 to index
          %get3A_608 = arith.index_cast %add3A_578 : i32 to index
          %get3A_609 = arith.constant 32 : index
          %get3A_610 = tpu.vector_load %arg12[%get3A_607, %get3A_608, %get3A_609] {strides = array<i32>} : memref<3x80x128xf32, #tpu.memory_space<vmem>>, vector<16xf32>,
          %mul3A_611 = arith.mulf %get3A_610, %gather3A_583 : vector<16xf32>
          %swap3A_612 = arith.constant 1 : i32
          %swap3A_613 = arith.index_cast %swap3A_612 : i32 to index
          %swap3A_614 = arith.index_cast %add3A_578 : i32 to index
          %swap3A_615 = arith.constant 32 : index
          %swap3A_616 = tpu.vector_load %arg12[%swap3A_613, %swap3A_614, %swap3A_615] {strides = array<i32>} : memref<3x80x128xf32, #tpu.memory_space<vmem>>, vector<16xf32>,
          tpu.vector_store %arg12[%swap3A_613, %swap3A_614, %swap3A_615], %mul3A_611 {strides = array<i32>} : memref<3x80x128xf32, #tpu.memory_space<vmem>>, vector<16xf32>,
          %get3A_617 = arith.constant 1 : i32
          %get3A_618 = arith.index_cast %get3A_617 : i32 to index
          %get3A_619 = arith.index_cast %add3A_578 : i32 to index
          %get3A_620 = arith.constant 48 : index
          %get3A_621 = tpu.vector_load %arg12[%get3A_618, %get3A_619, %get3A_620] {strides = array<i32>} : memref<3x80x128xf32, #tpu.memory_space<vmem>>, vector<16xf32>,
          %mul3A_622 = arith.mulf %get3A_621, %gather3A_583 : vector<16xf32>
          %swap3A_623 = arith.constant 1 : i32
          %swap3A_624 = arith.index_cast %swap3A_623 : i32 to index
          %swap3A_625 = arith.index_cast %add3A_578 : i32 to index
          %swap3A_626 = arith.constant 48 : index
          %swap3A_627 = tpu.vector_load %arg12[%swap3A_624, %swap3A_625, %swap3A_626] {strides = array<i32>} : memref<3x80x128xf32, #tpu.memory_space<vmem>>, vector<16xf32>,
          tpu.vector_store %arg12[%swap3A_624, %swap3A_625, %swap3A_626], %mul3A_622 {strides = array<i32>} : memref<3x80x128xf32, #tpu.memory_space<vmem>>, vector<16xf32>,
          %get3A_628 = arith.constant 1 : i32
          %get3A_629 = arith.index_cast %get3A_628 : i32 to index
          %get3A_630 = arith.index_cast %add3A_578 : i32 to index
          %get3A_631 = arith.constant 64 : index
          %get3A_632 = tpu.vector_load %arg12[%get3A_629, %get3A_630, %get3A_631] {strides = array<i32>} : memref<3x80x128xf32, #tpu.memory_space<vmem>>, vector<16xf32>,
          %mul3A_633 = arith.mulf %get3A_632, %gather3A_583 : vector<16xf32>
          %swap3A_634 = arith.constant 1 : i32
          %swap3A_635 = arith.index_cast %swap3A_634 : i32 to index
          %swap3A_636 = arith.index_cast %add3A_578 : i32 to index
          %swap3A_637 = arith.constant 64 : index
          %swap3A_638 = tpu.vector_load %arg12[%swap3A_635, %swap3A_636, %swap3A_637] {strides = array<i32>} : memref<3x80x128xf32, #tpu.memory_space<vmem>>, vector<16xf32>,
          tpu.vector_store %arg12[%swap3A_635, %swap3A_636, %swap3A_637], %mul3A_633 {strides = array<i32>} : memref<3x80x128xf32, #tpu.memory_space<vmem>>, vector<16xf32>,
          %get3A_639 = arith.constant 1 : i32
          %get3A_640 = arith.index_cast %get3A_639 : i32 to index
          %get3A_641 = arith.index_cast %add3A_578 : i32 to index
          %get3A_642 = arith.constant 80 : index
          %get3A_643 = tpu.vector_load %arg12[%get3A_640, %get3A_641, %get3A_642] {strides = array<i32>} : memref<3x80x128xf32, #tpu.memory_space<vmem>>, vector<16xf32>,
          %mul3A_644 = arith.mulf %get3A_643, %gather3A_583 : vector<16xf32>
          %swap3A_645 = arith.constant 1 : i32
          %swap3A_646 = arith.index_cast %swap3A_645 : i32 to index
          %swap3A_647 = arith.index_cast %add3A_578 : i32 to index
          %swap3A_648 = arith.constant 80 : index
          %swap3A_649 = tpu.vector_load %arg12[%swap3A_646, %swap3A_647, %swap3A_648] {strides = array<i32>} : memref<3x80x128xf32, #tpu.memory_space<vmem>>, vector<16xf32>,
          tpu.vector_store %arg12[%swap3A_646, %swap3A_647, %swap3A_648], %mul3A_644 {strides = array<i32>} : memref<3x80x128xf32, #tpu.memory_space<vmem>>, vector<16xf32>,
          %get3A_650 = arith.constant 1 : i32
          %get3A_651 = arith.index_cast %get3A_650 : i32 to index
          %get3A_652 = arith.index_cast %add3A_578 : i32 to index
          %get3A_653 = arith.constant 96 : index
          %get3A_654 = tpu.vector_load %arg12[%get3A_651, %get3A_652, %get3A_653] {strides = array<i32>} : memref<3x80x128xf32, #tpu.memory_space<vmem>>, vector<16xf32>,
          %mul3A_655 = arith.mulf %get3A_654, %gather3A_583 : vector<16xf32>
          %swap3A_656 = arith.constant 1 : i32
          %swap3A_657 = arith.index_cast %swap3A_656 : i32 to index
          %swap3A_658 = arith.index_cast %add3A_578 : i32 to index
          %swap3A_659 = arith.constant 96 : index
          %swap3A_660 = tpu.vector_load %arg12[%swap3A_657, %swap3A_658, %swap3A_659] {strides = array<i32>} : memref<3x80x128xf32, #tpu.memory_space<vmem>>, vector<16xf32>,
          tpu.vector_store %arg12[%swap3A_657, %swap3A_658, %swap3A_659], %mul3A_655 {strides = array<i32>} : memref<3x80x128xf32, #tpu.memory_space<vmem>>, vector<16xf32>,
          %get3A_661 = arith.constant 1 : i32
          %get3A_662 = arith.index_cast %get3A_661 : i32 to index
          %get3A_663 = arith.index_cast %add3A_578 : i32 to index
          %get3A_664 = arith.constant 112 : index
          %get3A_665 = tpu.vector_load %arg12[%get3A_662, %get3A_663, %get3A_664] {strides = array<i32>} : memref<3x80x128xf32, #tpu.memory_space<vmem>>, vector<16xf32>,
          %mul3A_666 = arith.mulf %get3A_665, %gather3A_583 : vector<16xf32>
          %swap3A_667 = arith.constant 1 : i32
          %swap3A_668 = arith.index_cast %swap3A_667 : i32 to index
          %swap3A_669 = arith.index_cast %add3A_578 : i32 to index
          %swap3A_670 = arith.constant 112 : index
          %swap3A_671 = tpu.vector_load %arg12[%swap3A_668, %swap3A_669, %swap3A_670] {strides = array<i32>} : memref<3x80x128xf32, #tpu.memory_space<vmem>>, vector<16xf32>,
          tpu.vector_store %arg12[%swap3A_668, %swap3A_669, %swap3A_670], %mul3A_666 {strides = array<i32>} : memref<3x80x128xf32, #tpu.memory_space<vmem>>, vector<16xf32>,
          %scan3A_672 = arith.constant 3 : i32
          %scan3A_673 = arith.addi %scan3A_376, %scan3A_672 : i32
          %mul3A_674 = arith.constant 1 : i32
          %mul3A_675 = arith.muli %scan3A_673, %mul3A_674 : i32
          %add3A_676 = arith.constant 0 : i32
          %add3A_677 = arith.addi %add3A_676, %mul3A_675 : i32
          %add3A_678 = vector.broadcast %add3A_309 : i32 to vector<16xi32>
          %add3A_679 = arith.addi %broadcast_in_dim3A_2, %add3A_678 : vector<16xi32>
          %add3A_680 = vector.broadcast %add3A_677 : i32 to vector<16xi32>
          %add3A_681 = arith.addi %broadcast_in_dim3A_2, %add3A_680 : vector<16xi32>
          %gather3A_682 = tpu.vector_load_idx %arg10[%add3A_679, %add3A_681] : memref<25x80xf32, #tpu.memory_space<vmem>>[vector<16xi32>, vector<16xi32>], vector<16xf32>,
          %get3A_683 = arith.constant 1 : i32
          %get3A_684 = arith.index_cast %get3A_683 : i32 to index
          %get3A_685 = arith.index_cast %add3A_677 : i32 to index
          %get3A_686 = arith.constant 0 : index
          %get3A_687 = tpu.vector_load %arg12[%get3A_684, %get3A_685, %get3A_686] {strides = array<i32>} : memref<3x80x128xf32, #tpu.memory_space<vmem>>, vector<16xf32>,
          %mul3A_688 = arith.mulf %get3A_687, %gather3A_682 : vector<16xf32>
          %swap3A_689 = arith.constant 1 : i32
          %swap3A_690 = arith.index_cast %swap3A_689 : i32 to index
          %swap3A_691 = arith.index_cast %add3A_677 : i32 to index
          %swap3A_692 = arith.constant 0 : index
          %swap3A_693 = tpu.vector_load %arg12[%swap3A_690, %swap3A_691, %swap3A_692] {strides = array<i32>} : memref<3x80x128xf32, #tpu.memory_space<vmem>>, vector<16xf32>,
          tpu.vector_store %arg12[%swap3A_690, %swap3A_691, %swap3A_692], %mul3A_688 {strides = array<i32>} : memref<3x80x128xf32, #tpu.memory_space<vmem>>, vector<16xf32>,
          %get3A_694 = arith.constant 1 : i32
          %get3A_695 = arith.index_cast %get3A_694 : i32 to index
          %get3A_696 = arith.index_cast %add3A_677 : i32 to index
          %get3A_697 = arith.constant 16 : index
          %get3A_698 = tpu.vector_load %arg12[%get3A_695, %get3A_696, %get3A_697] {strides = array<i32>} : memref<3x80x128xf32, #tpu.memory_space<vmem>>, vector<16xf32>,
          %mul3A_699 = arith.mulf %get3A_698, %gather3A_682 : vector<16xf32>
          %swap3A_700 = arith.constant 1 : i32
          %swap3A_701 = arith.index_cast %swap3A_700 : i32 to index
          %swap3A_702 = arith.index_cast %add3A_677 : i32 to index
          %swap3A_703 = arith.constant 16 : index
          %swap3A_704 = tpu.vector_load %arg12[%swap3A_701, %swap3A_702, %swap3A_703] {strides = array<i32>} : memref<3x80x128xf32, #tpu.memory_space<vmem>>, vector<16xf32>,
          tpu.vector_store %arg12[%swap3A_701, %swap3A_702, %swap3A_703], %mul3A_699 {strides = array<i32>} : memref<3x80x128xf32, #tpu.memory_space<vmem>>, vector<16xf32>,
          %get3A_705 = arith.constant 1 : i32
          %get3A_706 = arith.index_cast %get3A_705 : i32 to index
          %get3A_707 = arith.index_cast %add3A_677 : i32 to index
          %get3A_708 = arith.constant 32 : index
          %get3A_709 = tpu.vector_load %arg12[%get3A_706, %get3A_707, %get3A_708] {strides = array<i32>} : memref<3x80x128xf32, #tpu.memory_space<vmem>>, vector<16xf32>,
          %mul3A_710 = arith.mulf %get3A_709, %gather3A_682 : vector<16xf32>
          %swap3A_711 = arith.constant 1 : i32
          %swap3A_712 = arith.index_cast %swap3A_711 : i32 to index
          %swap3A_713 = arith.index_cast %add3A_677 : i32 to index
          %swap3A_714 = arith.constant 32 : index
          %swap3A_715 = tpu.vector_load %arg12[%swap3A_712, %swap3A_713, %swap3A_714] {strides = array<i32>} : memref<3x80x128xf32, #tpu.memory_space<vmem>>, vector<16xf32>,
          tpu.vector_store %arg12[%swap3A_712, %swap3A_713, %swap3A_714], %mul3A_710 {strides = array<i32>} : memref<3x80x128xf32, #tpu.memory_space<vmem>>, vector<16xf32>,
          %get3A_716 = arith.constant 1 : i32
          %get3A_717 = arith.index_cast %get3A_716 : i32 to index
          %get3A_718 = arith.index_cast %add3A_677 : i32 to index
          %get3A_719 = arith.constant 48 : index
          %get3A_720 = tpu.vector_load %arg12[%get3A_717, %get3A_718, %get3A_719] {strides = array<i32>} : memref<3x80x128xf32, #tpu.memory_space<vmem>>, vector<16xf32>,
          %mul3A_721 = arith.mulf %get3A_720, %gather3A_682 : vector<16xf32>
          %swap3A_722 = arith.constant 1 : i32
          %swap3A_723 = arith.index_cast %swap3A_722 : i32 to index
          %swap3A_724 = arith.index_cast %add3A_677 : i32 to index
          %swap3A_725 = arith.constant 48 : index
          %swap3A_726 = tpu.vector_load %arg12[%swap3A_723, %swap3A_724, %swap3A_725] {strides = array<i32>} : memref<3x80x128xf32, #tpu.memory_space<vmem>>, vector<16xf32>,
          tpu.vector_store %arg12[%swap3A_723, %swap3A_724, %swap3A_725], %mul3A_721 {strides = array<i32>} : memref<3x80x128xf32, #tpu.memory_space<vmem>>, vector<16xf32>,
          %get3A_727 = arith.constant 1 : i32
          %get3A_728 = arith.index_cast %get3A_727 : i32 to index
          %get3A_729 = arith.index_cast %add3A_677 : i32 to index
          %get3A_730 = arith.constant 64 : index
          %get3A_731 = tpu.vector_load %arg12[%get3A_728, %get3A_729, %get3A_730] {strides = array<i32>} : memref<3x80x128xf32, #tpu.memory_space<vmem>>, vector<16xf32>,
          %mul3A_732 = arith.mulf %get3A_731, %gather3A_682 : vector<16xf32>
          %swap3A_733 = arith.constant 1 : i32
          %swap3A_734 = arith.index_cast %swap3A_733 : i32 to index
          %swap3A_735 = arith.index_cast %add3A_677 : i32 to index
          %swap3A_736 = arith.constant 64 : index
          %swap3A_737 = tpu.vector_load %arg12[%swap3A_734, %swap3A_735, %swap3A_736] {strides = array<i32>} : memref<3x80x128xf32, #tpu.memory_space<vmem>>, vector<16xf32>,
          tpu.vector_store %arg12[%swap3A_734, %swap3A_735, %swap3A_736], %mul3A_732 {strides = array<i32>} : memref<3x80x128xf32, #tpu.memory_space<vmem>>, vector<16xf32>,
          %get3A_738 = arith.constant 1 : i32
          %get3A_739 = arith.index_cast %get3A_738 : i32 to index
          %get3A_740 = arith.index_cast %add3A_677 : i32 to index
          %get3A_741 = arith.constant 80 : index
          %get3A_742 = tpu.vector_load %arg12[%get3A_739, %get3A_740, %get3A_741] {strides = array<i32>} : memref<3x80x128xf32, #tpu.memory_space<vmem>>, vector<16xf32>,
          %mul3A_743 = arith.mulf %get3A_742, %gather3A_682 : vector<16xf32>
          %swap3A_744 = arith.constant 1 : i32
          %swap3A_745 = arith.index_cast %swap3A_744 : i32 to index
          %swap3A_746 = arith.index_cast %add3A_677 : i32 to index
          %swap3A_747 = arith.constant 80 : index
          %swap3A_748 = tpu.vector_load %arg12[%swap3A_745, %swap3A_746, %swap3A_747] {strides = array<i32>} : memref<3x80x128xf32, #tpu.memory_space<vmem>>, vector<16xf32>,
          tpu.vector_store %arg12[%swap3A_745, %swap3A_746, %swap3A_747], %mul3A_743 {strides = array<i32>} : memref<3x80x128xf32, #tpu.memory_space<vmem>>, vector<16xf32>,
          %get3A_749 = arith.constant 1 : i32
          %get3A_750 = arith.index_cast %get3A_749 : i32 to index
          %get3A_751 = arith.index_cast %add3A_677 : i32 to index
          %get3A_752 = arith.constant 96 : index
          %get3A_753 = tpu.vector_load %arg12[%get3A_750, %get3A_751, %get3A_752] {strides = array<i32>} : memref<3x80x128xf32, #tpu.memory_space<vmem>>, vector<16xf32>,
          %mul3A_754 = arith.mulf %get3A_753, %gather3A_682 : vector<16xf32>
          %swap3A_755 = arith.constant 1 : i32
          %swap3A_756 = arith.index_cast %swap3A_755 : i32 to index
          %swap3A_757 = arith.index_cast %add3A_677 : i32 to index
          %swap3A_758 = arith.constant 96 : index
          %swap3A_759 = tpu.vector_load %arg12[%swap3A_756, %swap3A_757, %swap3A_758] {strides = array<i32>} : memref<3x80x128xf32, #tpu.memory_space<vmem>>, vector<16xf32>,
          tpu.vector_store %arg12[%swap3A_756, %swap3A_757, %swap3A_758], %mul3A_754 {strides = array<i32>} : memref<3x80x128xf32, #tpu.memory_space<vmem>>, vector<16xf32>,
          %get3A_760 = arith.constant 1 : i32
          %get3A_761 = arith.index_cast %get3A_760 : i32 to index
          %get3A_762 = arith.index_cast %add3A_677 : i32 to index
          %get3A_763 = arith.constant 112 : index
          %get3A_764 = tpu.vector_load %arg12[%get3A_761, %get3A_762, %get3A_763] {strides = array<i32>} : memref<3x80x128xf32, #tpu.memory_space<vmem>>, vector<16xf32>,
          %mul3A_765 = arith.mulf %get3A_764, %gather3A_682 : vector<16xf32>
          %swap3A_766 = arith.constant 1 : i32
          %swap3A_767 = arith.index_cast %swap3A_766 : i32 to index
          %swap3A_768 = arith.index_cast %add3A_677 : i32 to index
          %swap3A_769 = arith.constant 112 : index
          %swap3A_770 = tpu.vector_load %arg12[%swap3A_767, %swap3A_768, %swap3A_769] {strides = array<i32>} : memref<3x80x128xf32, #tpu.memory_space<vmem>>, vector<16xf32>,
          tpu.vector_store %arg12[%swap3A_767, %swap3A_768, %swap3A_769], %mul3A_765 {strides = array<i32>} : memref<3x80x128xf32, #tpu.memory_space<vmem>>, vector<16xf32>,
        }
        %scan3A_325 = arith.constant 80 : i32
        %dma_start3A_326 = arith.constant 1 : i32
        %dma_start3A_327 = arith.constant 0 : i32
        %dma_start3A_328 = arith.constant 0 : i32
        %dma_start3A_329 = tpu.memref_slice %arg12[%dma_start3A_326, %dma_start3A_327, %dma_start3A_328] : memref<3x80x128xf32, #tpu.memory_space<vmem>> -> memref<1x80x128xf32, #tpu.memory_space<vmem>>
        %dma_start3A_330 = tpu.memref_squeeze %dma_start3A_329 : memref<1x80x128xf32, #tpu.memory_space<vmem>> -> memref<80x128xf32, #tpu.memory_space<vmem>>
        %dma_start3A_331 = arith.constant 0 : i32
        %dma_start3A_332 = tpu.memref_slice %arg9[%add3A_309, %dma_start3A_331] : memref<25x80xi32, #tpu.memory_space<vmem>> -> memref<1x80xi32, #tpu.memory_space<vmem>>
        %dma_start3A_333 = tpu.memref_squeeze %dma_start3A_332 : memref<1x80xi32, #tpu.memory_space<vmem>> -> memref<80xi32, #tpu.memory_space<vmem>>
        %dma_start3A_334 = arith.constant 0 : i32
        %dma_start3A_335 = arith.constant 0 : i32
        %dma_start3A_336 = tpu.memref_slice %arg13[%dma_start3A_334, %dma_start3A_335] : memref<10000x128xf32, #tpu.memory_space<vmem_shared>> -> memref<10000x128xf32, #tpu.memory_space<vmem_shared>>
        tpu.enqueue_indirect_dma source(%dma_start3A_330 : memref<80x128xf32, #tpu.memory_space<vmem>>) target(%dma_start3A_336 : memref<10000x128xf32, #tpu.memory_space<vmem_shared>>) offsets(%dma_start3A_333 : memref<80xi32, #tpu.memory_space<vmem>>) semaphore(%arg18 : memref<!tpu.dma_semaphore, #tpu.memory_space<semaphore_mem>>) {add = true}
        %lt3A_337 = arith.constant 23 : i32
        %lt3A_338 = arith.cmpi slt, %add3A_309, %lt3A_337 : i32
        %convert_element_type3A_339 = arith.extui %lt3A_338 : i1 to i32
        %cond3A_340 = arith.constant 0 : i32
        %cond3A_341 = arith.cmpi ne, %convert_element_type3A_339, %cond3A_340 : i32
        scf.if %cond3A_341 {
          %ge3A = arith.constant 1 : i32
          %ge3A_376 = arith.cmpi sge, %add3A_309, %ge3A : i32
          %convert_element_type3A_377 = arith.extui %ge3A_376 : i1 to i32
          %cond3A_378 = arith.constant 0 : i32
          %cond3A_379 = arith.cmpi ne, %convert_element_type3A_377, %cond3A_378 : i32
          scf.if %cond3A_379 {
            %sub3A_393 = arith.constant 1 : i32
            %sub3A_394 = arith.subi %add3A_309, %sub3A_393 : i32
            %dma_wait3A_395 = arith.constant 0 : i32
            %dma_wait3A_396 = arith.constant 0 : i32
            %dma_wait3A_397 = arith.constant 0 : i32
            %dma_wait3A_398 = tpu.memref_slice %arg12[%dma_wait3A_395, %dma_wait3A_396, %dma_wait3A_397] : memref<3x80x128xf32, #tpu.memory_space<vmem>> -> memref<1x80x128xf32, #tpu.memory_space<vmem>>
            %dma_wait3A_399 = tpu.memref_squeeze %dma_wait3A_398 : memref<1x80x128xf32, #tpu.memory_space<vmem>> -> memref<80x128xf32, #tpu.memory_space<vmem>>
            %dma_wait3A_400 = arith.constant 0 : i32
            %dma_wait3A_401 = tpu.memref_slice %arg9[%sub3A_394, %dma_wait3A_400] : memref<25x80xi32, #tpu.memory_space<vmem>> -> memref<1x80xi32, #tpu.memory_space<vmem>>
            %dma_wait3A_402 = tpu.memref_squeeze %dma_wait3A_401 : memref<1x80xi32, #tpu.memory_space<vmem>> -> memref<80xi32, #tpu.memory_space<vmem>>
            %dma_wait3A_403 = arith.constant 0 : i32
            %dma_wait3A_404 = arith.constant 0 : i32
            %dma_wait3A_405 = tpu.memref_slice %arg13[%dma_wait3A_403, %dma_wait3A_404] : memref<10000x128xf32, #tpu.memory_space<vmem_shared>> -> memref<10000x128xf32, #tpu.memory_space<vmem_shared>>
            tpu.wait_indirect_dma semaphore(%arg17 : memref<!tpu.dma_semaphore, #tpu.memory_space<semaphore_mem>>) src(%dma_wait3A_399 : memref<80x128xf32, #tpu.memory_space<vmem>>) dst(%dma_wait3A_405 : memref<10000x128xf32, #tpu.memory_space<vmem_shared>>)
          } else {
          }
          %add3A_380 = arith.constant 2 : i32
          %add3A_381 = arith.addi %add3A_309, %add3A_380 : i32
          %dma_start3A_382 = arith.constant 0 : i32
          %dma_start3A_383 = arith.constant 0 : i32
          %dma_start3A_384 = arith.constant 0 : i32
          %dma_start3A_385 = tpu.memref_slice %arg12[%dma_start3A_382, %dma_start3A_383, %dma_start3A_384] : memref<3x80x128xf32, #tpu.memory_space<vmem>> -> memref<1x80x128xf32, #tpu.memory_space<vmem>>
          %dma_start3A_386 = tpu.memref_squeeze %dma_start3A_385 : memref<1x80x128xf32, #tpu.memory_space<vmem>> -> memref<80x128xf32, #tpu.memory_space<vmem>>
          %dma_start3A_387 = arith.constant 0 : i32
          %dma_start3A_388 = tpu.memref_slice %arg8[%add3A_381, %dma_start3A_387] : memref<25x80xi32, #tpu.memory_space<vmem>> -> memref<1x80xi32, #tpu.memory_space<vmem>>
          %dma_start3A_389 = tpu.memref_squeeze %dma_start3A_388 : memref<1x80xi32, #tpu.memory_space<vmem>> -> memref<80xi32, #tpu.memory_space<vmem>>
          %dma_start3A_390 = arith.constant 0 : i32
          %dma_start3A_391 = arith.constant 0 : i32
          %dma_start3A_392 = tpu.memref_slice %arg2[%dma_start3A_390, %dma_start3A_391] : memref<10000x128xf32, #tpu.memory_space<hbm>> -> memref<10000x128xf32, #tpu.memory_space<hbm>>
          tpu.enqueue_indirect_dma source(%dma_start3A_392 : memref<10000x128xf32, #tpu.memory_space<hbm>>) target(%dma_start3A_386 : memref<80x128xf32, #tpu.memory_space<vmem>>) offsets(%dma_start3A_389 : memref<80xi32, #tpu.memory_space<vmem>>) semaphore(%arg14 : memref<!tpu.dma_semaphore, #tpu.memory_space<semaphore_mem>>)
        } else {
        }
        %add3A_342 = arith.constant 2 : i32
        %add3A_343 = arith.addi %add3A_276, %add3A_342 : i32
        %dma_wait3A_344 = arith.constant 2 : i32
        %dma_wait3A_345 = arith.constant 0 : i32
        %dma_wait3A_346 = arith.constant 0 : i32
        %dma_wait3A_347 = tpu.memref_slice %arg12[%dma_wait3A_344, %dma_wait3A_345, %dma_wait3A_346] : memref<3x80x128xf32, #tpu.memory_space<vmem>> -> memref<1x80x128xf32, #tpu.memory_space<vmem>>
        %dma_wait3A_348 = tpu.memref_squeeze %dma_wait3A_347 : memref<1x80x128xf32, #tpu.memory_space<vmem>> -> memref<80x128xf32, #tpu.memory_space<vmem>>
        %dma_wait3A_349 = arith.constant 0 : i32
        %dma_wait3A_350 = tpu.memref_slice %arg8[%add3A_343, %dma_wait3A_349] : memref<25x80xi32, #tpu.memory_space<vmem>> -> memref<1x80xi32, #tpu.memory_space<vmem>>
        %dma_wait3A_351 = tpu.memref_squeeze %dma_wait3A_350 : memref<1x80xi32, #tpu.memory_space<vmem>> -> memref<80xi32, #tpu.memory_space<vmem>>
        %dma_wait3A_352 = arith.constant 0 : i32
        %dma_wait3A_353 = arith.constant 0 : i32
        %dma_wait3A_354 = tpu.memref_slice %arg2[%dma_wait3A_352, %dma_wait3A_353] : memref<10000x128xf32, #tpu.memory_space<hbm>> -> memref<10000x128xf32, #tpu.memory_space<hbm>>
        tpu.wait_indirect_dma semaphore(%arg16 : memref<!tpu.dma_semaphore, #tpu.memory_space<semaphore_mem>>) src(%dma_wait3A_354 : memref<10000x128xf32, #tpu.memory_space<hbm>>) dst(%dma_wait3A_348 : memref<80x128xf32, #tpu.memory_space<vmem>>)
        %scan3A_355 = arith.constant 0 : i32
        %scan3A_356 = arith.constant 80 : i32
        %scan3A_357 = arith.addi %scan3A_355, %scan3A_356 : i32
        %scan3A_358 = arith.constant 4 : i32
        scf.for %scan3A_376 = %scan3A_355 to %scan3A_357 step %scan3A_358  : i32 {
          %mul3A_377 = arith.constant 1 : i32
          %mul3A_378 = arith.muli %scan3A_376, %mul3A_377 : i32
          %add3A_379 = arith.constant 0 : i32
          %add3A_380 = arith.addi %add3A_379, %mul3A_378 : i32
          %add3A_381 = vector.broadcast %add3A_343 : i32 to vector<16xi32>
          %add3A_382 = arith.addi %broadcast_in_dim3A_2, %add3A_381 : vector<16xi32>
          %add3A_383 = vector.broadcast %add3A_380 : i32 to vector<16xi32>
          %add3A_384 = arith.addi %broadcast_in_dim3A_2, %add3A_383 : vector<16xi32>
          %gather3A_385 = tpu.vector_load_idx %arg10[%add3A_382, %add3A_384] : memref<25x80xf32, #tpu.memory_space<vmem>>[vector<16xi32>, vector<16xi32>], vector<16xf32>,
          %get3A_386 = arith.constant 2 : i32
          %get3A_387 = arith.index_cast %get3A_386 : i32 to index
          %get3A_388 = arith.index_cast %add3A_380 : i32 to index
          %get3A_389 = arith.constant 0 : index
          %get3A_390 = tpu.vector_load %arg12[%get3A_387, %get3A_388, %get3A_389] {strides = array<i32>} : memref<3x80x128xf32, #tpu.memory_space<vmem>>, vector<16xf32>,
          %mul3A_391 = arith.mulf %get3A_390, %gather3A_385 : vector<16xf32>
          %swap3A_392 = arith.constant 2 : i32
          %swap3A_393 = arith.index_cast %swap3A_392 : i32 to index
          %swap3A_394 = arith.index_cast %add3A_380 : i32 to index
          %swap3A_395 = arith.constant 0 : index
          %swap3A_396 = tpu.vector_load %arg12[%swap3A_393, %swap3A_394, %swap3A_395] {strides = array<i32>} : memref<3x80x128xf32, #tpu.memory_space<vmem>>, vector<16xf32>,
          tpu.vector_store %arg12[%swap3A_393, %swap3A_394, %swap3A_395], %mul3A_391 {strides = array<i32>} : memref<3x80x128xf32, #tpu.memory_space<vmem>>, vector<16xf32>,
          %get3A_397 = arith.constant 2 : i32
          %get3A_398 = arith.index_cast %get3A_397 : i32 to index
          %get3A_399 = arith.index_cast %add3A_380 : i32 to index
          %get3A_400 = arith.constant 16 : index
          %get3A_401 = tpu.vector_load %arg12[%get3A_398, %get3A_399, %get3A_400] {strides = array<i32>} : memref<3x80x128xf32, #tpu.memory_space<vmem>>, vector<16xf32>,
          %mul3A_402 = arith.mulf %get3A_401, %gather3A_385 : vector<16xf32>
          %swap3A_403 = arith.constant 2 : i32
          %swap3A_404 = arith.index_cast %swap3A_403 : i32 to index
          %swap3A_405 = arith.index_cast %add3A_380 : i32 to index
          %swap3A_406 = arith.constant 16 : index
          %swap3A_407 = tpu.vector_load %arg12[%swap3A_404, %swap3A_405, %swap3A_406] {strides = array<i32>} : memref<3x80x128xf32, #tpu.memory_space<vmem>>, vector<16xf32>,
          tpu.vector_store %arg12[%swap3A_404, %swap3A_405, %swap3A_406], %mul3A_402 {strides = array<i32>} : memref<3x80x128xf32, #tpu.memory_space<vmem>>, vector<16xf32>,
          %get3A_408 = arith.constant 2 : i32
          %get3A_409 = arith.index_cast %get3A_408 : i32 to index
          %get3A_410 = arith.index_cast %add3A_380 : i32 to index
          %get3A_411 = arith.constant 32 : index
          %get3A_412 = tpu.vector_load %arg12[%get3A_409, %get3A_410, %get3A_411] {strides = array<i32>} : memref<3x80x128xf32, #tpu.memory_space<vmem>>, vector<16xf32>,
          %mul3A_413 = arith.mulf %get3A_412, %gather3A_385 : vector<16xf32>
          %swap3A_414 = arith.constant 2 : i32
          %swap3A_415 = arith.index_cast %swap3A_414 : i32 to index
          %swap3A_416 = arith.index_cast %add3A_380 : i32 to index
          %swap3A_417 = arith.constant 32 : index
          %swap3A_418 = tpu.vector_load %arg12[%swap3A_415, %swap3A_416, %swap3A_417] {strides = array<i32>} : memref<3x80x128xf32, #tpu.memory_space<vmem>>, vector<16xf32>,
          tpu.vector_store %arg12[%swap3A_415, %swap3A_416, %swap3A_417], %mul3A_413 {strides = array<i32>} : memref<3x80x128xf32, #tpu.memory_space<vmem>>, vector<16xf32>,
          %get3A_419 = arith.constant 2 : i32
          %get3A_420 = arith.index_cast %get3A_419 : i32 to index
          %get3A_421 = arith.index_cast %add3A_380 : i32 to index
          %get3A_422 = arith.constant 48 : index
          %get3A_423 = tpu.vector_load %arg12[%get3A_420, %get3A_421, %get3A_422] {strides = array<i32>} : memref<3x80x128xf32, #tpu.memory_space<vmem>>, vector<16xf32>,
          %mul3A_424 = arith.mulf %get3A_423, %gather3A_385 : vector<16xf32>
          %swap3A_425 = arith.constant 2 : i32
          %swap3A_426 = arith.index_cast %swap3A_425 : i32 to index
          %swap3A_427 = arith.index_cast %add3A_380 : i32 to index
          %swap3A_428 = arith.constant 48 : index
          %swap3A_429 = tpu.vector_load %arg12[%swap3A_426, %swap3A_427, %swap3A_428] {strides = array<i32>} : memref<3x80x128xf32, #tpu.memory_space<vmem>>, vector<16xf32>,
          tpu.vector_store %arg12[%swap3A_426, %swap3A_427, %swap3A_428], %mul3A_424 {strides = array<i32>} : memref<3x80x128xf32, #tpu.memory_space<vmem>>, vector<16xf32>,
          %get3A_430 = arith.constant 2 : i32
          %get3A_431 = arith.index_cast %get3A_430 : i32 to index
          %get3A_432 = arith.index_cast %add3A_380 : i32 to index
          %get3A_433 = arith.constant 64 : index
          %get3A_434 = tpu.vector_load %arg12[%get3A_431, %get3A_432, %get3A_433] {strides = array<i32>} : memref<3x80x128xf32, #tpu.memory_space<vmem>>, vector<16xf32>,
          %mul3A_435 = arith.mulf %get3A_434, %gather3A_385 : vector<16xf32>
          %swap3A_436 = arith.constant 2 : i32
          %swap3A_437 = arith.index_cast %swap3A_436 : i32 to index
          %swap3A_438 = arith.index_cast %add3A_380 : i32 to index
          %swap3A_439 = arith.constant 64 : index
          %swap3A_440 = tpu.vector_load %arg12[%swap3A_437, %swap3A_438, %swap3A_439] {strides = array<i32>} : memref<3x80x128xf32, #tpu.memory_space<vmem>>, vector<16xf32>,
          tpu.vector_store %arg12[%swap3A_437, %swap3A_438, %swap3A_439], %mul3A_435 {strides = array<i32>} : memref<3x80x128xf32, #tpu.memory_space<vmem>>, vector<16xf32>,
          %get3A_441 = arith.constant 2 : i32
          %get3A_442 = arith.index_cast %get3A_441 : i32 to index
          %get3A_443 = arith.index_cast %add3A_380 : i32 to index
          %get3A_444 = arith.constant 80 : index
          %get3A_445 = tpu.vector_load %arg12[%get3A_442, %get3A_443, %get3A_444] {strides = array<i32>} : memref<3x80x128xf32, #tpu.memory_space<vmem>>, vector<16xf32>,
          %mul3A_446 = arith.mulf %get3A_445, %gather3A_385 : vector<16xf32>
          %swap3A_447 = arith.constant 2 : i32
          %swap3A_448 = arith.index_cast %swap3A_447 : i32 to index
          %swap3A_449 = arith.index_cast %add3A_380 : i32 to index
          %swap3A_450 = arith.constant 80 : index
          %swap3A_451 = tpu.vector_load %arg12[%swap3A_448, %swap3A_449, %swap3A_450] {strides = array<i32>} : memref<3x80x128xf32, #tpu.memory_space<vmem>>, vector<16xf32>,
          tpu.vector_store %arg12[%swap3A_448, %swap3A_449, %swap3A_450], %mul3A_446 {strides = array<i32>} : memref<3x80x128xf32, #tpu.memory_space<vmem>>, vector<16xf32>,
          %get3A_452 = arith.constant 2 : i32
          %get3A_453 = arith.index_cast %get3A_452 : i32 to index
          %get3A_454 = arith.index_cast %add3A_380 : i32 to index
          %get3A_455 = arith.constant 96 : index
          %get3A_456 = tpu.vector_load %arg12[%get3A_453, %get3A_454, %get3A_455] {strides = array<i32>} : memref<3x80x128xf32, #tpu.memory_space<vmem>>, vector<16xf32>,
          %mul3A_457 = arith.mulf %get3A_456, %gather3A_385 : vector<16xf32>
          %swap3A_458 = arith.constant 2 : i32
          %swap3A_459 = arith.index_cast %swap3A_458 : i32 to index
          %swap3A_460 = arith.index_cast %add3A_380 : i32 to index
          %swap3A_461 = arith.constant 96 : index
          %swap3A_462 = tpu.vector_load %arg12[%swap3A_459, %swap3A_460, %swap3A_461] {strides = array<i32>} : memref<3x80x128xf32, #tpu.memory_space<vmem>>, vector<16xf32>,
          tpu.vector_store %arg12[%swap3A_459, %swap3A_460, %swap3A_461], %mul3A_457 {strides = array<i32>} : memref<3x80x128xf32, #tpu.memory_space<vmem>>, vector<16xf32>,
          %get3A_463 = arith.constant 2 : i32
          %get3A_464 = arith.index_cast %get3A_463 : i32 to index
          %get3A_465 = arith.index_cast %add3A_380 : i32 to index
          %get3A_466 = arith.constant 112 : index
          %get3A_467 = tpu.vector_load %arg12[%get3A_464, %get3A_465, %get3A_466] {strides = array<i32>} : memref<3x80x128xf32, #tpu.memory_space<vmem>>, vector<16xf32>,
          %mul3A_468 = arith.mulf %get3A_467, %gather3A_385 : vector<16xf32>
          %swap3A_469 = arith.constant 2 : i32
          %swap3A_470 = arith.index_cast %swap3A_469 : i32 to index
          %swap3A_471 = arith.index_cast %add3A_380 : i32 to index
          %swap3A_472 = arith.constant 112 : index
          %swap3A_473 = tpu.vector_load %arg12[%swap3A_470, %swap3A_471, %swap3A_472] {strides = array<i32>} : memref<3x80x128xf32, #tpu.memory_space<vmem>>, vector<16xf32>,
          tpu.vector_store %arg12[%swap3A_470, %swap3A_471, %swap3A_472], %mul3A_468 {strides = array<i32>} : memref<3x80x128xf32, #tpu.memory_space<vmem>>, vector<16xf32>,
          %scan3A_474 = arith.constant 1 : i32
          %scan3A_475 = arith.addi %scan3A_376, %scan3A_474 : i32
          %mul3A_476 = arith.constant 1 : i32
          %mul3A_477 = arith.muli %scan3A_475, %mul3A_476 : i32
          %add3A_478 = arith.constant 0 : i32
          %add3A_479 = arith.addi %add3A_478, %mul3A_477 : i32
          %add3A_480 = vector.broadcast %add3A_343 : i32 to vector<16xi32>
          %add3A_481 = arith.addi %broadcast_in_dim3A_2, %add3A_480 : vector<16xi32>
          %add3A_482 = vector.broadcast %add3A_479 : i32 to vector<16xi32>
          %add3A_483 = arith.addi %broadcast_in_dim3A_2, %add3A_482 : vector<16xi32>
          %gather3A_484 = tpu.vector_load_idx %arg10[%add3A_481, %add3A_483] : memref<25x80xf32, #tpu.memory_space<vmem>>[vector<16xi32>, vector<16xi32>], vector<16xf32>,
          %get3A_485 = arith.constant 2 : i32
          %get3A_486 = arith.index_cast %get3A_485 : i32 to index
          %get3A_487 = arith.index_cast %add3A_479 : i32 to index
          %get3A_488 = arith.constant 0 : index
          %get3A_489 = tpu.vector_load %arg12[%get3A_486, %get3A_487, %get3A_488] {strides = array<i32>} : memref<3x80x128xf32, #tpu.memory_space<vmem>>, vector<16xf32>,
          %mul3A_490 = arith.mulf %get3A_489, %gather3A_484 : vector<16xf32>
          %swap3A_491 = arith.constant 2 : i32
          %swap3A_492 = arith.index_cast %swap3A_491 : i32 to index
          %swap3A_493 = arith.index_cast %add3A_479 : i32 to index
          %swap3A_494 = arith.constant 0 : index
          %swap3A_495 = tpu.vector_load %arg12[%swap3A_492, %swap3A_493, %swap3A_494] {strides = array<i32>} : memref<3x80x128xf32, #tpu.memory_space<vmem>>, vector<16xf32>,
          tpu.vector_store %arg12[%swap3A_492, %swap3A_493, %swap3A_494], %mul3A_490 {strides = array<i32>} : memref<3x80x128xf32, #tpu.memory_space<vmem>>, vector<16xf32>,
          %get3A_496 = arith.constant 2 : i32
          %get3A_497 = arith.index_cast %get3A_496 : i32 to index
          %get3A_498 = arith.index_cast %add3A_479 : i32 to index
          %get3A_499 = arith.constant 16 : index
          %get3A_500 = tpu.vector_load %arg12[%get3A_497, %get3A_498, %get3A_499] {strides = array<i32>} : memref<3x80x128xf32, #tpu.memory_space<vmem>>, vector<16xf32>,
          %mul3A_501 = arith.mulf %get3A_500, %gather3A_484 : vector<16xf32>
          %swap3A_502 = arith.constant 2 : i32
          %swap3A_503 = arith.index_cast %swap3A_502 : i32 to index
          %swap3A_504 = arith.index_cast %add3A_479 : i32 to index
          %swap3A_505 = arith.constant 16 : index
          %swap3A_506 = tpu.vector_load %arg12[%swap3A_503, %swap3A_504, %swap3A_505] {strides = array<i32>} : memref<3x80x128xf32, #tpu.memory_space<vmem>>, vector<16xf32>,
          tpu.vector_store %arg12[%swap3A_503, %swap3A_504, %swap3A_505], %mul3A_501 {strides = array<i32>} : memref<3x80x128xf32, #tpu.memory_space<vmem>>, vector<16xf32>,
          %get3A_507 = arith.constant 2 : i32
          %get3A_508 = arith.index_cast %get3A_507 : i32 to index
          %get3A_509 = arith.index_cast %add3A_479 : i32 to index
          %get3A_510 = arith.constant 32 : index
          %get3A_511 = tpu.vector_load %arg12[%get3A_508, %get3A_509, %get3A_510] {strides = array<i32>} : memref<3x80x128xf32, #tpu.memory_space<vmem>>, vector<16xf32>,
          %mul3A_512 = arith.mulf %get3A_511, %gather3A_484 : vector<16xf32>
          %swap3A_513 = arith.constant 2 : i32
          %swap3A_514 = arith.index_cast %swap3A_513 : i32 to index
          %swap3A_515 = arith.index_cast %add3A_479 : i32 to index
          %swap3A_516 = arith.constant 32 : index
          %swap3A_517 = tpu.vector_load %arg12[%swap3A_514, %swap3A_515, %swap3A_516] {strides = array<i32>} : memref<3x80x128xf32, #tpu.memory_space<vmem>>, vector<16xf32>,
          tpu.vector_store %arg12[%swap3A_514, %swap3A_515, %swap3A_516], %mul3A_512 {strides = array<i32>} : memref<3x80x128xf32, #tpu.memory_space<vmem>>, vector<16xf32>,
          %get3A_518 = arith.constant 2 : i32
          %get3A_519 = arith.index_cast %get3A_518 : i32 to index
          %get3A_520 = arith.index_cast %add3A_479 : i32 to index
          %get3A_521 = arith.constant 48 : index
          %get3A_522 = tpu.vector_load %arg12[%get3A_519, %get3A_520, %get3A_521] {strides = array<i32>} : memref<3x80x128xf32, #tpu.memory_space<vmem>>, vector<16xf32>,
          %mul3A_523 = arith.mulf %get3A_522, %gather3A_484 : vector<16xf32>
          %swap3A_524 = arith.constant 2 : i32
          %swap3A_525 = arith.index_cast %swap3A_524 : i32 to index
          %swap3A_526 = arith.index_cast %add3A_479 : i32 to index
          %swap3A_527 = arith.constant 48 : index
          %swap3A_528 = tpu.vector_load %arg12[%swap3A_525, %swap3A_526, %swap3A_527] {strides = array<i32>} : memref<3x80x128xf32, #tpu.memory_space<vmem>>, vector<16xf32>,
          tpu.vector_store %arg12[%swap3A_525, %swap3A_526, %swap3A_527], %mul3A_523 {strides = array<i32>} : memref<3x80x128xf32, #tpu.memory_space<vmem>>, vector<16xf32>,
          %get3A_529 = arith.constant 2 : i32
          %get3A_530 = arith.index_cast %get3A_529 : i32 to index
          %get3A_531 = arith.index_cast %add3A_479 : i32 to index
          %get3A_532 = arith.constant 64 : index
          %get3A_533 = tpu.vector_load %arg12[%get3A_530, %get3A_531, %get3A_532] {strides = array<i32>} : memref<3x80x128xf32, #tpu.memory_space<vmem>>, vector<16xf32>,
          %mul3A_534 = arith.mulf %get3A_533, %gather3A_484 : vector<16xf32>
          %swap3A_535 = arith.constant 2 : i32
          %swap3A_536 = arith.index_cast %swap3A_535 : i32 to index
          %swap3A_537 = arith.index_cast %add3A_479 : i32 to index
          %swap3A_538 = arith.constant 64 : index
          %swap3A_539 = tpu.vector_load %arg12[%swap3A_536, %swap3A_537, %swap3A_538] {strides = array<i32>} : memref<3x80x128xf32, #tpu.memory_space<vmem>>, vector<16xf32>,
          tpu.vector_store %arg12[%swap3A_536, %swap3A_537, %swap3A_538], %mul3A_534 {strides = array<i32>} : memref<3x80x128xf32, #tpu.memory_space<vmem>>, vector<16xf32>,
          %get3A_540 = arith.constant 2 : i32
          %get3A_541 = arith.index_cast %get3A_540 : i32 to index
          %get3A_542 = arith.index_cast %add3A_479 : i32 to index
          %get3A_543 = arith.constant 80 : index
          %get3A_544 = tpu.vector_load %arg12[%get3A_541, %get3A_542, %get3A_543] {strides = array<i32>} : memref<3x80x128xf32, #tpu.memory_space<vmem>>, vector<16xf32>,
          %mul3A_545 = arith.mulf %get3A_544, %gather3A_484 : vector<16xf32>
          %swap3A_546 = arith.constant 2 : i32
          %swap3A_547 = arith.index_cast %swap3A_546 : i32 to index
          %swap3A_548 = arith.index_cast %add3A_479 : i32 to index
          %swap3A_549 = arith.constant 80 : index
          %swap3A_550 = tpu.vector_load %arg12[%swap3A_547, %swap3A_548, %swap3A_549] {strides = array<i32>} : memref<3x80x128xf32, #tpu.memory_space<vmem>>, vector<16xf32>,
          tpu.vector_store %arg12[%swap3A_547, %swap3A_548, %swap3A_549], %mul3A_545 {strides = array<i32>} : memref<3x80x128xf32, #tpu.memory_space<vmem>>, vector<16xf32>,
          %get3A_551 = arith.constant 2 : i32
          %get3A_552 = arith.index_cast %get3A_551 : i32 to index
          %get3A_553 = arith.index_cast %add3A_479 : i32 to index
          %get3A_554 = arith.constant 96 : index
          %get3A_555 = tpu.vector_load %arg12[%get3A_552, %get3A_553, %get3A_554] {strides = array<i32>} : memref<3x80x128xf32, #tpu.memory_space<vmem>>, vector<16xf32>,
          %mul3A_556 = arith.mulf %get3A_555, %gather3A_484 : vector<16xf32>
          %swap3A_557 = arith.constant 2 : i32
          %swap3A_558 = arith.index_cast %swap3A_557 : i32 to index
          %swap3A_559 = arith.index_cast %add3A_479 : i32 to index
          %swap3A_560 = arith.constant 96 : index
          %swap3A_561 = tpu.vector_load %arg12[%swap3A_558, %swap3A_559, %swap3A_560] {strides = array<i32>} : memref<3x80x128xf32, #tpu.memory_space<vmem>>, vector<16xf32>,
          tpu.vector_store %arg12[%swap3A_558, %swap3A_559, %swap3A_560], %mul3A_556 {strides = array<i32>} : memref<3x80x128xf32, #tpu.memory_space<vmem>>, vector<16xf32>,
          %get3A_562 = arith.constant 2 : i32
          %get3A_563 = arith.index_cast %get3A_562 : i32 to index
          %get3A_564 = arith.index_cast %add3A_479 : i32 to index
          %get3A_565 = arith.constant 112 : index
          %get3A_566 = tpu.vector_load %arg12[%get3A_563, %get3A_564, %get3A_565] {strides = array<i32>} : memref<3x80x128xf32, #tpu.memory_space<vmem>>, vector<16xf32>,
          %mul3A_567 = arith.mulf %get3A_566, %gather3A_484 : vector<16xf32>
          %swap3A_568 = arith.constant 2 : i32
          %swap3A_569 = arith.index_cast %swap3A_568 : i32 to index
          %swap3A_570 = arith.index_cast %add3A_479 : i32 to index
          %swap3A_571 = arith.constant 112 : index
          %swap3A_572 = tpu.vector_load %arg12[%swap3A_569, %swap3A_570, %swap3A_571] {strides = array<i32>} : memref<3x80x128xf32, #tpu.memory_space<vmem>>, vector<16xf32>,
          tpu.vector_store %arg12[%swap3A_569, %swap3A_570, %swap3A_571], %mul3A_567 {strides = array<i32>} : memref<3x80x128xf32, #tpu.memory_space<vmem>>, vector<16xf32>,
          %scan3A_573 = arith.constant 2 : i32
          %scan3A_574 = arith.addi %scan3A_376, %scan3A_573 : i32
          %mul3A_575 = arith.constant 1 : i32
          %mul3A_576 = arith.muli %scan3A_574, %mul3A_575 : i32
          %add3A_577 = arith.constant 0 : i32
          %add3A_578 = arith.addi %add3A_577, %mul3A_576 : i32
          %add3A_579 = vector.broadcast %add3A_343 : i32 to vector<16xi32>
          %add3A_580 = arith.addi %broadcast_in_dim3A_2, %add3A_579 : vector<16xi32>
          %add3A_581 = vector.broadcast %add3A_578 : i32 to vector<16xi32>
          %add3A_582 = arith.addi %broadcast_in_dim3A_2, %add3A_581 : vector<16xi32>
          %gather3A_583 = tpu.vector_load_idx %arg10[%add3A_580, %add3A_582] : memref<25x80xf32, #tpu.memory_space<vmem>>[vector<16xi32>, vector<16xi32>], vector<16xf32>,
          %get3A_584 = arith.constant 2 : i32
          %get3A_585 = arith.index_cast %get3A_584 : i32 to index
          %get3A_586 = arith.index_cast %add3A_578 : i32 to index
          %get3A_587 = arith.constant 0 : index
          %get3A_588 = tpu.vector_load %arg12[%get3A_585, %get3A_586, %get3A_587] {strides = array<i32>} : memref<3x80x128xf32, #tpu.memory_space<vmem>>, vector<16xf32>,
          %mul3A_589 = arith.mulf %get3A_588, %gather3A_583 : vector<16xf32>
          %swap3A_590 = arith.constant 2 : i32
          %swap3A_591 = arith.index_cast %swap3A_590 : i32 to index
          %swap3A_592 = arith.index_cast %add3A_578 : i32 to index
          %swap3A_593 = arith.constant 0 : index
          %swap3A_594 = tpu.vector_load %arg12[%swap3A_591, %swap3A_592, %swap3A_593] {strides = array<i32>} : memref<3x80x128xf32, #tpu.memory_space<vmem>>, vector<16xf32>,
          tpu.vector_store %arg12[%swap3A_591, %swap3A_592, %swap3A_593], %mul3A_589 {strides = array<i32>} : memref<3x80x128xf32, #tpu.memory_space<vmem>>, vector<16xf32>,
          %get3A_595 = arith.constant 2 : i32
          %get3A_596 = arith.index_cast %get3A_595 : i32 to index
          %get3A_597 = arith.index_cast %add3A_578 : i32 to index
          %get3A_598 = arith.constant 16 : index
          %get3A_599 = tpu.vector_load %arg12[%get3A_596, %get3A_597, %get3A_598] {strides = array<i32>} : memref<3x80x128xf32, #tpu.memory_space<vmem>>, vector<16xf32>,
          %mul3A_600 = arith.mulf %get3A_599, %gather3A_583 : vector<16xf32>
          %swap3A_601 = arith.constant 2 : i32
          %swap3A_602 = arith.index_cast %swap3A_601 : i32 to index
          %swap3A_603 = arith.index_cast %add3A_578 : i32 to index
          %swap3A_604 = arith.constant 16 : index
          %swap3A_605 = tpu.vector_load %arg12[%swap3A_602, %swap3A_603, %swap3A_604] {strides = array<i32>} : memref<3x80x128xf32, #tpu.memory_space<vmem>>, vector<16xf32>,
          tpu.vector_store %arg12[%swap3A_602, %swap3A_603, %swap3A_604], %mul3A_600 {strides = array<i32>} : memref<3x80x128xf32, #tpu.memory_space<vmem>>, vector<16xf32>,
          %get3A_606 = arith.constant 2 : i32
          %get3A_607 = arith.index_cast %get3A_606 : i32 to index
          %get3A_608 = arith.index_cast %add3A_578 : i32 to index
          %get3A_609 = arith.constant 32 : index
          %get3A_610 = tpu.vector_load %arg12[%get3A_607, %get3A_608, %get3A_609] {strides = array<i32>} : memref<3x80x128xf32, #tpu.memory_space<vmem>>, vector<16xf32>,
          %mul3A_611 = arith.mulf %get3A_610, %gather3A_583 : vector<16xf32>
          %swap3A_612 = arith.constant 2 : i32
          %swap3A_613 = arith.index_cast %swap3A_612 : i32 to index
          %swap3A_614 = arith.index_cast %add3A_578 : i32 to index
          %swap3A_615 = arith.constant 32 : index
          %swap3A_616 = tpu.vector_load %arg12[%swap3A_613, %swap3A_614, %swap3A_615] {strides = array<i32>} : memref<3x80x128xf32, #tpu.memory_space<vmem>>, vector<16xf32>,
          tpu.vector_store %arg12[%swap3A_613, %swap3A_614, %swap3A_615], %mul3A_611 {strides = array<i32>} : memref<3x80x128xf32, #tpu.memory_space<vmem>>, vector<16xf32>,
          %get3A_617 = arith.constant 2 : i32
          %get3A_618 = arith.index_cast %get3A_617 : i32 to index
          %get3A_619 = arith.index_cast %add3A_578 : i32 to index
          %get3A_620 = arith.constant 48 : index
          %get3A_621 = tpu.vector_load %arg12[%get3A_618, %get3A_619, %get3A_620] {strides = array<i32>} : memref<3x80x128xf32, #tpu.memory_space<vmem>>, vector<16xf32>,
          %mul3A_622 = arith.mulf %get3A_621, %gather3A_583 : vector<16xf32>
          %swap3A_623 = arith.constant 2 : i32
          %swap3A_624 = arith.index_cast %swap3A_623 : i32 to index
          %swap3A_625 = arith.index_cast %add3A_578 : i32 to index
          %swap3A_626 = arith.constant 48 : index
          %swap3A_627 = tpu.vector_load %arg12[%swap3A_624, %swap3A_625, %swap3A_626] {strides = array<i32>} : memref<3x80x128xf32, #tpu.memory_space<vmem>>, vector<16xf32>,
          tpu.vector_store %arg12[%swap3A_624, %swap3A_625, %swap3A_626], %mul3A_622 {strides = array<i32>} : memref<3x80x128xf32, #tpu.memory_space<vmem>>, vector<16xf32>,
          %get3A_628 = arith.constant 2 : i32
          %get3A_629 = arith.index_cast %get3A_628 : i32 to index
          %get3A_630 = arith.index_cast %add3A_578 : i32 to index
          %get3A_631 = arith.constant 64 : index
          %get3A_632 = tpu.vector_load %arg12[%get3A_629, %get3A_630, %get3A_631] {strides = array<i32>} : memref<3x80x128xf32, #tpu.memory_space<vmem>>, vector<16xf32>,
          %mul3A_633 = arith.mulf %get3A_632, %gather3A_583 : vector<16xf32>
          %swap3A_634 = arith.constant 2 : i32
          %swap3A_635 = arith.index_cast %swap3A_634 : i32 to index
          %swap3A_636 = arith.index_cast %add3A_578 : i32 to index
          %swap3A_637 = arith.constant 64 : index
          %swap3A_638 = tpu.vector_load %arg12[%swap3A_635, %swap3A_636, %swap3A_637] {strides = array<i32>} : memref<3x80x128xf32, #tpu.memory_space<vmem>>, vector<16xf32>,
          tpu.vector_store %arg12[%swap3A_635, %swap3A_636, %swap3A_637], %mul3A_633 {strides = array<i32>} : memref<3x80x128xf32, #tpu.memory_space<vmem>>, vector<16xf32>,
          %get3A_639 = arith.constant 2 : i32
          %get3A_640 = arith.index_cast %get3A_639 : i32 to index
          %get3A_641 = arith.index_cast %add3A_578 : i32 to index
          %get3A_642 = arith.constant 80 : index
          %get3A_643 = tpu.vector_load %arg12[%get3A_640, %get3A_641, %get3A_642] {strides = array<i32>} : memref<3x80x128xf32, #tpu.memory_space<vmem>>, vector<16xf32>,
          %mul3A_644 = arith.mulf %get3A_643, %gather3A_583 : vector<16xf32>
          %swap3A_645 = arith.constant 2 : i32
          %swap3A_646 = arith.index_cast %swap3A_645 : i32 to index
          %swap3A_647 = arith.index_cast %add3A_578 : i32 to index
          %swap3A_648 = arith.constant 80 : index
          %swap3A_649 = tpu.vector_load %arg12[%swap3A_646, %swap3A_647, %swap3A_648] {strides = array<i32>} : memref<3x80x128xf32, #tpu.memory_space<vmem>>, vector<16xf32>,
          tpu.vector_store %arg12[%swap3A_646, %swap3A_647, %swap3A_648], %mul3A_644 {strides = array<i32>} : memref<3x80x128xf32, #tpu.memory_space<vmem>>, vector<16xf32>,
          %get3A_650 = arith.constant 2 : i32
          %get3A_651 = arith.index_cast %get3A_650 : i32 to index
          %get3A_652 = arith.index_cast %add3A_578 : i32 to index
          %get3A_653 = arith.constant 96 : index
          %get3A_654 = tpu.vector_load %arg12[%get3A_651, %get3A_652, %get3A_653] {strides = array<i32>} : memref<3x80x128xf32, #tpu.memory_space<vmem>>, vector<16xf32>,
          %mul3A_655 = arith.mulf %get3A_654, %gather3A_583 : vector<16xf32>
          %swap3A_656 = arith.constant 2 : i32
          %swap3A_657 = arith.index_cast %swap3A_656 : i32 to index
          %swap3A_658 = arith.index_cast %add3A_578 : i32 to index
          %swap3A_659 = arith.constant 96 : index
          %swap3A_660 = tpu.vector_load %arg12[%swap3A_657, %swap3A_658, %swap3A_659] {strides = array<i32>} : memref<3x80x128xf32, #tpu.memory_space<vmem>>, vector<16xf32>,
          tpu.vector_store %arg12[%swap3A_657, %swap3A_658, %swap3A_659], %mul3A_655 {strides = array<i32>} : memref<3x80x128xf32, #tpu.memory_space<vmem>>, vector<16xf32>,
          %get3A_661 = arith.constant 2 : i32
          %get3A_662 = arith.index_cast %get3A_661 : i32 to index
          %get3A_663 = arith.index_cast %add3A_578 : i32 to index
          %get3A_664 = arith.constant 112 : index
          %get3A_665 = tpu.vector_load %arg12[%get3A_662, %get3A_663, %get3A_664] {strides = array<i32>} : memref<3x80x128xf32, #tpu.memory_space<vmem>>, vector<16xf32>,
          %mul3A_666 = arith.mulf %get3A_665, %gather3A_583 : vector<16xf32>
          %swap3A_667 = arith.constant 2 : i32
          %swap3A_668 = arith.index_cast %swap3A_667 : i32 to index
          %swap3A_669 = arith.index_cast %add3A_578 : i32 to index
          %swap3A_670 = arith.constant 112 : index
          %swap3A_671 = tpu.vector_load %arg12[%swap3A_668, %swap3A_669, %swap3A_670] {strides = array<i32>} : memref<3x80x128xf32, #tpu.memory_space<vmem>>, vector<16xf32>,
          tpu.vector_store %arg12[%swap3A_668, %swap3A_669, %swap3A_670], %mul3A_666 {strides = array<i32>} : memref<3x80x128xf32, #tpu.memory_space<vmem>>, vector<16xf32>,
          %scan3A_672 = arith.constant 3 : i32
          %scan3A_673 = arith.addi %scan3A_376, %scan3A_672 : i32
          %mul3A_674 = arith.constant 1 : i32
          %mul3A_675 = arith.muli %scan3A_673, %mul3A_674 : i32
          %add3A_676 = arith.constant 0 : i32
          %add3A_677 = arith.addi %add3A_676, %mul3A_675 : i32
          %add3A_678 = vector.broadcast %add3A_343 : i32 to vector<16xi32>
          %add3A_679 = arith.addi %broadcast_in_dim3A_2, %add3A_678 : vector<16xi32>
          %add3A_680 = vector.broadcast %add3A_677 : i32 to vector<16xi32>
          %add3A_681 = arith.addi %broadcast_in_dim3A_2, %add3A_680 : vector<16xi32>
          %gather3A_682 = tpu.vector_load_idx %arg10[%add3A_679, %add3A_681] : memref<25x80xf32, #tpu.memory_space<vmem>>[vector<16xi32>, vector<16xi32>], vector<16xf32>,
          %get3A_683 = arith.constant 2 : i32
          %get3A_684 = arith.index_cast %get3A_683 : i32 to index
          %get3A_685 = arith.index_cast %add3A_677 : i32 to index
          %get3A_686 = arith.constant 0 : index
          %get3A_687 = tpu.vector_load %arg12[%get3A_684, %get3A_685, %get3A_686] {strides = array<i32>} : memref<3x80x128xf32, #tpu.memory_space<vmem>>, vector<16xf32>,
          %mul3A_688 = arith.mulf %get3A_687, %gather3A_682 : vector<16xf32>
          %swap3A_689 = arith.constant 2 : i32
          %swap3A_690 = arith.index_cast %swap3A_689 : i32 to index
          %swap3A_691 = arith.index_cast %add3A_677 : i32 to index
          %swap3A_692 = arith.constant 0 : index
          %swap3A_693 = tpu.vector_load %arg12[%swap3A_690, %swap3A_691, %swap3A_692] {strides = array<i32>} : memref<3x80x128xf32, #tpu.memory_space<vmem>>, vector<16xf32>,
          tpu.vector_store %arg12[%swap3A_690, %swap3A_691, %swap3A_692], %mul3A_688 {strides = array<i32>} : memref<3x80x128xf32, #tpu.memory_space<vmem>>, vector<16xf32>,
          %get3A_694 = arith.constant 2 : i32
          %get3A_695 = arith.index_cast %get3A_694 : i32 to index
          %get3A_696 = arith.index_cast %add3A_677 : i32 to index
          %get3A_697 = arith.constant 16 : index
          %get3A_698 = tpu.vector_load %arg12[%get3A_695, %get3A_696, %get3A_697] {strides = array<i32>} : memref<3x80x128xf32, #tpu.memory_space<vmem>>, vector<16xf32>,
          %mul3A_699 = arith.mulf %get3A_698, %gather3A_682 : vector<16xf32>
          %swap3A_700 = arith.constant 2 : i32
          %swap3A_701 = arith.index_cast %swap3A_700 : i32 to index
          %swap3A_702 = arith.index_cast %add3A_677 : i32 to index
          %swap3A_703 = arith.constant 16 : index
          %swap3A_704 = tpu.vector_load %arg12[%swap3A_701, %swap3A_702, %swap3A_703] {strides = array<i32>} : memref<3x80x128xf32, #tpu.memory_space<vmem>>, vector<16xf32>,
          tpu.vector_store %arg12[%swap3A_701, %swap3A_702, %swap3A_703], %mul3A_699 {strides = array<i32>} : memref<3x80x128xf32, #tpu.memory_space<vmem>>, vector<16xf32>,
          %get3A_705 = arith.constant 2 : i32
          %get3A_706 = arith.index_cast %get3A_705 : i32 to index
          %get3A_707 = arith.index_cast %add3A_677 : i32 to index
          %get3A_708 = arith.constant 32 : index
          %get3A_709 = tpu.vector_load %arg12[%get3A_706, %get3A_707, %get3A_708] {strides = array<i32>} : memref<3x80x128xf32, #tpu.memory_space<vmem>>, vector<16xf32>,
          %mul3A_710 = arith.mulf %get3A_709, %gather3A_682 : vector<16xf32>
          %swap3A_711 = arith.constant 2 : i32
          %swap3A_712 = arith.index_cast %swap3A_711 : i32 to index
          %swap3A_713 = arith.index_cast %add3A_677 : i32 to index
          %swap3A_714 = arith.constant 32 : index
          %swap3A_715 = tpu.vector_load %arg12[%swap3A_712, %swap3A_713, %swap3A_714] {strides = array<i32>} : memref<3x80x128xf32, #tpu.memory_space<vmem>>, vector<16xf32>,
          tpu.vector_store %arg12[%swap3A_712, %swap3A_713, %swap3A_714], %mul3A_710 {strides = array<i32>} : memref<3x80x128xf32, #tpu.memory_space<vmem>>, vector<16xf32>,
          %get3A_716 = arith.constant 2 : i32
          %get3A_717 = arith.index_cast %get3A_716 : i32 to index
          %get3A_718 = arith.index_cast %add3A_677 : i32 to index
          %get3A_719 = arith.constant 48 : index
          %get3A_720 = tpu.vector_load %arg12[%get3A_717, %get3A_718, %get3A_719] {strides = array<i32>} : memref<3x80x128xf32, #tpu.memory_space<vmem>>, vector<16xf32>,
          %mul3A_721 = arith.mulf %get3A_720, %gather3A_682 : vector<16xf32>
          %swap3A_722 = arith.constant 2 : i32
          %swap3A_723 = arith.index_cast %swap3A_722 : i32 to index
          %swap3A_724 = arith.index_cast %add3A_677 : i32 to index
          %swap3A_725 = arith.constant 48 : index
          %swap3A_726 = tpu.vector_load %arg12[%swap3A_723, %swap3A_724, %swap3A_725] {strides = array<i32>} : memref<3x80x128xf32, #tpu.memory_space<vmem>>, vector<16xf32>,
          tpu.vector_store %arg12[%swap3A_723, %swap3A_724, %swap3A_725], %mul3A_721 {strides = array<i32>} : memref<3x80x128xf32, #tpu.memory_space<vmem>>, vector<16xf32>,
          %get3A_727 = arith.constant 2 : i32
          %get3A_728 = arith.index_cast %get3A_727 : i32 to index
          %get3A_729 = arith.index_cast %add3A_677 : i32 to index
          %get3A_730 = arith.constant 64 : index
          %get3A_731 = tpu.vector_load %arg12[%get3A_728, %get3A_729, %get3A_730] {strides = array<i32>} : memref<3x80x128xf32, #tpu.memory_space<vmem>>, vector<16xf32>,
          %mul3A_732 = arith.mulf %get3A_731, %gather3A_682 : vector<16xf32>
          %swap3A_733 = arith.constant 2 : i32
          %swap3A_734 = arith.index_cast %swap3A_733 : i32 to index
          %swap3A_735 = arith.index_cast %add3A_677 : i32 to index
          %swap3A_736 = arith.constant 64 : index
          %swap3A_737 = tpu.vector_load %arg12[%swap3A_734, %swap3A_735, %swap3A_736] {strides = array<i32>} : memref<3x80x128xf32, #tpu.memory_space<vmem>>, vector<16xf32>,
          tpu.vector_store %arg12[%swap3A_734, %swap3A_735, %swap3A_736], %mul3A_732 {strides = array<i32>} : memref<3x80x128xf32, #tpu.memory_space<vmem>>, vector<16xf32>,
          %get3A_738 = arith.constant 2 : i32
          %get3A_739 = arith.index_cast %get3A_738 : i32 to index
          %get3A_740 = arith.index_cast %add3A_677 : i32 to index
          %get3A_741 = arith.constant 80 : index
          %get3A_742 = tpu.vector_load %arg12[%get3A_739, %get3A_740, %get3A_741] {strides = array<i32>} : memref<3x80x128xf32, #tpu.memory_space<vmem>>, vector<16xf32>,
          %mul3A_743 = arith.mulf %get3A_742, %gather3A_682 : vector<16xf32>
          %swap3A_744 = arith.constant 2 : i32
          %swap3A_745 = arith.index_cast %swap3A_744 : i32 to index
          %swap3A_746 = arith.index_cast %add3A_677 : i32 to index
          %swap3A_747 = arith.constant 80 : index
          %swap3A_748 = tpu.vector_load %arg12[%swap3A_745, %swap3A_746, %swap3A_747] {strides = array<i32>} : memref<3x80x128xf32, #tpu.memory_space<vmem>>, vector<16xf32>,
          tpu.vector_store %arg12[%swap3A_745, %swap3A_746, %swap3A_747], %mul3A_743 {strides = array<i32>} : memref<3x80x128xf32, #tpu.memory_space<vmem>>, vector<16xf32>,
          %get3A_749 = arith.constant 2 : i32
          %get3A_750 = arith.index_cast %get3A_749 : i32 to index
          %get3A_751 = arith.index_cast %add3A_677 : i32 to index
          %get3A_752 = arith.constant 96 : index
          %get3A_753 = tpu.vector_load %arg12[%get3A_750, %get3A_751, %get3A_752] {strides = array<i32>} : memref<3x80x128xf32, #tpu.memory_space<vmem>>, vector<16xf32>,
          %mul3A_754 = arith.mulf %get3A_753, %gather3A_682 : vector<16xf32>
          %swap3A_755 = arith.constant 2 : i32
          %swap3A_756 = arith.index_cast %swap3A_755 : i32 to index
          %swap3A_757 = arith.index_cast %add3A_677 : i32 to index
          %swap3A_758 = arith.constant 96 : index
          %swap3A_759 = tpu.vector_load %arg12[%swap3A_756, %swap3A_757, %swap3A_758] {strides = array<i32>} : memref<3x80x128xf32, #tpu.memory_space<vmem>>, vector<16xf32>,
          tpu.vector_store %arg12[%swap3A_756, %swap3A_757, %swap3A_758], %mul3A_754 {strides = array<i32>} : memref<3x80x128xf32, #tpu.memory_space<vmem>>, vector<16xf32>,
          %get3A_760 = arith.constant 2 : i32
          %get3A_761 = arith.index_cast %get3A_760 : i32 to index
          %get3A_762 = arith.index_cast %add3A_677 : i32 to index
          %get3A_763 = arith.constant 112 : index
          %get3A_764 = tpu.vector_load %arg12[%get3A_761, %get3A_762, %get3A_763] {strides = array<i32>} : memref<3x80x128xf32, #tpu.memory_space<vmem>>, vector<16xf32>,
          %mul3A_765 = arith.mulf %get3A_764, %gather3A_682 : vector<16xf32>
          %swap3A_766 = arith.constant 2 : i32
          %swap3A_767 = arith.index_cast %swap3A_766 : i32 to index
          %swap3A_768 = arith.index_cast %add3A_677 : i32 to index
          %swap3A_769 = arith.constant 112 : index
          %swap3A_770 = tpu.vector_load %arg12[%swap3A_767, %swap3A_768, %swap3A_769] {strides = array<i32>} : memref<3x80x128xf32, #tpu.memory_space<vmem>>, vector<16xf32>,
          tpu.vector_store %arg12[%swap3A_767, %swap3A_768, %swap3A_769], %mul3A_765 {strides = array<i32>} : memref<3x80x128xf32, #tpu.memory_space<vmem>>, vector<16xf32>,
        }
        %scan3A_359 = arith.constant 80 : i32
        %dma_start3A_360 = arith.constant 2 : i32
        %dma_start3A_361 = arith.constant 0 : i32
        %dma_start3A_362 = arith.constant 0 : i32
        %dma_start3A_363 = tpu.memref_slice %arg12[%dma_start3A_360, %dma_start3A_361, %dma_start3A_362] : memref<3x80x128xf32, #tpu.memory_space<vmem>> -> memref<1x80x128xf32, #tpu.memory_space<vmem>>
        %dma_start3A_364 = tpu.memref_squeeze %dma_start3A_363 : memref<1x80x128xf32, #tpu.memory_space<vmem>> -> memref<80x128xf32, #tpu.memory_space<vmem>>
        %dma_start3A_365 = arith.constant 0 : i32
        %dma_start3A_366 = tpu.memref_slice %arg9[%add3A_343, %dma_start3A_365] : memref<25x80xi32, #tpu.memory_space<vmem>> -> memref<1x80xi32, #tpu.memory_space<vmem>>
        %dma_start3A_367 = tpu.memref_squeeze %dma_start3A_366 : memref<1x80xi32, #tpu.memory_space<vmem>> -> memref<80xi32, #tpu.memory_space<vmem>>
        %dma_start3A_368 = arith.constant 0 : i32
        %dma_start3A_369 = arith.constant 0 : i32
        %dma_start3A_370 = tpu.memref_slice %arg13[%dma_start3A_368, %dma_start3A_369] : memref<10000x128xf32, #tpu.memory_space<vmem_shared>> -> memref<10000x128xf32, #tpu.memory_space<vmem_shared>>
        tpu.enqueue_indirect_dma source(%dma_start3A_364 : memref<80x128xf32, #tpu.memory_space<vmem>>) target(%dma_start3A_370 : memref<10000x128xf32, #tpu.memory_space<vmem_shared>>) offsets(%dma_start3A_367 : memref<80xi32, #tpu.memory_space<vmem>>) semaphore(%arg19 : memref<!tpu.dma_semaphore, #tpu.memory_space<semaphore_mem>>) {add = true}
        %lt3A_371 = arith.constant 23 : i32
        %lt3A_372 = arith.cmpi slt, %add3A_343, %lt3A_371 : i32
        %convert_element_type3A_373 = arith.extui %lt3A_372 : i1 to i32
        %cond3A_374 = arith.constant 0 : i32
        %cond3A_375 = arith.cmpi ne, %convert_element_type3A_373, %cond3A_374 : i32
        scf.if %cond3A_375 {
          %ge3A = arith.constant 1 : i32
          %ge3A_376 = arith.cmpi sge, %add3A_343, %ge3A : i32
          %convert_element_type3A_377 = arith.extui %ge3A_376 : i1 to i32
          %cond3A_378 = arith.constant 0 : i32
          %cond3A_379 = arith.cmpi ne, %convert_element_type3A_377, %cond3A_378 : i32
          scf.if %cond3A_379 {
            %sub3A_393 = arith.constant 1 : i32
            %sub3A_394 = arith.subi %add3A_343, %sub3A_393 : i32
            %dma_wait3A_395 = arith.constant 1 : i32
            %dma_wait3A_396 = arith.constant 0 : i32
            %dma_wait3A_397 = arith.constant 0 : i32
            %dma_wait3A_398 = tpu.memref_slice %arg12[%dma_wait3A_395, %dma_wait3A_396, %dma_wait3A_397] : memref<3x80x128xf32, #tpu.memory_space<vmem>> -> memref<1x80x128xf32, #tpu.memory_space<vmem>>
            %dma_wait3A_399 = tpu.memref_squeeze %dma_wait3A_398 : memref<1x80x128xf32, #tpu.memory_space<vmem>> -> memref<80x128xf32, #tpu.memory_space<vmem>>
            %dma_wait3A_400 = arith.constant 0 : i32
            %dma_wait3A_401 = tpu.memref_slice %arg9[%sub3A_394, %dma_wait3A_400] : memref<25x80xi32, #tpu.memory_space<vmem>> -> memref<1x80xi32, #tpu.memory_space<vmem>>
            %dma_wait3A_402 = tpu.memref_squeeze %dma_wait3A_401 : memref<1x80xi32, #tpu.memory_space<vmem>> -> memref<80xi32, #tpu.memory_space<vmem>>
            %dma_wait3A_403 = arith.constant 0 : i32
            %dma_wait3A_404 = arith.constant 0 : i32
            %dma_wait3A_405 = tpu.memref_slice %arg13[%dma_wait3A_403, %dma_wait3A_404] : memref<10000x128xf32, #tpu.memory_space<vmem_shared>> -> memref<10000x128xf32, #tpu.memory_space<vmem_shared>>
            tpu.wait_indirect_dma semaphore(%arg18 : memref<!tpu.dma_semaphore, #tpu.memory_space<semaphore_mem>>) src(%dma_wait3A_399 : memref<80x128xf32, #tpu.memory_space<vmem>>) dst(%dma_wait3A_405 : memref<10000x128xf32, #tpu.memory_space<vmem_shared>>)
          } else {
          }
          %add3A_380 = arith.constant 2 : i32
          %add3A_381 = arith.addi %add3A_343, %add3A_380 : i32
          %dma_start3A_382 = arith.constant 1 : i32
          %dma_start3A_383 = arith.constant 0 : i32
          %dma_start3A_384 = arith.constant 0 : i32
          %dma_start3A_385 = tpu.memref_slice %arg12[%dma_start3A_382, %dma_start3A_383, %dma_start3A_384] : memref<3x80x128xf32, #tpu.memory_space<vmem>> -> memref<1x80x128xf32, #tpu.memory_space<vmem>>
          %dma_start3A_386 = tpu.memref_squeeze %dma_start3A_385 : memref<1x80x128xf32, #tpu.memory_space<vmem>> -> memref<80x128xf32, #tpu.memory_space<vmem>>
          %dma_start3A_387 = arith.constant 0 : i32
          %dma_start3A_388 = tpu.memref_slice %arg8[%add3A_381, %dma_start3A_387] : memref<25x80xi32, #tpu.memory_space<vmem>> -> memref<1x80xi32, #tpu.memory_space<vmem>>
          %dma_start3A_389 = tpu.memref_squeeze %dma_start3A_388 : memref<1x80xi32, #tpu.memory_space<vmem>> -> memref<80xi32, #tpu.memory_space<vmem>>
          %dma_start3A_390 = arith.constant 0 : i32
          %dma_start3A_391 = arith.constant 0 : i32
          %dma_start3A_392 = tpu.memref_slice %arg2[%dma_start3A_390, %dma_start3A_391] : memref<10000x128xf32, #tpu.memory_space<hbm>> -> memref<10000x128xf32, #tpu.memory_space<hbm>>
          tpu.enqueue_indirect_dma source(%dma_start3A_392 : memref<10000x128xf32, #tpu.memory_space<hbm>>) target(%dma_start3A_386 : memref<80x128xf32, #tpu.memory_space<vmem>>) offsets(%dma_start3A_389 : memref<80xi32, #tpu.memory_space<vmem>>) semaphore(%arg15 : memref<!tpu.dma_semaphore, #tpu.memory_space<semaphore_mem>>)
        } else {
        }
      }
      %scan3A_206 = arith.constant 8 : i32
      %dma_wait3A_207 = arith.constant 24 : i32
      %dma_wait3A_208 = arith.constant 0 : i32
      %dma_wait3A_209 = arith.constant 0 : i32
      %dma_wait3A_210 = arith.constant 0 : i32
      %dma_wait3A_211 = tpu.memref_slice %arg12[%dma_wait3A_208, %dma_wait3A_209, %dma_wait3A_210] : memref<3x80x128xf32, #tpu.memory_space<vmem>> -> memref<1x80x128xf32, #tpu.memory_space<vmem>>
      %dma_wait3A_212 = tpu.memref_squeeze %dma_wait3A_211 : memref<1x80x128xf32, #tpu.memory_space<vmem>> -> memref<80x128xf32, #tpu.memory_space<vmem>>
      %dma_wait3A_213 = arith.constant 0 : i32
      %dma_wait3A_214 = tpu.memref_slice %arg8[%dma_wait3A_207, %dma_wait3A_213] : memref<25x80xi32, #tpu.memory_space<vmem>> -> memref<1x80xi32, #tpu.memory_space<vmem>>
      %dma_wait3A_215 = tpu.memref_squeeze %dma_wait3A_214 : memref<1x80xi32, #tpu.memory_space<vmem>> -> memref<80xi32, #tpu.memory_space<vmem>>
      %dma_wait3A_216 = arith.constant 0 : i32
      %dma_wait3A_217 = arith.constant 0 : i32
      %dma_wait3A_218 = tpu.memref_slice %arg2[%dma_wait3A_216, %dma_wait3A_217] : memref<10000x128xf32, #tpu.memory_space<hbm>> -> memref<10000x128xf32, #tpu.memory_space<hbm>>
      tpu.wait_indirect_dma semaphore(%arg14 : memref<!tpu.dma_semaphore, #tpu.memory_space<semaphore_mem>>) src(%dma_wait3A_218 : memref<10000x128xf32, #tpu.memory_space<hbm>>) dst(%dma_wait3A_212 : memref<80x128xf32, #tpu.memory_space<vmem>>)
      %scan3A_219 = arith.constant 0 : i32
      %scan3A_220 = arith.constant 80 : i32
      %scan3A_221 = arith.addi %scan3A_219, %scan3A_220 : i32
      %scan3A_222 = arith.constant 4 : i32
      scf.for %scan3A_272 = %scan3A_219 to %scan3A_221 step %scan3A_222  : i32 {
        %mul3A_273 = arith.constant 1 : i32
        %mul3A_274 = arith.muli %scan3A_272, %mul3A_273 : i32
        %add3A_275 = arith.constant 0 : i32
        %add3A_276 = arith.addi %add3A_275, %mul3A_274 : i32
        %add3A_277 = arith.constant 24 : i32
        %add3A_278 = vector.broadcast %add3A_277 : i32 to vector<16xi32>
        %add3A_279 = arith.addi %broadcast_in_dim3A_2, %add3A_278 : vector<16xi32>
        %add3A_280 = vector.broadcast %add3A_276 : i32 to vector<16xi32>
        %add3A_281 = arith.addi %broadcast_in_dim3A_2, %add3A_280 : vector<16xi32>
        %gather3A_282 = tpu.vector_load_idx %arg10[%add3A_279, %add3A_281] : memref<25x80xf32, #tpu.memory_space<vmem>>[vector<16xi32>, vector<16xi32>], vector<16xf32>,
        %get3A_283 = arith.constant 0 : i32
        %get3A_284 = arith.index_cast %get3A_283 : i32 to index
        %get3A_285 = arith.index_cast %add3A_276 : i32 to index
        %get3A_286 = arith.constant 0 : index
        %get3A_287 = tpu.vector_load %arg12[%get3A_284, %get3A_285, %get3A_286] {strides = array<i32>} : memref<3x80x128xf32, #tpu.memory_space<vmem>>, vector<16xf32>,
        %mul3A_288 = arith.mulf %get3A_287, %gather3A_282 : vector<16xf32>
        %swap3A_289 = arith.constant 0 : i32
        %swap3A_290 = arith.index_cast %swap3A_289 : i32 to index
        %swap3A_291 = arith.index_cast %add3A_276 : i32 to index
        %swap3A_292 = arith.constant 0 : index
        %swap3A_293 = tpu.vector_load %arg12[%swap3A_290, %swap3A_291, %swap3A_292] {strides = array<i32>} : memref<3x80x128xf32, #tpu.memory_space<vmem>>, vector<16xf32>,
        tpu.vector_store %arg12[%swap3A_290, %swap3A_291, %swap3A_292], %mul3A_288 {strides = array<i32>} : memref<3x80x128xf32, #tpu.memory_space<vmem>>, vector<16xf32>,
        %get3A_294 = arith.constant 0 : i32
        %get3A_295 = arith.index_cast %get3A_294 : i32 to index
        %get3A_296 = arith.index_cast %add3A_276 : i32 to index
        %get3A_297 = arith.constant 16 : index
        %get3A_298 = tpu.vector_load %arg12[%get3A_295, %get3A_296, %get3A_297] {strides = array<i32>} : memref<3x80x128xf32, #tpu.memory_space<vmem>>, vector<16xf32>,
        %mul3A_299 = arith.mulf %get3A_298, %gather3A_282 : vector<16xf32>
        %swap3A_300 = arith.constant 0 : i32
        %swap3A_301 = arith.index_cast %swap3A_300 : i32 to index
        %swap3A_302 = arith.index_cast %add3A_276 : i32 to index
        %swap3A_303 = arith.constant 16 : index
        %swap3A_304 = tpu.vector_load %arg12[%swap3A_301, %swap3A_302, %swap3A_303] {strides = array<i32>} : memref<3x80x128xf32, #tpu.memory_space<vmem>>, vector<16xf32>,
        tpu.vector_store %arg12[%swap3A_301, %swap3A_302, %swap3A_303], %mul3A_299 {strides = array<i32>} : memref<3x80x128xf32, #tpu.memory_space<vmem>>, vector<16xf32>,
        %get3A_305 = arith.constant 0 : i32
        %get3A_306 = arith.index_cast %get3A_305 : i32 to index
        %get3A_307 = arith.index_cast %add3A_276 : i32 to index
        %get3A_308 = arith.constant 32 : index
        %get3A_309 = tpu.vector_load %arg12[%get3A_306, %get3A_307, %get3A_308] {strides = array<i32>} : memref<3x80x128xf32, #tpu.memory_space<vmem>>, vector<16xf32>,
        %mul3A_310 = arith.mulf %get3A_309, %gather3A_282 : vector<16xf32>
        %swap3A_311 = arith.constant 0 : i32
        %swap3A_312 = arith.index_cast %swap3A_311 : i32 to index
        %swap3A_313 = arith.index_cast %add3A_276 : i32 to index
        %swap3A_314 = arith.constant 32 : index
        %swap3A_315 = tpu.vector_load %arg12[%swap3A_312, %swap3A_313, %swap3A_314] {strides = array<i32>} : memref<3x80x128xf32, #tpu.memory_space<vmem>>, vector<16xf32>,
        tpu.vector_store %arg12[%swap3A_312, %swap3A_313, %swap3A_314], %mul3A_310 {strides = array<i32>} : memref<3x80x128xf32, #tpu.memory_space<vmem>>, vector<16xf32>,
        %get3A_316 = arith.constant 0 : i32
        %get3A_317 = arith.index_cast %get3A_316 : i32 to index
        %get3A_318 = arith.index_cast %add3A_276 : i32 to index
        %get3A_319 = arith.constant 48 : index
        %get3A_320 = tpu.vector_load %arg12[%get3A_317, %get3A_318, %get3A_319] {strides = array<i32>} : memref<3x80x128xf32, #tpu.memory_space<vmem>>, vector<16xf32>,
        %mul3A_321 = arith.mulf %get3A_320, %gather3A_282 : vector<16xf32>
        %swap3A_322 = arith.constant 0 : i32
        %swap3A_323 = arith.index_cast %swap3A_322 : i32 to index
        %swap3A_324 = arith.index_cast %add3A_276 : i32 to index
        %swap3A_325 = arith.constant 48 : index
        %swap3A_326 = tpu.vector_load %arg12[%swap3A_323, %swap3A_324, %swap3A_325] {strides = array<i32>} : memref<3x80x128xf32, #tpu.memory_space<vmem>>, vector<16xf32>,
        tpu.vector_store %arg12[%swap3A_323, %swap3A_324, %swap3A_325], %mul3A_321 {strides = array<i32>} : memref<3x80x128xf32, #tpu.memory_space<vmem>>, vector<16xf32>,
        %get3A_327 = arith.constant 0 : i32
        %get3A_328 = arith.index_cast %get3A_327 : i32 to index
        %get3A_329 = arith.index_cast %add3A_276 : i32 to index
        %get3A_330 = arith.constant 64 : index
        %get3A_331 = tpu.vector_load %arg12[%get3A_328, %get3A_329, %get3A_330] {strides = array<i32>} : memref<3x80x128xf32, #tpu.memory_space<vmem>>, vector<16xf32>,
        %mul3A_332 = arith.mulf %get3A_331, %gather3A_282 : vector<16xf32>
        %swap3A_333 = arith.constant 0 : i32
        %swap3A_334 = arith.index_cast %swap3A_333 : i32 to index
        %swap3A_335 = arith.index_cast %add3A_276 : i32 to index
        %swap3A_336 = arith.constant 64 : index
        %swap3A_337 = tpu.vector_load %arg12[%swap3A_334, %swap3A_335, %swap3A_336] {strides = array<i32>} : memref<3x80x128xf32, #tpu.memory_space<vmem>>, vector<16xf32>,
        tpu.vector_store %arg12[%swap3A_334, %swap3A_335, %swap3A_336], %mul3A_332 {strides = array<i32>} : memref<3x80x128xf32, #tpu.memory_space<vmem>>, vector<16xf32>,
        %get3A_338 = arith.constant 0 : i32
        %get3A_339 = arith.index_cast %get3A_338 : i32 to index
        %get3A_340 = arith.index_cast %add3A_276 : i32 to index
        %get3A_341 = arith.constant 80 : index
        %get3A_342 = tpu.vector_load %arg12[%get3A_339, %get3A_340, %get3A_341] {strides = array<i32>} : memref<3x80x128xf32, #tpu.memory_space<vmem>>, vector<16xf32>,
        %mul3A_343 = arith.mulf %get3A_342, %gather3A_282 : vector<16xf32>
        %swap3A_344 = arith.constant 0 : i32
        %swap3A_345 = arith.index_cast %swap3A_344 : i32 to index
        %swap3A_346 = arith.index_cast %add3A_276 : i32 to index
        %swap3A_347 = arith.constant 80 : index
        %swap3A_348 = tpu.vector_load %arg12[%swap3A_345, %swap3A_346, %swap3A_347] {strides = array<i32>} : memref<3x80x128xf32, #tpu.memory_space<vmem>>, vector<16xf32>,
        tpu.vector_store %arg12[%swap3A_345, %swap3A_346, %swap3A_347], %mul3A_343 {strides = array<i32>} : memref<3x80x128xf32, #tpu.memory_space<vmem>>, vector<16xf32>,
        %get3A_349 = arith.constant 0 : i32
        %get3A_350 = arith.index_cast %get3A_349 : i32 to index
        %get3A_351 = arith.index_cast %add3A_276 : i32 to index
        %get3A_352 = arith.constant 96 : index
        %get3A_353 = tpu.vector_load %arg12[%get3A_350, %get3A_351, %get3A_352] {strides = array<i32>} : memref<3x80x128xf32, #tpu.memory_space<vmem>>, vector<16xf32>,
        %mul3A_354 = arith.mulf %get3A_353, %gather3A_282 : vector<16xf32>
        %swap3A_355 = arith.constant 0 : i32
        %swap3A_356 = arith.index_cast %swap3A_355 : i32 to index
        %swap3A_357 = arith.index_cast %add3A_276 : i32 to index
        %swap3A_358 = arith.constant 96 : index
        %swap3A_359 = tpu.vector_load %arg12[%swap3A_356, %swap3A_357, %swap3A_358] {strides = array<i32>} : memref<3x80x128xf32, #tpu.memory_space<vmem>>, vector<16xf32>,
        tpu.vector_store %arg12[%swap3A_356, %swap3A_357, %swap3A_358], %mul3A_354 {strides = array<i32>} : memref<3x80x128xf32, #tpu.memory_space<vmem>>, vector<16xf32>,
        %get3A_360 = arith.constant 0 : i32
        %get3A_361 = arith.index_cast %get3A_360 : i32 to index
        %get3A_362 = arith.index_cast %add3A_276 : i32 to index
        %get3A_363 = arith.constant 112 : index
        %get3A_364 = tpu.vector_load %arg12[%get3A_361, %get3A_362, %get3A_363] {strides = array<i32>} : memref<3x80x128xf32, #tpu.memory_space<vmem>>, vector<16xf32>,
        %mul3A_365 = arith.mulf %get3A_364, %gather3A_282 : vector<16xf32>
        %swap3A_366 = arith.constant 0 : i32
        %swap3A_367 = arith.index_cast %swap3A_366 : i32 to index
        %swap3A_368 = arith.index_cast %add3A_276 : i32 to index
        %swap3A_369 = arith.constant 112 : index
        %swap3A_370 = tpu.vector_load %arg12[%swap3A_367, %swap3A_368, %swap3A_369] {strides = array<i32>} : memref<3x80x128xf32, #tpu.memory_space<vmem>>, vector<16xf32>,
        tpu.vector_store %arg12[%swap3A_367, %swap3A_368, %swap3A_369], %mul3A_365 {strides = array<i32>} : memref<3x80x128xf32, #tpu.memory_space<vmem>>, vector<16xf32>,
        %scan3A_371 = arith.constant 1 : i32
        %scan3A_372 = arith.addi %scan3A_272, %scan3A_371 : i32
        %mul3A_373 = arith.constant 1 : i32
        %mul3A_374 = arith.muli %scan3A_372, %mul3A_373 : i32
        %add3A_375 = arith.constant 0 : i32
        %add3A_376 = arith.addi %add3A_375, %mul3A_374 : i32
        %add3A_377 = arith.constant 24 : i32
        %add3A_378 = vector.broadcast %add3A_377 : i32 to vector<16xi32>
        %add3A_379 = arith.addi %broadcast_in_dim3A_2, %add3A_378 : vector<16xi32>
        %add3A_380 = vector.broadcast %add3A_376 : i32 to vector<16xi32>
        %add3A_381 = arith.addi %broadcast_in_dim3A_2, %add3A_380 : vector<16xi32>
        %gather3A_382 = tpu.vector_load_idx %arg10[%add3A_379, %add3A_381] : memref<25x80xf32, #tpu.memory_space<vmem>>[vector<16xi32>, vector<16xi32>], vector<16xf32>,
        %get3A_383 = arith.constant 0 : i32
        %get3A_384 = arith.index_cast %get3A_383 : i32 to index
        %get3A_385 = arith.index_cast %add3A_376 : i32 to index
        %get3A_386 = arith.constant 0 : index
        %get3A_387 = tpu.vector_load %arg12[%get3A_384, %get3A_385, %get3A_386] {strides = array<i32>} : memref<3x80x128xf32, #tpu.memory_space<vmem>>, vector<16xf32>,
        %mul3A_388 = arith.mulf %get3A_387, %gather3A_382 : vector<16xf32>
        %swap3A_389 = arith.constant 0 : i32
        %swap3A_390 = arith.index_cast %swap3A_389 : i32 to index
        %swap3A_391 = arith.index_cast %add3A_376 : i32 to index
        %swap3A_392 = arith.constant 0 : index
        %swap3A_393 = tpu.vector_load %arg12[%swap3A_390, %swap3A_391, %swap3A_392] {strides = array<i32>} : memref<3x80x128xf32, #tpu.memory_space<vmem>>, vector<16xf32>,
        tpu.vector_store %arg12[%swap3A_390, %swap3A_391, %swap3A_392], %mul3A_388 {strides = array<i32>} : memref<3x80x128xf32, #tpu.memory_space<vmem>>, vector<16xf32>,
        %get3A_394 = arith.constant 0 : i32
        %get3A_395 = arith.index_cast %get3A_394 : i32 to index
        %get3A_396 = arith.index_cast %add3A_376 : i32 to index
        %get3A_397 = arith.constant 16 : index
        %get3A_398 = tpu.vector_load %arg12[%get3A_395, %get3A_396, %get3A_397] {strides = array<i32>} : memref<3x80x128xf32, #tpu.memory_space<vmem>>, vector<16xf32>,
        %mul3A_399 = arith.mulf %get3A_398, %gather3A_382 : vector<16xf32>
        %swap3A_400 = arith.constant 0 : i32
        %swap3A_401 = arith.index_cast %swap3A_400 : i32 to index
        %swap3A_402 = arith.index_cast %add3A_376 : i32 to index
        %swap3A_403 = arith.constant 16 : index
        %swap3A_404 = tpu.vector_load %arg12[%swap3A_401, %swap3A_402, %swap3A_403] {strides = array<i32>} : memref<3x80x128xf32, #tpu.memory_space<vmem>>, vector<16xf32>,
        tpu.vector_store %arg12[%swap3A_401, %swap3A_402, %swap3A_403], %mul3A_399 {strides = array<i32>} : memref<3x80x128xf32, #tpu.memory_space<vmem>>, vector<16xf32>,
        %get3A_405 = arith.constant 0 : i32
        %get3A_406 = arith.index_cast %get3A_405 : i32 to index
        %get3A_407 = arith.index_cast %add3A_376 : i32 to index
        %get3A_408 = arith.constant 32 : index
        %get3A_409 = tpu.vector_load %arg12[%get3A_406, %get3A_407, %get3A_408] {strides = array<i32>} : memref<3x80x128xf32, #tpu.memory_space<vmem>>, vector<16xf32>,
        %mul3A_410 = arith.mulf %get3A_409, %gather3A_382 : vector<16xf32>
        %swap3A_411 = arith.constant 0 : i32
        %swap3A_412 = arith.index_cast %swap3A_411 : i32 to index
        %swap3A_413 = arith.index_cast %add3A_376 : i32 to index
        %swap3A_414 = arith.constant 32 : index
        %swap3A_415 = tpu.vector_load %arg12[%swap3A_412, %swap3A_413, %swap3A_414] {strides = array<i32>} : memref<3x80x128xf32, #tpu.memory_space<vmem>>, vector<16xf32>,
        tpu.vector_store %arg12[%swap3A_412, %swap3A_413, %swap3A_414], %mul3A_410 {strides = array<i32>} : memref<3x80x128xf32, #tpu.memory_space<vmem>>, vector<16xf32>,
        %get3A_416 = arith.constant 0 : i32
        %get3A_417 = arith.index_cast %get3A_416 : i32 to index
        %get3A_418 = arith.index_cast %add3A_376 : i32 to index
        %get3A_419 = arith.constant 48 : index
        %get3A_420 = tpu.vector_load %arg12[%get3A_417, %get3A_418, %get3A_419] {strides = array<i32>} : memref<3x80x128xf32, #tpu.memory_space<vmem>>, vector<16xf32>,
        %mul3A_421 = arith.mulf %get3A_420, %gather3A_382 : vector<16xf32>
        %swap3A_422 = arith.constant 0 : i32
        %swap3A_423 = arith.index_cast %swap3A_422 : i32 to index
        %swap3A_424 = arith.index_cast %add3A_376 : i32 to index
        %swap3A_425 = arith.constant 48 : index
        %swap3A_426 = tpu.vector_load %arg12[%swap3A_423, %swap3A_424, %swap3A_425] {strides = array<i32>} : memref<3x80x128xf32, #tpu.memory_space<vmem>>, vector<16xf32>,
        tpu.vector_store %arg12[%swap3A_423, %swap3A_424, %swap3A_425], %mul3A_421 {strides = array<i32>} : memref<3x80x128xf32, #tpu.memory_space<vmem>>, vector<16xf32>,
        %get3A_427 = arith.constant 0 : i32
        %get3A_428 = arith.index_cast %get3A_427 : i32 to index
        %get3A_429 = arith.index_cast %add3A_376 : i32 to index
        %get3A_430 = arith.constant 64 : index
        %get3A_431 = tpu.vector_load %arg12[%get3A_428, %get3A_429, %get3A_430] {strides = array<i32>} : memref<3x80x128xf32, #tpu.memory_space<vmem>>, vector<16xf32>,
        %mul3A_432 = arith.mulf %get3A_431, %gather3A_382 : vector<16xf32>
        %swap3A_433 = arith.constant 0 : i32
        %swap3A_434 = arith.index_cast %swap3A_433 : i32 to index
        %swap3A_435 = arith.index_cast %add3A_376 : i32 to index
        %swap3A_436 = arith.constant 64 : index
        %swap3A_437 = tpu.vector_load %arg12[%swap3A_434, %swap3A_435, %swap3A_436] {strides = array<i32>} : memref<3x80x128xf32, #tpu.memory_space<vmem>>, vector<16xf32>,
        tpu.vector_store %arg12[%swap3A_434, %swap3A_435, %swap3A_436], %mul3A_432 {strides = array<i32>} : memref<3x80x128xf32, #tpu.memory_space<vmem>>, vector<16xf32>,
        %get3A_438 = arith.constant 0 : i32
        %get3A_439 = arith.index_cast %get3A_438 : i32 to index
        %get3A_440 = arith.index_cast %add3A_376 : i32 to index
        %get3A_441 = arith.constant 80 : index
        %get3A_442 = tpu.vector_load %arg12[%get3A_439, %get3A_440, %get3A_441] {strides = array<i32>} : memref<3x80x128xf32, #tpu.memory_space<vmem>>, vector<16xf32>,
        %mul3A_443 = arith.mulf %get3A_442, %gather3A_382 : vector<16xf32>
        %swap3A_444 = arith.constant 0 : i32
        %swap3A_445 = arith.index_cast %swap3A_444 : i32 to index
        %swap3A_446 = arith.index_cast %add3A_376 : i32 to index
        %swap3A_447 = arith.constant 80 : index
        %swap3A_448 = tpu.vector_load %arg12[%swap3A_445, %swap3A_446, %swap3A_447] {strides = array<i32>} : memref<3x80x128xf32, #tpu.memory_space<vmem>>, vector<16xf32>,
        tpu.vector_store %arg12[%swap3A_445, %swap3A_446, %swap3A_447], %mul3A_443 {strides = array<i32>} : memref<3x80x128xf32, #tpu.memory_space<vmem>>, vector<16xf32>,
        %get3A_449 = arith.constant 0 : i32
        %get3A_450 = arith.index_cast %get3A_449 : i32 to index
        %get3A_451 = arith.index_cast %add3A_376 : i32 to index
        %get3A_452 = arith.constant 96 : index
        %get3A_453 = tpu.vector_load %arg12[%get3A_450, %get3A_451, %get3A_452] {strides = array<i32>} : memref<3x80x128xf32, #tpu.memory_space<vmem>>, vector<16xf32>,
        %mul3A_454 = arith.mulf %get3A_453, %gather3A_382 : vector<16xf32>
        %swap3A_455 = arith.constant 0 : i32
        %swap3A_456 = arith.index_cast %swap3A_455 : i32 to index
        %swap3A_457 = arith.index_cast %add3A_376 : i32 to index
        %swap3A_458 = arith.constant 96 : index
        %swap3A_459 = tpu.vector_load %arg12[%swap3A_456, %swap3A_457, %swap3A_458] {strides = array<i32>} : memref<3x80x128xf32, #tpu.memory_space<vmem>>, vector<16xf32>,
        tpu.vector_store %arg12[%swap3A_456, %swap3A_457, %swap3A_458], %mul3A_454 {strides = array<i32>} : memref<3x80x128xf32, #tpu.memory_space<vmem>>, vector<16xf32>,
        %get3A_460 = arith.constant 0 : i32
        %get3A_461 = arith.index_cast %get3A_460 : i32 to index
        %get3A_462 = arith.index_cast %add3A_376 : i32 to index
        %get3A_463 = arith.constant 112 : index
        %get3A_464 = tpu.vector_load %arg12[%get3A_461, %get3A_462, %get3A_463] {strides = array<i32>} : memref<3x80x128xf32, #tpu.memory_space<vmem>>, vector<16xf32>,
        %mul3A_465 = arith.mulf %get3A_464, %gather3A_382 : vector<16xf32>
        %swap3A_466 = arith.constant 0 : i32
        %swap3A_467 = arith.index_cast %swap3A_466 : i32 to index
        %swap3A_468 = arith.index_cast %add3A_376 : i32 to index
        %swap3A_469 = arith.constant 112 : index
        %swap3A_470 = tpu.vector_load %arg12[%swap3A_467, %swap3A_468, %swap3A_469] {strides = array<i32>} : memref<3x80x128xf32, #tpu.memory_space<vmem>>, vector<16xf32>,
        tpu.vector_store %arg12[%swap3A_467, %swap3A_468, %swap3A_469], %mul3A_465 {strides = array<i32>} : memref<3x80x128xf32, #tpu.memory_space<vmem>>, vector<16xf32>,
        %scan3A_471 = arith.constant 2 : i32
        %scan3A_472 = arith.addi %scan3A_272, %scan3A_471 : i32
        %mul3A_473 = arith.constant 1 : i32
        %mul3A_474 = arith.muli %scan3A_472, %mul3A_473 : i32
        %add3A_475 = arith.constant 0 : i32
        %add3A_476 = arith.addi %add3A_475, %mul3A_474 : i32
        %add3A_477 = arith.constant 24 : i32
        %add3A_478 = vector.broadcast %add3A_477 : i32 to vector<16xi32>
        %add3A_479 = arith.addi %broadcast_in_dim3A_2, %add3A_478 : vector<16xi32>
        %add3A_480 = vector.broadcast %add3A_476 : i32 to vector<16xi32>
        %add3A_481 = arith.addi %broadcast_in_dim3A_2, %add3A_480 : vector<16xi32>
        %gather3A_482 = tpu.vector_load_idx %arg10[%add3A_479, %add3A_481] : memref<25x80xf32, #tpu.memory_space<vmem>>[vector<16xi32>, vector<16xi32>], vector<16xf32>,
        %get3A_483 = arith.constant 0 : i32
        %get3A_484 = arith.index_cast %get3A_483 : i32 to index
        %get3A_485 = arith.index_cast %add3A_476 : i32 to index
        %get3A_486 = arith.constant 0 : index
        %get3A_487 = tpu.vector_load %arg12[%get3A_484, %get3A_485, %get3A_486] {strides = array<i32>} : memref<3x80x128xf32, #tpu.memory_space<vmem>>, vector<16xf32>,
        %mul3A_488 = arith.mulf %get3A_487, %gather3A_482 : vector<16xf32>
        %swap3A_489 = arith.constant 0 : i32
        %swap3A_490 = arith.index_cast %swap3A_489 : i32 to index
        %swap3A_491 = arith.index_cast %add3A_476 : i32 to index
        %swap3A_492 = arith.constant 0 : index
        %swap3A_493 = tpu.vector_load %arg12[%swap3A_490, %swap3A_491, %swap3A_492] {strides = array<i32>} : memref<3x80x128xf32, #tpu.memory_space<vmem>>, vector<16xf32>,
        tpu.vector_store %arg12[%swap3A_490, %swap3A_491, %swap3A_492], %mul3A_488 {strides = array<i32>} : memref<3x80x128xf32, #tpu.memory_space<vmem>>, vector<16xf32>,
        %get3A_494 = arith.constant 0 : i32
        %get3A_495 = arith.index_cast %get3A_494 : i32 to index
        %get3A_496 = arith.index_cast %add3A_476 : i32 to index
        %get3A_497 = arith.constant 16 : index
        %get3A_498 = tpu.vector_load %arg12[%get3A_495, %get3A_496, %get3A_497] {strides = array<i32>} : memref<3x80x128xf32, #tpu.memory_space<vmem>>, vector<16xf32>,
        %mul3A_499 = arith.mulf %get3A_498, %gather3A_482 : vector<16xf32>
        %swap3A_500 = arith.constant 0 : i32
        %swap3A_501 = arith.index_cast %swap3A_500 : i32 to index
        %swap3A_502 = arith.index_cast %add3A_476 : i32 to index
        %swap3A_503 = arith.constant 16 : index
        %swap3A_504 = tpu.vector_load %arg12[%swap3A_501, %swap3A_502, %swap3A_503] {strides = array<i32>} : memref<3x80x128xf32, #tpu.memory_space<vmem>>, vector<16xf32>,
        tpu.vector_store %arg12[%swap3A_501, %swap3A_502, %swap3A_503], %mul3A_499 {strides = array<i32>} : memref<3x80x128xf32, #tpu.memory_space<vmem>>, vector<16xf32>,
        %get3A_505 = arith.constant 0 : i32
        %get3A_506 = arith.index_cast %get3A_505 : i32 to index
        %get3A_507 = arith.index_cast %add3A_476 : i32 to index
        %get3A_508 = arith.constant 32 : index
        %get3A_509 = tpu.vector_load %arg12[%get3A_506, %get3A_507, %get3A_508] {strides = array<i32>} : memref<3x80x128xf32, #tpu.memory_space<vmem>>, vector<16xf32>,
        %mul3A_510 = arith.mulf %get3A_509, %gather3A_482 : vector<16xf32>
        %swap3A_511 = arith.constant 0 : i32
        %swap3A_512 = arith.index_cast %swap3A_511 : i32 to index
        %swap3A_513 = arith.index_cast %add3A_476 : i32 to index
        %swap3A_514 = arith.constant 32 : index
        %swap3A_515 = tpu.vector_load %arg12[%swap3A_512, %swap3A_513, %swap3A_514] {strides = array<i32>} : memref<3x80x128xf32, #tpu.memory_space<vmem>>, vector<16xf32>,
        tpu.vector_store %arg12[%swap3A_512, %swap3A_513, %swap3A_514], %mul3A_510 {strides = array<i32>} : memref<3x80x128xf32, #tpu.memory_space<vmem>>, vector<16xf32>,
        %get3A_516 = arith.constant 0 : i32
        %get3A_517 = arith.index_cast %get3A_516 : i32 to index
        %get3A_518 = arith.index_cast %add3A_476 : i32 to index
        %get3A_519 = arith.constant 48 : index
        %get3A_520 = tpu.vector_load %arg12[%get3A_517, %get3A_518, %get3A_519] {strides = array<i32>} : memref<3x80x128xf32, #tpu.memory_space<vmem>>, vector<16xf32>,
        %mul3A_521 = arith.mulf %get3A_520, %gather3A_482 : vector<16xf32>
        %swap3A_522 = arith.constant 0 : i32
        %swap3A_523 = arith.index_cast %swap3A_522 : i32 to index
        %swap3A_524 = arith.index_cast %add3A_476 : i32 to index
        %swap3A_525 = arith.constant 48 : index
        %swap3A_526 = tpu.vector_load %arg12[%swap3A_523, %swap3A_524, %swap3A_525] {strides = array<i32>} : memref<3x80x128xf32, #tpu.memory_space<vmem>>, vector<16xf32>,
        tpu.vector_store %arg12[%swap3A_523, %swap3A_524, %swap3A_525], %mul3A_521 {strides = array<i32>} : memref<3x80x128xf32, #tpu.memory_space<vmem>>, vector<16xf32>,
        %get3A_527 = arith.constant 0 : i32
        %get3A_528 = arith.index_cast %get3A_527 : i32 to index
        %get3A_529 = arith.index_cast %add3A_476 : i32 to index
        %get3A_530 = arith.constant 64 : index
        %get3A_531 = tpu.vector_load %arg12[%get3A_528, %get3A_529, %get3A_530] {strides = array<i32>} : memref<3x80x128xf32, #tpu.memory_space<vmem>>, vector<16xf32>,
        %mul3A_532 = arith.mulf %get3A_531, %gather3A_482 : vector<16xf32>
        %swap3A_533 = arith.constant 0 : i32
        %swap3A_534 = arith.index_cast %swap3A_533 : i32 to index
        %swap3A_535 = arith.index_cast %add3A_476 : i32 to index
        %swap3A_536 = arith.constant 64 : index
        %swap3A_537 = tpu.vector_load %arg12[%swap3A_534, %swap3A_535, %swap3A_536] {strides = array<i32>} : memref<3x80x128xf32, #tpu.memory_space<vmem>>, vector<16xf32>,
        tpu.vector_store %arg12[%swap3A_534, %swap3A_535, %swap3A_536], %mul3A_532 {strides = array<i32>} : memref<3x80x128xf32, #tpu.memory_space<vmem>>, vector<16xf32>,
        %get3A_538 = arith.constant 0 : i32
        %get3A_539 = arith.index_cast %get3A_538 : i32 to index
        %get3A_540 = arith.index_cast %add3A_476 : i32 to index
        %get3A_541 = arith.constant 80 : index
        %get3A_542 = tpu.vector_load %arg12[%get3A_539, %get3A_540, %get3A_541] {strides = array<i32>} : memref<3x80x128xf32, #tpu.memory_space<vmem>>, vector<16xf32>,
        %mul3A_543 = arith.mulf %get3A_542, %gather3A_482 : vector<16xf32>
        %swap3A_544 = arith.constant 0 : i32
        %swap3A_545 = arith.index_cast %swap3A_544 : i32 to index
        %swap3A_546 = arith.index_cast %add3A_476 : i32 to index
        %swap3A_547 = arith.constant 80 : index
        %swap3A_548 = tpu.vector_load %arg12[%swap3A_545, %swap3A_546, %swap3A_547] {strides = array<i32>} : memref<3x80x128xf32, #tpu.memory_space<vmem>>, vector<16xf32>,
        tpu.vector_store %arg12[%swap3A_545, %swap3A_546, %swap3A_547], %mul3A_543 {strides = array<i32>} : memref<3x80x128xf32, #tpu.memory_space<vmem>>, vector<16xf32>,
        %get3A_549 = arith.constant 0 : i32
        %get3A_550 = arith.index_cast %get3A_549 : i32 to index
        %get3A_551 = arith.index_cast %add3A_476 : i32 to index
        %get3A_552 = arith.constant 96 : index
        %get3A_553 = tpu.vector_load %arg12[%get3A_550, %get3A_551, %get3A_552] {strides = array<i32>} : memref<3x80x128xf32, #tpu.memory_space<vmem>>, vector<16xf32>,
        %mul3A_554 = arith.mulf %get3A_553, %gather3A_482 : vector<16xf32>
        %swap3A_555 = arith.constant 0 : i32
        %swap3A_556 = arith.index_cast %swap3A_555 : i32 to index
        %swap3A_557 = arith.index_cast %add3A_476 : i32 to index
        %swap3A_558 = arith.constant 96 : index
        %swap3A_559 = tpu.vector_load %arg12[%swap3A_556, %swap3A_557, %swap3A_558] {strides = array<i32>} : memref<3x80x128xf32, #tpu.memory_space<vmem>>, vector<16xf32>,
        tpu.vector_store %arg12[%swap3A_556, %swap3A_557, %swap3A_558], %mul3A_554 {strides = array<i32>} : memref<3x80x128xf32, #tpu.memory_space<vmem>>, vector<16xf32>,
        %get3A_560 = arith.constant 0 : i32
        %get3A_561 = arith.index_cast %get3A_560 : i32 to index
        %get3A_562 = arith.index_cast %add3A_476 : i32 to index
        %get3A_563 = arith.constant 112 : index
        %get3A_564 = tpu.vector_load %arg12[%get3A_561, %get3A_562, %get3A_563] {strides = array<i32>} : memref<3x80x128xf32, #tpu.memory_space<vmem>>, vector<16xf32>,
        %mul3A_565 = arith.mulf %get3A_564, %gather3A_482 : vector<16xf32>
        %swap3A_566 = arith.constant 0 : i32
        %swap3A_567 = arith.index_cast %swap3A_566 : i32 to index
        %swap3A_568 = arith.index_cast %add3A_476 : i32 to index
        %swap3A_569 = arith.constant 112 : index
        %swap3A_570 = tpu.vector_load %arg12[%swap3A_567, %swap3A_568, %swap3A_569] {strides = array<i32>} : memref<3x80x128xf32, #tpu.memory_space<vmem>>, vector<16xf32>,
        tpu.vector_store %arg12[%swap3A_567, %swap3A_568, %swap3A_569], %mul3A_565 {strides = array<i32>} : memref<3x80x128xf32, #tpu.memory_space<vmem>>, vector<16xf32>,
        %scan3A_571 = arith.constant 3 : i32
        %scan3A_572 = arith.addi %scan3A_272, %scan3A_571 : i32
        %mul3A_573 = arith.constant 1 : i32
        %mul3A_574 = arith.muli %scan3A_572, %mul3A_573 : i32
        %add3A_575 = arith.constant 0 : i32
        %add3A_576 = arith.addi %add3A_575, %mul3A_574 : i32
        %add3A_577 = arith.constant 24 : i32
        %add3A_578 = vector.broadcast %add3A_577 : i32 to vector<16xi32>
        %add3A_579 = arith.addi %broadcast_in_dim3A_2, %add3A_578 : vector<16xi32>
        %add3A_580 = vector.broadcast %add3A_576 : i32 to vector<16xi32>
        %add3A_581 = arith.addi %broadcast_in_dim3A_2, %add3A_580 : vector<16xi32>
        %gather3A_582 = tpu.vector_load_idx %arg10[%add3A_579, %add3A_581] : memref<25x80xf32, #tpu.memory_space<vmem>>[vector<16xi32>, vector<16xi32>], vector<16xf32>,
        %get3A_583 = arith.constant 0 : i32
        %get3A_584 = arith.index_cast %get3A_583 : i32 to index
        %get3A_585 = arith.index_cast %add3A_576 : i32 to index
        %get3A_586 = arith.constant 0 : index
        %get3A_587 = tpu.vector_load %arg12[%get3A_584, %get3A_585, %get3A_586] {strides = array<i32>} : memref<3x80x128xf32, #tpu.memory_space<vmem>>, vector<16xf32>,
        %mul3A_588 = arith.mulf %get3A_587, %gather3A_582 : vector<16xf32>
        %swap3A_589 = arith.constant 0 : i32
        %swap3A_590 = arith.index_cast %swap3A_589 : i32 to index
        %swap3A_591 = arith.index_cast %add3A_576 : i32 to index
        %swap3A_592 = arith.constant 0 : index
        %swap3A_593 = tpu.vector_load %arg12[%swap3A_590, %swap3A_591, %swap3A_592] {strides = array<i32>} : memref<3x80x128xf32, #tpu.memory_space<vmem>>, vector<16xf32>,
        tpu.vector_store %arg12[%swap3A_590, %swap3A_591, %swap3A_592], %mul3A_588 {strides = array<i32>} : memref<3x80x128xf32, #tpu.memory_space<vmem>>, vector<16xf32>,
        %get3A_594 = arith.constant 0 : i32
        %get3A_595 = arith.index_cast %get3A_594 : i32 to index
        %get3A_596 = arith.index_cast %add3A_576 : i32 to index
        %get3A_597 = arith.constant 16 : index
        %get3A_598 = tpu.vector_load %arg12[%get3A_595, %get3A_596, %get3A_597] {strides = array<i32>} : memref<3x80x128xf32, #tpu.memory_space<vmem>>, vector<16xf32>,
        %mul3A_599 = arith.mulf %get3A_598, %gather3A_582 : vector<16xf32>
        %swap3A_600 = arith.constant 0 : i32
        %swap3A_601 = arith.index_cast %swap3A_600 : i32 to index
        %swap3A_602 = arith.index_cast %add3A_576 : i32 to index
        %swap3A_603 = arith.constant 16 : index
        %swap3A_604 = tpu.vector_load %arg12[%swap3A_601, %swap3A_602, %swap3A_603] {strides = array<i32>} : memref<3x80x128xf32, #tpu.memory_space<vmem>>, vector<16xf32>,
        tpu.vector_store %arg12[%swap3A_601, %swap3A_602, %swap3A_603], %mul3A_599 {strides = array<i32>} : memref<3x80x128xf32, #tpu.memory_space<vmem>>, vector<16xf32>,
        %get3A_605 = arith.constant 0 : i32
        %get3A_606 = arith.index_cast %get3A_605 : i32 to index
        %get3A_607 = arith.index_cast %add3A_576 : i32 to index
        %get3A_608 = arith.constant 32 : index
        %get3A_609 = tpu.vector_load %arg12[%get3A_606, %get3A_607, %get3A_608] {strides = array<i32>} : memref<3x80x128xf32, #tpu.memory_space<vmem>>, vector<16xf32>,
        %mul3A_610 = arith.mulf %get3A_609, %gather3A_582 : vector<16xf32>
        %swap3A_611 = arith.constant 0 : i32
        %swap3A_612 = arith.index_cast %swap3A_611 : i32 to index
        %swap3A_613 = arith.index_cast %add3A_576 : i32 to index
        %swap3A_614 = arith.constant 32 : index
        %swap3A_615 = tpu.vector_load %arg12[%swap3A_612, %swap3A_613, %swap3A_614] {strides = array<i32>} : memref<3x80x128xf32, #tpu.memory_space<vmem>>, vector<16xf32>,
        tpu.vector_store %arg12[%swap3A_612, %swap3A_613, %swap3A_614], %mul3A_610 {strides = array<i32>} : memref<3x80x128xf32, #tpu.memory_space<vmem>>, vector<16xf32>,
        %get3A_616 = arith.constant 0 : i32
        %get3A_617 = arith.index_cast %get3A_616 : i32 to index
        %get3A_618 = arith.index_cast %add3A_576 : i32 to index
        %get3A_619 = arith.constant 48 : index
        %get3A_620 = tpu.vector_load %arg12[%get3A_617, %get3A_618, %get3A_619] {strides = array<i32>} : memref<3x80x128xf32, #tpu.memory_space<vmem>>, vector<16xf32>,
        %mul3A_621 = arith.mulf %get3A_620, %gather3A_582 : vector<16xf32>
        %swap3A_622 = arith.constant 0 : i32
        %swap3A_623 = arith.index_cast %swap3A_622 : i32 to index
        %swap3A_624 = arith.index_cast %add3A_576 : i32 to index
        %swap3A_625 = arith.constant 48 : index
        %swap3A_626 = tpu.vector_load %arg12[%swap3A_623, %swap3A_624, %swap3A_625] {strides = array<i32>} : memref<3x80x128xf32, #tpu.memory_space<vmem>>, vector<16xf32>,
        tpu.vector_store %arg12[%swap3A_623, %swap3A_624, %swap3A_625], %mul3A_621 {strides = array<i32>} : memref<3x80x128xf32, #tpu.memory_space<vmem>>, vector<16xf32>,
        %get3A_627 = arith.constant 0 : i32
        %get3A_628 = arith.index_cast %get3A_627 : i32 to index
        %get3A_629 = arith.index_cast %add3A_576 : i32 to index
        %get3A_630 = arith.constant 64 : index
        %get3A_631 = tpu.vector_load %arg12[%get3A_628, %get3A_629, %get3A_630] {strides = array<i32>} : memref<3x80x128xf32, #tpu.memory_space<vmem>>, vector<16xf32>,
        %mul3A_632 = arith.mulf %get3A_631, %gather3A_582 : vector<16xf32>
        %swap3A_633 = arith.constant 0 : i32
        %swap3A_634 = arith.index_cast %swap3A_633 : i32 to index
        %swap3A_635 = arith.index_cast %add3A_576 : i32 to index
        %swap3A_636 = arith.constant 64 : index
        %swap3A_637 = tpu.vector_load %arg12[%swap3A_634, %swap3A_635, %swap3A_636] {strides = array<i32>} : memref<3x80x128xf32, #tpu.memory_space<vmem>>, vector<16xf32>,
        tpu.vector_store %arg12[%swap3A_634, %swap3A_635, %swap3A_636], %mul3A_632 {strides = array<i32>} : memref<3x80x128xf32, #tpu.memory_space<vmem>>, vector<16xf32>,
        %get3A_638 = arith.constant 0 : i32
        %get3A_639 = arith.index_cast %get3A_638 : i32 to index
        %get3A_640 = arith.index_cast %add3A_576 : i32 to index
        %get3A_641 = arith.constant 80 : index
        %get3A_642 = tpu.vector_load %arg12[%get3A_639, %get3A_640, %get3A_641] {strides = array<i32>} : memref<3x80x128xf32, #tpu.memory_space<vmem>>, vector<16xf32>,
        %mul3A_643 = arith.mulf %get3A_642, %gather3A_582 : vector<16xf32>
        %swap3A_644 = arith.constant 0 : i32
        %swap3A_645 = arith.index_cast %swap3A_644 : i32 to index
        %swap3A_646 = arith.index_cast %add3A_576 : i32 to index
        %swap3A_647 = arith.constant 80 : index
        %swap3A_648 = tpu.vector_load %arg12[%swap3A_645, %swap3A_646, %swap3A_647] {strides = array<i32>} : memref<3x80x128xf32, #tpu.memory_space<vmem>>, vector<16xf32>,
        tpu.vector_store %arg12[%swap3A_645, %swap3A_646, %swap3A_647], %mul3A_643 {strides = array<i32>} : memref<3x80x128xf32, #tpu.memory_space<vmem>>, vector<16xf32>,
        %get3A_649 = arith.constant 0 : i32
        %get3A_650 = arith.index_cast %get3A_649 : i32 to index
        %get3A_651 = arith.index_cast %add3A_576 : i32 to index
        %get3A_652 = arith.constant 96 : index
        %get3A_653 = tpu.vector_load %arg12[%get3A_650, %get3A_651, %get3A_652] {strides = array<i32>} : memref<3x80x128xf32, #tpu.memory_space<vmem>>, vector<16xf32>,
        %mul3A_654 = arith.mulf %get3A_653, %gather3A_582 : vector<16xf32>
        %swap3A_655 = arith.constant 0 : i32
        %swap3A_656 = arith.index_cast %swap3A_655 : i32 to index
        %swap3A_657 = arith.index_cast %add3A_576 : i32 to index
        %swap3A_658 = arith.constant 96 : index
        %swap3A_659 = tpu.vector_load %arg12[%swap3A_656, %swap3A_657, %swap3A_658] {strides = array<i32>} : memref<3x80x128xf32, #tpu.memory_space<vmem>>, vector<16xf32>,
        tpu.vector_store %arg12[%swap3A_656, %swap3A_657, %swap3A_658], %mul3A_654 {strides = array<i32>} : memref<3x80x128xf32, #tpu.memory_space<vmem>>, vector<16xf32>,
        %get3A_660 = arith.constant 0 : i32
        %get3A_661 = arith.index_cast %get3A_660 : i32 to index
        %get3A_662 = arith.index_cast %add3A_576 : i32 to index
        %get3A_663 = arith.constant 112 : index
        %get3A_664 = tpu.vector_load %arg12[%get3A_661, %get3A_662, %get3A_663] {strides = array<i32>} : memref<3x80x128xf32, #tpu.memory_space<vmem>>, vector<16xf32>,
        %mul3A_665 = arith.mulf %get3A_664, %gather3A_582 : vector<16xf32>
        %swap3A_666 = arith.constant 0 : i32
        %swap3A_667 = arith.index_cast %swap3A_666 : i32 to index
        %swap3A_668 = arith.index_cast %add3A_576 : i32 to index
        %swap3A_669 = arith.constant 112 : index
        %swap3A_670 = tpu.vector_load %arg12[%swap3A_667, %swap3A_668, %swap3A_669] {strides = array<i32>} : memref<3x80x128xf32, #tpu.memory_space<vmem>>, vector<16xf32>,
        tpu.vector_store %arg12[%swap3A_667, %swap3A_668, %swap3A_669], %mul3A_665 {strides = array<i32>} : memref<3x80x128xf32, #tpu.memory_space<vmem>>, vector<16xf32>,
      }
      %scan3A_223 = arith.constant 80 : i32
      %dma_start3A_224 = arith.constant 0 : i32
      %dma_start3A_225 = arith.constant 24 : i32
      %dma_start3A_226 = arith.constant 0 : i32
      %dma_start3A_227 = arith.constant 0 : i32
      %dma_start3A_228 = tpu.memref_slice %arg12[%dma_start3A_224, %dma_start3A_226, %dma_start3A_227] : memref<3x80x128xf32, #tpu.memory_space<vmem>> -> memref<1x80x128xf32, #tpu.memory_space<vmem>>
      %dma_start3A_229 = tpu.memref_squeeze %dma_start3A_228 : memref<1x80x128xf32, #tpu.memory_space<vmem>> -> memref<80x128xf32, #tpu.memory_space<vmem>>
      %dma_start3A_230 = arith.constant 0 : i32
      %dma_start3A_231 = tpu.memref_slice %arg9[%dma_start3A_225, %dma_start3A_230] : memref<25x80xi32, #tpu.memory_space<vmem>> -> memref<1x80xi32, #tpu.memory_space<vmem>>
      %dma_start3A_232 = tpu.memref_squeeze %dma_start3A_231 : memref<1x80xi32, #tpu.memory_space<vmem>> -> memref<80xi32, #tpu.memory_space<vmem>>
      %dma_start3A_233 = arith.constant 0 : i32
      %dma_start3A_234 = arith.constant 0 : i32
      %dma_start3A_235 = tpu.memref_slice %arg13[%dma_start3A_233, %dma_start3A_234] : memref<10000x128xf32, #tpu.memory_space<vmem_shared>> -> memref<10000x128xf32, #tpu.memory_space<vmem_shared>>
      tpu.enqueue_indirect_dma source(%dma_start3A_229 : memref<80x128xf32, #tpu.memory_space<vmem>>) target(%dma_start3A_235 : memref<10000x128xf32, #tpu.memory_space<vmem_shared>>) offsets(%dma_start3A_232 : memref<80xi32, #tpu.memory_space<vmem>>) semaphore(%arg17 : memref<!tpu.dma_semaphore, #tpu.memory_space<semaphore_mem>>) {add = true}
      %dma_wait3A_236 = arith.constant 1 : i32
      %dma_wait3A_237 = arith.constant 22 : i32
      %dma_wait3A_238 = arith.constant 0 : i32
      %dma_wait3A_239 = arith.constant 0 : i32
      %dma_wait3A_240 = tpu.memref_slice %arg12[%dma_wait3A_236, %dma_wait3A_238, %dma_wait3A_239] : memref<3x80x128xf32, #tpu.memory_space<vmem>> -> memref<1x80x128xf32, #tpu.memory_space<vmem>>
      %dma_wait3A_241 = tpu.memref_squeeze %dma_wait3A_240 : memref<1x80x128xf32, #tpu.memory_space<vmem>> -> memref<80x128xf32, #tpu.memory_space<vmem>>
      %dma_wait3A_242 = arith.constant 0 : i32
      %dma_wait3A_243 = tpu.memref_slice %arg9[%dma_wait3A_237, %dma_wait3A_242] : memref<25x80xi32, #tpu.memory_space<vmem>> -> memref<1x80xi32, #tpu.memory_space<vmem>>
      %dma_wait3A_244 = tpu.memref_squeeze %dma_wait3A_243 : memref<1x80xi32, #tpu.memory_space<vmem>> -> memref<80xi32, #tpu.memory_space<vmem>>
      %dma_wait3A_245 = arith.constant 0 : i32
      %dma_wait3A_246 = arith.constant 0 : i32
      %dma_wait3A_247 = tpu.memref_slice %arg13[%dma_wait3A_245, %dma_wait3A_246] : memref<10000x128xf32, #tpu.memory_space<vmem_shared>> -> memref<10000x128xf32, #tpu.memory_space<vmem_shared>>
      tpu.wait_indirect_dma semaphore(%arg18 : memref<!tpu.dma_semaphore, #tpu.memory_space<semaphore_mem>>) src(%dma_wait3A_241 : memref<80x128xf32, #tpu.memory_space<vmem>>) dst(%dma_wait3A_247 : memref<10000x128xf32, #tpu.memory_space<vmem_shared>>)
      %dma_wait3A_248 = arith.constant 2 : i32
      %dma_wait3A_249 = arith.constant 23 : i32
      %dma_wait3A_250 = arith.constant 0 : i32
      %dma_wait3A_251 = arith.constant 0 : i32
      %dma_wait3A_252 = tpu.memref_slice %arg12[%dma_wait3A_248, %dma_wait3A_250, %dma_wait3A_251] : memref<3x80x128xf32, #tpu.memory_space<vmem>> -> memref<1x80x128xf32, #tpu.memory_space<vmem>>
      %dma_wait3A_253 = tpu.memref_squeeze %dma_wait3A_252 : memref<1x80x128xf32, #tpu.memory_space<vmem>> -> memref<80x128xf32, #tpu.memory_space<vmem>>
      %dma_wait3A_254 = arith.constant 0 : i32
      %dma_wait3A_255 = tpu.memref_slice %arg9[%dma_wait3A_249, %dma_wait3A_254] : memref<25x80xi32, #tpu.memory_space<vmem>> -> memref<1x80xi32, #tpu.memory_space<vmem>>
      %dma_wait3A_256 = tpu.memref_squeeze %dma_wait3A_255 : memref<1x80xi32, #tpu.memory_space<vmem>> -> memref<80xi32, #tpu.memory_space<vmem>>
      %dma_wait3A_257 = arith.constant 0 : i32
      %dma_wait3A_258 = arith.constant 0 : i32
      %dma_wait3A_259 = tpu.memref_slice %arg13[%dma_wait3A_257, %dma_wait3A_258] : memref<10000x128xf32, #tpu.memory_space<vmem_shared>> -> memref<10000x128xf32, #tpu.memory_space<vmem_shared>>
      tpu.wait_indirect_dma semaphore(%arg19 : memref<!tpu.dma_semaphore, #tpu.memory_space<semaphore_mem>>) src(%dma_wait3A_253 : memref<80x128xf32, #tpu.memory_space<vmem>>) dst(%dma_wait3A_259 : memref<10000x128xf32, #tpu.memory_space<vmem_shared>>)
      %dma_wait3A_260 = arith.constant 0 : i32
      %dma_wait3A_261 = arith.constant 24 : i32
      %dma_wait3A_262 = arith.constant 0 : i32
      %dma_wait3A_263 = arith.constant 0 : i32
      %dma_wait3A_264 = tpu.memref_slice %arg12[%dma_wait3A_260, %dma_wait3A_262, %dma_wait3A_263] : memref<3x80x128xf32, #tpu.memory_space<vmem>> -> memref<1x80x128xf32, #tpu.memory_space<vmem>>
      %dma_wait3A_265 = tpu.memref_squeeze %dma_wait3A_264 : memref<1x80x128xf32, #tpu.memory_space<vmem>> -> memref<80x128xf32, #tpu.memory_space<vmem>>
      %dma_wait3A_266 = arith.constant 0 : i32
      %dma_wait3A_267 = tpu.memref_slice %arg9[%dma_wait3A_261, %dma_wait3A_266] : memref<25x80xi32, #tpu.memory_space<vmem>> -> memref<1x80xi32, #tpu.memory_space<vmem>>
      %dma_wait3A_268 = tpu.memref_squeeze %dma_wait3A_267 : memref<1x80xi32, #tpu.memory_space<vmem>> -> memref<80xi32, #tpu.memory_space<vmem>>
      %dma_wait3A_269 = arith.constant 0 : i32
      %dma_wait3A_270 = arith.constant 0 : i32
      %dma_wait3A_271 = tpu.memref_slice %arg13[%dma_wait3A_269, %dma_wait3A_270] : memref<10000x128xf32, #tpu.memory_space<vmem_shared>> -> memref<10000x128xf32, #tpu.memory_space<vmem_shared>>
      tpu.wait_indirect_dma semaphore(%arg17 : memref<!tpu.dma_semaphore, #tpu.memory_space<semaphore_mem>>) src(%dma_wait3A_265 : memref<80x128xf32, #tpu.memory_space<vmem>>) dst(%dma_wait3A_271 : memref<10000x128xf32, #tpu.memory_space<vmem_shared>>)
    }
    %scan3A_57 = arith.constant 5 : i32
    %barrier3A_58 = arith.constant 0 : index
    tpu.barrier barrier_id(%barrier3A_58)
    %mul3A_59 = arith.constant 625 : i32
    %mul3A_60 = arith.muli %arg1, %mul3A_59 : i32
    %mul3A_61 = arith.constant 10000 : i32
    %mul3A_62 = arith.muli %arg0, %mul3A_61 : i32
    %mul3A_63 = arith.constant 625 : i32
    %mul3A_64 = arith.muli %arg1, %mul3A_63 : i32
    %add3A_65 = arith.addi %mul3A_62, %mul3A_64 : i32
    "tpu.region"() ({
      %run_scoped3A_66 = tpu.sem_alloc : memref<!tpu.dma_semaphore, #tpu.memory_space<semaphore_mem>>
      %dma_start3A = arith.constant 0 : i32
      %dma_start3A_67 = tpu.memref_slice %arg7[%add3A_65, %dma_start3A] : memref<20000x128xf32, #tpu.memory_space<hbm>> -> memref<625x128xf32, #tpu.memory_space<hbm>>
      %dma_start3A_68 = arith.constant 0 : i32
      %dma_start3A_69 = tpu.memref_slice %arg13[%mul3A_60, %dma_start3A_68] : memref<10000x128xf32, #tpu.memory_space<vmem_shared>> -> memref<625x128xf32, #tpu.memory_space<vmem_shared>>
      tpu.enqueue_dma source(%dma_start3A_69 : memref<625x128xf32, #tpu.memory_space<vmem_shared>>) target(%dma_start3A_67 : memref<625x128xf32, #tpu.memory_space<hbm>>) target_semaphore(%run_scoped3A_66 : memref<!tpu.dma_semaphore, #tpu.memory_space<semaphore_mem>>)
      %dma_wait3A = arith.constant 0 : i32
      %dma_wait3A_70 = tpu.memref_slice %arg7[%add3A_65, %dma_wait3A] : memref<20000x128xf32, #tpu.memory_space<hbm>> -> memref<625x128xf32, #tpu.memory_space<hbm>>
      %dma_wait3A_71 = arith.constant 0 : i32
      %dma_wait3A_72 = tpu.memref_slice %arg13[%mul3A_60, %dma_wait3A_71] : memref<10000x128xf32, #tpu.memory_space<vmem_shared>> -> memref<625x128xf32, #tpu.memory_space<vmem_shared>>
      tpu.wait_dma2 semaphore(%run_scoped3A_66 : memref<!tpu.dma_semaphore, #tpu.memory_space<semaphore_mem>>) src(%dma_wait3A_72 : memref<625x128xf32, #tpu.memory_space<vmem_shared>>) dst(%dma_wait3A_70 : memref<625x128xf32, #tpu.memory_space<hbm>>)
      tpu.yield
    }) : () -> ()
    return
  }
}

module attributes {stable_mosaic.version = 14 : i64} {
  func.func @_tc_body(%arg0: i32, %arg1: memref<1000x128xf32, #tpu.memory_space<vmem>>, %arg2: memref<1000x128xf32, #tpu.memory_space<vmem>>, %arg3: memref<1000x128xf32, #tpu.memory_space<vmem>>, %arg4: memref<1000x1xf32, #tpu.memory_space<vmem>>, %arg5: memref<128x384xf32, #tpu.memory_space<vmem>>, %arg6: memref<128x384xf32, #tpu.memory_space<vmem>>, %arg7: memref<1x384xf32, #tpu.memory_space<vmem>>, %arg8: memref<1x128xf32, #tpu.memory_space<vmem>>, %arg9: memref<128x1xf32, #tpu.memory_space<vmem>>, %arg10: memref<1x1xf32, #tpu.memory_space<vmem>>, %arg11: memref<1000x1xf32, #tpu.memory_space<vmem>>, %arg12: memref<1000x128xf32, #tpu.memory_space<vmem>>, %arg13: memref<1000x128xf32, #tpu.memory_space<vmem>>) attributes {dimension_semantics = [#tpu.dimension_semantics<arbitrary>], iteration_bounds = array<i64: 10>, scalar_prefetch = 0 : i64, scratch_operands = 0 : i64, tpu.core_type = #tpu.core_type<tc>, window_params = [{transform_indices = @transform_0, window_bounds = array<i64: 1000, 128>}, {transform_indices = @transform_1, window_bounds = array<i64: 1000, 128>}, {transform_indices = @transform_2, window_bounds = array<i64: 1000, 128>}, {transform_indices = @transform_3, window_bounds = array<i64: 1000, 1>}, {pipeline_mode = #tpu.pipeline_mode<synchronous>, transform_indices = @transform_4, window_bounds = array<i64: 128, 384>}, {pipeline_mode = #tpu.pipeline_mode<synchronous>, transform_indices = @transform_5, window_bounds = array<i64: 128, 384>}, {pipeline_mode = #tpu.pipeline_mode<synchronous>, transform_indices = @transform_6, window_bounds = array<i64: 1, 384>}, {pipeline_mode = #tpu.pipeline_mode<synchronous>, transform_indices = @transform_7, window_bounds = array<i64: 1, 128>}, {pipeline_mode = #tpu.pipeline_mode<synchronous>, transform_indices = @transform_8, window_bounds = array<i64: 128, 1>}, {pipeline_mode = #tpu.pipeline_mode<synchronous>, transform_indices = @transform_9, window_bounds = array<i64: 1, 1>}, {transform_indices = @transform_10, window_bounds = array<i64: 1000, 1>}, {transform_indices = @transform_11, window_bounds = array<i64: 1000, 128>}, {transform_indices = @transform_12, window_bounds = array<i64: 1000, 128>}]} {
    %get3A = arith.constant 0 : index
    %get3A_0 = arith.constant 0 : index
    %get3A_1 = vector.load %arg4[%get3A, %get3A_0] : memref<1000x1xf32, #tpu.memory_space<vmem>>, vector<1000x1xf32>
    %gt3A = arith.constant 0.000000e+00 : f32
    %gt3A_2 = vector.broadcast %gt3A : f32 to vector<1000x1xf32>
    %gt3A_3 = arith.cmpf ogt, %get3A_1, %gt3A_2 : vector<1000x1xf32>
    %gt3A_4 = arith.constant 0.000000e+00 : f32
    %gt3A_5 = vector.broadcast %gt3A_4 : f32 to vector<1000x1xf32>
    %gt3A_6 = arith.cmpf ogt, %get3A_1, %gt3A_5 : vector<1000x1xf32>
    %jit3A = arith.constant 1.000000e+00 : f32
    %broadcast_in_dim3A = vector.broadcast %jit3A : f32 to vector<1000x1xf32>
    %select_n3A = arith.select %gt3A_6, %get3A_1, %broadcast_in_dim3A : vector<1000x1xi1>, vector<1000x1xf32>
    %rsqrt3A = math.rsqrt %select_n3A : vector<1000x1xf32>
    %jit3A_7 = arith.constant 0.000000e+00 : f32
    %broadcast_in_dim3A_8 = vector.broadcast %jit3A_7 : f32 to vector<1000x1xf32>
    %select_n3A_9 = arith.select %gt3A_3, %rsqrt3A, %broadcast_in_dim3A_8 : vector<1000x1xi1>, vector<1000x1xf32>
    %neg3A = arith.constant 0.000000e+00 : f32
    %neg3A_10 = vector.broadcast %neg3A : f32 to vector<1000x1xf32>
    %neg3A_11 = arith.subf %neg3A_10, %select_n3A_9 : vector<1000x1xf32>
    %get3A_12 = arith.constant 0 : index
    %get3A_13 = arith.constant 0 : index
    %get3A_14 = vector.load %arg2[%get3A_12, %get3A_13] : memref<1000x128xf32, #tpu.memory_space<vmem>>, vector<1000x128xf32>
    %get3A_15 = arith.constant 0 : index
    %get3A_16 = arith.constant 0 : index
    %get3A_17 = vector.load %arg3[%get3A_15, %get3A_16] : memref<1000x128xf32, #tpu.memory_space<vmem>>, vector<1000x128xf32>
    %add3A = arith.addf %get3A_14, %get3A_17 : vector<1000x128xf32>
    %mul3A = vector.broadcast %neg3A_11 : vector<1000x1xf32> to vector<1000x128xf32>
    %mul3A_18 = arith.mulf %mul3A, %add3A : vector<1000x128xf32>
    %get3A_19 = arith.constant 0 : index
    %get3A_20 = arith.constant 0 : index
    %get3A_21 = vector.load %arg1[%get3A_19, %get3A_20] : memref<1000x128xf32, #tpu.memory_space<vmem>>, vector<1000x128xf32>
    %get3A_22 = arith.constant 0 : index
    %get3A_23 = arith.constant 0 : index
    %get3A_24 = vector.load %arg5[%get3A_22, %get3A_23] : memref<128x384xf32, #tpu.memory_space<vmem>>, vector<128x384xf32>
    %dot_general3A = arith.constant dense<0.000000e+00> : vector<1000x384xf32>
    %dot_general3A_25 = tpu.matmul %get3A_21, %get3A_24, %dot_general3A {dimension_numbers = #tpu.dot_dimension_numbers<[1], [0], [0], [1], [0, 0, 1, 1], [], []>, transpose_lhs_hint = false} : vector<1000x128xf32>, vector<128x384xf32>, vector<1000x384xf32> -> vector<1000x384xf32>
    %get3A_26 = arith.constant 0 : index
    %get3A_27 = arith.constant 0 : index
    %get3A_28 = vector.load %arg6[%get3A_26, %get3A_27] : memref<128x384xf32, #tpu.memory_space<vmem>>, vector<128x384xf32>
    %dot_general3A_29 = arith.constant dense<0.000000e+00> : vector<1000x384xf32>
    %dot_general3A_30 = tpu.matmul %mul3A_18, %get3A_28, %dot_general3A_29 {dimension_numbers = #tpu.dot_dimension_numbers<[1], [0], [0], [1], [0, 0, 1, 1], [], []>, transpose_lhs_hint = false} : vector<1000x128xf32>, vector<128x384xf32>, vector<1000x384xf32> -> vector<1000x384xf32>
    %add3A_31 = arith.addf %dot_general3A_25, %dot_general3A_30 : vector<1000x384xf32>
    %get3A_32 = arith.constant 0 : index
    %get3A_33 = arith.constant 0 : index
    %get3A_34 = vector.load %arg7[%get3A_32, %get3A_33] : memref<1x384xf32, #tpu.memory_space<vmem>>, vector<1x384xf32>
    %add3A_35 = vector.broadcast %get3A_34 : vector<1x384xf32> to vector<1000x384xf32>
    %add3A_36 = arith.addf %add3A_31, %add3A_35 : vector<1000x384xf32>
    %slice3A = vector.extract_strided_slice %add3A_36 {offsets = [0, 0], sizes = [1000, 128], strides = [1, 1]} : vector<1000x384xf32> to vector<1000x128xf32>
    %logistic3A = arith.negf %slice3A : vector<1000x128xf32>
    %logistic3A_37 = math.exp %logistic3A : vector<1000x128xf32>
    %logistic3A_38 = arith.constant 1.000000e+00 : f32
    %logistic3A_39 = vector.broadcast %logistic3A_38 : f32 to vector<1000x128xf32>
    %logistic3A_40 = arith.addf %logistic3A_39, %logistic3A_37 : vector<1000x128xf32>
    %logistic3A_41 = arith.divf %logistic3A_39, %logistic3A_40 : vector<1000x128xf32>
    %slice3A_42 = vector.extract_strided_slice %add3A_36 {offsets = [0, 128], sizes = [1000, 128], strides = [1, 1]} : vector<1000x384xf32> to vector<1000x128xf32>
    %tanh3A = math.tanh %slice3A_42 : vector<1000x128xf32>
    %mul3A_43 = arith.mulf %logistic3A_41, %tanh3A : vector<1000x128xf32>
    %slice3A_44 = vector.extract_strided_slice %add3A_36 {offsets = [0, 256], sizes = [1000, 128], strides = [1, 1]} : vector<1000x384xf32> to vector<1000x128xf32>
    %get3A_45 = arith.constant 0 : index
    %get3A_46 = arith.constant 0 : index
    %get3A_47 = vector.load %arg8[%get3A_45, %get3A_46] : memref<1x128xf32, #tpu.memory_space<vmem>>, vector<1x128xf32>
    %mul3A_48 = vector.broadcast %get3A_47 : vector<1x128xf32> to vector<1000x128xf32>
    %mul3A_49 = arith.mulf %mul3A_48, %mul3A_43 : vector<1000x128xf32>
    %add3A_50 = arith.addf %slice3A_44, %mul3A_49 : vector<1000x128xf32>
    %logistic3A_51 = arith.negf %add3A_50 : vector<1000x128xf32>
    %logistic3A_52 = math.exp %logistic3A_51 : vector<1000x128xf32>
    %logistic3A_53 = arith.constant 1.000000e+00 : f32
    %logistic3A_54 = vector.broadcast %logistic3A_53 : f32 to vector<1000x128xf32>
    %logistic3A_55 = arith.addf %logistic3A_54, %logistic3A_52 : vector<1000x128xf32>
    %logistic3A_56 = arith.divf %logistic3A_54, %logistic3A_55 : vector<1000x128xf32>
    %tanh3A_57 = math.tanh %mul3A_43 : vector<1000x128xf32>
    %mul3A_58 = arith.mulf %logistic3A_56, %tanh3A_57 : vector<1000x128xf32>
    %swap3A = arith.constant 0 : index
    %swap3A_59 = arith.constant 0 : index
    %swap3A_60 = vector.load %arg12[%swap3A, %swap3A_59] : memref<1000x128xf32, #tpu.memory_space<vmem>>, vector<1000x128xf32>
    tpu.vector_store %arg12[%swap3A, %swap3A_59], %mul3A_58 {strides = array<i32>} : memref<1000x128xf32, #tpu.memory_space<vmem>>, vector<1000x128xf32>,
    %swap3A_61 = arith.constant 0 : index
    %swap3A_62 = arith.constant 0 : index
    %swap3A_63 = vector.load %arg13[%swap3A_61, %swap3A_62] : memref<1000x128xf32, #tpu.memory_space<vmem>>, vector<1000x128xf32>
    tpu.vector_store %arg13[%swap3A_61, %swap3A_62], %mul3A_43 {strides = array<i32>} : memref<1000x128xf32, #tpu.memory_space<vmem>>, vector<1000x128xf32>,
    %gt3A_64 = arith.constant 0.000000e+00 : f32
    %gt3A_65 = vector.broadcast %gt3A_64 : f32 to vector<1000x128xf32>
    %gt3A_66 = arith.cmpf ogt, %mul3A_58, %gt3A_65 : vector<1000x128xf32>
    %mul3A_67 = arith.constant 0.00999999977 : f32
    %mul3A_68 = vector.broadcast %mul3A_67 : f32 to vector<1000x128xf32>
    %mul3A_69 = arith.mulf %mul3A_68, %mul3A_58 : vector<1000x128xf32>
    %select_n3A_70 = arith.select %gt3A_66, %mul3A_58, %mul3A_69 : vector<1000x128xi1>, vector<1000x128xf32>
    %get3A_71 = arith.constant 0 : index
    %get3A_72 = arith.constant 0 : index
    %get3A_73 = vector.load %arg9[%get3A_71, %get3A_72] : memref<128x1xf32, #tpu.memory_space<vmem>>, vector<128x1xf32>
    %dot_general3A_74 = arith.constant dense<0.000000e+00> : vector<1000x1xf32>
    %dot_general3A_75 = tpu.matmul %select_n3A_70, %get3A_73, %dot_general3A_74 {dimension_numbers = #tpu.dot_dimension_numbers<[1], [0], [0], [1], [0, 0, 1, 1], [], []>, transpose_lhs_hint = false} : vector<1000x128xf32>, vector<128x1xf32>, vector<1000x1xf32> -> vector<1000x1xf32>
    %get3A_76 = arith.constant 0 : index
    %get3A_77 = arith.constant 0 : index
    %get3A_78 = vector.load %arg10[%get3A_76, %get3A_77] : memref<1x1xf32, #tpu.memory_space<vmem>>, vector<1x1xf32>
    %add3A_79 = vector.broadcast %get3A_78 : vector<1x1xf32> to vector<1000x1xf32>
    %add3A_80 = arith.addf %dot_general3A_75, %add3A_79 : vector<1000x1xf32>
    %swap3A_81 = arith.constant 0 : index
    %swap3A_82 = arith.constant 0 : index
    %swap3A_83 = vector.load %arg11[%swap3A_81, %swap3A_82] : memref<1000x1xf32, #tpu.memory_space<vmem>>, vector<1000x1xf32>
    tpu.vector_store %arg11[%swap3A_81, %swap3A_82], %add3A_80 {strides = array<i32>} : memref<1000x1xf32, #tpu.memory_space<vmem>>, vector<1000x1xf32>,
    return
  }
  func.func @transform_0(%arg0: i32) -> (i32, i32) {
    %c0_i32 = arith.constant 0 : i32
    %c0_i32_0 = arith.constant 0 : i32
    return %arg0, %c0_i32 : i32, i32
  }
  func.func @transform_1(%arg0: i32) -> (i32, i32) {
    %c0_i32 = arith.constant 0 : i32
    %c0_i32_0 = arith.constant 0 : i32
    return %arg0, %c0_i32 : i32, i32
  }
  func.func @transform_2(%arg0: i32) -> (i32, i32) {
    %add3A = arith.constant 10 : i32
    %add3A_0 = arith.addi %arg0, %add3A : i32
    %c0_i32 = arith.constant 0 : i32
    %c0_i32_1 = arith.constant 0 : i32
    return %add3A_0, %c0_i32 : i32, i32
  }
  func.func @transform_3(%arg0: i32) -> (i32, i32) {
    %c0_i32 = arith.constant 0 : i32
    %c0_i32_0 = arith.constant 0 : i32
    return %arg0, %c0_i32 : i32, i32
  }
  func.func @transform_4(%arg0: i32) -> (i32, i32) {
    %c0_i32 = arith.constant 0 : i32
    %c0_i32_0 = arith.constant 0 : i32
    %c0_i32_1 = arith.constant 0 : i32
    return %c0_i32, %c0_i32_0 : i32, i32
  }
  func.func @transform_5(%arg0: i32) -> (i32, i32) {
    %c0_i32 = arith.constant 0 : i32
    %c0_i32_0 = arith.constant 0 : i32
    %c0_i32_1 = arith.constant 0 : i32
    return %c0_i32, %c0_i32_0 : i32, i32
  }
  func.func @transform_6(%arg0: i32) -> (i32, i32) {
    %c0_i32 = arith.constant 0 : i32
    %c0_i32_0 = arith.constant 0 : i32
    %c0_i32_1 = arith.constant 0 : i32
    return %c0_i32, %c0_i32_0 : i32, i32
  }
  func.func @transform_7(%arg0: i32) -> (i32, i32) {
    %c0_i32 = arith.constant 0 : i32
    %c0_i32_0 = arith.constant 0 : i32
    %c0_i32_1 = arith.constant 0 : i32
    return %c0_i32, %c0_i32_0 : i32, i32
  }
  func.func @transform_8(%arg0: i32) -> (i32, i32) {
    %c0_i32 = arith.constant 0 : i32
    %c0_i32_0 = arith.constant 0 : i32
    %c0_i32_1 = arith.constant 0 : i32
    return %c0_i32, %c0_i32_0 : i32, i32
  }
  func.func @transform_9(%arg0: i32) -> (i32, i32) {
    %c0_i32 = arith.constant 0 : i32
    %c0_i32_0 = arith.constant 0 : i32
    %c0_i32_1 = arith.constant 0 : i32
    return %c0_i32, %c0_i32_0 : i32, i32
  }
  func.func @transform_10(%arg0: i32) -> (i32, i32) {
    %c0_i32 = arith.constant 0 : i32
    %c0_i32_0 = arith.constant 0 : i32
    return %arg0, %c0_i32 : i32, i32
  }
  func.func @transform_11(%arg0: i32) -> (i32, i32) {
    %c0_i32 = arith.constant 0 : i32
    %c0_i32_0 = arith.constant 0 : i32
    return %arg0, %c0_i32 : i32, i32
  }
  func.func @transform_12(%arg0: i32) -> (i32, i32) {
    %c0_i32 = arith.constant 0 : i32
    %c0_i32_0 = arith.constant 0 : i32
    return %arg0, %c0_i32 : i32, i32
  }
}

</mosaic_0001>

<sc_bundles>
// kernel: kernel.5.cloned.1.call-start
scs
__scs_entry_jumppad:
0x0: {  	(pc) =	sbr.rel $0x88, $3  }
0x1: {  	(tag) =	ssettag $0x0;
	lr =	simm.s32 $0x1  }
0x2: {  	[smem:$0x3F96] =	sst lr;
	_ =	strace $0xD0000000  }
0x3: {  	_ = 	snop  }
0x4: {  	_ = 	snop  }
0x5: {  	_ = 	snop  }
0x6: {  	_ = 	snop  }
0x7: {  	_ = 	snop  }
__scs_overlays_trampoline_lowered:
0x8: {  	[smem:$0x3FA5] =	sst s0  }
0x9: {  	[smem:$0x3FA6] =	sst s1  }
0xa: {  	[smem:$0x3FA7] =	sst s2  }
0xb: {  	[smem:$0x3FA8] =	sst s3  }
0xc: {  	[smem:$0x3FA9] =	sst s4  }
0xd: {  	[smem:$0x3FAA] =	sst s5  }
0xe: {  	[smem:$0x3FAB] =	sst s6  }
0xf: {  	[smem:$0x3FAC] =	sst s7  }
0x10: {  	[smem:$0x3FAD] =	sst s8  }
0x11: {  	[smem:$0x3FAE] =	sst s9;
	s0 =	simm.s32 @!p0 $0x0  }
0x12: {  	s1 =	sld [smem:$0x3F94];
	s0 =	simm.s32 @p0 $0x1  }
0x13: {  	[smem:$0x3FAF] =	sst s0;
	s0 =	simm.s32 @!p1 $0x0  }
0x14: {  	s2 =	sld [smem:$0x3F93];
	s0 =	simm.s32 @p1 $0x1  }
0x15: {  	[smem:$0x3FB0] =	sst s0;
	s0 =	simm.s32 @!p2 $0x0  }
0x16: {  	s3 =	sld [smem:$0x3FDB];
	s0 =	simm.s32 @p2 $0x1  }
0x17: {  	s4 =	simm.s32 $0x1BF5;
	[smem:$0x3FB2] =	sst s0  }
0x18: {  	s0 =	sld [smem:$0x3F95];
	_ =	swait.ge [sflag:s4], $0x0  }
0x19: {  	s7 =	sld [smem:$0x3F96]  }
0x1a: {  	s8 =	sadd.s32 $0xFFFFE003, lr  }
0x1b: {  	s9 =	sadd.s32 $0xFFFFFEF7, lr;
	s5 =	simm.s32 $0xFFFFFFFF;
	p2 =	slt.u32 s8, $0xFFFFF086  }
0x1c: {  	p1 =	slt.u32 s9, $0xF7A;
	s5 =	simm.s32 @!p2 $0x0  }
0x1d: {  	s5 =	simm.s32 @p1 $0x1;
	p0 =	seq.s32 s7, s2  }
0x1e: {  	s7 =	smul.u32 @!p0 $0xF7A, s2;
	p2 =	seq.s32 @!p0 s5, $0x0  }
0x1f: {  	s9 =	smul.u32 $0xF7A, s1;
	s8 =	simm.s32 @!p0 $0x1BF5;
	p2 =	por !p2, p0  }
0x20: {  	[sflag:s8] =	ssyncset.s32 @!p0 $0xFFFFF086;
	s6 =	sadd.s32 @!p0 s3, s7;
	s7 =	simm.s32 @!p0 $0x108  }
0x21: {  	s3 =	sadd.s32 s3, s9;
	s6 =	sadd.s32 @!p0 $0x88, s6;
	s7 =	simm.s32 @p2 $0x1082  }
0x22: {  	[simem:s7], [sflag:s8] =	dma.local @!p0 [hbm:s6], $0xF7A  }
0x23: {  	s9 =	sor.u32 $0xD0000000, s2;
	s6 =	simm.s32 $0x108;
	_ =	swait.ge @!p0 [sflag:s8], $0x0  }
0x24: {  	s3 =	sadd.s32 $0x88, s3;
	s6 =	simm.s32 @!p1 $0x1082;
	[sflag:s4] =	ssyncset.s32 $0xFFFFF086  }
0x25: {  	[simem:s6], [sflag:s4] =	dma.local [hbm:s3], $0xF7A  }
0x26: {  	[smem:$0x3F96] =	sst s1;
	(tag) =	ssettag s2;
	_ =	strace s9  }
0x27: {  	s1 =	sld [smem:$0x3FA6]  }
0x28: {  	s2 =	sld [smem:$0x3FA7]  }
0x29: {  	s4 =	sld [smem:$0x3FA9]  }
0x2a: {  	p0 =	seq.s32 s5, $0x0;
	s5 =	sld [smem:$0x3FAA]  }
0x2b: {  	s6 =	sld [smem:$0x3FAB]  }
0x2c: {  	s7 =	sld [smem:$0x3FAC]  }
0x2d: {  	s3 =	simm.s32 $0x108;
	s8 =	sld [smem:$0x3FAD]  }
0x2e: {  	s3 =	simm.s32 @!p0 $0x1082;
	s9 =	sld [smem:$0x3FAE]  }
0x2f: {  	lr =	sadd.s32 s0, s3;
	s0 =	sld [smem:$0x3FA5]  }
0x30: {  	s3 =	sld [smem:$0x3FA8]  }
0x31: {  	[smem:$0x3FB1] =	sst s10  }
0x32: {  	s10 =	sld [smem:$0x3FAF];
	_ =	sdelay $0x3  }
0x33: {  	p0 =	seq.s32 s10, $0x1;
	s10 =	sld [smem:$0x3FB1];
	_ =	sdelay $0x3  }
0x34: {  	[smem:$0x3FB1] =	sst s10  }
0x35: {  	s10 =	sld [smem:$0x3FB0];
	_ =	sdelay $0x3  }
0x36: {  	p1 =	seq.s32 s10, $0x1;
	s10 =	sld [smem:$0x3FB1];
	_ =	sdelay $0x3  }
0x37: {  	[smem:$0x3FB1] =	sst s10  }
0x38: {  	s10 =	sld [smem:$0x3FB2]  }
0x39: {  	_ = 	snop;
	(pc) =	sbr.ind lr, $3  }
0x3a: {  	_ = 	snop  }
0x3b: {  	_ = 	snop  }
0x3c: {  	p2 =	seq.s32 s10, $0x1;
	s10 =	sld [smem:$0x3FB1]  }
0x3d: {  	_ =	shalt  }
0x3e: {  	_ =	shalt  }
0x3f: {  	_ =	shalt  }
0x40: {  	_ =	shalt  }
0x41: {  	_ =	shalt  }
0x42: {  	_ =	shalt  }
0x43: {  	_ =	shalt  }
0x44: {  	_ =	shalt  }
0x45: {  	_ =	shalt  }
0x46: {  	_ =	shalt  }
0x47: {  	_ =	shalt  }
0x48: {  	_ =	shalt  }
0x49: {  	_ =	shalt  }
0x4a: {  	_ =	shalt  }
0x4b: {  	_ =	shalt  }
0x4c: {  	_ =	shalt  }
0x4d: {  	_ =	shalt  }
0x4e: {  	_ =	shalt  }
0x4f: {  	_ =	shalt  }
0x50: {  	_ =	shalt  }
0x51: {  	_ =	shalt  }
0x52: {  	_ =	shalt  }
0x53: {  	_ =	shalt  }
0x54: {  	_ =	shalt  }
0x55: {  	_ =	shalt  }
0x56: {  	_ =	shalt  }
0x57: {  	_ =	shalt  }
0x58: {  	_ =	shalt  }
0x59: {  	_ =	shalt  }
0x5a: {  	_ =	shalt  }
0x5b: {  	_ =	shalt  }
0x5c: {  	_ =	shalt  }
0x5d: {  	_ =	shalt  }
0x5e: {  	_ =	shalt  }
0x5f: {  	_ =	shalt  }
0x60: {  	_ =	shalt  }
0x61: {  	_ =	shalt  }
0x62: {  	_ =	shalt  }
0x63: {  	_ =	shalt  }
0x64: {  	_ =	shalt  }
0x65: {  	_ =	shalt  }
0x66: {  	_ =	shalt  }
0x67: {  	_ =	shalt  }
0x68: {  	_ =	shalt  }
0x69: {  	_ =	shalt  }
0x6a: {  	_ =	shalt  }
0x6b: {  	_ =	shalt  }
0x6c: {  	_ =	shalt  }
0x6d: {  	_ =	shalt  }
0x6e: {  	_ =	shalt  }
0x6f: {  	_ =	shalt  }
0x70: {  	_ =	shalt  }
0x71: {  	_ =	shalt  }
0x72: {  	_ =	shalt  }
0x73: {  	_ =	shalt  }
0x74: {  	_ =	shalt  }
0x75: {  	_ =	shalt  }
0x76: {  	_ =	shalt  }
0x77: {  	_ =	shalt  }
0x78: {  	_ =	shalt  }
0x79: {  	_ =	shalt  }
0x7a: {  	_ =	shalt  }
0x7b: {  	_ =	shalt  }
0x7c: {  	_ =	shalt  }
0x7d: {  	_ =	shalt  }
0x7e: {  	_ =	shalt  }
0x7f: {  	_ =	shalt  }
0x80: {  	_ =	shalt  }
0x81: {  	_ =	shalt  }
0x82: {  	_ =	shalt  }
0x83: {  	_ =	shalt  }
0x84: {  	_ =	shalt  }
0x85: {  	_ =	shalt  }
0x86: {  	_ =	shalt  }
0x87: {  	_ =	shalt  }
.Lfunc_end0:
.L_simem_size_0:
called_computation_lowered:
.L_overlay_start_0:
0x88: {  	s2 =	sld [smem:$0x3FD9]  }
0x89: {  	s3 =	sld [smem:$0x3FFE];
	_ =	sdelay $0x1  }
0x8a: {  	s1 =	srdreg.scid  }
0x8b: {  	s0 =	sand.u32 $0x1, s1  }
0x8c: {  	s14 =	sshll.u32 s0, $0xA;
	s2 =	sadd.s32 s3, s2  }
0x8d: {  	s2 =	sadd.s32 s2, s14  }
0x8e: {  	[smem:$0x3FBD] =	sst s2  }
0x8f: {  	_ = 	snop  }
0x90: {  	s2 =	sld [smem:$0x3FD0];
	_ =	sdelay $0x2  }
0x91: {  	s4 =	simm.s32 $0xA;
	s5 =	simm.s32 $0x10;
	s15 =	sld [smem:$0x3FC7]  }
0x92: {  	[smem:s5], [sflag:s4] =	dma.local [hbm:s2], $0x1  }
0x93: {  	_ =	swait.eq [sflag:s4], $0x1  }
0x94: {  	[sflag:s4] =	ssyncset.done $0x0  }
0x95: {  	[sflag:s4] =	ssyncadd.s32 $0xFFFFFFFF  }
0x96: {  	s16 =	sld [smem:$0x11];
	(tm) =	ssettm $0x1  }
0x97: {  	s17 =	sld [smem:$0x3FFB];
	_ =	sdelay $0x3  }
0x98: {  	_ =	strace s17  }
0x99: {  	s4 =	sld [smem:$0x3FFC];
	_ =	sdelay $0x3  }
0x9a: {  	_ =	strace s4  }
0x9b: {  	s4 =	sld [smem:$0x3FFD];
	_ =	sdelay $0x3  }
0x9c: {  	_ =	strace s4  }
0x9d: {  	_ =	strace $0x8FFFFFFF  }
0x9e: {  	s18 =	sld [smem:$0x3FDB];
	_ =	sdelay $0x1  }
0x9f: {  	s19 =	simm.s32 $_scs_section_size  }
0xa0: {  	s6 =	simm.s32 $_size__tile_overlayer_lowered;
	s7 =	simm.s32 $_tile_overlayer_lowered  }
0xa1: {  	s22 =	simm.s32 $0x1BFF;
	s21 =	sshll.u32 s7, $0x1;
	s4 =	sadd.s32 s19, s18  }
0xa2: {  	s8 =	simm.s32 $0x0;
	s20 =	sshll.u32 s6, $0x1;
	s6 =	sadd.s32 s21, s4  }
0xa3: {  	[timem:s8], [sflag:s22] =	dma.local [hbm:s6], s20  }
0xa4: {  	_ =	swait.ge [sflag:s22], s20  }
0xa5: {  	s5 =	ssub.s32 $0x0, s20;
	[sflag:s22] =	ssyncset.done $0x0  }
0xa6: {  	[sflag:s22] =	ssyncadd.s32 s5;
	_ =	sdelay $0x1  }
0xa7: {  	s23 =	simm.s32 $0x1B8B  }
0xa8: {  	_ =	swait.ge [sflag:s23], $0x1  }
0xa9: {  	[sflag:s23] =	ssyncset.done $0x0  }
0xaa: {  	s25 =	simm.s32 $0x1B8E;
	s24 =	sld [smem:$0x3FFE];
	[sflag:s23] =	ssyncadd.s32 $0xFFFFFFFF  }
0xab: {  	s26 =	simm.s32 $execute0_lowered;
	[smem:$0x3FD2] =	sst s25  }
0xac: {  	s6 =	sshll.u32 s26, $0x1;
	_ =	strace $0x80000046;
	[dreg:$0x1] =	wrdreg $0xFFFFFFFF  }
0xad: {  	s28 =	simm.s32 $_size_execute0_lowered;
	s4 =	sadd.s32 s4, s6;
	[dreg:$0x0] =	wrdreg $0x0  }
0xae: {  	s6 =	sshll.u32 s28, $0x1;
	[dreg:$0x2] =	wrdreg s4  }
0xaf: {  	[dreg:$0x3] =	wrdreg s6  }
0xb0: {  	[dreg:$0x4] =	wrdreg $0xC0  }
0xb1: {  	_ =	task [dreg:s8], $0x5FFFF  }
0xb2: {  	[dreg:$0x1] =	wrdreg $0xFFFFFFFF  }
0xb3: {  	[dreg:$0x0] =	wrdreg $0x60  }
0xb4: {  	[dreg:$0x2] =	wrdreg s16  }
0xb5: {  	[dreg:$0x3] =	wrdreg s15  }
0xb6: {  	[dreg:$0x4] =	wrdreg s24  }
0xb7: {  	[dreg:$0x5] =	wrdreg $0x8CA00  }
0xb8: {  	[dreg:$0x6] =	wrdreg $0x9  }
0xb9: {  	_ =	task.clear_ibuf [dreg:s8], $0x7FFFF;
	_ =	strace $0x90000046  }
0xba: {  	s29 =	simm.s32 $0x9;
	_ =	strace $0x80000048  }
0xbb: {  	_ =	swait.ge [sflag:s29], $0x1  }
0xbc: {  	[sflag:s29] =	ssyncadd.s32 $0xFFFFFFFF  }
0xbd: {  	_ =	strace $0x90000048  }
0xbe: {  	_ =	sfence  }
0xbf: {  	s30 =	sld [smem:$0x0];
	_ =	sdelay $0x2  }
0xc0: {  	s31 =	sshll.u32 s1, $0xD;
	s1 =	sshrl.u32 s1, $0x2  }
0xc1: {  	s3 =	sand.u32 $0x4000, s31;
	s1 =	sadd.s32 s1, s30  }
0xc2: {  	s0 =	sor.u32 s3, s0;
	s1 =	sshll.u32 s1, $0x11  }
0xc3: {  	s0 =	sor.u32 s1, s0  }
0xc4: {  	s0 =	sadd.s32 $0x8F2B, s0  }
0xc5: {  	[sflag:s0] =	ssyncadd.remote.s32 $0x1  }
0xc6: {  	_ =	sfence.sel $0xFFFF  }
0xc7: {  	[dreg:$0x0] =	wrdreg $0xFFFFFFFF;
	(pc) =	sbr.abs _section_cstart, $3  }
0xc8: {  	[dreg:$0x1] =	wrdreg $0xFFFFFFFF  }
0xc9: {  	_ =	task.clear_ibuf [dreg:s8], $0x2FFFF;
	_ =	strace $0x9FFFFFFF  }
0xca: {  	(tm) =	ssettm $0x7FFFFFFF  }
0xcb: {  	_ =	shalt  }
tec
execute0_lowered:
.L_overlay_start_1:
0x0: {  	(tag) =	ssettag $0x1  }
0x1: {  	s7 =	rddreg [dreg:$0x0]  }
0x2: {  	s8 =	rddreg [dreg:$0x1]  }
0x3: {  	s4 =	rddreg [dreg:$0x2]  }
0x4: {  	s2 =	rddreg [dreg:$0x3]  }
0x5: {  	s0 =	rddreg [dreg:$0x4];
	s1 =	stileid.u32;
	s3 =	simm.s32 $0x0  }
0x6: {  	s6 =	srdreg.scid;
	s14 =	simm.s32 $0x4E20;
	s15 =	simm.s32 $0x50  }
0x7: {  	s16 =	simm.s32 $0x5320;
	s17 =	simm.s32 $0x5820;
	s18 =	simm.s32 $0x5D20  }
0x8: {  	s19 =	simm.s32 $0x1;
	s20 =	simm.s32 $0x26C0;
	s5 =	smul.u32 $0x50, s1  }
0x9: {  	s21 =	simm.s32 $0x2;
	s22 =	simm.s32 $0x3;
	s26 =	smul.u32 $0xA000, s1  }
0xa: {  	s23 =	simm.s32 $0x4;
	s25 =	simm.s32 $0x0;
	s10 =	smul.u32 $0x4E20, s1  }
0xb: {  	v0 =	vlaneseq.u32;
	[smem:$0x7FF] =	sst s3;
	s24 =	sand.u32 $0x1, s6;
	s12 =	smul.u32 $0x9C4, s1  }
0xc: {  	v0 =	vmul.u32 $0x10, v0;
	_ =	strace $0x80000047;
	s9 =	ssub.s32 $0x2, s24;
	p0 =	sne.s32 s24, $0x0  }
0xd: {  	s24 =	simm.s32 $0x8A20;
	s11 =	sadd.s32 s5, s4;
	s28 =	sshrl.u32 s9, $0x1  }
.Ltmp0:
0xe: {  	s29 =	sshrl.u32 s26, $0x2;
	s30 =	sshrl.u32 s10, $0x3;
	v5 =	vor.u32 $0x400, v0;
	(pc) =	sbr.rel .LBB2_1-.Ltmp0, $4  }
0xf: {  	s5 =	sadd.s32 s7, s12;
	s6 =	sadd.s32 s8, s12;
	s12 =	simm.s32 $0x5  }
0x10: {  	s13 =	ssub.s32 s9, s28;
	s4 =	sadd.s32 s29, s2;
	s31 =	sadd.s32 $0x4E2, s30  }
0x11: {  	v1 =	vimm.f32 $0.0e+00;
	s9 =	sadd.s32 $0x2000, s11;
	s11 =	simm.s32 $0x6220;
	s7 =	sadd.s32 s7, s31  }
0x12: {  	v2 =	vor.u32 $0x100, v0;
	v3 =	vor.u32 $0x200, v0;
	v4 =	vor.u32 $0x300, v0;
	s8 =	sadd.s32 s8, s31;
	s10 =	smax.u32 s13, $0x1;
	s13 =	simm.s32 $0x2710  }
.LBB2_12:
0x13: {  	v7 =	vshll.u32 v7, $0x4  }
0x14: {  	v7 =	vor.u32 v0, v7;
	_ =	sdelay $0x2  }
0x15: {  	s26 =	sadd.s32 $0x10, s26  }
0x16: {  	[tilespmem:s26+$0x0] =	vst v6  }
0x17: {  	v6 =	vld.idx.msk [tilespmem:v7+s11+$0x0], $0xffff;
	_ =	sdelay $0x3  }
0x18: {  	s26 =	sadd.s32 $0x10, s26  }
0x19: {  	[tilespmem:s26+$0x0] =	vst v6  }
0x1a: {  	[hbm4b:s9+s3] =	stream.linear.scatter [tilespmem:s24], [sflag:$0x5], $0x280, $0x38;
	[tilespmem:$0xB4A0] =	vst v63  }
0x1b: {  	_ =	swait.ge [sflag:s12], $0x280  }
0x1c: {  	[sflag:s12] =	ssyncset.done $0x0  }
0x1d: {  	[sflag:s12] =	ssyncadd.s32 $0xFFFFFD80  }
.LBB2_13:
0x1e: {  	s25 =	sadd.s32 $0x1, s25  }
0x1f: {  	p1 =	sne.s32 s25, s10  }
.Ltmp1:
0x20: {  	_ = 	snop;
	(pc) =	sbr.rel @!p1 .LBB2_14-.Ltmp1, $1  }
0x21: {  	_ =	sdelay $0x3  }
.LBB2_1:
0x22: {  	s26 =	simm.s32 $0x40;
	s28 =	simm.s32 $0x0  }
.LBB2_2:
0x23: {  	p1 =	sne.s32 s26, $0x9FC0;
	[tilespmem:s28+$0x6220] =	vst v1;
	s28 =	smov.u32 s26;
	s26 =	sadd.s32 $0x40, s26  }
.Ltmp2:
0x24: {  	(pc) =	sbr.rel @p1 .LBB2_2-.Ltmp2, $2  }
0x25: {  	_ =	sdelay $0x2  }
0x26: {  	s28 =	sshra.s32 s28, $0x2  }
0x27: {  	[tilespmem:s28+$0x6220] =	vst v1  }
0x28: {  	[spmem:s4] =	stream.linear.scatter [tilespmem:s11], [sflag:$0x5], $0x2800, $0x38;
	[tilespmem:$0xB4A0] =	vst v63  }
0x29: {  	_ =	swait.ge [sflag:s12], $0x2800  }
0x2a: {  	[sflag:s12] =	ssyncset.done $0x0  }
0x2b: {  	s28 =	simm.s32 $0x40;
	s26 =	simm.s32 $0x0;
	[sflag:s12] =	ssyncadd.s32 $0xFFFFD800  }
.LBB2_4:
0x2c: {  	p1 =	sne.s32 s28, $0x13C0;
	[tilespmem:s26+$0x5D20] =	vst v1;
	s29 =	smov.u32 s28;
	s28 =	sadd.s32 $0x40, s28  }
.Ltmp3:
0x2d: {  	[tilespmem:s26+$0x5820] =	vst v1;
	(pc) =	sbr.rel @p1 .LBB2_4-.Ltmp3, $3  }
0x2e: {  	[tilespmem:s26+$0x4E20] =	vst v1  }
0x2f: {  	[tilespmem:s26+$0x5320] =	vst v1;
	_ =	sdelay $0x1  }
0x30: {  	s26 =	sshra.s32 s29, $0x2  }
0x31: {  	[tilespmem:s26+$0x5D20] =	vst v1  }
0x32: {  	[tilespmem:s26+$0x5820] =	vst v1  }
0x33: {  	[tilespmem:s26+$0x4E20] =	vst v1  }
0x34: {  	[tilespmem:s26+$0x5320] =	vst v1  }
0x35: {  	s31 =	simm.s32 $0x0;
	[bflag:$0x0] =	sbarrier.arrive $0xFFFF  }
0x36: {  	[tilespmem:s31], [sflag:$0x5] =	stream.linear.gather [hbm4b:s5+s31], $0x2710, $0x38;
	[tilespmem:$0xB4A0] =	vst v63  }
0x37: {  	_ =	swait.ge [sflag:s12], $0x2710  }
0x38: {  	[sflag:s12] =	ssyncset.done $0x0  }
0x39: {  	[sflag:s12] =	ssyncadd.s32 $0xFFFFD8F0  }
0x3a: {  	[tilespmem:s13], [sflag:$0x5] =	stream.linear.gather [hbm4b:s6+s31], $0x2710, $0x38;
	[tilespmem:$0xB4A0] =	vst v63  }
0x3b: {  	_ =	swait.ge [sflag:s12], $0x2710  }
0x3c: {  	p1 =	por $0x1, $0x1;
	[sflag:s12] =	ssyncset.done $0x0  }
0x3d: {  	s26 =	simm.s32 @!p1 $0x1;
	[sflag:s12] =	ssyncadd.s32 $0xFFFFD8F0  }
0x3e: {  	_ =	swait.ge @!p1 [sflag:s26], $0x500  }
0x3f: {  	[sflag:s26] =	ssyncset.done @!p1 $0x0  }
0x40: {  	s29 =	simm.s32 $0x0;
	[sflag:s26] =	ssyncadd.s32 @!p1 $0xFFFFFB00  }
0x41: {  	v6 =	vld [tilespmem:s29+$0x2710];
	_ =	sdelay $0x4  }
0x42: {  	[tilespmem:v0+s14+$0x0] =	vst.idx.msk $0xffff, v6  }
0x43: {  	v6 =	vld [tilespmem:s29+$0x2720];
	_ =	sdelay $0x4  }
0x44: {  	[tilespmem:v2+s14+$0x0] =	vst.idx.msk $0xffff, v6  }
0x45: {  	v6 =	vld [tilespmem:s29+$0x2730];
	_ =	sdelay $0x4  }
0x46: {  	[tilespmem:v3+s14+$0x0] =	vst.idx.msk $0xffff, v6  }
0x47: {  	v6 =	vld [tilespmem:s29+$0x2740];
	_ =	sdelay $0x4  }
0x48: {  	[tilespmem:v4+s14+$0x0] =	vst.idx.msk $0xffff, v6  }
0x49: {  	v6 =	vld [tilespmem:s29+$0x2750];
	_ =	sdelay $0x4  }
0x4a: {  	s26 =	simm.s32 @!p1 $0x2;
	[tilespmem:v5+s14+$0x0] =	vst.idx.msk $0xffff, v6  }
0x4b: {  	[spmem:s2] =	stream.indirect.scatter.add.f32 [tilespmem:s14], [sflag:$0x1], $0x10, s29, s15, $0xb8;
	[tilespmem:$0xB4A0] =	vst v63  }
0x4c: {  	_ =	swait.ge @!p1 [sflag:s26], $0x500  }
0x4d: {  	[sflag:s26] =	ssyncset.done @!p1 $0x0  }
0x4e: {  	[sflag:s26] =	ssyncadd.s32 @!p1 $0xFFFFFB00  }
0x4f: {  	v6 =	vld [tilespmem:s29+$0x2760];
	_ =	sdelay $0x4  }
0x50: {  	[tilespmem:v0+s16+$0x0] =	vst.idx.msk $0xffff, v6  }
0x51: {  	v6 =	vld [tilespmem:s29+$0x2770];
	_ =	sdelay $0x4  }
0x52: {  	[tilespmem:v2+s16+$0x0] =	vst.idx.msk $0xffff, v6  }
0x53: {  	v6 =	vld [tilespmem:s29+$0x2780];
	_ =	sdelay $0x4  }
0x54: {  	[tilespmem:v3+s16+$0x0] =	vst.idx.msk $0xffff, v6  }
0x55: {  	v6 =	vld [tilespmem:s29+$0x2790];
	_ =	sdelay $0x4  }
0x56: {  	[tilespmem:v4+s16+$0x0] =	vst.idx.msk $0xffff, v6  }
0x57: {  	v6 =	vld [tilespmem:s29+$0x27A0];
	_ =	sdelay $0x4  }
0x58: {  	s30 =	simm.s32 $0x50;
	s28 =	simm.s32 @!p1 $0x3;
	[tilespmem:v5+s16+$0x0] =	vst.idx.msk $0xffff, v6  }
0x59: {  	[spmem:s2] =	stream.indirect.scatter.add.f32 [tilespmem:s16], [sflag:$0x2], $0x10, s30, s15, $0xb8;
	[tilespmem:$0xB4A0] =	vst v63  }
0x5a: {  	_ =	swait.ge @!p1 [sflag:s28], $0x500  }
0x5b: {  	[sflag:s28] =	ssyncset.done @!p1 $0x0  }
0x5c: {  	[sflag:s28] =	ssyncadd.s32 @!p1 $0xFFFFFB00  }
0x5d: {  	v6 =	vld [tilespmem:s29+$0x27B0];
	_ =	sdelay $0x4  }
0x5e: {  	[tilespmem:v0+s17+$0x0] =	vst.idx.msk $0xffff, v6  }
0x5f: {  	v6 =	vld [tilespmem:s29+$0x27C0];
	_ =	sdelay $0x4  }
0x60: {  	[tilespmem:v2+s17+$0x0] =	vst.idx.msk $0xffff, v6  }
0x61: {  	v6 =	vld [tilespmem:s29+$0x27D0];
	_ =	sdelay $0x4  }
0x62: {  	[tilespmem:v3+s17+$0x0] =	vst.idx.msk $0xffff, v6  }
0x63: {  	v6 =	vld [tilespmem:s29+$0x27E0];
	_ =	sdelay $0x4  }
0x64: {  	[tilespmem:v4+s17+$0x0] =	vst.idx.msk $0xffff, v6  }
0x65: {  	v6 =	vld [tilespmem:s29+$0x27F0];
	_ =	sdelay $0x4  }
0x66: {  	s31 =	simm.s32 $0xA0;
	s28 =	simm.s32 @!p1 $0x4;
	[tilespmem:v5+s17+$0x0] =	vst.idx.msk $0xffff, v6  }
0x67: {  	[spmem:s2] =	stream.indirect.scatter.add.f32 [tilespmem:s17], [sflag:$0x3], $0x10, s31, s15, $0xb8;
	[tilespmem:$0xB4A0] =	vst v63  }
0x68: {  	_ =	swait.ge @!p1 [sflag:s28], $0x500  }
0x69: {  	[sflag:s28] =	ssyncset.done @!p1 $0x0  }
0x6a: {  	[sflag:s28] =	ssyncadd.s32 @!p1 $0xFFFFFB00  }
0x6b: {  	v6 =	vld [tilespmem:s29+$0x2800];
	_ =	sdelay $0x4  }
0x6c: {  	[tilespmem:v0+s18+$0x0] =	vst.idx.msk $0xffff, v6  }
0x6d: {  	v6 =	vld [tilespmem:s29+$0x2810];
	_ =	sdelay $0x4  }
0x6e: {  	[tilespmem:v2+s18+$0x0] =	vst.idx.msk $0xffff, v6  }
0x6f: {  	v6 =	vld [tilespmem:s29+$0x2820];
	_ =	sdelay $0x4  }
0x70: {  	[tilespmem:v3+s18+$0x0] =	vst.idx.msk $0xffff, v6  }
0x71: {  	v6 =	vld [tilespmem:s29+$0x2830];
	_ =	sdelay $0x4  }
0x72: {  	[tilespmem:v4+s18+$0x0] =	vst.idx.msk $0xffff, v6  }
0x73: {  	v6 =	vld [tilespmem:s29+$0x2840];
	_ =	sdelay $0x2  }
0x74: {  	s26 =	simm.s32 $0x500  }
0x75: {  	s28 =	simm.s32 $0xA00;
	p1 =	por $0x0, $0x0;
	s29 =	simm.s32 $0xF0  }
.LBB2_6:
0x76: {  	s30 =	simm.s32 @!p1 $0x1;
	[tilespmem:v5+s18+$0x0] =	vst.idx.msk $0xffff, v6;
	s31 =	smov.u32 s28;
	s28 =	sadd.s32 $0x500, s28  }
0x77: {  	[spmem:s2] =	stream.indirect.scatter.add.f32 [tilespmem:s18], [sflag:$0x4], $0x10, s29, s15, $0xb8;
	[tilespmem:$0xB4A0] =	vst v63  }
0x78: {  	p2 =	sne.s32 s28, $0x9B00;
	_ =	swait.ge @!p1 [sflag:s30], $0x500  }
0x79: {  	[sflag:s30] =	ssyncset.done @!p1 $0x0  }
0x7a: {  	s29 =	sshra.s32 s26, $0x2;
	s26 =	smov.u32 s31;
	[sflag:s30] =	ssyncadd.s32 @!p1 $0xFFFFFB00  }
0x7b: {  	v6 =	vld [tilespmem:s29+$0x2710];
	_ =	sdelay $0x4  }
0x7c: {  	[tilespmem:v0+s14+$0x0] =	vst.idx.msk $0xffff, v6  }
0x7d: {  	v6 =	vld [tilespmem:s29+$0x2720];
	_ =	sdelay $0x4  }
0x7e: {  	[tilespmem:v2+s14+$0x0] =	vst.idx.msk $0xffff, v6  }
0x7f: {  	v6 =	vld [tilespmem:s29+$0x2730];
	_ =	sdelay $0x4  }
0x80: {  	[tilespmem:v3+s14+$0x0] =	vst.idx.msk $0xffff, v6  }
0x81: {  	v6 =	vld [tilespmem:s29+$0x2740];
	_ =	sdelay $0x4  }
0x82: {  	[tilespmem:v4+s14+$0x0] =	vst.idx.msk $0xffff, v6  }
0x83: {  	v6 =	vld [tilespmem:s29+$0x2750];
	_ =	sdelay $0x4  }
0x84: {  	s30 =	simm.s32 @!p1 $0x2;
	[tilespmem:v5+s14+$0x0] =	vst.idx.msk $0xffff, v6  }
0x85: {  	[spmem:s2] =	stream.indirect.scatter.add.f32 [tilespmem:s14], [sflag:$0x1], $0x10, s29, s15, $0xb8;
	[tilespmem:$0xB4A0] =	vst v63  }
0x86: {  	_ =	swait.ge @!p1 [sflag:s30], $0x500  }
0x87: {  	[sflag:s30] =	ssyncset.done @!p1 $0x0  }
0x88: {  	[sflag:s30] =	ssyncadd.s32 @!p1 $0xFFFFFB00  }
0x89: {  	v6 =	vld [tilespmem:s29+$0x2760];
	_ =	sdelay $0x4  }
0x8a: {  	[tilespmem:v0+s16+$0x0] =	vst.idx.msk $0xffff, v6  }
0x8b: {  	v6 =	vld [tilespmem:s29+$0x2770];
	_ =	sdelay $0x4  }
0x8c: {  	[tilespmem:v2+s16+$0x0] =	vst.idx.msk $0xffff, v6  }
0x8d: {  	v6 =	vld [tilespmem:s29+$0x2780];
	_ =	sdelay $0x4  }
0x8e: {  	[tilespmem:v3+s16+$0x0] =	vst.idx.msk $0xffff, v6  }
0x8f: {  	v6 =	vld [tilespmem:s29+$0x2790];
	_ =	sdelay $0x4  }
0x90: {  	[tilespmem:v4+s16+$0x0] =	vst.idx.msk $0xffff, v6  }
0x91: {  	v6 =	vld [tilespmem:s29+$0x27A0];
	_ =	sdelay $0x4  }
0x92: {  	s31 =	simm.s32 @!p1 $0x3;
	s30 =	sadd.s32 $0x50, s29;
	[tilespmem:v5+s16+$0x0] =	vst.idx.msk $0xffff, v6  }
0x93: {  	[spmem:s2] =	stream.indirect.scatter.add.f32 [tilespmem:s16], [sflag:$0x2], $0x10, s30, s15, $0xb8;
	[tilespmem:$0xB4A0] =	vst v63  }
0x94: {  	_ =	swait.ge @!p1 [sflag:s31], $0x500  }
0x95: {  	[sflag:s31] =	ssyncset.done @!p1 $0x0  }
0x96: {  	[sflag:s31] =	ssyncadd.s32 @!p1 $0xFFFFFB00  }
0x97: {  	v6 =	vld [tilespmem:s29+$0x27B0];
	_ =	sdelay $0x4  }
0x98: {  	[tilespmem:v0+s17+$0x0] =	vst.idx.msk $0xffff, v6  }
0x99: {  	v6 =	vld [tilespmem:s29+$0x27C0];
	_ =	sdelay $0x4  }
0x9a: {  	[tilespmem:v2+s17+$0x0] =	vst.idx.msk $0xffff, v6  }
0x9b: {  	v6 =	vld [tilespmem:s29+$0x27D0];
	_ =	sdelay $0x4  }
0x9c: {  	[tilespmem:v3+s17+$0x0] =	vst.idx.msk $0xffff, v6  }
0x9d: {  	v6 =	vld [tilespmem:s29+$0x27E0];
	_ =	sdelay $0x4  }
0x9e: {  	[tilespmem:v4+s17+$0x0] =	vst.idx.msk $0xffff, v6  }
0x9f: {  	v6 =	vld [tilespmem:s29+$0x27F0];
	_ =	sdelay $0x4  }
0xa0: {  	s30 =	sadd.s32 $0xA0, s29;
	s31 =	simm.s32 @!p1 $0x4;
	[tilespmem:v5+s17+$0x0] =	vst.idx.msk $0xffff, v6  }
0xa1: {  	[spmem:s2] =	stream.indirect.scatter.add.f32 [tilespmem:s17], [sflag:$0x3], $0x10, s30, s15, $0xb8;
	[tilespmem:$0xB4A0] =	vst v63  }
0xa2: {  	_ =	swait.ge @!p1 [sflag:s31], $0x500  }
0xa3: {  	[sflag:s31] =	ssyncset.done @!p1 $0x0  }
0xa4: {  	[sflag:s31] =	ssyncadd.s32 @!p1 $0xFFFFFB00  }
0xa5: {  	v6 =	vld [tilespmem:s29+$0x2800];
	_ =	sdelay $0x4  }
0xa6: {  	[tilespmem:v0+s18+$0x0] =	vst.idx.msk $0xffff, v6  }
0xa7: {  	v6 =	vld [tilespmem:s29+$0x2810];
	_ =	sdelay $0x4  }
0xa8: {  	[tilespmem:v2+s18+$0x0] =	vst.idx.msk $0xffff, v6  }
0xa9: {  	v6 =	vld [tilespmem:s29+$0x2820];
	_ =	sdelay $0x4  }
0xaa: {  	[tilespmem:v3+s18+$0x0] =	vst.idx.msk $0xffff, v6  }
0xab: {  	v6 =	vld [tilespmem:s29+$0x2830];
	_ =	sdelay $0x4  }
0xac: {  	[tilespmem:v4+s18+$0x0] =	vst.idx.msk $0xffff, v6  }
.Ltmp4:
0xad: {  	v6 =	vld [tilespmem:s29+$0x2840];
	(pc) =	sbr.rel @p2 .LBB2_6-.Ltmp4, $2  }
0xae: {  	_ =	sdelay $0x2  }
0xaf: {  	p1 =	seq.s32 s26, $0x0;
	s29 =	sadd.s32 $0xF0, s29  }
0xb0: {  	_ =	sdelay $0x3  }
0xb1: {  	s28 =	simm.s32 @!p1 $0x1;
	[tilespmem:v5+s18+$0x0] =	vst.idx.msk $0xffff, v6  }
0xb2: {  	[spmem:s2] =	stream.indirect.scatter.add.f32 [tilespmem:s18], [sflag:$0x4], $0x10, s29, s15, $0xb8;
	[tilespmem:$0xB4A0] =	vst v63  }
0xb3: {  	_ =	swait.ge @!p1 [sflag:s28], $0x500  }
0xb4: {  	[sflag:s28] =	ssyncset.done @!p1 $0x0  }
0xb5: {  	s26 =	sshra.s32 s26, $0x2;
	[sflag:s28] =	ssyncadd.s32 @!p1 $0xFFFFFB00  }
0xb6: {  	v6 =	vld [tilespmem:s26+$0x2710];
	_ =	sdelay $0x4  }
0xb7: {  	[tilespmem:v0+s14+$0x0] =	vst.idx.msk $0xffff, v6  }
0xb8: {  	v6 =	vld [tilespmem:s26+$0x2720];
	_ =	sdelay $0x4  }
0xb9: {  	[tilespmem:v2+s14+$0x0] =	vst.idx.msk $0xffff, v6  }
0xba: {  	v6 =	vld [tilespmem:s26+$0x2730];
	_ =	sdelay $0x4  }
0xbb: {  	[tilespmem:v3+s14+$0x0] =	vst.idx.msk $0xffff, v6  }
0xbc: {  	v6 =	vld [tilespmem:s26+$0x2740];
	_ =	sdelay $0x4  }
0xbd: {  	[tilespmem:v4+s14+$0x0] =	vst.idx.msk $0xffff, v6  }
0xbe: {  	v6 =	vld [tilespmem:s26+$0x2750];
	_ =	sdelay $0x4  }
0xbf: {  	s28 =	simm.s32 @!p1 $0x2;
	[tilespmem:v5+s14+$0x0] =	vst.idx.msk $0xffff, v6  }
0xc0: {  	[spmem:s2] =	stream.indirect.scatter.add.f32 [tilespmem:s14], [sflag:$0x1], $0x10, s26, s15, $0xb8;
	[tilespmem:$0xB4A0] =	vst v63  }
0xc1: {  	_ =	swait.ge @!p1 [sflag:s28], $0x500  }
0xc2: {  	[sflag:s28] =	ssyncset.done @!p1 $0x0  }
0xc3: {  	[sflag:s28] =	ssyncadd.s32 @!p1 $0xFFFFFB00  }
0xc4: {  	v6 =	vld [tilespmem:s26+$0x2760];
	_ =	sdelay $0x4  }
0xc5: {  	[tilespmem:v0+s16+$0x0] =	vst.idx.msk $0xffff, v6  }
0xc6: {  	v6 =	vld [tilespmem:s26+$0x2770];
	_ =	sdelay $0x4  }
0xc7: {  	[tilespmem:v2+s16+$0x0] =	vst.idx.msk $0xffff, v6  }
0xc8: {  	v6 =	vld [tilespmem:s26+$0x2780];
	_ =	sdelay $0x4  }
0xc9: {  	[tilespmem:v3+s16+$0x0] =	vst.idx.msk $0xffff, v6  }
0xca: {  	v6 =	vld [tilespmem:s26+$0x2790];
	_ =	sdelay $0x4  }
0xcb: {  	[tilespmem:v4+s16+$0x0] =	vst.idx.msk $0xffff, v6  }
0xcc: {  	v6 =	vld [tilespmem:s26+$0x27A0];
	_ =	sdelay $0x4  }
0xcd: {  	s29 =	simm.s32 @!p1 $0x3;
	s28 =	sadd.s32 $0x50, s26;
	[tilespmem:v5+s16+$0x0] =	vst.idx.msk $0xffff, v6  }
0xce: {  	[spmem:s2] =	stream.indirect.scatter.add.f32 [tilespmem:s16], [sflag:$0x2], $0x10, s28, s15, $0xb8;
	[tilespmem:$0xB4A0] =	vst v63  }
0xcf: {  	_ =	swait.ge @!p1 [sflag:s29], $0x500  }
0xd0: {  	[sflag:s29] =	ssyncset.done @!p1 $0x0  }
0xd1: {  	[sflag:s29] =	ssyncadd.s32 @!p1 $0xFFFFFB00  }
0xd2: {  	v6 =	vld [tilespmem:s26+$0x27B0];
	_ =	sdelay $0x4  }
0xd3: {  	[tilespmem:v0+s17+$0x0] =	vst.idx.msk $0xffff, v6  }
0xd4: {  	v6 =	vld [tilespmem:s26+$0x27C0];
	_ =	sdelay $0x4  }
0xd5: {  	[tilespmem:v2+s17+$0x0] =	vst.idx.msk $0xffff, v6  }
0xd6: {  	v6 =	vld [tilespmem:s26+$0x27D0];
	_ =	sdelay $0x4  }
0xd7: {  	[tilespmem:v3+s17+$0x0] =	vst.idx.msk $0xffff, v6  }
0xd8: {  	v6 =	vld [tilespmem:s26+$0x27E0];
	_ =	sdelay $0x4  }
0xd9: {  	[tilespmem:v4+s17+$0x0] =	vst.idx.msk $0xffff, v6  }
0xda: {  	v6 =	vld [tilespmem:s26+$0x27F0];
	_ =	sdelay $0x4  }
0xdb: {  	s28 =	sadd.s32 $0xA0, s26;
	s29 =	simm.s32 @!p1 $0x4;
	[tilespmem:v5+s17+$0x0] =	vst.idx.msk $0xffff, v6  }
0xdc: {  	[spmem:s2] =	stream.indirect.scatter.add.f32 [tilespmem:s17], [sflag:$0x3], $0x10, s28, s15, $0xb8;
	[tilespmem:$0xB4A0] =	vst v63  }
0xdd: {  	_ =	swait.ge @!p1 [sflag:s29], $0x500  }
0xde: {  	[sflag:s29] =	ssyncset.done @!p1 $0x0  }
0xdf: {  	[sflag:s29] =	ssyncadd.s32 @!p1 $0xFFFFFB00  }
0xe0: {  	v6 =	vld [tilespmem:s26+$0x2800];
	_ =	sdelay $0x4  }
0xe1: {  	[tilespmem:v0+s18+$0x0] =	vst.idx.msk $0xffff, v6  }
0xe2: {  	v6 =	vld [tilespmem:s26+$0x2810];
	_ =	sdelay $0x4  }
0xe3: {  	[tilespmem:v2+s18+$0x0] =	vst.idx.msk $0xffff, v6  }
0xe4: {  	v6 =	vld [tilespmem:s26+$0x2820];
	_ =	sdelay $0x4  }
0xe5: {  	[tilespmem:v3+s18+$0x0] =	vst.idx.msk $0xffff, v6  }
0xe6: {  	v6 =	vld [tilespmem:s26+$0x2830];
	_ =	sdelay $0x4  }
0xe7: {  	[tilespmem:v4+s18+$0x0] =	vst.idx.msk $0xffff, v6  }
0xe8: {  	v6 =	vld [tilespmem:s26+$0x2840];
	_ =	sdelay $0x4  }
0xe9: {  	s26 =	sadd.s32 $0xF0, s26;
	[tilespmem:v5+s18+$0x0] =	vst.idx.msk $0xffff, v6  }
0xea: {  	[spmem:s2] =	stream.indirect.scatter.add.f32 [tilespmem:s18], [sflag:$0x4], $0x10, s26, s15, $0xb8;
	[tilespmem:$0xB4A0] =	vst v63  }
0xeb: {  	_ =	swait.ge [sflag:s19], $0x500  }
0xec: {  	[sflag:s19] =	ssyncset.done $0x0  }
0xed: {  	[sflag:s19] =	ssyncadd.s32 $0xFFFFFB00  }
0xee: {  	v6 =	vld [tilespmem:$0x4DD0];
	_ =	sdelay $0x4  }
0xef: {  	[tilespmem:v0+s14+$0x0] =	vst.idx.msk $0xffff, v6  }
0xf0: {  	v6 =	vld [tilespmem:$0x4DE0];
	_ =	sdelay $0x4  }
0xf1: {  	[tilespmem:v2+s14+$0x0] =	vst.idx.msk $0xffff, v6  }
0xf2: {  	v6 =	vld [tilespmem:$0x4DF0];
	_ =	sdelay $0x4  }
0xf3: {  	[tilespmem:v3+s14+$0x0] =	vst.idx.msk $0xffff, v6  }
0xf4: {  	v6 =	vld [tilespmem:$0x4E00];
	_ =	sdelay $0x4  }
0xf5: {  	[tilespmem:v4+s14+$0x0] =	vst.idx.msk $0xffff, v6  }
0xf6: {  	v6 =	vld [tilespmem:$0x4E10];
	_ =	sdelay $0x4  }
0xf7: {  	[tilespmem:v5+s14+$0x0] =	vst.idx.msk $0xffff, v6  }
0xf8: {  	[spmem:s2] =	stream.indirect.scatter.add.f32 [tilespmem:s14], [sflag:$0x1], $0x10, s20, s15, $0xb8;
	[tilespmem:$0xB4A0] =	vst v63  }
0xf9: {  	_ =	swait.ge [sflag:s21], $0x500  }
0xfa: {  	[sflag:s21] =	ssyncset.done $0x0  }
0xfb: {  	[sflag:s21] =	ssyncadd.s32 $0xFFFFFB00  }
0xfc: {  	_ =	swait.ge [sflag:s22], $0x500  }
0xfd: {  	[sflag:s22] =	ssyncset.done $0x0  }
0xfe: {  	[sflag:s22] =	ssyncadd.s32 $0xFFFFFB00  }
0xff: {  	_ =	swait.ge [sflag:s23], $0x500  }
0x100: {  	[sflag:s23] =	ssyncset.done $0x0  }
0x101: {  	[sflag:s23] =	ssyncadd.s32 $0xFFFFFB00  }
0x102: {  	_ =	swait.ge [sflag:s19], $0x500  }
0x103: {  	[sflag:s19] =	ssyncset.done $0x0  }
0x104: {  	s31 =	simm.s32 $0x0;
	[sflag:s19] =	ssyncadd.s32 $0xFFFFFB00  }
0x105: {  	[tilespmem:s31], [sflag:$0x5] =	stream.linear.gather [hbm4b:s7+s31], $0x2710, $0x38;
	[tilespmem:$0xB4A0] =	vst v63  }
0x106: {  	_ =	swait.ge [sflag:s12], $0x2710  }
0x107: {  	[sflag:s12] =	ssyncset.done $0x0  }
0x108: {  	[sflag:s12] =	ssyncadd.s32 $0xFFFFD8F0  }
0x109: {  	[tilespmem:s13], [sflag:$0x5] =	stream.linear.gather [hbm4b:s8+s31], $0x2710, $0x38;
	[tilespmem:$0xB4A0] =	vst v63  }
0x10a: {  	_ =	swait.ge [sflag:s12], $0x2710  }
0x10b: {  	p1 =	por $0x1, $0x1;
	[sflag:s12] =	ssyncset.done $0x0  }
0x10c: {  	s26 =	simm.s32 @!p1 $0x1;
	[sflag:s12] =	ssyncadd.s32 $0xFFFFD8F0  }
0x10d: {  	_ =	swait.ge @!p1 [sflag:s26], $0x500  }
0x10e: {  	[sflag:s26] =	ssyncset.done @!p1 $0x0  }
0x10f: {  	s29 =	simm.s32 $0x0;
	[sflag:s26] =	ssyncadd.s32 @!p1 $0xFFFFFB00  }
0x110: {  	v6 =	vld [tilespmem:s29+$0x2710];
	_ =	sdelay $0x4  }
0x111: {  	[tilespmem:v0+s14+$0x0] =	vst.idx.msk $0xffff, v6  }
0x112: {  	v6 =	vld [tilespmem:s29+$0x2720];
	_ =	sdelay $0x4  }
0x113: {  	[tilespmem:v2+s14+$0x0] =	vst.idx.msk $0xffff, v6  }
0x114: {  	v6 =	vld [tilespmem:s29+$0x2730];
	_ =	sdelay $0x4  }
0x115: {  	[tilespmem:v3+s14+$0x0] =	vst.idx.msk $0xffff, v6  }
0x116: {  	v6 =	vld [tilespmem:s29+$0x2740];
	_ =	sdelay $0x4  }
0x117: {  	[tilespmem:v4+s14+$0x0] =	vst.idx.msk $0xffff, v6  }
0x118: {  	v6 =	vld [tilespmem:s29+$0x2750];
	_ =	sdelay $0x4  }
0x119: {  	s26 =	simm.s32 @!p1 $0x2;
	[tilespmem:v5+s14+$0x0] =	vst.idx.msk $0xffff, v6  }
0x11a: {  	[spmem:s2] =	stream.indirect.scatter.add.f32 [tilespmem:s14], [sflag:$0x1], $0x10, s29, s15, $0xb8;
	[tilespmem:$0xB4A0] =	vst v63  }
0x11b: {  	_ =	swait.ge @!p1 [sflag:s26], $0x500  }
0x11c: {  	[sflag:s26] =	ssyncset.done @!p1 $0x0  }
0x11d: {  	[sflag:s26] =	ssyncadd.s32 @!p1 $0xFFFFFB00  }
0x11e: {  	v6 =	vld [tilespmem:s29+$0x2760];
	_ =	sdelay $0x4  }
0x11f: {  	[tilespmem:v0+s16+$0x0] =	vst.idx.msk $0xffff, v6  }
0x120: {  	v6 =	vld [tilespmem:s29+$0x2770];
	_ =	sdelay $0x4  }
0x121: {  	[tilespmem:v2+s16+$0x0] =	vst.idx.msk $0xffff, v6  }
0x122: {  	v6 =	vld [tilespmem:s29+$0x2780];
	_ =	sdelay $0x4  }
0x123: {  	[tilespmem:v3+s16+$0x0] =	vst.idx.msk $0xffff, v6  }
0x124: {  	v6 =	vld [tilespmem:s29+$0x2790];
	_ =	sdelay $0x4  }
0x125: {  	[tilespmem:v4+s16+$0x0] =	vst.idx.msk $0xffff, v6  }
0x126: {  	v6 =	vld [tilespmem:s29+$0x27A0];
	_ =	sdelay $0x4  }
0x127: {  	s30 =	simm.s32 $0x50;
	s28 =	simm.s32 @!p1 $0x3;
	[tilespmem:v5+s16+$0x0] =	vst.idx.msk $0xffff, v6  }
0x128: {  	[spmem:s2] =	stream.indirect.scatter.add.f32 [tilespmem:s16], [sflag:$0x2], $0x10, s30, s15, $0xb8;
	[tilespmem:$0xB4A0] =	vst v63  }
0x129: {  	_ =	swait.ge @!p1 [sflag:s28], $0x500  }
0x12a: {  	[sflag:s28] =	ssyncset.done @!p1 $0x0  }
0x12b: {  	[sflag:s28] =	ssyncadd.s32 @!p1 $0xFFFFFB00  }
0x12c: {  	v6 =	vld [tilespmem:s29+$0x27B0];
	_ =	sdelay $0x4  }
0x12d: {  	[tilespmem:v0+s17+$0x0] =	vst.idx.msk $0xffff, v6  }
0x12e: {  	v6 =	vld [tilespmem:s29+$0x27C0];
	_ =	sdelay $0x4  }
0x12f: {  	[tilespmem:v2+s17+$0x0] =	vst.idx.msk $0xffff, v6  }
0x130: {  	v6 =	vld [tilespmem:s29+$0x27D0];
	_ =	sdelay $0x4  }
0x131: {  	[tilespmem:v3+s17+$0x0] =	vst.idx.msk $0xffff, v6  }
0x132: {  	v6 =	vld [tilespmem:s29+$0x27E0];
	_ =	sdelay $0x4  }
0x133: {  	[tilespmem:v4+s17+$0x0] =	vst.idx.msk $0xffff, v6  }
0x134: {  	v6 =	vld [tilespmem:s29+$0x27F0];
	_ =	sdelay $0x4  }
0x135: {  	s31 =	simm.s32 $0xA0;
	s28 =	simm.s32 @!p1 $0x4;
	[tilespmem:v5+s17+$0x0] =	vst.idx.msk $0xffff, v6  }
0x136: {  	[spmem:s2] =	stream.indirect.scatter.add.f32 [tilespmem:s17], [sflag:$0x3], $0x10, s31, s15, $0xb8;
	[tilespmem:$0xB4A0] =	vst v63  }
0x137: {  	_ =	swait.ge @!p1 [sflag:s28], $0x500  }
0x138: {  	[sflag:s28] =	ssyncset.done @!p1 $0x0  }
0x139: {  	[sflag:s28] =	ssyncadd.s32 @!p1 $0xFFFFFB00  }
0x13a: {  	v6 =	vld [tilespmem:s29+$0x2800];
	_ =	sdelay $0x4  }
0x13b: {  	[tilespmem:v0+s18+$0x0] =	vst.idx.msk $0xffff, v6  }
0x13c: {  	v6 =	vld [tilespmem:s29+$0x2810];
	_ =	sdelay $0x4  }
0x13d: {  	[tilespmem:v2+s18+$0x0] =	vst.idx.msk $0xffff, v6  }
0x13e: {  	v6 =	vld [tilespmem:s29+$0x2820];
	_ =	sdelay $0x4  }
0x13f: {  	[tilespmem:v3+s18+$0x0] =	vst.idx.msk $0xffff, v6  }
0x140: {  	v6 =	vld [tilespmem:s29+$0x2830];
	_ =	sdelay $0x4  }
0x141: {  	[tilespmem:v4+s18+$0x0] =	vst.idx.msk $0xffff, v6  }
0x142: {  	v6 =	vld [tilespmem:s29+$0x2840];
	_ =	sdelay $0x2  }
0x143: {  	s26 =	simm.s32 $0x500  }
0x144: {  	s28 =	simm.s32 $0xA00;
	p1 =	por $0x0, $0x0;
	s29 =	simm.s32 $0xF0  }
.LBB2_8:
0x145: {  	s30 =	simm.s32 @!p1 $0x1;
	[tilespmem:v5+s18+$0x0] =	vst.idx.msk $0xffff, v6;
	s31 =	smov.u32 s28;
	s28 =	sadd.s32 $0x500, s28  }
0x146: {  	[spmem:s2] =	stream.indirect.scatter.add.f32 [tilespmem:s18], [sflag:$0x4], $0x10, s29, s15, $0xb8;
	[tilespmem:$0xB4A0] =	vst v63  }
0x147: {  	p2 =	sne.s32 s28, $0x9B00;
	_ =	swait.ge @!p1 [sflag:s30], $0x500  }
0x148: {  	[sflag:s30] =	ssyncset.done @!p1 $0x0  }
0x149: {  	s29 =	sshra.s32 s26, $0x2;
	s26 =	smov.u32 s31;
	[sflag:s30] =	ssyncadd.s32 @!p1 $0xFFFFFB00  }
0x14a: {  	v6 =	vld [tilespmem:s29+$0x2710];
	_ =	sdelay $0x4  }
0x14b: {  	[tilespmem:v0+s14+$0x0] =	vst.idx.msk $0xffff, v6  }
0x14c: {  	v6 =	vld [tilespmem:s29+$0x2720];
	_ =	sdelay $0x4  }
0x14d: {  	[tilespmem:v2+s14+$0x0] =	vst.idx.msk $0xffff, v6  }
0x14e: {  	v6 =	vld [tilespmem:s29+$0x2730];
	_ =	sdelay $0x4  }
0x14f: {  	[tilespmem:v3+s14+$0x0] =	vst.idx.msk $0xffff, v6  }
0x150: {  	v6 =	vld [tilespmem:s29+$0x2740];
	_ =	sdelay $0x4  }
0x151: {  	[tilespmem:v4+s14+$0x0] =	vst.idx.msk $0xffff, v6  }
0x152: {  	v6 =	vld [tilespmem:s29+$0x2750];
	_ =	sdelay $0x4  }
0x153: {  	s30 =	simm.s32 @!p1 $0x2;
	[tilespmem:v5+s14+$0x0] =	vst.idx.msk $0xffff, v6  }
0x154: {  	[spmem:s2] =	stream.indirect.scatter.add.f32 [tilespmem:s14], [sflag:$0x1], $0x10, s29, s15, $0xb8;
	[tilespmem:$0xB4A0] =	vst v63  }
0x155: {  	_ =	swait.ge @!p1 [sflag:s30], $0x500  }
0x156: {  	[sflag:s30] =	ssyncset.done @!p1 $0x0  }
0x157: {  	[sflag:s30] =	ssyncadd.s32 @!p1 $0xFFFFFB00  }
0x158: {  	v6 =	vld [tilespmem:s29+$0x2760];
	_ =	sdelay $0x4  }
0x159: {  	[tilespmem:v0+s16+$0x0] =	vst.idx.msk $0xffff, v6  }
0x15a: {  	v6 =	vld [tilespmem:s29+$0x2770];
	_ =	sdelay $0x4  }
0x15b: {  	[tilespmem:v2+s16+$0x0] =	vst.idx.msk $0xffff, v6  }
0x15c: {  	v6 =	vld [tilespmem:s29+$0x2780];
	_ =	sdelay $0x4  }
0x15d: {  	[tilespmem:v3+s16+$0x0] =	vst.idx.msk $0xffff, v6  }
0x15e: {  	v6 =	vld [tilespmem:s29+$0x2790];
	_ =	sdelay $0x4  }
0x15f: {  	[tilespmem:v4+s16+$0x0] =	vst.idx.msk $0xffff, v6  }
0x160: {  	v6 =	vld [tilespmem:s29+$0x27A0];
	_ =	sdelay $0x4  }
0x161: {  	s31 =	simm.s32 @!p1 $0x3;
	s30 =	sadd.s32 $0x50, s29;
	[tilespmem:v5+s16+$0x0] =	vst.idx.msk $0xffff, v6  }
0x162: {  	[spmem:s2] =	stream.indirect.scatter.add.f32 [tilespmem:s16], [sflag:$0x2], $0x10, s30, s15, $0xb8;
	[tilespmem:$0xB4A0] =	vst v63  }
0x163: {  	_ =	swait.ge @!p1 [sflag:s31], $0x500  }
0x164: {  	[sflag:s31] =	ssyncset.done @!p1 $0x0  }
0x165: {  	[sflag:s31] =	ssyncadd.s32 @!p1 $0xFFFFFB00  }
0x166: {  	v6 =	vld [tilespmem:s29+$0x27B0];
	_ =	sdelay $0x4  }
0x167: {  	[tilespmem:v0+s17+$0x0] =	vst.idx.msk $0xffff, v6  }
0x168: {  	v6 =	vld [tilespmem:s29+$0x27C0];
	_ =	sdelay $0x4  }
0x169: {  	[tilespmem:v2+s17+$0x0] =	vst.idx.msk $0xffff, v6  }
0x16a: {  	v6 =	vld [tilespmem:s29+$0x27D0];
	_ =	sdelay $0x4  }
0x16b: {  	[tilespmem:v3+s17+$0x0] =	vst.idx.msk $0xffff, v6  }
0x16c: {  	v6 =	vld [tilespmem:s29+$0x27E0];
	_ =	sdelay $0x4  }
0x16d: {  	[tilespmem:v4+s17+$0x0] =	vst.idx.msk $0xffff, v6  }
0x16e: {  	v6 =	vld [tilespmem:s29+$0x27F0];
	_ =	sdelay $0x4  }
0x16f: {  	s30 =	sadd.s32 $0xA0, s29;
	s31 =	simm.s32 @!p1 $0x4;
	[tilespmem:v5+s17+$0x0] =	vst.idx.msk $0xffff, v6  }
0x170: {  	[spmem:s2] =	stream.indirect.scatter.add.f32 [tilespmem:s17], [sflag:$0x3], $0x10, s30, s15, $0xb8;
	[tilespmem:$0xB4A0] =	vst v63  }
0x171: {  	_ =	swait.ge @!p1 [sflag:s31], $0x500  }
0x172: {  	[sflag:s31] =	ssyncset.done @!p1 $0x0  }
0x173: {  	[sflag:s31] =	ssyncadd.s32 @!p1 $0xFFFFFB00  }
0x174: {  	v6 =	vld [tilespmem:s29+$0x2800];
	_ =	sdelay $0x4  }
0x175: {  	[tilespmem:v0+s18+$0x0] =	vst.idx.msk $0xffff, v6  }
0x176: {  	v6 =	vld [tilespmem:s29+$0x2810];
	_ =	sdelay $0x4  }
0x177: {  	[tilespmem:v2+s18+$0x0] =	vst.idx.msk $0xffff, v6  }
0x178: {  	v6 =	vld [tilespmem:s29+$0x2820];
	_ =	sdelay $0x4  }
0x179: {  	[tilespmem:v3+s18+$0x0] =	vst.idx.msk $0xffff, v6  }
0x17a: {  	v6 =	vld [tilespmem:s29+$0x2830];
	_ =	sdelay $0x4  }
0x17b: {  	[tilespmem:v4+s18+$0x0] =	vst.idx.msk $0xffff, v6  }
.Ltmp5:
0x17c: {  	v6 =	vld [tilespmem:s29+$0x2840];
	(pc) =	sbr.rel @p2 .LBB2_8-.Ltmp5, $2  }
0x17d: {  	_ =	sdelay $0x2  }
0x17e: {  	p1 =	seq.s32 s26, $0x0;
	s29 =	sadd.s32 $0xF0, s29  }
0x17f: {  	_ =	sdelay $0x3  }
0x180: {  	s28 =	simm.s32 @!p1 $0x1;
	[tilespmem:v5+s18+$0x0] =	vst.idx.msk $0xffff, v6  }
0x181: {  	[spmem:s2] =	stream.indirect.scatter.add.f32 [tilespmem:s18], [sflag:$0x4], $0x10, s29, s15, $0xb8;
	[tilespmem:$0xB4A0] =	vst v63  }
0x182: {  	_ =	swait.ge @!p1 [sflag:s28], $0x500  }
0x183: {  	[sflag:s28] =	ssyncset.done @!p1 $0x0  }
0x184: {  	s26 =	sshra.s32 s26, $0x2;
	[sflag:s28] =	ssyncadd.s32 @!p1 $0xFFFFFB00  }
0x185: {  	v6 =	vld [tilespmem:s26+$0x2710];
	_ =	sdelay $0x4  }
0x186: {  	[tilespmem:v0+s14+$0x0] =	vst.idx.msk $0xffff, v6  }
0x187: {  	v6 =	vld [tilespmem:s26+$0x2720];
	_ =	sdelay $0x4  }
0x188: {  	[tilespmem:v2+s14+$0x0] =	vst.idx.msk $0xffff, v6  }
0x189: {  	v6 =	vld [tilespmem:s26+$0x2730];
	_ =	sdelay $0x4  }
0x18a: {  	[tilespmem:v3+s14+$0x0] =	vst.idx.msk $0xffff, v6  }
0x18b: {  	v6 =	vld [tilespmem:s26+$0x2740];
	_ =	sdelay $0x4  }
0x18c: {  	[tilespmem:v4+s14+$0x0] =	vst.idx.msk $0xffff, v6  }
0x18d: {  	v6 =	vld [tilespmem:s26+$0x2750];
	_ =	sdelay $0x4  }
0x18e: {  	s28 =	simm.s32 @!p1 $0x2;
	[tilespmem:v5+s14+$0x0] =	vst.idx.msk $0xffff, v6  }
0x18f: {  	[spmem:s2] =	stream.indirect.scatter.add.f32 [tilespmem:s14], [sflag:$0x1], $0x10, s26, s15, $0xb8;
	[tilespmem:$0xB4A0] =	vst v63  }
0x190: {  	_ =	swait.ge @!p1 [sflag:s28], $0x500  }
0x191: {  	[sflag:s28] =	ssyncset.done @!p1 $0x0  }
0x192: {  	[sflag:s28] =	ssyncadd.s32 @!p1 $0xFFFFFB00  }
0x193: {  	v6 =	vld [tilespmem:s26+$0x2760];
	_ =	sdelay $0x4  }
0x194: {  	[tilespmem:v0+s16+$0x0] =	vst.idx.msk $0xffff, v6  }
0x195: {  	v6 =	vld [tilespmem:s26+$0x2770];
	_ =	sdelay $0x4  }
0x196: {  	[tilespmem:v2+s16+$0x0] =	vst.idx.msk $0xffff, v6  }
0x197: {  	v6 =	vld [tilespmem:s26+$0x2780];
	_ =	sdelay $0x4  }
0x198: {  	[tilespmem:v3+s16+$0x0] =	vst.idx.msk $0xffff, v6  }
0x199: {  	v6 =	vld [tilespmem:s26+$0x2790];
	_ =	sdelay $0x4  }
0x19a: {  	[tilespmem:v4+s16+$0x0] =	vst.idx.msk $0xffff, v6  }
0x19b: {  	v6 =	vld [tilespmem:s26+$0x27A0];
	_ =	sdelay $0x4  }
0x19c: {  	s30 =	sadd.s32 $0x50, s26;
	s29 =	simm.s32 @!p1 $0x3;
	[tilespmem:v5+s16+$0x0] =	vst.idx.msk $0xffff, v6  }
0x19d: {  	[spmem:s2] =	stream.indirect.scatter.add.f32 [tilespmem:s16], [sflag:$0x2], $0x10, s30, s15, $0xb8;
	[tilespmem:$0xB4A0] =	vst v63  }
0x19e: {  	_ =	swait.ge @!p1 [sflag:s29], $0x500  }
0x19f: {  	[sflag:s29] =	ssyncset.done @!p1 $0x0  }
0x1a0: {  	[sflag:s29] =	ssyncadd.s32 @!p1 $0xFFFFFB00  }
0x1a1: {  	v6 =	vld [tilespmem:s26+$0x27B0];
	_ =	sdelay $0x4  }
0x1a2: {  	[tilespmem:v0+s17+$0x0] =	vst.idx.msk $0xffff, v6  }
0x1a3: {  	v6 =	vld [tilespmem:s26+$0x27C0];
	_ =	sdelay $0x4  }
0x1a4: {  	[tilespmem:v2+s17+$0x0] =	vst.idx.msk $0xffff, v6  }
0x1a5: {  	v6 =	vld [tilespmem:s26+$0x27D0];
	_ =	sdelay $0x4  }
0x1a6: {  	[tilespmem:v3+s17+$0x0] =	vst.idx.msk $0xffff, v6  }
0x1a7: {  	v6 =	vld [tilespmem:s26+$0x27E0];
	_ =	sdelay $0x4  }
0x1a8: {  	[tilespmem:v4+s17+$0x0] =	vst.idx.msk $0xffff, v6  }
0x1a9: {  	v6 =	vld [tilespmem:s26+$0x27F0];
	_ =	sdelay $0x4  }
0x1aa: {  	s31 =	sadd.s32 $0xA0, s26;
	s29 =	simm.s32 @!p1 $0x4;
	[tilespmem:v5+s17+$0x0] =	vst.idx.msk $0xffff, v6  }
0x1ab: {  	[spmem:s2] =	stream.indirect.scatter.add.f32 [tilespmem:s17], [sflag:$0x3], $0x10, s31, s15, $0xb8;
	[tilespmem:$0xB4A0] =	vst v63  }
0x1ac: {  	_ =	swait.ge @!p1 [sflag:s29], $0x500  }
0x1ad: {  	[sflag:s29] =	ssyncset.done @!p1 $0x0  }
0x1ae: {  	[sflag:s29] =	ssyncadd.s32 @!p1 $0xFFFFFB00  }
0x1af: {  	v6 =	vld [tilespmem:s26+$0x2800];
	_ =	sdelay $0x4  }
0x1b0: {  	[tilespmem:v0+s18+$0x0] =	vst.idx.msk $0xffff, v6  }
0x1b1: {  	v6 =	vld [tilespmem:s26+$0x2810];
	_ =	sdelay $0x4  }
0x1b2: {  	[tilespmem:v2+s18+$0x0] =	vst.idx.msk $0xffff, v6  }
0x1b3: {  	v6 =	vld [tilespmem:s26+$0x2820];
	_ =	sdelay $0x4  }
0x1b4: {  	[tilespmem:v3+s18+$0x0] =	vst.idx.msk $0xffff, v6  }
0x1b5: {  	v6 =	vld [tilespmem:s26+$0x2830];
	_ =	sdelay $0x4  }
0x1b6: {  	[tilespmem:v4+s18+$0x0] =	vst.idx.msk $0xffff, v6  }
0x1b7: {  	v6 =	vld [tilespmem:s26+$0x2840];
	_ =	sdelay $0x4  }
0x1b8: {  	s26 =	sadd.s32 $0xF0, s26;
	[tilespmem:v5+s18+$0x0] =	vst.idx.msk $0xffff, v6  }
0x1b9: {  	[spmem:s2] =	stream.indirect.scatter.add.f32 [tilespmem:s18], [sflag:$0x4], $0x10, s26, s15, $0xb8;
	[tilespmem:$0xB4A0] =	vst v63  }
0x1ba: {  	_ =	swait.ge [sflag:s19], $0x500  }
0x1bb: {  	[sflag:s19] =	ssyncset.done $0x0  }
0x1bc: {  	[sflag:s19] =	ssyncadd.s32 $0xFFFFFB00  }
0x1bd: {  	v6 =	vld [tilespmem:$0x4DD0];
	_ =	sdelay $0x4  }
0x1be: {  	[tilespmem:v0+s14+$0x0] =	vst.idx.msk $0xffff, v6  }
0x1bf: {  	v6 =	vld [tilespmem:$0x4DE0];
	_ =	sdelay $0x4  }
0x1c0: {  	[tilespmem:v2+s14+$0x0] =	vst.idx.msk $0xffff, v6  }
0x1c1: {  	v6 =	vld [tilespmem:$0x4DF0];
	_ =	sdelay $0x4  }
0x1c2: {  	[tilespmem:v3+s14+$0x0] =	vst.idx.msk $0xffff, v6  }
0x1c3: {  	v6 =	vld [tilespmem:$0x4E00];
	_ =	sdelay $0x4  }
0x1c4: {  	[tilespmem:v4+s14+$0x0] =	vst.idx.msk $0xffff, v6  }
0x1c5: {  	v6 =	vld [tilespmem:$0x4E10];
	_ =	sdelay $0x4  }
0x1c6: {  	[tilespmem:v5+s14+$0x0] =	vst.idx.msk $0xffff, v6  }
0x1c7: {  	[spmem:s2] =	stream.indirect.scatter.add.f32 [tilespmem:s14], [sflag:$0x1], $0x10, s20, s15, $0xb8;
	[tilespmem:$0xB4A0] =	vst v63  }
0x1c8: {  	_ =	swait.ge [sflag:s21], $0x500  }
0x1c9: {  	[sflag:s21] =	ssyncset.done $0x0  }
0x1ca: {  	[sflag:s21] =	ssyncadd.s32 $0xFFFFFB00  }
0x1cb: {  	_ =	swait.ge [sflag:s22], $0x500  }
0x1cc: {  	[sflag:s22] =	ssyncset.done $0x0  }
0x1cd: {  	[sflag:s22] =	ssyncadd.s32 $0xFFFFFB00  }
0x1ce: {  	_ =	swait.ge [sflag:s23], $0x500  }
0x1cf: {  	[sflag:s23] =	ssyncset.done $0x0  }
0x1d0: {  	[sflag:s23] =	ssyncadd.s32 $0xFFFFFB00  }
.Ltmp6:
0x1d1: {  	_ =	swait.ge [sflag:s19], $0x500;
	(pc) =	sbr.rel @p0 .LBB2_13-.Ltmp6, $3  }
0x1d2: {  	[sflag:s19] =	ssyncset.done $0x0  }
0x1d3: {  	[sflag:s19] =	ssyncadd.s32 $0xFFFFFB00  }
0x1d4: {  	[bflag:$0x0] =	sbarrier.arrive $0xFFFF;
	_ =	sdelay $0x1  }
0x1d5: {  	s26 =	simm.s32 $0x0  }
0x1d6: {  	v6 =	vmov s26  }
0x1d7: {  	v6 =	vshll.u32 v6, $0x4  }
0x1d8: {  	v6 =	vor.u32 v0, v6  }
0x1d9: {  	[tilespmem:s11], [sflag:$0x5] =	stream.linear.gather [spmem:s4], $0x2800, $0x38;
	[tilespmem:$0xB4A0] =	vst v63  }
0x1da: {  	_ =	swait.ge [sflag:s12], $0x2800  }
0x1db: {  	s31 =	simm.s32 $0x10;
	[sflag:s12] =	ssyncset.done $0x0  }
0x1dc: {  	v7 =	vmov s31;
	[sflag:s12] =	ssyncadd.s32 $0xFFFFD800  }
0x1dd: {  	v7 =	vshll.u32 v7, $0x4;
	v6 =	vld.idx.msk [tilespmem:v6+s11+$0x0], $0xffff  }
0x1de: {  	v8 =	vor.u32 v0, v7;
	_ =	sdelay $0x2  }
0x1df: {  	s26 =	simm.s32 $0x8A20  }
0x1e0: {  	s28 =	simm.s32 $0x20;
	[tilespmem:s26+$0x0] =	vst v6  }
0x1e1: {  	v7 =	vmov s28;
	s28 =	simm.s32 $0x30;
	v6 =	vld.idx.msk [tilespmem:v8+s11+$0x0], $0xffff  }
.LBB2_11:
0x1e2: {  	p1 =	sne.s32 s28, $0x270;
	v7 =	vshll.u32 v7, $0x4  }
0x1e3: {  	v8 =	vor.u32 v0, v7  }
.Ltmp7:
0x1e4: {  	(pc) =	sbr.rel @p1 .LBB2_11-.Ltmp7, $4  }
0x1e5: {  	_ = 	snop  }
0x1e6: {  	s26 =	sadd.s32 $0x10, s26  }
0x1e7: {  	[tilespmem:s26+$0x0] =	vst v6  }
0x1e8: {  	v7 =	vmov s28;
	s28 =	sadd.s32 $0x10, s28;
	v6 =	vld.idx.msk [tilespmem:v8+s11+$0x0], $0xffff  }
.Ltmp8:
0x1e9: {  	_ = 	snop;
	(pc) =	sbr.rel .LBB2_12-.Ltmp8, $1  }
0x1ea: {  	_ =	sdelay $0x3  }
.LBB2_14:
0x1eb: {  	_ =	sfence.sel $0x180000  }
0x1ec: {  	[bflag:$0x0] =	sbarrier.arrive $0xFFFF  }
0x1ed: {  	p0 =	sne.s32 s1, $0x0;
	_ =	strace $0x90000047  }
0x1ee: {  	s0 =	sadd.s32 @!p0 $0x100000, s0;
	[bflag:$0x2] =	sbarrier.arrive $0xFFFF  }
0x1ef: {  	[sflag:s0] =	ssyncadd.tile.s32 @!p0 $0x1;
	_ =	shalt  }
.Lfunc_end2:
_tile_overlayer_lowered:
.L_overlay_start_2:
0x1f0: {  	(tag) =	ssettag $0x2  }
0x1f1: {  	s0 =	rddreg [dreg:$0x0];
	s2 =	stileid.u32  }
0x1f2: {  	s1 =	rddreg [dreg:$0x1];
	p0 =	sne.s32 s2, $0x0  }
0x1f3: {  	s3 =	rddreg [dreg:$0x2];
	[bflag:$0x3] =	sbarrier.arrive $0xFFFF;
	s2 =	simm.s32 @!p0 $0x1C05  }
0x1f4: {  	[timem:s3], [sflag:s2] =	dma.local @!p0 [hbm:s0], s1  }
0x1f5: {  	s0 =	simm.s32 @!p0 $0x5  }
0x1f6: {  	_ =	swait.ge @!p0 [sflag:s0], s1  }
0x1f7: {  	s1 =	ssub.s32 @!p0 $0x0, s1;
	[sflag:s0] =	ssyncset.done @!p0 $0x0  }
0x1f8: {  	[sflag:s0] =	ssyncadd.s32 @!p0 s1  }
0x1f9: {  	[bflag:$0x3] =	sbarrier.arrive $0xFFFF  }
0x1fa: {  	_ =	shalt  }

// kernel: kernel.8.cloned.1.call-start
scs
__scs_entry_jumppad:
0x0: {  	(pc) =	sbr.rel $0x88, $3  }
0x1: {  	(tag) =	ssettag $0x0;
	lr =	simm.s32 $0x1  }
0x2: {  	[smem:$0x3F96] =	sst lr;
	_ =	strace $0xD0000000  }
0x3: {  	_ = 	snop  }
0x4: {  	_ = 	snop  }
0x5: {  	_ = 	snop  }
0x6: {  	_ = 	snop  }
0x7: {  	_ = 	snop  }
__scs_overlays_trampoline_lowered:
0x8: {  	[smem:$0x3FA5] =	sst s0  }
0x9: {  	[smem:$0x3FA6] =	sst s1  }
0xa: {  	[smem:$0x3FA7] =	sst s2  }
0xb: {  	[smem:$0x3FA8] =	sst s3  }
0xc: {  	[smem:$0x3FA9] =	sst s4  }
0xd: {  	[smem:$0x3FAA] =	sst s5  }
0xe: {  	[smem:$0x3FAB] =	sst s6  }
0xf: {  	[smem:$0x3FAC] =	sst s7  }
0x10: {  	[smem:$0x3FAD] =	sst s8  }
0x11: {  	[smem:$0x3FAE] =	sst s9;
	s0 =	simm.s32 @!p0 $0x0  }
0x12: {  	s1 =	sld [smem:$0x3F94];
	s0 =	simm.s32 @p0 $0x1  }
0x13: {  	[smem:$0x3FAF] =	sst s0;
	s0 =	simm.s32 @!p1 $0x0  }
0x14: {  	s2 =	sld [smem:$0x3F93];
	s0 =	simm.s32 @p1 $0x1  }
0x15: {  	[smem:$0x3FB0] =	sst s0;
	s0 =	simm.s32 @!p2 $0x0  }
0x16: {  	s3 =	sld [smem:$0x3FDB];
	s0 =	simm.s32 @p2 $0x1  }
0x17: {  	s4 =	simm.s32 $0x1BF5;
	[smem:$0x3FB2] =	sst s0  }
0x18: {  	s0 =	sld [smem:$0x3F95];
	_ =	swait.ge [sflag:s4], $0x0  }
0x19: {  	s7 =	sld [smem:$0x3F96]  }
0x1a: {  	s8 =	sadd.s32 $0xFFFFE003, lr  }
0x1b: {  	s9 =	sadd.s32 $0xFFFFFEF7, lr;
	s5 =	simm.s32 $0xFFFFFFFF;
	p2 =	slt.u32 s8, $0xFFFFF086  }
0x1c: {  	p1 =	slt.u32 s9, $0xF7A;
	s5 =	simm.s32 @!p2 $0x0  }
0x1d: {  	s5 =	simm.s32 @p1 $0x1;
	p0 =	seq.s32 s7, s2  }
0x1e: {  	s7 =	smul.u32 @!p0 $0xF7A, s2;
	p2 =	seq.s32 @!p0 s5, $0x0  }
0x1f: {  	s9 =	smul.u32 $0xF7A, s1;
	s8 =	simm.s32 @!p0 $0x1BF5;
	p2 =	por !p2, p0  }
0x20: {  	[sflag:s8] =	ssyncset.s32 @!p0 $0xFFFFF086;
	s6 =	sadd.s32 @!p0 s3, s7;
	s7 =	simm.s32 @!p0 $0x108  }
0x21: {  	s3 =	sadd.s32 s3, s9;
	s6 =	sadd.s32 @!p0 $0x88, s6;
	s7 =	simm.s32 @p2 $0x1082  }
0x22: {  	[simem:s7], [sflag:s8] =	dma.local @!p0 [hbm:s6], $0xF7A  }
0x23: {  	s9 =	sor.u32 $0xD0000000, s2;
	s6 =	simm.s32 $0x108;
	_ =	swait.ge @!p0 [sflag:s8], $0x0  }
0x24: {  	s3 =	sadd.s32 $0x88, s3;
	s6 =	simm.s32 @!p1 $0x1082;
	[sflag:s4] =	ssyncset.s32 $0xFFFFF086  }
0x25: {  	[simem:s6], [sflag:s4] =	dma.local [hbm:s3], $0xF7A  }
0x26: {  	[smem:$0x3F96] =	sst s1;
	(tag) =	ssettag s2;
	_ =	strace s9  }
0x27: {  	s1 =	sld [smem:$0x3FA6]  }
0x28: {  	s2 =	sld [smem:$0x3FA7]  }
0x29: {  	s4 =	sld [smem:$0x3FA9]  }
0x2a: {  	p0 =	seq.s32 s5, $0x0;
	s5 =	sld [smem:$0x3FAA]  }
0x2b: {  	s6 =	sld [smem:$0x3FAB]  }
0x2c: {  	s7 =	sld [smem:$0x3FAC]  }
0x2d: {  	s3 =	simm.s32 $0x108;
	s8 =	sld [smem:$0x3FAD]  }
0x2e: {  	s3 =	simm.s32 @!p0 $0x1082;
	s9 =	sld [smem:$0x3FAE]  }
0x2f: {  	lr =	sadd.s32 s0, s3;
	s0 =	sld [smem:$0x3FA5]  }
0x30: {  	s3 =	sld [smem:$0x3FA8]  }
0x31: {  	[smem:$0x3FB1] =	sst s10  }
0x32: {  	s10 =	sld [smem:$0x3FAF];
	_ =	sdelay $0x3  }
0x33: {  	p0 =	seq.s32 s10, $0x1;
	s10 =	sld [smem:$0x3FB1];
	_ =	sdelay $0x3  }
0x34: {  	[smem:$0x3FB1] =	sst s10  }
0x35: {  	s10 =	sld [smem:$0x3FB0];
	_ =	sdelay $0x3  }
0x36: {  	p1 =	seq.s32 s10, $0x1;
	s10 =	sld [smem:$0x3FB1];
	_ =	sdelay $0x3  }
0x37: {  	[smem:$0x3FB1] =	sst s10  }
0x38: {  	s10 =	sld [smem:$0x3FB2]  }
0x39: {  	_ = 	snop;
	(pc) =	sbr.ind lr, $3  }
0x3a: {  	_ = 	snop  }
0x3b: {  	_ = 	snop  }
0x3c: {  	p2 =	seq.s32 s10, $0x1;
	s10 =	sld [smem:$0x3FB1]  }
0x3d: {  	_ =	shalt  }
0x3e: {  	_ =	shalt  }
0x3f: {  	_ =	shalt  }
0x40: {  	_ =	shalt  }
0x41: {  	_ =	shalt  }
0x42: {  	_ =	shalt  }
0x43: {  	_ =	shalt  }
0x44: {  	_ =	shalt  }
0x45: {  	_ =	shalt  }
0x46: {  	_ =	shalt  }
0x47: {  	_ =	shalt  }
0x48: {  	_ =	shalt  }
0x49: {  	_ =	shalt  }
0x4a: {  	_ =	shalt  }
0x4b: {  	_ =	shalt  }
0x4c: {  	_ =	shalt  }
0x4d: {  	_ =	shalt  }
0x4e: {  	_ =	shalt  }
0x4f: {  	_ =	shalt  }
0x50: {  	_ =	shalt  }
0x51: {  	_ =	shalt  }
0x52: {  	_ =	shalt  }
0x53: {  	_ =	shalt  }
0x54: {  	_ =	shalt  }
0x55: {  	_ =	shalt  }
0x56: {  	_ =	shalt  }
0x57: {  	_ =	shalt  }
0x58: {  	_ =	shalt  }
0x59: {  	_ =	shalt  }
0x5a: {  	_ =	shalt  }
0x5b: {  	_ =	shalt  }
0x5c: {  	_ =	shalt  }
0x5d: {  	_ =	shalt  }
0x5e: {  	_ =	shalt  }
0x5f: {  	_ =	shalt  }
0x60: {  	_ =	shalt  }
0x61: {  	_ =	shalt  }
0x62: {  	_ =	shalt  }
0x63: {  	_ =	shalt  }
0x64: {  	_ =	shalt  }
0x65: {  	_ =	shalt  }
0x66: {  	_ =	shalt  }
0x67: {  	_ =	shalt  }
0x68: {  	_ =	shalt  }
0x69: {  	_ =	shalt  }
0x6a: {  	_ =	shalt  }
0x6b: {  	_ =	shalt  }
0x6c: {  	_ =	shalt  }
0x6d: {  	_ =	shalt  }
0x6e: {  	_ =	shalt  }
0x6f: {  	_ =	shalt  }
0x70: {  	_ =	shalt  }
0x71: {  	_ =	shalt  }
0x72: {  	_ =	shalt  }
0x73: {  	_ =	shalt  }
0x74: {  	_ =	shalt  }
0x75: {  	_ =	shalt  }
0x76: {  	_ =	shalt  }
0x77: {  	_ =	shalt  }
0x78: {  	_ =	shalt  }
0x79: {  	_ =	shalt  }
0x7a: {  	_ =	shalt  }
0x7b: {  	_ =	shalt  }
0x7c: {  	_ =	shalt  }
0x7d: {  	_ =	shalt  }
0x7e: {  	_ =	shalt  }
0x7f: {  	_ =	shalt  }
0x80: {  	_ =	shalt  }
0x81: {  	_ =	shalt  }
0x82: {  	_ =	shalt  }
0x83: {  	_ =	shalt  }
0x84: {  	_ =	shalt  }
0x85: {  	_ =	shalt  }
0x86: {  	_ =	shalt  }
0x87: {  	_ =	shalt  }
.Lfunc_end0:
.L_simem_size_0:
called_computation.1_lowered:
.L_overlay_start_0:
0x88: {  	s2 =	sld [smem:$0x3FD9]  }
0x89: {  	s3 =	sld [smem:$0x3FFE];
	_ =	sdelay $0x1  }
0x8a: {  	s1 =	srdreg.scid  }
0x8b: {  	s0 =	sand.u32 $0x1, s1  }
0x8c: {  	s14 =	sshll.u32 s0, $0xA;
	s2 =	sadd.s32 s3, s2  }
0x8d: {  	s2 =	sadd.s32 s2, s14  }
0x8e: {  	[smem:$0x3FBD] =	sst s2  }
0x8f: {  	_ = 	snop  }
0x90: {  	s2 =	sld [smem:$0x3FD0];
	_ =	sdelay $0x1  }
0x91: {  	s15 =	sld [smem:$0x3FC9]  }
0x92: {  	s5 =	simm.s32 $0xA;
	s6 =	simm.s32 $0x10;
	s4 =	sld [smem:$0x3FC7]  }
0x93: {  	[smem:s6], [sflag:s5] =	dma.local [hbm:s2], $0x1  }
0x94: {  	_ =	swait.eq [sflag:s5], $0x1  }
0x95: {  	[sflag:s5] =	ssyncset.done $0x0  }
0x96: {  	s16 =	sld [smem:$0x11];
	[sflag:s5] =	ssyncadd.s32 $0xFFFFFFFF  }
0x97: {  	s17 =	sld [smem:$0x12];
	(tm) =	ssettm $0x1  }
0x98: {  	s18 =	sld [smem:$0x3FFB];
	_ =	sdelay $0x3  }
0x99: {  	_ =	strace s18  }
0x9a: {  	s6 =	sld [smem:$0x3FFC];
	_ =	sdelay $0x3  }
0x9b: {  	_ =	strace s6  }
0x9c: {  	s6 =	sld [smem:$0x3FFD];
	_ =	sdelay $0x3  }
0x9d: {  	_ =	strace s6  }
0x9e: {  	_ =	strace $0x8FFFFFFF  }
0x9f: {  	s19 =	sld [smem:$0x3FDB];
	_ =	sdelay $0x1  }
0xa0: {  	s7 =	simm.s32 $_scs_section_size  }
0xa1: {  	s8 =	simm.s32 $_size__tile_overlayer_lowered;
	s9 =	simm.s32 $_tile_overlayer_lowered  }
0xa2: {  	s22 =	simm.s32 $0x1BFF;
	s21 =	sshll.u32 s9, $0x1;
	s6 =	sadd.s32 s7, s19  }
0xa3: {  	s10 =	simm.s32 $0x0;
	s20 =	sshll.u32 s8, $0x1;
	s8 =	sadd.s32 s21, s6  }
0xa4: {  	[timem:s10], [sflag:s22] =	dma.local [hbm:s8], s20  }
0xa5: {  	_ =	swait.ge [sflag:s22], s20  }
0xa6: {  	s7 =	ssub.s32 $0x0, s20;
	[sflag:s22] =	ssyncset.done $0x0  }
0xa7: {  	[sflag:s22] =	ssyncadd.s32 s7;
	_ =	sdelay $0x1  }
0xa8: {  	s23 =	simm.s32 $0x1B8B  }
0xa9: {  	_ =	swait.ge [sflag:s23], $0x1  }
0xaa: {  	[sflag:s23] =	ssyncset.done $0x0  }
0xab: {  	s25 =	simm.s32 $0x1B8E;
	s24 =	sld [smem:$0x3FFE];
	[sflag:s23] =	ssyncadd.s32 $0xFFFFFFFF  }
0xac: {  	s26 =	simm.s32 $execute0_lowered;
	[smem:$0x3FD2] =	sst s25  }
0xad: {  	s8 =	sshll.u32 s26, $0x1;
	_ =	strace $0x80000049;
	[dreg:$0x1] =	wrdreg $0xFFFFFFFF  }
0xae: {  	s28 =	simm.s32 $_size_execute0_lowered;
	s6 =	sadd.s32 s6, s8;
	[dreg:$0x0] =	wrdreg $0x0  }
0xaf: {  	s8 =	sshll.u32 s28, $0x1;
	[dreg:$0x2] =	wrdreg s6  }
0xb0: {  	[dreg:$0x3] =	wrdreg s8  }
0xb1: {  	[dreg:$0x4] =	wrdreg $0xC0  }
0xb2: {  	_ =	task [dreg:s10], $0x5FFFF  }
0xb3: {  	[dreg:$0x1] =	wrdreg $0xFFFFFFFF  }
0xb4: {  	[dreg:$0x0] =	wrdreg $0x60  }
0xb5: {  	[dreg:$0x2] =	wrdreg s15  }
0xb6: {  	[dreg:$0x3] =	wrdreg s16  }
0xb7: {  	[dreg:$0x4] =	wrdreg s17  }
0xb8: {  	[dreg:$0x5] =	wrdreg s4  }
0xb9: {  	[dreg:$0x6] =	wrdreg s24  }
0xba: {  	[dreg:$0x7] =	wrdreg $0xB7700  }
0xbb: {  	[dreg:$0x8] =	wrdreg $0x9  }
0xbc: {  	_ =	task.clear_ibuf [dreg:s10], $0x9FFFF;
	_ =	strace $0x90000049  }
0xbd: {  	s29 =	simm.s32 $0x9;
	_ =	strace $0x8000004B  }
0xbe: {  	_ =	swait.ge [sflag:s29], $0x1  }
0xbf: {  	[sflag:s29] =	ssyncadd.s32 $0xFFFFFFFF  }
0xc0: {  	_ =	strace $0x9000004B  }
0xc1: {  	_ =	sfence  }
0xc2: {  	s30 =	sld [smem:$0x0];
	_ =	sdelay $0x2  }
0xc3: {  	s31 =	sshll.u32 s1, $0xD;
	s1 =	sshrl.u32 s1, $0x2  }
0xc4: {  	s3 =	sand.u32 $0x4000, s31;
	s1 =	sadd.s32 s1, s30  }
0xc5: {  	s0 =	sor.u32 s3, s0;
	s1 =	sshll.u32 s1, $0x11  }
0xc6: {  	s0 =	sor.u32 s1, s0  }
0xc7: {  	s0 =	sadd.s32 $0x8F2B, s0  }
0xc8: {  	[sflag:s0] =	ssyncadd.remote.s32 $0x1  }
0xc9: {  	_ =	sfence.sel $0xFFFF  }
0xca: {  	[dreg:$0x0] =	wrdreg $0xFFFFFFFF;
	(pc) =	sbr.abs _section_cstart, $3  }
0xcb: {  	[dreg:$0x1] =	wrdreg $0xFFFFFFFF  }
0xcc: {  	_ =	task.clear_ibuf [dreg:s10], $0x2FFFF;
	_ =	strace $0x9FFFFFFF  }
0xcd: {  	(tm) =	ssettm $0x7FFFFFFF  }
tec
execute0_lowered:
.L_overlay_start_1:
0x0: {  	(tag) =	ssettag $0x1  }
0x1: {  	s1 =	rddreg [dreg:$0x0]  }
0x2: {  	s5 =	rddreg [dreg:$0x3]  }
0x3: {  	s0 =	rddreg [dreg:$0x4]  }
0x4: {  	s6 =	rddreg [dreg:$0x5];
	s2 =	stileid.u32;
	s7 =	simm.s32 $0x0  }
0x5: {  	s4 =	srdreg.scid;
	s28 =	simm.s32 $0x3;
	s29 =	simm.s32 $0x6770  }
0x6: {  	s30 =	simm.s32 $0x50;
	s31 =	simm.s32 $0x8F70;
	s8 =	smul.u32 $0x2710, s2  }
0x7: {  	[smem:$0x7FF] =	sst s7;
	s4 =	sand.u32 $0x1, s4;
	s9 =	smul.u32 $0x4E200, s2  }
0x8: {  	s3 =	sadd.s32 $0x2000, s0;
	_ =	strace $0x8000004A;
	s10 =	smul.u32 $0x27100, s4  }
0x9: {  	[dreg:$0x7] =	wrdreg s3;
	s11 =	ssub.s32 $0x2, s4;
	s4 =	sshll.u32 s4, $0x4  }
0xa: {  	s3 =	simm.s32 $0x7;
	s9 =	sshrl.u32 s9, $0x2;
	s17 =	sshrl.u32 s11, $0x1  }
0xb: {  	s4 =	sor.u32 s2, s4;
	s8 =	sadd.s32 s8, s10;
	s12 =	sadd.s32 s9, s6  }
0xc: {  	s18 =	ssub.s32 s11, s17;
	s19 =	sadd.s32 $0x2800, s12;
	[dreg:$0x8] =	wrdreg s12  }
0xd: {  	s17 =	smul.u32 $0x2710, s4;
	s20 =	sadd.s32 $0x5000, s12;
	[dreg:$0x9] =	wrdreg s19  }
0xe: {  	s4 =	simm.s32 $0xF50;
	s21 =	sadd.s32 $0x7800, s12;
	[dreg:$0xa] =	wrdreg s20  }
0xf: {  	s10 =	simm.s32 $0x6;
	s22 =	sadd.s32 $0xA000, s12;
	[dreg:$0xb] =	wrdreg s21  }
0x10: {  	s9 =	simm.s32 $0x0;
	s23 =	sadd.s32 $0xC800, s12;
	[dreg:$0xc] =	wrdreg s22  }
0x11: {  	s0 =	sadd.s32 s8, s0;
	s24 =	sadd.s32 $0xF000, s12;
	[dreg:$0xd] =	wrdreg s23  }
0x12: {  	s25 =	sadd.s32 $0x11800, s12;
	s26 =	smax.u32 s18, $0x1;
	[dreg:$0xe] =	wrdreg s24  }
0x13: {  	s8 =	simm.s32 $0x5;
	[dreg:$0xf] =	wrdreg s25;
	s0 =	sadd.s32 $0x2600, s0  }
0x14: {  	[dreg:$0x11] =	wrdreg s26;
	s20 =	simm.s32 $0x1770;
	s22 =	simm.s32 $0x3F70  }
0x15: {  	s23 =	simm.s32 $0x7D0;
	s24 =	simm.s32 $0xFA0;
	s25 =	simm.s32 $0x1  }
0x16: {  	v0 =	vimm.f32 $0.0e+00;
	s26 =	simm.s32 $0x2;
	[dreg:$0x10] =	wrdreg s0;
	s0 =	simm.s32 $0x4  }
.LBB2_1:
0x17: {  	[dreg:$0x12] =	wrdreg s9  }
0x18: {  	s2 =	rddreg [dreg:$0x7]  }
0x19: {  	[tilespmem:s20], [sflag:$0x7] =	stream.linear.gather [hbm4b:s2+s7], $0x2800, $0x38;
	[tilespmem:$0x1EFF0] =	vst v63  }
0x1a: {  	_ =	swait.ge [sflag:s3], $0x2800  }
0x1b: {  	[sflag:s3] =	ssyncset.done $0x0  }
0x1c: {  	s9 =	simm.s32 $0x0;
	s11 =	simm.s32 $0x40;
	[sflag:s3] =	ssyncadd.s32 $0xFFFFD800  }
.LBB2_2:
0x1d: {  	p0 =	sne.s32 s11, $0x9FC0;
	v1 =	vld [tilespmem:s9+$0x1770];
	_ =	sdelay $0x4  }
0x1e: {  	vm0 =	vgt.f32 v1, $0.0e+00  }
0x1f: {  	v1 =	vnsel vm0, $0x3F800000, v1  }
0x20: {  	v2 =	vshrl.u32 v1, $0x1  }
0x21: {  	v2 =	vsub.s32 $0x5F3759DF, v2  }
0x22: {  	v1 =	vmul.f32 $5.000000000e-01, v1;
	v3 =	vmul.f32 v2, v2;
	_ =	sdelay $0x1  }
0x23: {  	v3 =	vmul.f32 v3, v1;
	_ =	sdelay $0x1  }
0x24: {  	v3 =	vsub.f32 $1.500000000e+00, v3;
	_ =	sdelay $0x1  }
0x25: {  	v2 =	vmul.f32 v2, v3;
	_ =	sdelay $0x1  }
0x26: {  	v3 =	vmul.f32 v2, v2;
	_ =	sdelay $0x1  }
0x27: {  	v3 =	vmul.f32 v3, v1;
	_ =	sdelay $0x1  }
0x28: {  	v3 =	vsub.f32 $1.500000000e+00, v3;
	_ =	sdelay $0x1  }
0x29: {  	v2 =	vmul.f32 v3, v2;
	_ =	sdelay $0x1  }
0x2a: {  	v3 =	vmul.f32 v2, v2;
	_ =	sdelay $0x1  }
0x2b: {  	v1 =	vmul.f32 v3, v1;
	_ =	sdelay $0x1  }
0x2c: {  	v1 =	vsub.f32 $1.500000000e+00, v1  }
.Ltmp0:
0x2d: {  	(pc) =	sbr.rel @p0 .LBB2_2-.Ltmp0, $3  }
0x2e: {  	v1 =	vmul.f32 v1, v2;
	_ =	sdelay $0x1  }
0x2f: {  	v1 =	vnsel vm0, $0x0, v1  }
0x30: {  	[tilespmem:s9+$0x1770] =	vst v1;
	s9 =	sshra.s32 s11, $0x2;
	s11 =	sadd.s32 $0x40, s11  }
0x31: {  	v1 =	vld [tilespmem:s9+$0x1770];
	_ =	sdelay $0x4  }
0x32: {  	vm0 =	vgt.f32 v1, $0.0e+00  }
0x33: {  	v1 =	vnsel vm0, $0x3F800000, v1  }
0x34: {  	v2 =	vshrl.u32 v1, $0x1  }
0x35: {  	v2 =	vsub.s32 $0x5F3759DF, v2  }
0x36: {  	v1 =	vmul.f32 $5.000000000e-01, v1;
	v3 =	vmul.f32 v2, v2;
	_ =	sdelay $0x1  }
0x37: {  	v3 =	vmul.f32 v3, v1;
	_ =	sdelay $0x1  }
0x38: {  	v3 =	vsub.f32 $1.500000000e+00, v3;
	_ =	sdelay $0x1  }
0x39: {  	v2 =	vmul.f32 v2, v3;
	_ =	sdelay $0x1  }
0x3a: {  	v3 =	vmul.f32 v2, v2;
	_ =	sdelay $0x1  }
0x3b: {  	v3 =	vmul.f32 v3, v1;
	_ =	sdelay $0x1  }
0x3c: {  	v3 =	vsub.f32 $1.500000000e+00, v3;
	_ =	sdelay $0x1  }
0x3d: {  	v2 =	vmul.f32 v3, v2;
	_ =	sdelay $0x1  }
0x3e: {  	v3 =	vmul.f32 v2, v2;
	_ =	sdelay $0x1  }
0x3f: {  	v1 =	vmul.f32 v3, v1;
	_ =	sdelay $0x1  }
0x40: {  	v1 =	vsub.f32 $1.500000000e+00, v1;
	_ =	sdelay $0x1  }
0x41: {  	v1 =	vmul.f32 v1, v2;
	_ =	sdelay $0x1  }
0x42: {  	v1 =	vnsel vm0, $0x0, v1  }
0x43: {  	s11 =	simm.s32 $0x200;
	[tilespmem:s9+$0x1770] =	vst v1;
	s9 =	simm.s32 $0x0  }
.LBB2_4:
0x44: {  	p0 =	sne.s32 s11, $0x9E00;
	[tilespmem:s9+$0x3FE0] =	vst v0  }
0x45: {  	[tilespmem:s9+$0x3F70] =	vst v0  }
0x46: {  	[tilespmem:s9+$0x3F80] =	vst v0  }
.Ltmp1:
0x47: {  	[tilespmem:s9+$0x3F90] =	vst v0;
	(pc) =	sbr.rel @p0 .LBB2_4-.Ltmp1, $4  }
0x48: {  	[tilespmem:s9+$0x3FA0] =	vst v0  }
0x49: {  	[tilespmem:s9+$0x3FB0] =	vst v0  }
0x4a: {  	[tilespmem:s9+$0x3FC0] =	vst v0  }
0x4b: {  	[tilespmem:s9+$0x3FD0] =	vst v0;
	s9 =	sshra.s32 s11, $0x2;
	s11 =	sadd.s32 $0x200, s11  }
0x4c: {  	[tilespmem:s9+$0x3FE0] =	vst v0  }
0x4d: {  	[tilespmem:s9+$0x3F70] =	vst v0  }
0x4e: {  	[tilespmem:s9+$0x3F80] =	vst v0  }
0x4f: {  	[tilespmem:s9+$0x3F90] =	vst v0  }
0x50: {  	[tilespmem:s9+$0x3FA0] =	vst v0  }
0x51: {  	[tilespmem:s9+$0x3FB0] =	vst v0  }
0x52: {  	[tilespmem:s9+$0x3FC0] =	vst v0  }
0x53: {  	[tilespmem:s9+$0x3FD0] =	vst v0  }
0x54: {  	[spmem:s12] =	stream.linear.scatter [tilespmem:s22], [sflag:$0x7], $0x2800, $0x38;
	[tilespmem:$0x1EFF0] =	vst v63  }
0x55: {  	_ =	swait.ge [sflag:s3], $0x2800  }
0x56: {  	[sflag:s3] =	ssyncset.done $0x0  }
0x57: {  	s2 =	rddreg [dreg:$0x9];
	[sflag:s3] =	ssyncadd.s32 $0xFFFFD800  }
0x58: {  	[spmem:s2] =	stream.linear.scatter [tilespmem:s22], [sflag:$0x7], $0x2800, $0x38;
	[tilespmem:$0x1EFF0] =	vst v63  }
0x59: {  	_ =	swait.ge [sflag:s3], $0x2800  }
0x5a: {  	[sflag:s3] =	ssyncset.done $0x0  }
0x5b: {  	s14 =	rddreg [dreg:$0xa];
	[sflag:s3] =	ssyncadd.s32 $0xFFFFD800  }
0x5c: {  	[spmem:s14] =	stream.linear.scatter [tilespmem:s22], [sflag:$0x7], $0x2800, $0x38;
	[tilespmem:$0x1EFF0] =	vst v63  }
0x5d: {  	_ =	swait.ge [sflag:s3], $0x2800  }
0x5e: {  	[sflag:s3] =	ssyncset.done $0x0  }
0x5f: {  	s15 =	rddreg [dreg:$0xb];
	[sflag:s3] =	ssyncadd.s32 $0xFFFFD800  }
0x60: {  	[spmem:s15] =	stream.linear.scatter [tilespmem:s22], [sflag:$0x7], $0x2800, $0x38;
	[tilespmem:$0x1EFF0] =	vst v63  }
0x61: {  	_ =	swait.ge [sflag:s3], $0x2800  }
0x62: {  	[sflag:s3] =	ssyncset.done $0x0  }
0x63: {  	s16 =	rddreg [dreg:$0xc];
	[sflag:s3] =	ssyncadd.s32 $0xFFFFD800  }
0x64: {  	[spmem:s16] =	stream.linear.scatter [tilespmem:s22], [sflag:$0x7], $0x2800, $0x38;
	[tilespmem:$0x1EFF0] =	vst v63  }
0x65: {  	_ =	swait.ge [sflag:s3], $0x2800  }
0x66: {  	[sflag:s3] =	ssyncset.done $0x0  }
0x67: {  	s18 =	rddreg [dreg:$0xd];
	[sflag:s3] =	ssyncadd.s32 $0xFFFFD800  }
0x68: {  	[spmem:s18] =	stream.linear.scatter [tilespmem:s22], [sflag:$0x7], $0x2800, $0x38;
	[tilespmem:$0x1EFF0] =	vst v63  }
0x69: {  	_ =	swait.ge [sflag:s3], $0x2800  }
0x6a: {  	[sflag:s3] =	ssyncset.done $0x0  }
0x6b: {  	s19 =	rddreg [dreg:$0xe];
	[sflag:s3] =	ssyncadd.s32 $0xFFFFD800  }
0x6c: {  	[spmem:s19] =	stream.linear.scatter [tilespmem:s22], [sflag:$0x7], $0x2800, $0x38;
	[tilespmem:$0x1EFF0] =	vst v63  }
0x6d: {  	_ =	swait.ge [sflag:s3], $0x2800  }
0x6e: {  	[sflag:s3] =	ssyncset.done $0x0  }
0x6f: {  	s21 =	rddreg [dreg:$0xf];
	[sflag:s3] =	ssyncadd.s32 $0xFFFFD800  }
0x70: {  	[spmem:s21] =	stream.linear.scatter [tilespmem:s22], [sflag:$0x7], $0x2080, $0x38;
	[tilespmem:$0x1EFF0] =	vst v63  }
0x71: {  	_ =	swait.ge [sflag:s3], $0x2080  }
0x72: {  	[sflag:s3] =	ssyncset.done $0x0  }
0x73: {  	[sflag:s3] =	ssyncadd.s32 $0xFFFFDF80  }
0x74: {  	s12 =	simm.s32 $0x0;
	[bflag:$0x0] =	sbarrier.arrive $0xFFFF  }
.LBB2_6:
0x75: {  	s9 =	smul.u32 $0x7D0, s12;
	_ =	sdelay $0x1  }
0x76: {  	s9 =	sadd.s32 s17, s9  }
0x77: {  	s2 =	rddreg [dreg:$0x1];
	s9 =	sshrl.u32 s9, $0x3  }
0x78: {  	s19 =	rddreg [dreg:$0x2];
	s11 =	sadd.s32 s2, s9  }
0x79: {  	[tilespmem:s7], [sflag:$0x1] =	stream.linear.gather [hbm4b:s11+s7], $0x7D0, $0x38;
	[tilespmem:$0x1EFF0] =	vst v63  }
0x7a: {  	s21 =	sadd.s32 s19, s9  }
0x7b: {  	[tilespmem:s23], [sflag:$0x2] =	stream.linear.gather [hbm4b:s21+s7], $0x7D0, $0x38;
	[tilespmem:$0x1EFF0] =	vst v63  }
0x7c: {  	s9 =	sadd.s32 s5, s9  }
0x7d: {  	[tilespmem:s24], [sflag:$0x3] =	stream.linear.gather [hbm4b:s9+s7], $0x7D0, $0x38;
	[tilespmem:$0x1EFF0] =	vst v63  }
0x7e: {  	_ =	swait.ge [sflag:s25], $0x7D0  }
0x7f: {  	[sflag:s25] =	ssyncset.done $0x0  }
0x80: {  	[sflag:s25] =	ssyncadd.s32 $0xFFFFF830  }
0x81: {  	_ =	swait.ge [sflag:s26], $0x7D0  }
0x82: {  	[sflag:s26] =	ssyncset.done $0x0  }
0x83: {  	[sflag:s26] =	ssyncadd.s32 $0xFFFFF830  }
0x84: {  	_ =	swait.ge [sflag:s28], $0x7D0  }
0x85: {  	[sflag:s28] =	ssyncset.done $0x0  }
0x86: {  	s9 =	simm.s32 $0x50;
	[sflag:s28] =	ssyncadd.s32 $0xFFFFF830  }
0x87: {  	[tilespmem:s22], [sflag:$0x1] =	stream.indirect.gather [hbm4b:s1+s9], $0x80, s7, s9, $0xb8;
	[tilespmem:$0x1EFF0] =	vst v63  }
0x88: {  	s13 =	simm.s32 $0xFF0;
	s11 =	simm.s32 $0xFFFFFFFE  }
0x89: {  	[tilespmem:s29], [sflag:$0x2] =	stream.indirect.gather [hbm4b:s1+s9], $0x80, s9, s9, $0xb8;
	[tilespmem:$0x1EFF0] =	vst v63  }
.LBB2_7:
0x8a: {  	v1 =	vld [tilespmem:s9+$0xFFFFFFB0];
	_ =	sdelay $0x6  }
0x8b: {  	v2 =	vld [tilespmem:s13+$0xFFFFFFB0]  }
0x8c: {  	v1 =	vld.idx.msk [tilespmem:v1+s20+$0x0], $0xffff;
	_ =	sdelay $0x4  }
0x8d: {  	v1 =	vmul.f32 v2, v1;
	_ =	sdelay $0x1  }
0x8e: {  	[tilespmem:s13+$0xFFFFFFB0] =	vst v1  }
0x8f: {  	v1 =	vld [tilespmem:s9+$0xFFFFFFC0];
	_ =	sdelay $0x6  }
0x90: {  	v2 =	vld [tilespmem:s13+$0xFFFFFFC0]  }
0x91: {  	v1 =	vld.idx.msk [tilespmem:v1+s20+$0x0], $0xffff;
	_ =	sdelay $0x4  }
0x92: {  	v1 =	vmul.f32 v2, v1;
	_ =	sdelay $0x1  }
0x93: {  	[tilespmem:s13+$0xFFFFFFC0] =	vst v1  }
0x94: {  	v1 =	vld [tilespmem:s9+$0xFFFFFFD0];
	_ =	sdelay $0x6  }
0x95: {  	v2 =	vld [tilespmem:s13+$0xFFFFFFD0]  }
0x96: {  	v1 =	vld.idx.msk [tilespmem:v1+s20+$0x0], $0xffff;
	_ =	sdelay $0x4  }
0x97: {  	v1 =	vmul.f32 v2, v1;
	_ =	sdelay $0x1  }
0x98: {  	[tilespmem:s13+$0xFFFFFFD0] =	vst v1  }
0x99: {  	v1 =	vld [tilespmem:s9+$0xFFFFFFE0];
	_ =	sdelay $0x6  }
0x9a: {  	v2 =	vld [tilespmem:s13+$0xFFFFFFE0]  }
0x9b: {  	v1 =	vld.idx.msk [tilespmem:v1+s20+$0x0], $0xffff;
	_ =	sdelay $0x4  }
0x9c: {  	v1 =	vmul.f32 v2, v1;
	_ =	sdelay $0x1  }
0x9d: {  	[tilespmem:s13+$0xFFFFFFE0] =	vst v1  }
0x9e: {  	v1 =	vld [tilespmem:s9+$0xFFFFFFF0];
	_ =	sdelay $0x6  }
0x9f: {  	v2 =	vld [tilespmem:s13+$0xFFFFFFF0]  }
0xa0: {  	v1 =	vld.idx.msk [tilespmem:v1+s20+$0x0], $0xffff;
	_ =	sdelay $0x4  }
0xa1: {  	v1 =	vmul.f32 v2, v1;
	_ =	sdelay $0x1  }
0xa2: {  	[tilespmem:s13+$0xFFFFFFF0] =	vst v1  }
0xa3: {  	v1 =	vld [tilespmem:s9+$0x0];
	_ =	sdelay $0x6  }
0xa4: {  	v2 =	vld [tilespmem:s13+$0x0]  }
0xa5: {  	v1 =	vld.idx.msk [tilespmem:v1+s20+$0x0], $0xffff;
	_ =	sdelay $0x4  }
0xa6: {  	v1 =	vmul.f32 v2, v1;
	_ =	sdelay $0x1  }
0xa7: {  	[tilespmem:s13+$0x0] =	vst v1  }
0xa8: {  	v1 =	vld [tilespmem:s9+$0x10];
	_ =	sdelay $0x6  }
0xa9: {  	v2 =	vld [tilespmem:s13+$0x10]  }
0xaa: {  	v1 =	vld.idx.msk [tilespmem:v1+s20+$0x0], $0xffff;
	_ =	sdelay $0x4  }
0xab: {  	v1 =	vmul.f32 v2, v1;
	_ =	sdelay $0x1  }
0xac: {  	[tilespmem:s13+$0x10] =	vst v1  }
0xad: {  	v1 =	vld [tilespmem:s9+$0x20];
	_ =	sdelay $0x6  }
0xae: {  	v2 =	vld [tilespmem:s13+$0x20]  }
0xaf: {  	v1 =	vld.idx.msk [tilespmem:v1+s20+$0x0], $0xffff;
	_ =	sdelay $0x4  }
0xb0: {  	v1 =	vmul.f32 v2, v1;
	_ =	sdelay $0x1  }
0xb1: {  	[tilespmem:s13+$0x20] =	vst v1  }
0xb2: {  	v1 =	vld [tilespmem:s9+$0x30];
	_ =	sdelay $0x6  }
0xb3: {  	v2 =	vld [tilespmem:s13+$0x30]  }
0xb4: {  	v1 =	vld.idx.msk [tilespmem:v1+s20+$0x0], $0xffff;
	_ =	sdelay $0x4  }
0xb5: {  	v1 =	vmul.f32 v2, v1;
	_ =	sdelay $0x1  }
0xb6: {  	[tilespmem:s13+$0x30] =	vst v1  }
0xb7: {  	v1 =	vld [tilespmem:s9+$0x40];
	_ =	sdelay $0x6  }
0xb8: {  	v2 =	vld [tilespmem:s13+$0x40]  }
0xb9: {  	v1 =	vld.idx.msk [tilespmem:v1+s20+$0x0], $0xffff  }
0xba: {  	s11 =	sadd.s32 $0x2, s11  }
0xbb: {  	p0 =	slt.u32 s11, $0x16  }
.Ltmp2:
0xbc: {  	_ = 	snop;
	(pc) =	sbr.rel @p0 .LBB2_7-.Ltmp2, $3  }
0xbd: {  	_ = 	snop  }
0xbe: {  	v1 =	vmul.f32 v2, v1;
	_ =	sdelay $0x1  }
0xbf: {  	s9 =	sadd.s32 $0xA0, s9;
	[tilespmem:s13+$0x40] =	vst v1;
	s13 =	sadd.s32 $0xA0, s13  }
0xc0: {  	v1 =	vld [tilespmem:$0x780];
	_ =	sdelay $0x5  }
0xc1: {  	v2 =	vld [tilespmem:$0x1720]  }
0xc2: {  	v3 =	vld [tilespmem:$0x790]  }
0xc3: {  	v1 =	vld.idx.msk [tilespmem:v1+s20+$0x0], $0xffff;
	_ =	sdelay $0x4  }
0xc4: {  	v1 =	vmul.f32 v2, v1;
	_ =	sdelay $0x1  }
0xc5: {  	v2 =	vld [tilespmem:$0x1730];
	[tilespmem:$0x1720] =	vst v1  }
0xc6: {  	v1 =	vld.idx.msk [tilespmem:v3+s20+$0x0], $0xffff  }
0xc7: {  	v3 =	vld [tilespmem:$0x7A0];
	_ =	sdelay $0x4  }
0xc8: {  	v1 =	vmul.f32 v2, v1;
	_ =	sdelay $0x1  }
0xc9: {  	v2 =	vld [tilespmem:$0x1740];
	[tilespmem:$0x1730] =	vst v1  }
0xca: {  	v1 =	vld.idx.msk [tilespmem:v3+s20+$0x0], $0xffff  }
0xcb: {  	v3 =	vld [tilespmem:$0x7B0];
	_ =	sdelay $0x4  }
0xcc: {  	v1 =	vmul.f32 v2, v1;
	_ =	sdelay $0x1  }
0xcd: {  	v2 =	vld [tilespmem:$0x1750];
	[tilespmem:$0x1740] =	vst v1  }
0xce: {  	v1 =	vld.idx.msk [tilespmem:v3+s20+$0x0], $0xffff  }
0xcf: {  	v3 =	vld [tilespmem:$0x7C0];
	_ =	sdelay $0x4  }
0xd0: {  	v1 =	vmul.f32 v2, v1;
	_ =	sdelay $0x1  }
0xd1: {  	v2 =	vld [tilespmem:$0x1760];
	[tilespmem:$0x1750] =	vst v1  }
0xd2: {  	v1 =	vld.idx.msk [tilespmem:v3+s20+$0x0], $0xffff;
	_ =	sdelay $0x4  }
0xd3: {  	v1 =	vmul.f32 v2, v1;
	_ =	sdelay $0x1  }
0xd4: {  	s13 =	simm.s32 $0x0;
	s14 =	simm.s32 $0x0;
	[tilespmem:$0x1760] =	vst v1  }
.LBB2_9:
0xd5: {  	s16 =	smul.u32 $0x3, s14;
	_ =	sdelay $0x1  }
0xd6: {  	v1 =	vmov s16  }
0xd7: {  	v1 =	vmul.u32 $0x50, v1;
	_ =	sdelay $0x1  }
0xd8: {  	v2 =	vmov s13;
	v1 =	vbroadcast v1, $0x0  }
0xd9: {  	v3 =	vand.u32 $0x78, v2  }
0xda: {  	v2 =	vand.u32 $0x4, v2;
	v3 =	vadd.s32 v1, v3  }
0xdb: {  	v2 =	vor.u32 v2, v3  }
0xdc: {  	_ =	swait.ge [sflag:s25], $0x2800  }
0xdd: {  	[sflag:s25] =	ssyncset.done $0x0  }
0xde: {  	s19 =	simm.s32 $0x4070;
	[sflag:s25] =	ssyncadd.s32 $0xFFFFD800  }
0xdf: {  	v3 =	vld [tilespmem:s19+$0xFFFFFF00]  }
0xe0: {  	v2 =	vld.idx.msk [tilespmem:v2+s24+$0x0], $0xffff  }
0xe1: {  	v4 =	vld [tilespmem:s19+$0xFFFFFF70]  }
0xe2: {  	v5 =	vld [tilespmem:s19+$0xFFFFFF50]  }
0xe3: {  	v6 =	vld [tilespmem:s19+$0xFFFFFF20]  }
0xe4: {  	v7 =	vld [tilespmem:s19+$0xFFFFFF40]  }
0xe5: {  	v8 =	vld [tilespmem:s19+$0xFFFFFF30];
	v3 =	vmul.f32 v3, v2  }
0xe6: {  	s9 =	simm.s32 $0x1;
	v9 =	vld [tilespmem:s19+$0xFFFFFF10];
	v4 =	vmul.f32 v4, v2  }
0xe7: {  	v10 =	vld [tilespmem:s19+$0xFFFFFF60];
	v5 =	vmul.f32 v5, v2;
	[tilespmem:s19+$0xFFFFFF00] =	vst v3;
	v3 =	vmov s9  }
0xe8: {  	v6 =	vmul.f32 v6, v2;
	[tilespmem:s19+$0xFFFFFF70] =	vst v4;
	v4 =	vand.u32 $0x78, v3  }
0xe9: {  	v7 =	vmul.f32 v7, v2;
	[tilespmem:s19+$0xFFFFFF50] =	vst v5;
	v3 =	vand.u32 $0x5, v3;
	v4 =	vadd.s32 v1, v4  }
0xea: {  	v5 =	vmul.f32 v8, v2;
	[tilespmem:s19+$0xFFFFFF20] =	vst v6;
	v3 =	vor.u32 v3, v4  }
0xeb: {  	[tilespmem:s19+$0xFFFFFF40] =	vst v7;
	v4 =	vmul.f32 v9, v2  }
0xec: {  	[tilespmem:s19+$0xFFFFFF30] =	vst v5;
	v2 =	vmul.f32 v10, v2  }
0xed: {  	[tilespmem:s19+$0xFFFFFF10] =	vst v4  }
0xee: {  	[tilespmem:s19+$0xFFFFFF60] =	vst v2;
	v2 =	vld [tilespmem:s19+$0xFFFFFFB0]  }
0xef: {  	v4 =	vld.idx.msk [tilespmem:v3+s24+$0x0], $0xffff  }
0xf0: {  	v3 =	vld [tilespmem:s19+$0xFFFFFF80]  }
0xf1: {  	v6 =	vld [tilespmem:s19+$0xFFFFFF90]  }
0xf2: {  	v5 =	vld [tilespmem:s19+$0xFFFFFFF0]  }
0xf3: {  	v7 =	vld [tilespmem:s19+$0xFFFFFFA0]  }
0xf4: {  	v8 =	vld [tilespmem:s19+$0xFFFFFFE0];
	v2 =	vmul.f32 v2, v4  }
0xf5: {  	v9 =	vld [tilespmem:s19+$0xFFFFFFD0];
	v3 =	vmul.f32 v3, v4  }
0xf6: {  	s21 =	simm.s32 $0x2;
	v6 =	vmul.f32 v6, v4;
	[tilespmem:s19+$0xFFFFFFB0] =	vst v2  }
0xf7: {  	v10 =	vld [tilespmem:s19+$0xFFFFFFC0];
	v5 =	vmul.f32 v5, v4;
	v2 =	vmov s21;
	[tilespmem:s19+$0xFFFFFF80] =	vst v3  }
0xf8: {  	v7 =	vmul.f32 v7, v4;
	[tilespmem:s19+$0xFFFFFF90] =	vst v6;
	v3 =	vand.u32 $0x78, v2  }
0xf9: {  	v8 =	vmul.f32 v8, v4;
	[tilespmem:s19+$0xFFFFFFF0] =	vst v5;
	v5 =	vld [tilespmem:s19+$0x30];
	v2 =	vand.u32 $0x6, v2;
	v3 =	vadd.s32 v1, v3  }
0xfa: {  	v6 =	vmul.f32 v9, v4;
	[tilespmem:s19+$0xFFFFFFA0] =	vst v7;
	v7 =	vld [tilespmem:s19+$0x0];
	v9 =	vor.u32 v2, v3  }
0xfb: {  	[tilespmem:s19+$0xFFFFFFE0] =	vst v8;
	v8 =	vld [tilespmem:s19+$0x20]  }
0xfc: {  	v4 =	vmul.f32 v10, v4;
	[tilespmem:s19+$0xFFFFFFD0] =	vst v6;
	v6 =	vld [tilespmem:s19+$0x10]  }
0xfd: {  	v2 =	vld [tilespmem:s19+$0x40]  }
0xfe: {  	[tilespmem:s19+$0xFFFFFFC0] =	vst v4;
	v3 =	vld [tilespmem:s19+$0x50]  }
0xff: {  	s15 =	simm.s32 $0x4;
	s11 =	simm.s32 $0x4070;
	s9 =	simm.s32 $0x0;
	v4 =	vld.idx.msk [tilespmem:v9+s24+$0x0], $0xffff  }
.LBB2_10:
0x100: {  	p0 =	slt.u32 s15, $0x4C  }
0x101: {  	v9 =	vld [tilespmem:s19+$0x70];
	s11 =	sadd.s32 $0x200, s11;
	s18 =	smov.u32 s15;
	s15 =	sadd.s32 $0x4, s15  }
0x102: {  	v10 =	vld [tilespmem:s19+$0x60];
	_ =	sdelay $0x1  }
0x103: {  	v7 =	vmul.f32 v7, v4;
	v6 =	vmul.f32 v6, v4  }
0x104: {  	s21 =	sadd.s32 $0x3, s9;
	s9 =	smov.u32 s18;
	v5 =	vmul.f32 v5, v4;
	v8 =	vmul.f32 v8, v4  }
0x105: {  	v2 =	vmul.f32 v2, v4;
	v3 =	vmul.f32 v3, v4;
	[tilespmem:s19+$0x0] =	vst v7;
	v7 =	vmov s21  }
0x106: {  	[tilespmem:s19+$0x30] =	vst v5;
	v5 =	vmul.f32 v10, v4;
	v4 =	vmul.f32 v9, v4;
	v9 =	vand.u32 $0x78, v7  }
0x107: {  	v7 =	vand.u32 $0x7, v7;
	[tilespmem:s19+$0x20] =	vst v8;
	v8 =	vadd.s32 v1, v9;
	v9 =	vld [tilespmem:s19+$0xB0]  }
0x108: {  	[tilespmem:s19+$0x10] =	vst v6;
	v6 =	vor.u32 v7, v8;
	v7 =	vld [tilespmem:s19+$0x80]  }
0x109: {  	[tilespmem:s19+$0x40] =	vst v2;
	v8 =	vld [tilespmem:s19+$0xC0]  }
0x10a: {  	v2 =	vld [tilespmem:s11+$0x40];
	[tilespmem:s19+$0x50] =	vst v3  }
0x10b: {  	v3 =	vld [tilespmem:s11+$0x50];
	[tilespmem:s19+$0x70] =	vst v4  }
0x10c: {  	[tilespmem:s19+$0x60] =	vst v5;
	v4 =	vld [tilespmem:s19+$0xF0]  }
0x10d: {  	v5 =	vld.idx.msk [tilespmem:v6+s24+$0x0], $0xffff  }
0x10e: {  	v6 =	vld [tilespmem:s19+$0x90]  }
0x10f: {  	v10 =	vld [tilespmem:s19+$0xA0]  }
0x110: {  	v11 =	vld [tilespmem:s19+$0xD0]  }
0x111: {  	v12 =	vld [tilespmem:s19+$0xE0];
	_ =	sdelay $0x1  }
0x112: {  	v7 =	vmul.f32 v7, v5;
	v6 =	vmul.f32 v6, v5  }
0x113: {  	v9 =	vmul.f32 v9, v5;
	v10 =	vmul.f32 v10, v5  }
0x114: {  	v13 =	vmov s9;
	[tilespmem:s19+$0x80] =	vst v7;
	v7 =	vmul.f32 v8, v5;
	v8 =	vmul.f32 v11, v5  }
0x115: {  	v4 =	vmul.f32 v4, v5;
	v11 =	vand.u32 $0x78, v13;
	[tilespmem:s19+$0xB0] =	vst v9;
	v9 =	vmul.f32 v12, v5  }
0x116: {  	v5 =	vand.u32 $0x4, v13;
	v11 =	vadd.s32 v1, v11;
	[tilespmem:s19+$0xA0] =	vst v10  }
0x117: {  	v5 =	vor.u32 v5, v11;
	[tilespmem:s19+$0x90] =	vst v6  }
0x118: {  	v6 =	vld [tilespmem:s11+$0xFFFFFF40];
	[tilespmem:s19+$0xC0] =	vst v7  }
0x119: {  	v7 =	vld [tilespmem:s11+$0xFFFFFF60];
	[tilespmem:s19+$0xD0] =	vst v8  }
0x11a: {  	v8 =	vld [tilespmem:s11+$0xFFFFFF50];
	[tilespmem:s19+$0xF0] =	vst v4  }
0x11b: {  	v4 =	vld [tilespmem:s11+$0xFFFFFF70];
	[tilespmem:s19+$0xE0] =	vst v9;
	s19 =	smov.u32 s11  }
0x11c: {  	v5 =	vld.idx.msk [tilespmem:v5+s24+$0x0], $0xffff  }
0x11d: {  	v9 =	vld [tilespmem:s11+$0xFFFFFF00]  }
0x11e: {  	v10 =	vld [tilespmem:s11+$0xFFFFFF20]  }
0x11f: {  	v11 =	vld [tilespmem:s11+$0xFFFFFF10]  }
0x120: {  	v12 =	vld [tilespmem:s11+$0xFFFFFF30];
	_ =	sdelay $0x1  }
0x121: {  	v4 =	vmul.f32 v4, v5;
	v9 =	vmul.f32 v9, v5  }
0x122: {  	s18 =	sadd.s32 $0x1, s9;
	v8 =	vmul.f32 v8, v5;
	v10 =	vmul.f32 v10, v5  }
0x123: {  	v7 =	vmul.f32 v7, v5;
	[tilespmem:s11+$0xFFFFFF00] =	vst v9;
	v9 =	vmul.f32 v11, v5;
	v11 =	vmov s18  }
0x124: {  	v12 =	vmul.f32 v12, v5;
	v5 =	vmul.f32 v6, v5;
	[tilespmem:s11+$0xFFFFFF70] =	vst v4;
	v4 =	vand.u32 $0x78, v11  }
0x125: {  	v6 =	vand.u32 $0x5, v11;
	[tilespmem:s11+$0xFFFFFF50] =	vst v8;
	v4 =	vadd.s32 v1, v4  }
0x126: {  	[tilespmem:s11+$0xFFFFFF20] =	vst v10;
	v4 =	vor.u32 v6, v4  }
0x127: {  	[tilespmem:s11+$0xFFFFFF40] =	vst v5;
	v5 =	vld [tilespmem:s11+$0xFFFFFFF0]  }
0x128: {  	[tilespmem:s11+$0xFFFFFF30] =	vst v12;
	v6 =	vld [tilespmem:s11+$0xFFFFFFE0]  }
0x129: {  	[tilespmem:s11+$0xFFFFFF10] =	vst v9;
	v8 =	vld [tilespmem:s11+$0xFFFFFFD0]  }
0x12a: {  	[tilespmem:s11+$0xFFFFFF60] =	vst v7;
	v7 =	vld [tilespmem:s11+$0xFFFFFFB0]  }
0x12b: {  	v4 =	vld.idx.msk [tilespmem:v4+s24+$0x0], $0xffff  }
0x12c: {  	v9 =	vld [tilespmem:s11+$0xFFFFFF80]  }
0x12d: {  	v10 =	vld [tilespmem:s11+$0xFFFFFF90]  }
0x12e: {  	v11 =	vld [tilespmem:s11+$0xFFFFFFA0]  }
0x12f: {  	v12 =	vld [tilespmem:s11+$0xFFFFFFC0];
	_ =	sdelay $0x1  }
0x130: {  	v7 =	vmul.f32 v7, v4;
	v9 =	vmul.f32 v9, v4  }
0x131: {  	s18 =	sadd.s32 $0x2, s9;
	v8 =	vmul.f32 v8, v4;
	v10 =	vmul.f32 v10, v4  }
0x132: {  	v6 =	vmul.f32 v6, v4;
	v11 =	vmul.f32 v11, v4;
	[tilespmem:s11+$0xFFFFFFB0] =	vst v7;
	v7 =	vmov s18  }
0x133: {  	[tilespmem:s11+$0xFFFFFF80] =	vst v9;
	v9 =	vmul.f32 v12, v4;
	v4 =	vmul.f32 v5, v4;
	v5 =	vand.u32 $0x78, v7  }
0x134: {  	v7 =	vand.u32 $0x6, v7;
	[tilespmem:s11+$0xFFFFFF90] =	vst v10;
	v5 =	vadd.s32 v1, v5  }
0x135: {  	[tilespmem:s11+$0xFFFFFFA0] =	vst v11;
	v10 =	vor.u32 v7, v5  }
0x136: {  	[tilespmem:s11+$0xFFFFFFE0] =	vst v6  }
0x137: {  	[tilespmem:s11+$0xFFFFFFD0] =	vst v8  }
.Ltmp3:
0x138: {  	[tilespmem:s11+$0xFFFFFFF0] =	vst v4;
	v5 =	vld [tilespmem:s11+$0x30];
	(pc) =	sbr.rel @p0 .LBB2_10-.Ltmp3, $4  }
0x139: {  	[tilespmem:s11+$0xFFFFFFC0] =	vst v9;
	v7 =	vld [tilespmem:s11+$0x0]  }
0x13a: {  	v4 =	vld.idx.msk [tilespmem:v10+s24+$0x0], $0xffff  }
0x13b: {  	v6 =	vld [tilespmem:s11+$0x10]  }
0x13c: {  	v8 =	vld [tilespmem:s11+$0x20]  }
0x13d: {  	_ =	sdelay $0x1  }
0x13e: {  	v7 =	vmul.f32 v7, v4  }
0x13f: {  	s9 =	sadd.s32 $0x3, s9;
	v10 =	vld [tilespmem:s19+$0x60];
	v5 =	vmul.f32 v5, v4  }
0x140: {  	v9 =	vld [tilespmem:s19+$0x70];
	v2 =	vmul.f32 v2, v4;
	[tilespmem:s19+$0x0] =	vst v7;
	v7 =	vmov s9  }
0x141: {  	v3 =	vmul.f32 v3, v4;
	[tilespmem:s19+$0x30] =	vst v5;
	v5 =	vand.u32 $0x78, v7  }
0x142: {  	v6 =	vmul.f32 v6, v4;
	[tilespmem:s19+$0x40] =	vst v2;
	v7 =	vand.u32 $0x7, v7;
	v1 =	vadd.s32 v1, v5  }
0x143: {  	v8 =	vmul.f32 v8, v4;
	[tilespmem:s19+$0x50] =	vst v3;
	v1 =	vor.u32 v7, v1  }
0x144: {  	[tilespmem:s19+$0x10] =	vst v6;
	v2 =	vmul.f32 v10, v4  }
0x145: {  	[tilespmem:s19+$0x20] =	vst v8;
	v5 =	vmul.f32 v9, v4  }
0x146: {  	[tilespmem:s19+$0x60] =	vst v2  }
0x147: {  	v6 =	vld [tilespmem:s19+$0x80];
	[tilespmem:s19+$0x70] =	vst v5  }
0x148: {  	v1 =	vld.idx.msk [tilespmem:v1+s24+$0x0], $0xffff  }
0x149: {  	v2 =	vld [tilespmem:s19+$0xB0]  }
0x14a: {  	v3 =	vld [tilespmem:s19+$0xA0]  }
0x14b: {  	v4 =	vld [tilespmem:s19+$0x90]  }
0x14c: {  	v5 =	vld [tilespmem:s19+$0xC0]  }
0x14d: {  	v7 =	vld [tilespmem:s19+$0xD0];
	v6 =	vmul.f32 v6, v1  }
0x14e: {  	v8 =	vld [tilespmem:s19+$0xF0];
	v2 =	vmul.f32 v2, v1  }
0x14f: {  	v9 =	vld [tilespmem:s19+$0xE0];
	v3 =	vmul.f32 v3, v1;
	[tilespmem:s19+$0x80] =	vst v6  }
0x150: {  	v4 =	vmul.f32 v4, v1;
	[tilespmem:s19+$0xB0] =	vst v2  }
0x151: {  	v2 =	vmul.f32 v5, v1;
	[tilespmem:s19+$0xA0] =	vst v3  }
0x152: {  	v3 =	vmul.f32 v7, v1;
	[tilespmem:s19+$0x90] =	vst v4  }
0x153: {  	s21 =	smul.u32 $0x3C0, s14;
	v4 =	vmul.f32 v8, v1;
	[tilespmem:s19+$0xC0] =	vst v2  }
0x154: {  	v1 =	vmul.f32 v9, v1;
	[tilespmem:s19+$0xD0] =	vst v3  }
0x155: {  	s18 =	sadd.s32 $0x1, s16;
	s15 =	sshra.s32 s21, $0x2;
	[tilespmem:s19+$0xF0] =	vst v4  }
0x156: {  	p0 =	seq.s32 s14, $0x0;
	s9 =	sadd.s32 $0x7D0, s15;
	[tilespmem:s19+$0xE0] =	vst v1;
	v1 =	vmov s18  }
0x157: {  	[spmem:s6] =	stream.indirect.scatter.add.f32 [tilespmem:s22], [sflag:$0x4], $0x80, s9, s30, $0xb8;
	v1 =	vmul.u32 $0x50, v1;
	[tilespmem:$0x1EFF0] =	vst v63  }
0x158: {  	s11 =	simm.s32 @!p0 $0x6;
	s9 =	simm.s32 $0x0  }
0x159: {  	v2 =	vmov s9;
	_ =	swait.ge @!p0 [sflag:s11], $0x2800;
	v1 =	vbroadcast v1, $0x0  }
0x15a: {  	v3 =	vand.u32 $0x78, v2;
	[sflag:s11] =	ssyncset.done @!p0 $0x0  }
0x15b: {  	s2 =	sadd.s32 $0xA0, s15;
	v2 =	vand.u32 $0x4, v2;
	[sflag:s11] =	ssyncadd.s32 @!p0 $0xFFFFD800;
	v3 =	vadd.s32 v1, v3  }
0x15c: {  	[tilespmem:s31], [sflag:$0x3] =	stream.indirect.gather [hbm4b:s1+s30], $0x80, s2, s30, $0xb8;
	v2 =	vor.u32 v2, v3;
	[tilespmem:$0x1EFF0] =	vst v63  }
0x15d: {  	_ =	swait.ge [sflag:s26], $0x2800  }
0x15e: {  	[sflag:s26] =	ssyncset.done $0x0  }
0x15f: {  	s19 =	simm.s32 $0x6960;
	[sflag:s26] =	ssyncadd.s32 $0xFFFFD800  }
0x160: {  	v3 =	vld [tilespmem:s19+$0xFFFFFE10]  }
0x161: {  	v2 =	vld.idx.msk [tilespmem:v2+s24+$0x0], $0xffff  }
0x162: {  	v4 =	vld [tilespmem:s19+$0xFFFFFE80]  }
0x163: {  	v5 =	vld [tilespmem:s19+$0xFFFFFE60]  }
0x164: {  	v6 =	vld [tilespmem:s19+$0xFFFFFE30]  }
0x165: {  	v7 =	vld [tilespmem:s19+$0xFFFFFE50]  }
0x166: {  	v8 =	vld [tilespmem:s19+$0xFFFFFE40];
	v3 =	vmul.f32 v3, v2  }
0x167: {  	s3 =	simm.s32 $0x1;
	v9 =	vld [tilespmem:s19+$0xFFFFFE20];
	v4 =	vmul.f32 v4, v2  }
0x168: {  	v10 =	vld [tilespmem:s19+$0xFFFFFE70];
	v5 =	vmul.f32 v5, v2;
	[tilespmem:s19+$0xFFFFFE10] =	vst v3;
	v3 =	vmov s3  }
0x169: {  	v6 =	vmul.f32 v6, v2;
	[tilespmem:s19+$0xFFFFFE80] =	vst v4;
	v4 =	vand.u32 $0x78, v3  }
0x16a: {  	v7 =	vmul.f32 v7, v2;
	[tilespmem:s19+$0xFFFFFE60] =	vst v5;
	v3 =	vand.u32 $0x5, v3;
	v4 =	vadd.s32 v1, v4  }
0x16b: {  	v5 =	vmul.f32 v8, v2;
	[tilespmem:s19+$0xFFFFFE30] =	vst v6;
	v3 =	vor.u32 v3, v4  }
0x16c: {  	[tilespmem:s19+$0xFFFFFE50] =	vst v7;
	v4 =	vmul.f32 v9, v2  }
0x16d: {  	[tilespmem:s19+$0xFFFFFE40] =	vst v5;
	v2 =	vmul.f32 v10, v2  }
0x16e: {  	[tilespmem:s19+$0xFFFFFE20] =	vst v4  }
0x16f: {  	[tilespmem:s19+$0xFFFFFE70] =	vst v2;
	v2 =	vld [tilespmem:s19+$0xFFFFFEC0]  }
0x170: {  	v4 =	vld.idx.msk [tilespmem:v3+s24+$0x0], $0xffff  }
0x171: {  	v3 =	vld [tilespmem:s19+$0xFFFFFE90]  }
0x172: {  	v6 =	vld [tilespmem:s19+$0xFFFFFEA0]  }
0x173: {  	v5 =	vld [tilespmem:s19+$0xFFFFFF00]  }
0x174: {  	v7 =	vld [tilespmem:s19+$0xFFFFFEB0]  }
0x175: {  	v8 =	vld [tilespmem:s19+$0xFFFFFEF0];
	v2 =	vmul.f32 v2, v4  }
0x176: {  	v9 =	vld [tilespmem:s19+$0xFFFFFEE0];
	v3 =	vmul.f32 v3, v4  }
0x177: {  	s21 =	simm.s32 $0x2;
	v6 =	vmul.f32 v6, v4;
	[tilespmem:s19+$0xFFFFFEC0] =	vst v2  }
0x178: {  	v10 =	vld [tilespmem:s19+$0xFFFFFED0];
	v5 =	vmul.f32 v5, v4;
	v2 =	vmov s21;
	[tilespmem:s19+$0xFFFFFE90] =	vst v3  }
0x179: {  	v7 =	vmul.f32 v7, v4;
	[tilespmem:s19+$0xFFFFFEA0] =	vst v6;
	v3 =	vand.u32 $0x78, v2  }
0x17a: {  	v8 =	vmul.f32 v8, v4;
	[tilespmem:s19+$0xFFFFFF00] =	vst v5;
	v5 =	vld [tilespmem:s19+$0xFFFFFF40];
	v2 =	vand.u32 $0x6, v2;
	v3 =	vadd.s32 v1, v3  }
0x17b: {  	v6 =	vmul.f32 v9, v4;
	[tilespmem:s19+$0xFFFFFEB0] =	vst v7;
	v7 =	vld [tilespmem:s19+$0xFFFFFF10];
	v9 =	vor.u32 v2, v3  }
0x17c: {  	[tilespmem:s19+$0xFFFFFEF0] =	vst v8;
	v8 =	vld [tilespmem:s19+$0xFFFFFF30]  }
0x17d: {  	v4 =	vmul.f32 v10, v4;
	[tilespmem:s19+$0xFFFFFEE0] =	vst v6;
	v6 =	vld [tilespmem:s19+$0xFFFFFF20]  }
0x17e: {  	v2 =	vld [tilespmem:s19+$0xFFFFFF50]  }
0x17f: {  	[tilespmem:s19+$0xFFFFFED0] =	vst v4;
	v3 =	vld [tilespmem:s19+$0xFFFFFF60]  }
0x180: {  	s11 =	simm.s32 $0x4;
	s21 =	simm.s32 $0x6960;
	v4 =	vld.idx.msk [tilespmem:v9+s24+$0x0], $0xffff  }
.LBB2_12:
0x181: {  	p0 =	slt.u32 s11, $0x4C  }
0x182: {  	v9 =	vld [tilespmem:s19+$0xFFFFFF80];
	s21 =	sadd.s32 $0x200, s21;
	s2 =	smov.u32 s11;
	s11 =	sadd.s32 $0x4, s11  }
0x183: {  	v10 =	vld [tilespmem:s19+$0xFFFFFF70];
	_ =	sdelay $0x1  }
0x184: {  	v7 =	vmul.f32 v7, v4;
	v6 =	vmul.f32 v6, v4  }
0x185: {  	s3 =	sadd.s32 $0x3, s9;
	s9 =	smov.u32 s2;
	v5 =	vmul.f32 v5, v4;
	v8 =	vmul.f32 v8, v4  }
0x186: {  	v2 =	vmul.f32 v2, v4;
	v3 =	vmul.f32 v3, v4;
	[tilespmem:s19+$0xFFFFFF10] =	vst v7;
	v7 =	vmov s3  }
0x187: {  	[tilespmem:s19+$0xFFFFFF40] =	vst v5;
	v5 =	vmul.f32 v10, v4;
	v4 =	vmul.f32 v9, v4;
	v9 =	vand.u32 $0x78, v7  }
0x188: {  	v7 =	vand.u32 $0x7, v7;
	[tilespmem:s19+$0xFFFFFF30] =	vst v8;
	v8 =	vadd.s32 v1, v9;
	v9 =	vld [tilespmem:s19+$0xFFFFFFF0]  }
0x189: {  	[tilespmem:s19+$0xFFFFFF20] =	vst v6;
	v6 =	vor.u32 v7, v8;
	v7 =	vld [tilespmem:s19+$0xFFFFFFC0]  }
0x18a: {  	[tilespmem:s19+$0xFFFFFF50] =	vst v2;
	v8 =	vld [tilespmem:s19+$0xFFFFFF90]  }
0x18b: {  	v2 =	vld [tilespmem:s21+$0xFFFFFF50];
	[tilespmem:s19+$0xFFFFFF60] =	vst v3  }
0x18c: {  	v3 =	vld [tilespmem:s21+$0xFFFFFF60];
	[tilespmem:s19+$0xFFFFFF80] =	vst v4  }
0x18d: {  	[tilespmem:s19+$0xFFFFFF70] =	vst v5;
	v4 =	vld [tilespmem:s19+$0xFFFFFFD0]  }
0x18e: {  	v5 =	vld.idx.msk [tilespmem:v6+s24+$0x0], $0xffff  }
0x18f: {  	v6 =	vld [tilespmem:s19+$0xFFFFFFA0]  }
0x190: {  	v10 =	vld [tilespmem:s19+$0xFFFFFFB0]  }
0x191: {  	v11 =	vld [tilespmem:s19+$0xFFFFFFE0]  }
0x192: {  	v12 =	vld [tilespmem:s19+$0x0];
	_ =	sdelay $0x1  }
0x193: {  	v8 =	vmul.f32 v8, v5;
	v6 =	vmul.f32 v6, v5  }
0x194: {  	v7 =	vmul.f32 v7, v5;
	v10 =	vmul.f32 v10, v5  }
0x195: {  	v13 =	vmov s9;
	v4 =	vmul.f32 v4, v5;
	[tilespmem:s19+$0xFFFFFF90] =	vst v8;
	v8 =	vmul.f32 v11, v5  }
0x196: {  	v11 =	vand.u32 $0x78, v13;
	[tilespmem:s19+$0xFFFFFFC0] =	vst v7;
	v7 =	vmul.f32 v9, v5;
	v5 =	vmul.f32 v12, v5  }
0x197: {  	v9 =	vand.u32 $0x4, v13;
	v11 =	vadd.s32 v1, v11;
	[tilespmem:s19+$0xFFFFFFB0] =	vst v10  }
0x198: {  	v9 =	vor.u32 v9, v11;
	[tilespmem:s19+$0xFFFFFFA0] =	vst v6  }
0x199: {  	v6 =	vld [tilespmem:s21+$0xFFFFFE50];
	[tilespmem:s19+$0xFFFFFFD0] =	vst v4  }
0x19a: {  	v4 =	vld [tilespmem:s21+$0xFFFFFE70];
	[tilespmem:s19+$0xFFFFFFE0] =	vst v8  }
0x19b: {  	v8 =	vld [tilespmem:s21+$0xFFFFFE60];
	[tilespmem:s19+$0x0] =	vst v5  }
0x19c: {  	v5 =	vld [tilespmem:s21+$0xFFFFFE80];
	[tilespmem:s19+$0xFFFFFFF0] =	vst v7;
	s19 =	smov.u32 s21  }
0x19d: {  	v7 =	vld.idx.msk [tilespmem:v9+s24+$0x0], $0xffff  }
0x19e: {  	v9 =	vld [tilespmem:s21+$0xFFFFFE10]  }
0x19f: {  	v10 =	vld [tilespmem:s21+$0xFFFFFE30]  }
0x1a0: {  	v11 =	vld [tilespmem:s21+$0xFFFFFE20]  }
0x1a1: {  	v12 =	vld [tilespmem:s21+$0xFFFFFE40];
	_ =	sdelay $0x1  }
0x1a2: {  	v5 =	vmul.f32 v5, v7;
	v9 =	vmul.f32 v9, v7  }
0x1a3: {  	s2 =	sadd.s32 $0x1, s9;
	v8 =	vmul.f32 v8, v7;
	v10 =	vmul.f32 v10, v7  }
0x1a4: {  	v4 =	vmul.f32 v4, v7;
	[tilespmem:s21+$0xFFFFFE10] =	vst v9;
	v9 =	vmul.f32 v11, v7;
	v11 =	vmov s2  }
0x1a5: {  	v6 =	vmul.f32 v6, v7;
	v12 =	vmul.f32 v12, v7;
	[tilespmem:s21+$0xFFFFFE80] =	vst v5;
	v5 =	vand.u32 $0x78, v11  }
0x1a6: {  	v7 =	vand.u32 $0x5, v11;
	[tilespmem:s21+$0xFFFFFE60] =	vst v8;
	v5 =	vadd.s32 v1, v5  }
0x1a7: {  	[tilespmem:s21+$0xFFFFFE30] =	vst v10;
	v5 =	vor.u32 v7, v5  }
0x1a8: {  	[tilespmem:s21+$0xFFFFFE50] =	vst v6;
	v6 =	vld [tilespmem:s21+$0xFFFFFF00]  }
0x1a9: {  	[tilespmem:s21+$0xFFFFFE40] =	vst v12;
	v7 =	vld [tilespmem:s21+$0xFFFFFEF0]  }
0x1aa: {  	[tilespmem:s21+$0xFFFFFE20] =	vst v9;
	v8 =	vld [tilespmem:s21+$0xFFFFFEE0]  }
0x1ab: {  	[tilespmem:s21+$0xFFFFFE70] =	vst v4;
	v4 =	vld [tilespmem:s21+$0xFFFFFEC0]  }
0x1ac: {  	v5 =	vld.idx.msk [tilespmem:v5+s24+$0x0], $0xffff  }
0x1ad: {  	v9 =	vld [tilespmem:s21+$0xFFFFFE90]  }
0x1ae: {  	v10 =	vld [tilespmem:s21+$0xFFFFFEA0]  }
0x1af: {  	v11 =	vld [tilespmem:s21+$0xFFFFFEB0]  }
0x1b0: {  	v12 =	vld [tilespmem:s21+$0xFFFFFED0];
	_ =	sdelay $0x1  }
0x1b1: {  	v4 =	vmul.f32 v4, v5;
	v9 =	vmul.f32 v9, v5  }
0x1b2: {  	s2 =	sadd.s32 $0x2, s9;
	v8 =	vmul.f32 v8, v5;
	v10 =	vmul.f32 v10, v5  }
0x1b3: {  	v11 =	vmul.f32 v11, v5;
	[tilespmem:s21+$0xFFFFFEC0] =	vst v4;
	v4 =	vmul.f32 v7, v5;
	v7 =	vmov s2  }
0x1b4: {  	[tilespmem:s21+$0xFFFFFE90] =	vst v9;
	v9 =	vmul.f32 v12, v5;
	v5 =	vmul.f32 v6, v5;
	v6 =	vand.u32 $0x78, v7  }
0x1b5: {  	v7 =	vand.u32 $0x6, v7;
	[tilespmem:s21+$0xFFFFFEA0] =	vst v10;
	v6 =	vadd.s32 v1, v6  }
0x1b6: {  	[tilespmem:s21+$0xFFFFFEB0] =	vst v11;
	v6 =	vor.u32 v7, v6  }
0x1b7: {  	[tilespmem:s21+$0xFFFFFEF0] =	vst v4  }
0x1b8: {  	[tilespmem:s21+$0xFFFFFEE0] =	vst v8  }
.Ltmp4:
0x1b9: {  	[tilespmem:s21+$0xFFFFFF00] =	vst v5;
	v5 =	vld [tilespmem:s21+$0xFFFFFF40];
	(pc) =	sbr.rel @p0 .LBB2_12-.Ltmp4, $4  }
0x1ba: {  	[tilespmem:s21+$0xFFFFFED0] =	vst v9;
	v7 =	vld [tilespmem:s21+$0xFFFFFF10]  }
0x1bb: {  	v4 =	vld.idx.msk [tilespmem:v6+s24+$0x0], $0xffff  }
0x1bc: {  	v6 =	vld [tilespmem:s21+$0xFFFFFF20]  }
0x1bd: {  	v8 =	vld [tilespmem:s21+$0xFFFFFF30]  }
0x1be: {  	_ =	sdelay $0x1  }
0x1bf: {  	v7 =	vmul.f32 v7, v4  }
0x1c0: {  	v9 =	vld [tilespmem:s19+$0xFFFFFF80];
	s2 =	sadd.s32 $0x3, s9;
	v5 =	vmul.f32 v5, v4  }
0x1c1: {  	v10 =	vld [tilespmem:s19+$0xFFFFFF70];
	v2 =	vmul.f32 v2, v4;
	[tilespmem:s19+$0xFFFFFF10] =	vst v7;
	v7 =	vmov s2  }
0x1c2: {  	v3 =	vmul.f32 v3, v4;
	[tilespmem:s19+$0xFFFFFF40] =	vst v5;
	v5 =	vand.u32 $0x78, v7  }
0x1c3: {  	v6 =	vmul.f32 v6, v4;
	[tilespmem:s19+$0xFFFFFF50] =	vst v2;
	v7 =	vand.u32 $0x7, v7;
	v1 =	vadd.s32 v1, v5  }
0x1c4: {  	v8 =	vmul.f32 v8, v4;
	[tilespmem:s19+$0xFFFFFF60] =	vst v3;
	v1 =	vor.u32 v7, v1  }
0x1c5: {  	[tilespmem:s19+$0xFFFFFF20] =	vst v6;
	v5 =	vmul.f32 v9, v4  }
0x1c6: {  	[tilespmem:s19+$0xFFFFFF30] =	vst v8;
	v4 =	vmul.f32 v10, v4  }
0x1c7: {  	[tilespmem:s19+$0xFFFFFF80] =	vst v5  }
0x1c8: {  	v2 =	vld [tilespmem:s19+$0xFFFFFF90];
	[tilespmem:s19+$0xFFFFFF70] =	vst v4  }
0x1c9: {  	v1 =	vld.idx.msk [tilespmem:v1+s24+$0x0], $0xffff  }
0x1ca: {  	v3 =	vld [tilespmem:s19+$0xFFFFFFC0]  }
0x1cb: {  	v4 =	vld [tilespmem:s19+$0xFFFFFFB0]  }
0x1cc: {  	v5 =	vld [tilespmem:s19+$0xFFFFFFA0]  }
0x1cd: {  	v6 =	vld [tilespmem:s19+$0xFFFFFFD0]  }
0x1ce: {  	v7 =	vld [tilespmem:s19+$0xFFFFFFE0];
	v2 =	vmul.f32 v2, v1  }
0x1cf: {  	v8 =	vld [tilespmem:s19+$0x0];
	v3 =	vmul.f32 v3, v1  }
0x1d0: {  	v9 =	vld [tilespmem:s19+$0xFFFFFFF0];
	v4 =	vmul.f32 v4, v1;
	[tilespmem:s19+$0xFFFFFF90] =	vst v2  }
0x1d1: {  	v2 =	vmul.f32 v5, v1;
	[tilespmem:s19+$0xFFFFFFC0] =	vst v3  }
0x1d2: {  	v3 =	vmul.f32 v6, v1;
	[tilespmem:s19+$0xFFFFFFB0] =	vst v4  }
0x1d3: {  	v4 =	vmul.f32 v7, v1;
	[tilespmem:s19+$0xFFFFFFA0] =	vst v2  }
0x1d4: {  	s11 =	smul.u32 $0x140, s18;
	v2 =	vmul.f32 v8, v1;
	[tilespmem:s19+$0xFFFFFFD0] =	vst v3  }
0x1d5: {  	s16 =	sadd.s32 $0x2, s16;
	v1 =	vmul.f32 v9, v1;
	[tilespmem:s19+$0xFFFFFFE0] =	vst v4  }
0x1d6: {  	s2 =	sshra.s32 s11, $0x2;
	v3 =	vmov s16;
	[tilespmem:s19+$0x0] =	vst v2  }
0x1d7: {  	s9 =	simm.s32 $0x0;
	s2 =	sadd.s32 $0x7D0, s2;
	v2 =	vmul.u32 $0x50, v3;
	[tilespmem:s19+$0xFFFFFFF0] =	vst v1  }
0x1d8: {  	[spmem:s6] =	stream.indirect.scatter.add.f32 [tilespmem:s29], [sflag:$0x5], $0x80, s2, s30, $0xb8;
	[tilespmem:$0x1EFF0] =	vst v63  }
0x1d9: {  	v1 =	vbroadcast v2, $0x0;
	v2 =	vmov s9;
	_ =	swait.ge [sflag:s0], $0x2800  }
0x1da: {  	v3 =	vand.u32 $0x78, v2;
	[sflag:s0] =	ssyncset.done $0x0  }
0x1db: {  	s18 =	sadd.s32 $0xF0, s15;
	v2 =	vand.u32 $0x4, v2;
	v3 =	vadd.s32 v1, v3;
	[sflag:s0] =	ssyncadd.s32 $0xFFFFD800  }
0x1dc: {  	v2 =	vor.u32 v2, v3;
	[tilespmem:s22], [sflag:$0x1] =	stream.indirect.gather [hbm4b:s1+s30], $0x80, s18, s30, $0xb8;
	[tilespmem:$0x1EFF0] =	vst v63  }
0x1dd: {  	_ =	swait.ge [sflag:s28], $0x2800  }
0x1de: {  	[sflag:s28] =	ssyncset.done $0x0  }
0x1df: {  	s18 =	simm.s32 $0x9160;
	[sflag:s28] =	ssyncadd.s32 $0xFFFFD800  }
0x1e0: {  	v3 =	vld [tilespmem:s18+$0xFFFFFE10]  }
0x1e1: {  	v2 =	vld.idx.msk [tilespmem:v2+s24+$0x0], $0xffff  }
0x1e2: {  	v4 =	vld [tilespmem:s18+$0xFFFFFE80]  }
0x1e3: {  	v5 =	vld [tilespmem:s18+$0xFFFFFE60]  }
0x1e4: {  	v6 =	vld [tilespmem:s18+$0xFFFFFE30]  }
0x1e5: {  	v7 =	vld [tilespmem:s18+$0xFFFFFE50]  }
0x1e6: {  	v8 =	vld [tilespmem:s18+$0xFFFFFE40];
	v3 =	vmul.f32 v3, v2  }
0x1e7: {  	s19 =	simm.s32 $0x1;
	v9 =	vld [tilespmem:s18+$0xFFFFFE20];
	v4 =	vmul.f32 v4, v2  }
0x1e8: {  	v10 =	vld [tilespmem:s18+$0xFFFFFE70];
	v5 =	vmul.f32 v5, v2;
	[tilespmem:s18+$0xFFFFFE10] =	vst v3;
	v3 =	vmov s19  }
0x1e9: {  	v6 =	vmul.f32 v6, v2;
	[tilespmem:s18+$0xFFFFFE80] =	vst v4;
	v4 =	vand.u32 $0x78, v3  }
0x1ea: {  	v7 =	vmul.f32 v7, v2;
	[tilespmem:s18+$0xFFFFFE60] =	vst v5;
	v3 =	vand.u32 $0x5, v3;
	v4 =	vadd.s32 v1, v4  }
0x1eb: {  	v5 =	vmul.f32 v8, v2;
	[tilespmem:s18+$0xFFFFFE30] =	vst v6;
	v3 =	vor.u32 v3, v4  }
0x1ec: {  	[tilespmem:s18+$0xFFFFFE50] =	vst v7;
	v4 =	vmul.f32 v9, v2  }
0x1ed: {  	[tilespmem:s18+$0xFFFFFE40] =	vst v5;
	v2 =	vmul.f32 v10, v2  }
0x1ee: {  	[tilespmem:s18+$0xFFFFFE20] =	vst v4  }
0x1ef: {  	[tilespmem:s18+$0xFFFFFE70] =	vst v2;
	v2 =	vld [tilespmem:s18+$0xFFFFFEC0]  }
0x1f0: {  	v4 =	vld.idx.msk [tilespmem:v3+s24+$0x0], $0xffff  }
0x1f1: {  	v3 =	vld [tilespmem:s18+$0xFFFFFE90]  }
0x1f2: {  	v6 =	vld [tilespmem:s18+$0xFFFFFEA0]  }
0x1f3: {  	v5 =	vld [tilespmem:s18+$0xFFFFFF00]  }
0x1f4: {  	v7 =	vld [tilespmem:s18+$0xFFFFFEB0]  }
0x1f5: {  	v8 =	vld [tilespmem:s18+$0xFFFFFEF0];
	v2 =	vmul.f32 v2, v4  }
0x1f6: {  	v9 =	vld [tilespmem:s18+$0xFFFFFEE0];
	v3 =	vmul.f32 v3, v4  }
0x1f7: {  	s21 =	simm.s32 $0x2;
	v6 =	vmul.f32 v6, v4;
	[tilespmem:s18+$0xFFFFFEC0] =	vst v2  }
0x1f8: {  	v10 =	vld [tilespmem:s18+$0xFFFFFED0];
	v5 =	vmul.f32 v5, v4;
	v2 =	vmov s21;
	[tilespmem:s18+$0xFFFFFE90] =	vst v3  }
0x1f9: {  	v7 =	vmul.f32 v7, v4;
	[tilespmem:s18+$0xFFFFFEA0] =	vst v6;
	v3 =	vand.u32 $0x78, v2  }
0x1fa: {  	v8 =	vmul.f32 v8, v4;
	[tilespmem:s18+$0xFFFFFF00] =	vst v5;
	v5 =	vld [tilespmem:s18+$0xFFFFFF40];
	v2 =	vand.u32 $0x6, v2;
	v3 =	vadd.s32 v1, v3  }
0x1fb: {  	v6 =	vmul.f32 v9, v4;
	[tilespmem:s18+$0xFFFFFEB0] =	vst v7;
	v7 =	vld [tilespmem:s18+$0xFFFFFF10];
	v9 =	vor.u32 v2, v3  }
0x1fc: {  	[tilespmem:s18+$0xFFFFFEF0] =	vst v8;
	v8 =	vld [tilespmem:s18+$0xFFFFFF30]  }
0x1fd: {  	v4 =	vmul.f32 v10, v4;
	[tilespmem:s18+$0xFFFFFEE0] =	vst v6;
	v6 =	vld [tilespmem:s18+$0xFFFFFF20]  }
0x1fe: {  	v2 =	vld [tilespmem:s18+$0xFFFFFF50]  }
0x1ff: {  	[tilespmem:s18+$0xFFFFFED0] =	vst v4;
	v3 =	vld [tilespmem:s18+$0xFFFFFF60]  }
0x200: {  	s11 =	simm.s32 $0x4;
	s19 =	simm.s32 $0x9160;
	v4 =	vld.idx.msk [tilespmem:v9+s24+$0x0], $0xffff  }
.LBB2_14:
0x201: {  	p0 =	slt.u32 s11, $0x4C  }
0x202: {  	v9 =	vld [tilespmem:s18+$0xFFFFFF80];
	s19 =	sadd.s32 $0x200, s19;
	s2 =	smov.u32 s11;
	s11 =	sadd.s32 $0x4, s11  }
0x203: {  	v10 =	vld [tilespmem:s18+$0xFFFFFF70];
	_ =	sdelay $0x1  }
0x204: {  	v7 =	vmul.f32 v7, v4;
	v6 =	vmul.f32 v6, v4  }
0x205: {  	s3 =	sadd.s32 $0x3, s9;
	s9 =	smov.u32 s2;
	v5 =	vmul.f32 v5, v4;
	v8 =	vmul.f32 v8, v4  }
0x206: {  	v2 =	vmul.f32 v2, v4;
	v3 =	vmul.f32 v3, v4;
	[tilespmem:s18+$0xFFFFFF10] =	vst v7;
	v7 =	vmov s3  }
0x207: {  	[tilespmem:s18+$0xFFFFFF40] =	vst v5;
	v5 =	vmul.f32 v10, v4;
	v4 =	vmul.f32 v9, v4;
	v9 =	vand.u32 $0x78, v7  }
0x208: {  	v7 =	vand.u32 $0x7, v7;
	[tilespmem:s18+$0xFFFFFF30] =	vst v8;
	v8 =	vadd.s32 v1, v9;
	v9 =	vld [tilespmem:s18+$0xFFFFFFF0]  }
0x209: {  	[tilespmem:s18+$0xFFFFFF20] =	vst v6;
	v6 =	vor.u32 v7, v8;
	v7 =	vld [tilespmem:s18+$0xFFFFFFC0]  }
0x20a: {  	[tilespmem:s18+$0xFFFFFF50] =	vst v2;
	v8 =	vld [tilespmem:s18+$0xFFFFFF90]  }
0x20b: {  	v2 =	vld [tilespmem:s19+$0xFFFFFF50];
	[tilespmem:s18+$0xFFFFFF60] =	vst v3  }
0x20c: {  	v3 =	vld [tilespmem:s19+$0xFFFFFF60];
	[tilespmem:s18+$0xFFFFFF80] =	vst v4  }
0x20d: {  	[tilespmem:s18+$0xFFFFFF70] =	vst v5;
	v4 =	vld [tilespmem:s18+$0xFFFFFFD0]  }
0x20e: {  	v5 =	vld.idx.msk [tilespmem:v6+s24+$0x0], $0xffff  }
0x20f: {  	v6 =	vld [tilespmem:s18+$0xFFFFFFA0]  }
0x210: {  	v10 =	vld [tilespmem:s18+$0xFFFFFFB0]  }
0x211: {  	v11 =	vld [tilespmem:s18+$0xFFFFFFE0]  }
0x212: {  	v12 =	vld [tilespmem:s18+$0x0];
	_ =	sdelay $0x1  }
0x213: {  	v8 =	vmul.f32 v8, v5;
	v6 =	vmul.f32 v6, v5  }
0x214: {  	v7 =	vmul.f32 v7, v5;
	v10 =	vmul.f32 v10, v5  }
0x215: {  	v13 =	vmov s9;
	v4 =	vmul.f32 v4, v5;
	[tilespmem:s18+$0xFFFFFF90] =	vst v8;
	v8 =	vmul.f32 v11, v5  }
0x216: {  	v11 =	vand.u32 $0x78, v13;
	[tilespmem:s18+$0xFFFFFFC0] =	vst v7;
	v7 =	vmul.f32 v9, v5;
	v5 =	vmul.f32 v12, v5  }
0x217: {  	v9 =	vand.u32 $0x4, v13;
	v11 =	vadd.s32 v1, v11;
	[tilespmem:s18+$0xFFFFFFB0] =	vst v10  }
0x218: {  	v9 =	vor.u32 v9, v11;
	[tilespmem:s18+$0xFFFFFFA0] =	vst v6  }
0x219: {  	v6 =	vld [tilespmem:s19+$0xFFFFFE50];
	[tilespmem:s18+$0xFFFFFFD0] =	vst v4  }
0x21a: {  	v4 =	vld [tilespmem:s19+$0xFFFFFE70];
	[tilespmem:s18+$0xFFFFFFE0] =	vst v8  }
0x21b: {  	v8 =	vld [tilespmem:s19+$0xFFFFFE60];
	[tilespmem:s18+$0x0] =	vst v5  }
0x21c: {  	v5 =	vld [tilespmem:s19+$0xFFFFFE80];
	[tilespmem:s18+$0xFFFFFFF0] =	vst v7;
	s18 =	smov.u32 s19  }
0x21d: {  	v7 =	vld.idx.msk [tilespmem:v9+s24+$0x0], $0xffff  }
0x21e: {  	v9 =	vld [tilespmem:s19+$0xFFFFFE10]  }
0x21f: {  	v10 =	vld [tilespmem:s19+$0xFFFFFE30]  }
0x220: {  	v11 =	vld [tilespmem:s19+$0xFFFFFE20]  }
0x221: {  	v12 =	vld [tilespmem:s19+$0xFFFFFE40];
	_ =	sdelay $0x1  }
0x222: {  	v5 =	vmul.f32 v5, v7;
	v9 =	vmul.f32 v9, v7  }
0x223: {  	s2 =	sadd.s32 $0x1, s9;
	v8 =	vmul.f32 v8, v7;
	v10 =	vmul.f32 v10, v7  }
0x224: {  	v4 =	vmul.f32 v4, v7;
	[tilespmem:s19+$0xFFFFFE10] =	vst v9;
	v9 =	vmul.f32 v11, v7;
	v11 =	vmov s2  }
0x225: {  	v6 =	vmul.f32 v6, v7;
	v12 =	vmul.f32 v12, v7;
	[tilespmem:s19+$0xFFFFFE80] =	vst v5;
	v5 =	vand.u32 $0x78, v11  }
0x226: {  	v7 =	vand.u32 $0x5, v11;
	[tilespmem:s19+$0xFFFFFE60] =	vst v8;
	v5 =	vadd.s32 v1, v5  }
0x227: {  	[tilespmem:s19+$0xFFFFFE30] =	vst v10;
	v5 =	vor.u32 v7, v5  }
0x228: {  	[tilespmem:s19+$0xFFFFFE50] =	vst v6;
	v6 =	vld [tilespmem:s19+$0xFFFFFF00]  }
0x229: {  	[tilespmem:s19+$0xFFFFFE40] =	vst v12;
	v7 =	vld [tilespmem:s19+$0xFFFFFEF0]  }
0x22a: {  	[tilespmem:s19+$0xFFFFFE20] =	vst v9;
	v8 =	vld [tilespmem:s19+$0xFFFFFEE0]  }
0x22b: {  	[tilespmem:s19+$0xFFFFFE70] =	vst v4;
	v4 =	vld [tilespmem:s19+$0xFFFFFEC0]  }
0x22c: {  	v5 =	vld.idx.msk [tilespmem:v5+s24+$0x0], $0xffff  }
0x22d: {  	v9 =	vld [tilespmem:s19+$0xFFFFFE90]  }
0x22e: {  	v10 =	vld [tilespmem:s19+$0xFFFFFEA0]  }
0x22f: {  	v11 =	vld [tilespmem:s19+$0xFFFFFEB0]  }
0x230: {  	v12 =	vld [tilespmem:s19+$0xFFFFFED0];
	_ =	sdelay $0x1  }
0x231: {  	v4 =	vmul.f32 v4, v5;
	v9 =	vmul.f32 v9, v5  }
0x232: {  	s2 =	sadd.s32 $0x2, s9;
	v8 =	vmul.f32 v8, v5;
	v10 =	vmul.f32 v10, v5  }
0x233: {  	v11 =	vmul.f32 v11, v5;
	[tilespmem:s19+$0xFFFFFEC0] =	vst v4;
	v4 =	vmul.f32 v7, v5;
	v7 =	vmov s2  }
0x234: {  	[tilespmem:s19+$0xFFFFFE90] =	vst v9;
	v9 =	vmul.f32 v12, v5;
	v5 =	vmul.f32 v6, v5;
	v6 =	vand.u32 $0x78, v7  }
0x235: {  	v7 =	vand.u32 $0x6, v7;
	[tilespmem:s19+$0xFFFFFEA0] =	vst v10;
	v6 =	vadd.s32 v1, v6  }
0x236: {  	[tilespmem:s19+$0xFFFFFEB0] =	vst v11;
	v6 =	vor.u32 v7, v6  }
0x237: {  	[tilespmem:s19+$0xFFFFFEF0] =	vst v4  }
0x238: {  	[tilespmem:s19+$0xFFFFFEE0] =	vst v8  }
.Ltmp5:
0x239: {  	[tilespmem:s19+$0xFFFFFF00] =	vst v5;
	v5 =	vld [tilespmem:s19+$0xFFFFFF40];
	(pc) =	sbr.rel @p0 .LBB2_14-.Ltmp5, $4  }
0x23a: {  	[tilespmem:s19+$0xFFFFFED0] =	vst v9;
	v7 =	vld [tilespmem:s19+$0xFFFFFF10]  }
0x23b: {  	v4 =	vld.idx.msk [tilespmem:v6+s24+$0x0], $0xffff  }
0x23c: {  	v6 =	vld [tilespmem:s19+$0xFFFFFF20]  }
0x23d: {  	v8 =	vld [tilespmem:s19+$0xFFFFFF30]  }
0x23e: {  	_ =	sdelay $0x1  }
0x23f: {  	v7 =	vmul.f32 v7, v4  }
0x240: {  	v9 =	vld [tilespmem:s18+$0xFFFFFF80];
	s2 =	sadd.s32 $0x3, s9;
	v5 =	vmul.f32 v5, v4  }
0x241: {  	v10 =	vld [tilespmem:s18+$0xFFFFFF70];
	v53 =	vmov s2;
	v2 =	vmul.f32 v2, v4;
	[tilespmem:s18+$0xFFFFFF10] =	vst v7  }
0x242: {  	v54 =	vand.u32 $0x78, v53;
	v3 =	vmul.f32 v3, v4;
	[tilespmem:s18+$0xFFFFFF40] =	vst v5  }
0x243: {  	v6 =	vmul.f32 v6, v4;
	v1 =	vadd.s32 v1, v54;
	v7 =	vand.u32 $0x7, v53;
	[tilespmem:s18+$0xFFFFFF50] =	vst v2  }
0x244: {  	v8 =	vmul.f32 v8, v4;
	[tilespmem:s18+$0xFFFFFF60] =	vst v3;
	v1 =	vor.u32 v7, v1  }
0x245: {  	[tilespmem:s18+$0xFFFFFF20] =	vst v6;
	v55 =	vmul.f32 v9, v4  }
0x246: {  	v56 =	vmul.f32 v10, v4;
	[tilespmem:s18+$0xFFFFFF30] =	vst v8  }
0x247: {  	[tilespmem:s18+$0xFFFFFF80] =	vst v55  }
0x248: {  	v2 =	vld [tilespmem:s18+$0xFFFFFF90];
	[tilespmem:s18+$0xFFFFFF70] =	vst v56  }
0x249: {  	v1 =	vld.idx.msk [tilespmem:v1+s24+$0x0], $0xffff  }
0x24a: {  	v3 =	vld [tilespmem:s18+$0xFFFFFFC0]  }
0x24b: {  	v57 =	vld [tilespmem:s18+$0xFFFFFFB0]  }
0x24c: {  	v60 =	vld [tilespmem:s18+$0xFFFFFFE0]  }
0x24d: {  	v58 =	vld [tilespmem:s18+$0xFFFFFFA0]  }
0x24e: {  	v59 =	vld [tilespmem:s18+$0xFFFFFFD0];
	v2 =	vmul.f32 v2, v1  }
0x24f: {  	v61 =	vld [tilespmem:s18+$0x0];
	v3 =	vmul.f32 v3, v1  }
0x250: {  	v62 =	vld [tilespmem:s18+$0xFFFFFFF0];
	v4 =	vmul.f32 v57, v1;
	[tilespmem:s18+$0xFFFFFF90] =	vst v2  }
0x251: {  	v63 =	vmul.f32 v60, v1;
	[tilespmem:s18+$0xFFFFFFC0] =	vst v3  }
0x252: {  	v2 =	vmul.f32 v58, v1;
	[tilespmem:s18+$0xFFFFFFB0] =	vst v4  }
0x253: {  	s21 =	smul.u32 $0x140, s16;
	p0 =	seq.s32 s14, $0x7;
	v3 =	vmul.f32 v59, v1;
	[tilespmem:s18+$0xFFFFFFE0] =	vst v63  }
.Ltmp6:
0x254: {  	[tilespmem:s18+$0xFFFFFFA0] =	vst v2;
	v2 =	vmul.f32 v61, v1;
	(pc) =	sbr.rel @p0 .LBB2_17-.Ltmp6, $4  }
0x255: {  	[tilespmem:s18+$0xFFFFFFD0] =	vst v3;
	v1 =	vmul.f32 v62, v1  }
0x256: {  	s2 =	sshra.s32 s21, $0x2;
	[tilespmem:s18+$0x0] =	vst v2  }
0x257: {  	s2 =	sadd.s32 $0x7D0, s2;
	[tilespmem:s18+$0xFFFFFFF0] =	vst v1  }
0x258: {  	[spmem:s6] =	stream.indirect.scatter.add.f32 [tilespmem:s31], [sflag:$0x6], $0x80, s2, s30, $0xb8;
	[tilespmem:$0x1EFF0] =	vst v63  }
.Ltmp7:
0x259: {  	(pc) =	sbr.rel .LBB2_9-.Ltmp7, $4  }
0x25a: {  	_ =	swait.ge [sflag:s8], $0x2800  }
0x25b: {  	[sflag:s8] =	ssyncset.done $0x0  }
0x25c: {  	s2 =	sadd.s32 $0x140, s15;
	s14 =	sadd.s32 $0x1, s14;
	[sflag:s8] =	ssyncadd.s32 $0xFFFFD800  }
0x25d: {  	[tilespmem:s29], [sflag:$0x2] =	stream.indirect.gather [hbm4b:s1+s30], $0x80, s2, s30, $0xb8;
	[tilespmem:$0x1EFF0] =	vst v63  }
.LBB2_17:
0x25e: {  	s9 =	simm.s32 $0x0  }
0x25f: {  	v1 =	vmov s9  }
0x260: {  	v1 =	vand.u32 $0x7C, v1  }
0x261: {  	v1 =	vor.u32 $0x780, v1  }
0x262: {  	v1 =	vbroadcast v1, $0x0;
	_ =	sdelay $0x1  }
0x263: {  	_ =	swait.ge [sflag:s25], $0x2800  }
0x264: {  	[sflag:s25] =	ssyncset.done $0x0  }
0x265: {  	s13 =	simm.s32 $0x4070;
	[sflag:s25] =	ssyncadd.s32 $0xFFFFD800  }
0x266: {  	v3 =	vld [tilespmem:s13+$0xFFFFFF70]  }
0x267: {  	v1 =	vld.idx.msk [tilespmem:v1+s24+$0x0], $0xffff  }
0x268: {  	v4 =	vld [tilespmem:s13+$0xFFFFFF00]  }
0x269: {  	v5 =	vld [tilespmem:s13+$0xFFFFFF20]  }
0x26a: {  	v6 =	vld [tilespmem:s13+$0xFFFFFF30]  }
0x26b: {  	v2 =	vld [tilespmem:s13+$0xFFFFFF50]  }
0x26c: {  	s2 =	simm.s32 $0x1;
	v8 =	vld [tilespmem:s13+$0xFFFFFF10];
	v3 =	vmul.f32 v3, v1  }
0x26d: {  	v10 =	vmov s2;
	v7 =	vld [tilespmem:s13+$0xFFFFFF60];
	v4 =	vmul.f32 v4, v1  }
0x26e: {  	v9 =	vld [tilespmem:s13+$0xFFFFFF40];
	v5 =	vmul.f32 v5, v1;
	[tilespmem:s13+$0xFFFFFF70] =	vst v3;
	v3 =	vand.u32 $0x7D, v10  }
0x26f: {  	v6 =	vmul.f32 v6, v1;
	[tilespmem:s13+$0xFFFFFF00] =	vst v4;
	v3 =	vor.u32 $0x780, v3  }
0x270: {  	v2 =	vmul.f32 v2, v1;
	[tilespmem:s13+$0xFFFFFF20] =	vst v5;
	v3 =	vbroadcast v3, $0x0  }
0x271: {  	v4 =	vmul.f32 v8, v1;
	[tilespmem:s13+$0xFFFFFF30] =	vst v6  }
0x272: {  	v5 =	vmul.f32 v7, v1;
	[tilespmem:s13+$0xFFFFFF50] =	vst v2  }
0x273: {  	v1 =	vmul.f32 v9, v1;
	[tilespmem:s13+$0xFFFFFF10] =	vst v4  }
0x274: {  	[tilespmem:s13+$0xFFFFFF60] =	vst v5  }
0x275: {  	[tilespmem:s13+$0xFFFFFF40] =	vst v1;
	v1 =	vld [tilespmem:s13+$0xFFFFFF80]  }
0x276: {  	v3 =	vld.idx.msk [tilespmem:v3+s24+$0x0], $0xffff  }
0x277: {  	v2 =	vld [tilespmem:s13+$0xFFFFFFA0]  }
0x278: {  	v4 =	vld [tilespmem:s13+$0xFFFFFFF0]  }
0x279: {  	v5 =	vld [tilespmem:s13+$0xFFFFFFC0]  }
0x27a: {  	v6 =	vld [tilespmem:s13+$0xFFFFFF90]  }
0x27b: {  	s21 =	simm.s32 $0x2;
	v7 =	vld [tilespmem:s13+$0xFFFFFFD0];
	v1 =	vmul.f32 v1, v3  }
0x27c: {  	v62 =	vmov s21;
	v8 =	vld [tilespmem:s13+$0xFFFFFFB0];
	v2 =	vmul.f32 v2, v3  }
0x27d: {  	v63 =	vld [tilespmem:s13+$0xFFFFFFE0];
	v4 =	vmul.f32 v4, v3;
	[tilespmem:s13+$0xFFFFFF80] =	vst v1;
	v1 =	vand.u32 $0x7E, v62  }
0x27e: {  	v5 =	vmul.f32 v5, v3;
	[tilespmem:s13+$0xFFFFFFA0] =	vst v2;
	v1 =	vor.u32 $0x780, v1  }
0x27f: {  	v2 =	vmul.f32 v6, v3;
	[tilespmem:s13+$0xFFFFFFF0] =	vst v4;
	v4 =	vbroadcast v1, $0x0  }
0x280: {  	v6 =	vmul.f32 v7, v3;
	[tilespmem:s13+$0xFFFFFFC0] =	vst v5;
	v7 =	vld [tilespmem:s13+$0x30]  }
0x281: {  	v5 =	vmul.f32 v8, v3;
	v1 =	vld [tilespmem:s13+$0x60];
	[tilespmem:s13+$0xFFFFFF90] =	vst v2  }
0x282: {  	v3 =	vmul.f32 v63, v3;
	v2 =	vld [tilespmem:s13+$0x70];
	[tilespmem:s13+$0xFFFFFFD0] =	vst v6  }
0x283: {  	[tilespmem:s13+$0xFFFFFFB0] =	vst v5;
	v6 =	vld [tilespmem:s13+$0x20]  }
0x284: {  	[tilespmem:s13+$0xFFFFFFE0] =	vst v3;
	v5 =	vld [tilespmem:s13+$0x0]  }
0x285: {  	v3 =	vld.idx.msk [tilespmem:v4+s24+$0x0], $0xffff  }
0x286: {  	s11 =	simm.s32 $0x4;
	s14 =	simm.s32 $0x4070;
	v4 =	vld [tilespmem:s13+$0x10]  }
.LBB2_18:
0x287: {  	p0 =	slt.u32 s11, $0x4C  }
0x288: {  	v8 =	vld [tilespmem:s13+$0x50];
	s14 =	sadd.s32 $0x200, s14;
	s2 =	smov.u32 s11;
	s11 =	sadd.s32 $0x4, s11  }
0x289: {  	v9 =	vld [tilespmem:s13+$0x40];
	_ =	sdelay $0x1  }
0x28a: {  	s3 =	sadd.s32 $0x3, s9;
	s9 =	smov.u32 s2;
	v7 =	vmul.f32 v7, v3;
	v5 =	vmul.f32 v5, v3  }
0x28b: {  	v10 =	vmov s3;
	v6 =	vmul.f32 v6, v3;
	v4 =	vmul.f32 v4, v3  }
0x28c: {  	v1 =	vmul.f32 v1, v3;
	v2 =	vmul.f32 v2, v3;
	[tilespmem:s13+$0x30] =	vst v7;
	v7 =	vand.u32 $0x7F, v10  }
0x28d: {  	[tilespmem:s13+$0x20] =	vst v6;
	v6 =	vmul.f32 v9, v3;
	v3 =	vmul.f32 v8, v3;
	v7 =	vor.u32 $0x780, v7  }
0x28e: {  	[tilespmem:s13+$0x70] =	vst v2;
	v7 =	vbroadcast v7, $0x0;
	v8 =	vld [tilespmem:s13+$0x80]  }
0x28f: {  	[tilespmem:s13+$0x60] =	vst v1;
	v9 =	vld [tilespmem:s13+$0xF0]  }
0x290: {  	v1 =	vld [tilespmem:s14+$0x60];
	[tilespmem:s13+$0x50] =	vst v3  }
0x291: {  	v2 =	vld [tilespmem:s14+$0x70];
	[tilespmem:s13+$0x40] =	vst v6  }
0x292: {  	[tilespmem:s13+$0x0] =	vst v5;
	v3 =	vld [tilespmem:s13+$0xD0]  }
0x293: {  	[tilespmem:s13+$0x10] =	vst v4;
	v4 =	vld [tilespmem:s13+$0xB0]  }
0x294: {  	v5 =	vld.idx.msk [tilespmem:v7+s24+$0x0], $0xffff  }
0x295: {  	v6 =	vld [tilespmem:s13+$0x90]  }
0x296: {  	v7 =	vld [tilespmem:s13+$0xA0]  }
0x297: {  	v10 =	vld [tilespmem:s13+$0xC0]  }
0x298: {  	v11 =	vld [tilespmem:s13+$0xE0];
	_ =	sdelay $0x1  }
0x299: {  	v8 =	vmul.f32 v8, v5;
	v6 =	vmul.f32 v6, v5  }
0x29a: {  	v12 =	vmov s9;
	v4 =	vmul.f32 v4, v5;
	v7 =	vmul.f32 v7, v5  }
0x29b: {  	v12 =	vand.u32 $0x7C, v12;
	v3 =	vmul.f32 v3, v5;
	[tilespmem:s13+$0x80] =	vst v8;
	v8 =	vmul.f32 v10, v5  }
0x29c: {  	v10 =	vor.u32 $0x780, v12;
	[tilespmem:s13+$0xB0] =	vst v4;
	v4 =	vmul.f32 v11, v5;
	v5 =	vmul.f32 v9, v5  }
0x29d: {  	v9 =	vbroadcast v10, $0x0;
	[tilespmem:s13+$0xA0] =	vst v7  }
0x29e: {  	[tilespmem:s13+$0xD0] =	vst v3  }
0x29f: {  	v3 =	vld [tilespmem:s14+$0xFFFFFF50];
	[tilespmem:s13+$0xF0] =	vst v5  }
0x2a0: {  	v5 =	vld [tilespmem:s14+$0xFFFFFF30];
	[tilespmem:s13+$0x90] =	vst v6  }
0x2a1: {  	v6 =	vld [tilespmem:s14+$0xFFFFFF60];
	[tilespmem:s13+$0xC0] =	vst v8  }
0x2a2: {  	v7 =	vld [tilespmem:s14+$0xFFFFFF70];
	[tilespmem:s13+$0xE0] =	vst v4;
	s13 =	smov.u32 s14  }
0x2a3: {  	v4 =	vld.idx.msk [tilespmem:v9+s24+$0x0], $0xffff  }
0x2a4: {  	v8 =	vld [tilespmem:s14+$0xFFFFFF00]  }
0x2a5: {  	v9 =	vld [tilespmem:s14+$0xFFFFFF20]  }
0x2a6: {  	v10 =	vld [tilespmem:s14+$0xFFFFFF10]  }
0x2a7: {  	v11 =	vld [tilespmem:s14+$0xFFFFFF40];
	_ =	sdelay $0x1  }
0x2a8: {  	s2 =	sadd.s32 $0x1, s9;
	v7 =	vmul.f32 v7, v4;
	v8 =	vmul.f32 v8, v4  }
0x2a9: {  	v12 =	vmov s2;
	v6 =	vmul.f32 v6, v4;
	v9 =	vmul.f32 v9, v4  }
0x2aa: {  	v5 =	vmul.f32 v5, v4;
	v10 =	vmul.f32 v10, v4;
	[tilespmem:s14+$0xFFFFFF70] =	vst v7;
	v7 =	vand.u32 $0x7D, v12  }
0x2ab: {  	v3 =	vmul.f32 v3, v4;
	[tilespmem:s14+$0xFFFFFF00] =	vst v8;
	v8 =	vmul.f32 v11, v4;
	v4 =	vor.u32 $0x780, v7  }
0x2ac: {  	[tilespmem:s14+$0xFFFFFF20] =	vst v9;
	v4 =	vbroadcast v4, $0x0  }
0x2ad: {  	[tilespmem:s14+$0xFFFFFF30] =	vst v5  }
0x2ae: {  	[tilespmem:s14+$0xFFFFFF50] =	vst v3;
	v3 =	vld [tilespmem:s14+$0xFFFFFFD0]  }
0x2af: {  	[tilespmem:s14+$0xFFFFFF10] =	vst v10;
	v5 =	vld [tilespmem:s14+$0xFFFFFFE0]  }
0x2b0: {  	[tilespmem:s14+$0xFFFFFF60] =	vst v6;
	v6 =	vld [tilespmem:s14+$0xFFFFFFB0]  }
0x2b1: {  	[tilespmem:s14+$0xFFFFFF40] =	vst v8;
	v7 =	vld [tilespmem:s14+$0xFFFFFFF0]  }
0x2b2: {  	v4 =	vld.idx.msk [tilespmem:v4+s24+$0x0], $0xffff  }
0x2b3: {  	v8 =	vld [tilespmem:s14+$0xFFFFFF80]  }
0x2b4: {  	v9 =	vld [tilespmem:s14+$0xFFFFFFA0]  }
0x2b5: {  	v10 =	vld [tilespmem:s14+$0xFFFFFFC0]  }
0x2b6: {  	v11 =	vld [tilespmem:s14+$0xFFFFFF90];
	_ =	sdelay $0x1  }
0x2b7: {  	s2 =	sadd.s32 $0x2, s9;
	v7 =	vmul.f32 v7, v4;
	v8 =	vmul.f32 v8, v4  }
0x2b8: {  	v12 =	vmov s2;
	v6 =	vmul.f32 v6, v4;
	v9 =	vmul.f32 v9, v4  }
0x2b9: {  	v5 =	vmul.f32 v5, v4;
	[tilespmem:s14+$0xFFFFFF80] =	vst v8;
	v8 =	vmul.f32 v10, v4;
	v10 =	vand.u32 $0x7E, v12  }
0x2ba: {  	v3 =	vmul.f32 v3, v4;
	v11 =	vmul.f32 v11, v4;
	[tilespmem:s14+$0xFFFFFFA0] =	vst v9;
	v4 =	vor.u32 $0x780, v10  }
0x2bb: {  	[tilespmem:s14+$0xFFFFFFF0] =	vst v7;
	v4 =	vbroadcast v4, $0x0  }
0x2bc: {  	[tilespmem:s14+$0xFFFFFFC0] =	vst v8  }
0x2bd: {  	[tilespmem:s14+$0xFFFFFF90] =	vst v11  }
0x2be: {  	[tilespmem:s14+$0xFFFFFFD0] =	vst v3  }
.Ltmp8:
0x2bf: {  	[tilespmem:s14+$0xFFFFFFB0] =	vst v6;
	v7 =	vld [tilespmem:s14+$0x30];
	(pc) =	sbr.rel @p0 .LBB2_18-.Ltmp8, $4  }
0x2c0: {  	[tilespmem:s14+$0xFFFFFFE0] =	vst v5;
	v6 =	vld [tilespmem:s14+$0x20]  }
0x2c1: {  	v3 =	vld.idx.msk [tilespmem:v4+s24+$0x0], $0xffff  }
0x2c2: {  	v5 =	vld [tilespmem:s14+$0x0]  }
0x2c3: {  	v4 =	vld [tilespmem:s14+$0x10]  }
0x2c4: {  	_ =	sdelay $0x1  }
0x2c5: {  	v8 =	vld [tilespmem:s13+$0x50];
	s2 =	sadd.s32 $0x3, s9;
	v7 =	vmul.f32 v7, v3  }
0x2c6: {  	v9 =	vld [tilespmem:s13+$0x40];
	v10 =	vmov s2;
	v2 =	vmul.f32 v2, v3  }
0x2c7: {  	v54 =	vand.u32 $0x7F, v10;
	v1 =	vmul.f32 v1, v3;
	[tilespmem:s13+$0x30] =	vst v7  }
0x2c8: {  	v6 =	vmul.f32 v6, v3;
	v7 =	vor.u32 $0x780, v54;
	[tilespmem:s13+$0x70] =	vst v2  }
0x2c9: {  	[tilespmem:s13+$0x60] =	vst v1;
	v1 =	vmul.f32 v5, v3;
	v55 =	vbroadcast v7, $0x0  }
0x2ca: {  	[tilespmem:s13+$0x20] =	vst v6;
	v2 =	vmul.f32 v8, v3  }
0x2cb: {  	v57 =	vmul.f32 v9, v3;
	[tilespmem:s13+$0x0] =	vst v1  }
0x2cc: {  	[tilespmem:s13+$0x50] =	vst v2;
	v2 =	vmul.f32 v4, v3  }
0x2cd: {  	[tilespmem:s13+$0x40] =	vst v57  }
0x2ce: {  	v56 =	vld [tilespmem:s13+$0x80];
	[tilespmem:s13+$0x10] =	vst v2  }
0x2cf: {  	v1 =	vld.idx.msk [tilespmem:v55+s24+$0x0], $0xffff  }
0x2d0: {  	v2 =	vld [tilespmem:s13+$0xB0]  }
0x2d1: {  	v3 =	vld [tilespmem:s13+$0xA0]  }
0x2d2: {  	v58 =	vld [tilespmem:s13+$0xD0]  }
0x2d3: {  	v61 =	vld [tilespmem:s13+$0xC0]  }
0x2d4: {  	v59 =	vld [tilespmem:s13+$0xF0];
	v7 =	vmul.f32 v56, v1  }
0x2d5: {  	v60 =	vld [tilespmem:s13+$0x90];
	v2 =	vmul.f32 v2, v1  }
0x2d6: {  	v62 =	vld [tilespmem:s13+$0xE0];
	v3 =	vmul.f32 v3, v1;
	[tilespmem:s13+$0x80] =	vst v7  }
0x2d7: {  	v4 =	vmul.f32 v58, v1;
	[tilespmem:s13+$0xB0] =	vst v2  }
0x2d8: {  	v63 =	vmul.f32 v61, v1;
	[tilespmem:s13+$0xA0] =	vst v3  }
0x2d9: {  	v2 =	vmul.f32 v59, v1;
	[tilespmem:s13+$0xD0] =	vst v4  }
0x2da: {  	v3 =	vmul.f32 v60, v1;
	[tilespmem:s13+$0xC0] =	vst v63  }
0x2db: {  	v1 =	vmul.f32 v62, v1;
	[tilespmem:s13+$0xF0] =	vst v2  }
0x2dc: {  	[tilespmem:s13+$0x90] =	vst v3  }
0x2dd: {  	[tilespmem:s13+$0xE0] =	vst v1  }
0x2de: {  	[spmem:s6] =	stream.indirect.scatter.add.f32 [tilespmem:s22], [sflag:$0x4], $0x80, s4, s30, $0xb8;
	[tilespmem:$0x1EFF0] =	vst v63  }
0x2df: {  	_ =	swait.ge [sflag:s8], $0x2800  }
0x2e0: {  	[sflag:s8] =	ssyncset.done $0x0  }
0x2e1: {  	s12 =	sadd.s32 $0x1, s12;
	[sflag:s8] =	ssyncadd.s32 $0xFFFFD800  }
0x2e2: {  	p0 =	sne.s32 s12, $0x5;
	_ =	swait.ge [sflag:s10], $0x2800  }
.Ltmp9:
0x2e3: {  	[sflag:s10] =	ssyncset.done $0x0;
	(pc) =	sbr.rel @p0 .LBB2_6-.Ltmp9, $4  }
0x2e4: {  	[sflag:s10] =	ssyncadd.s32 $0xFFFFD800  }
0x2e5: {  	_ =	swait.ge [sflag:s0], $0x2800  }
0x2e6: {  	[sflag:s0] =	ssyncset.done $0x0  }
0x2e7: {  	[sflag:s0] =	ssyncadd.s32 $0xFFFFD800  }
0x2e8: {  	s2 =	stileid.u32;
	[bflag:$0x0] =	sbarrier.arrive $0xFFFF  }
0x2e9: {  	s2 =	sshll.u32 s2, $0x6;
	s12 =	rddreg [dreg:$0x8]  }
0x2ea: {  	s9 =	rddreg [dreg:$0x10];
	s2 =	sor.u32 $0x1C07, s2;
	s3 =	sshrl.u32 s12, $0x3  }
0x2eb: {  	[hbm:s9], [sflag:s2] =	dma.local [spmem:s3], $0x2710  }
0x2ec: {  	s3 =	simm.s32 $0x7  }
0x2ed: {  	_ =	swait.ge [sflag:s3], $0x2710  }
0x2ee: {  	s19 =	rddreg [dreg:$0x12]  }
0x2ef: {  	s21 =	rddreg [dreg:$0x11];
	s9 =	sadd.s32 $0x1, s19  }
0x2f0: {  	p0 =	sne.s32 s9, s21  }
.Ltmp10:
0x2f1: {  	_ = 	snop;
	(pc) =	sbr.rel @p0 .LBB2_1-.Ltmp10, $3  }
0x2f2: {  	_ =	sdelay $0x1  }
0x2f3: {  	[sflag:s3] =	ssyncset.done $0x0  }
0x2f4: {  	[sflag:s3] =	ssyncadd.s32 $0xFFFFD8F0  }
0x2f5: {  	_ =	sfence.sel $0x180000  }
0x2f6: {  	[bflag:$0x0] =	sbarrier.arrive $0xFFFF  }
0x2f7: {  	_ =	strace $0x9000004A  }
0x2f8: {  	s0 =	stileid.u32;
	[bflag:$0x2] =	sbarrier.arrive $0xFFFF  }
0x2f9: {  	p0 =	sne.s32 s0, $0x0;
	s0 =	rddreg [dreg:$0x6]  }
0x2fa: {  	s0 =	sadd.s32 @!p0 $0x100000, s0  }
0x2fb: {  	[sflag:s0] =	ssyncadd.tile.s32 @!p0 $0x1;
	_ =	shalt  }
.Lfunc_end2:
_tile_overlayer_lowered:
.L_overlay_start_2:
0x2fc: {  	(tag) =	ssettag $0x2  }
0x2fd: {  	s0 =	rddreg [dreg:$0x0];
	s2 =	stileid.u32  }
0x2fe: {  	s1 =	rddreg [dreg:$0x1];
	p0 =	sne.s32 s2, $0x0  }
0x2ff: {  	s3 =	rddreg [dreg:$0x2];
	[bflag:$0x3] =	sbarrier.arrive $0xFFFF;
	s2 =	simm.s32 @!p0 $0x1C07  }
0x300: {  	[timem:s3], [sflag:s2] =	dma.local @!p0 [hbm:s0], s1  }
0x301: {  	s0 =	simm.s32 @!p0 $0x7  }
0x302: {  	_ =	swait.ge @!p0 [sflag:s0], s1  }
0x303: {  	s1 =	ssub.s32 @!p0 $0x0, s1;
	[sflag:s0] =	ssyncset.done @!p0 $0x0  }
0x304: {  	[sflag:s0] =	ssyncadd.s32 @!p0 s1  }
0x305: {  	[bflag:$0x3] =	sbarrier.arrive $0xFFFF  }
0x306: {  	_ =	shalt  }

</sc_bundles>
